<compile_context>
chip_gen: v7x
topology: tpu7x:2x2x1
jax: 0.10.2.dev20260603
libtpu: 0.0.44.dev20260713+nightly
codegen_flags: <defaults>
</compile_context>

<pallas_src>
import jax
import jax.numpy as jnp
from jax import lax
from jax.experimental import pallas as pl
from jax.experimental.pallas import tpu as pltpu
from jax.experimental.pallas import tpu_sc as plsc

N = 10000
D = 128
E = 320000
NC, NS, L = 2, 16, 16
CH = 128
CHT = 160
EPAD = NS * CHT * CH
NCHP = EPAD // CH
DH = D // NC
NP = 10240
ROWS_PER_TILE = NP // NS
RB = 2
IBLK = 16
NBLK = CHT // IBLK


def _spmm2_body(xs_hbm, row_hbm, col_hbm, val_hbm, out_hbm,
                accum1, accum2, row_b, col_b, val_b,
                g0, g1, s0, s1, sg0, sg1, ss0, ss1):
    gbufs = (g0, g1)
    sbufs = (s0, s1)
    gsem = (sg0, sg1)
    ssem = (ss0, ss1)
    c = lax.axis_index("c")
    s = lax.axis_index("s")

    cb = s * CHT

    def stage_block(j):
        pltpu.sync_copy(row_hbm.at[pl.ds(cb + j * IBLK, IBLK)], row_b)
        pltpu.sync_copy(col_hbm.at[pl.ds(cb + j * IBLK, IBLK)], col_b)
        ebase = pl.multiple_of((cb + j * IBLK) * CH, CH)
        pltpu.sync_copy(val_hbm.at[pl.ds(ebase, IBLK * CH)], val_b)

    xrows = N // NS
    pltpu.sync_copy(xs_hbm.at[pl.ds(c * N + s * xrows, xrows)],
                    accum2.at[pl.ds(s * xrows, xrows)])

    zero = jnp.zeros((L,), jnp.float32)

    def zrow(e, carry):
        for q in range(DH // L):
            g0[e, pl.ds(L * q, L)] = zero
        return carry

    rbase = s * ROWS_PER_TILE

    def zero_accum(accum):
        lax.fori_loop(0, CH, zrow, 0)
        for t in range(ROWS_PER_TILE // CH):
            pltpu.sync_copy(g0.at[pl.ds(0, CH)],
                            accum.at[pl.ds(rbase + t * CH, CH)])

    zero_accum(accum1)
    plsc.subcore_barrier()

    def scale_chunk(src_buf, dst_buf, kk):
        def scale_group(g, carry2):
            vv = val_b[pl.ds(kk * CH + g * L, L)]
            for i in range(L):
                ve = lax.gather(
                    vv, jnp.full((L, 1), i, jnp.int32),
                    lax.GatherDimensionNumbers(
                        offset_dims=(), collapsed_slice_dims=(0,),
                        start_index_map=(0,)),
                    slice_sizes=(1,),
                    mode=lax.GatherScatterMode.PROMISE_IN_BOUNDS)
                e = g * L + i
                for q in range(DH // L):
                    gg = src_buf[e, pl.ds(L * q, L)]
                    dst_buf[e, pl.ds(L * q, L)] = gg * ve
            return carry2

        lax.fori_loop(0, CH // L, scale_group, 0)

    def hop(src, dst):
        def block(j, carry):
            stage_block(j)
            for b in range(RB):
                pltpu.async_copy(src.at[col_b.at[b]], gbufs[b], gsem[b])

            def group(g, carry1):
                for b in range(RB):
                    kk = g * RB + b
                    pltpu.make_async_copy(
                        src.at[col_b.at[kk]], gbufs[b], gsem[b]).wait()

                    @pl.when(g > 0)
                    def _wait():
                        pltpu.make_async_copy(
                            sbufs[b], dst.at[row_b.at[kk]], ssem[b]).wait()

                    scale_chunk(gbufs[b], sbufs[b], kk)
                    pltpu.async_copy(
                        sbufs[b], dst.at[row_b.at[kk]], ssem[b], add=True)

                    @pl.when(kk + RB < IBLK)
                    def _fire():
                        pltpu.async_copy(
                            src.at[col_b.at[kk + RB]], gbufs[b], gsem[b])
                return carry1

            lax.fori_loop(0, IBLK // RB, group, 0)
            for b in range(RB):
                pltpu.make_async_copy(
                    sbufs[b], dst.at[row_b.at[IBLK - RB + b]],
                    ssem[b]).wait()
            return carry

        lax.fori_loop(0, NBLK, block, 0)

    hop(accum2, accum1)
    plsc.subcore_barrier()
    zero_accum(accum2)
    plsc.subcore_barrier()
    hop(accum1, accum2)
    plsc.subcore_barrier()

    pltpu.sync_copy(accum2.at[pl.ds(rbase, ROWS_PER_TILE)],
                    out_hbm.at[pl.ds(c * NP + rbase, ROWS_PER_TILE)])


_spmm2 = pl.kernel(
    _spmm2_body,
    out_type=jax.ShapeDtypeStruct((NC * NP, DH), jnp.float32),
    mesh=plsc.VectorSubcoreMesh(
        core_axis_name="c", subcore_axis_name="s",
        num_cores=NC, num_subcores=NS),
    compiler_params=pltpu.CompilerParams(use_tc_tiling_on_sc=False),
    scratch_types=[
        pltpu.VMEM_SHARED((NP, DH), jnp.float32),
        pltpu.VMEM_SHARED((NP, DH), jnp.float32),
        pltpu.VMEM((IBLK, CH), jnp.int32),
        pltpu.VMEM((IBLK, CH), jnp.int32),
        pltpu.VMEM((IBLK * CH,), jnp.float32),
        pltpu.VMEM((CH, DH), jnp.float32),
        pltpu.VMEM((CH, DH), jnp.float32),
        pltpu.VMEM((CH, DH), jnp.float32),
        pltpu.VMEM((CH, DH), jnp.float32),
        pltpu.SemaphoreType.DMA,
        pltpu.SemaphoreType.DMA,
        pltpu.SemaphoreType.DMA,
        pltpu.SemaphoreType.DMA,
    ],
)


@jax.jit
def kernel(x, edge_index, edge_values):
    pad = EPAD - E
    row2 = jnp.concatenate(
        [edge_index[0], jnp.zeros((pad,), jnp.int32)]).reshape(NCHP, CH)
    col2 = jnp.concatenate(
        [edge_index[1], jnp.zeros((pad,), jnp.int32)]).reshape(NCHP, CH)
    val2 = jnp.concatenate([edge_values, jnp.zeros((pad,), jnp.float32)])
    xs = x.reshape(N, NC, DH).transpose(1, 0, 2).reshape(NC * N, DH)
    out2 = _spmm2(xs, row2, col2, val2)
    return out2.reshape(NC, NP, DH)[:, :N].transpose(1, 0, 2).reshape(N, D)

# --- scband reference (transcript-rebuilt; emitter-appended) ---
"""Pipeline reference for scband-stack-gcns-17317308137939 (READ-ONLY COPY).

The authoritative reference and input builder live on the scoring server;
editing this copy changes nothing except your own understanding.
"""

import jax, jax.numpy as jnp
import numpy as np

N_NODES = 10000
N_EDGES = 320000
D_FEAT = 128
NUM_LAYERS = 3  # num_gcn_layers = NUM_LAYERS - 1 = 2 spmm hops


def setup_inputs(seed: int = 0) -> dict:
    key = jax.random.key(seed)
    k1, k2, k3 = jax.random.split(key, 3)
    x = jax.random.normal(k1, (N_NODES, D_FEAT), dtype=jnp.float32)
    edge_index = jax.random.randint(k2, (2, N_EDGES), 0, N_NODES, dtype=jnp.int32)
    edge_values = jax.random.uniform(k3, (N_EDGES,), dtype=jnp.float32)
    return {"x": x, "edge_index": edge_index, "edge_values": edge_values}


def reference(x, edge_index, edge_values):
    # plainGCN: out = x; repeat (num_layers-1) times: out = spmm(adj, out)
    # adj is a sparse [N, N] matrix in COO form: adj[row, col] = edge_values
    # spmm(adj, h)[i] = sum_{e: row[e]==i} edge_values[e] * h[col[e]]
    row = edge_index[0]
    col = edge_index[1]
    out = x
    for _ in range(NUM_LAYERS - 1):
        msgs = edge_values[:, None] * jnp.take(out, col, axis=0)
        out = jax.ops.segment_sum(msgs, row, num_segments=N_NODES)
    return out

if __name__ == "__main__":
    import jax
    _d = setup_inputs()
    print(jax.jit(kernel)(*tuple(_d.values())))

</pallas_src>

<mosaic_0001>
#map = affine_map<(d0, d1) -> (0, 0)>
#map1 = affine_map<(d0, d1) -> (0)>
module attributes {stable_mosaic.version = 14 : i64} {
  func.func @_spmm2_body(%arg0: i32, %arg1: i32, %arg2: memref<20000x64xf32, #tpu.memory_space<hbm>>, %arg3: memref<2560x128xi32, #tpu.memory_space<hbm>>, %arg4: memref<2560x128xi32, #tpu.memory_space<hbm>>, %arg5: memref<327680xf32, #tpu.memory_space<hbm>>, %arg6: memref<20480x64xf32, #tpu.memory_space<hbm>>, %arg7: memref<10240x64xf32, #tpu.memory_space<vmem_shared>>, %arg8: memref<10240x64xf32, #tpu.memory_space<vmem_shared>>, %arg9: memref<16x128xi32, #tpu.memory_space<vmem>>, %arg10: memref<16x128xi32, #tpu.memory_space<vmem>>, %arg11: memref<2048xf32, #tpu.memory_space<vmem>>, %arg12: memref<128x64xf32, #tpu.memory_space<vmem>>, %arg13: memref<128x64xf32, #tpu.memory_space<vmem>>, %arg14: memref<128x64xf32, #tpu.memory_space<vmem>>, %arg15: memref<128x64xf32, #tpu.memory_space<vmem>>, %arg16: memref<!tpu.dma_semaphore, #tpu.memory_space<semaphore_mem>>, %arg17: memref<!tpu.dma_semaphore, #tpu.memory_space<semaphore_mem>>, %arg18: memref<!tpu.dma_semaphore, #tpu.memory_space<semaphore_mem>>, %arg19: memref<!tpu.dma_semaphore, #tpu.memory_space<semaphore_mem>>) attributes {dimension_semantics = [#tpu.dimension_semantics<core_parallel>, #tpu.dimension_semantics<subcore_parallel>], iteration_bounds = array<i64: 2, 16>, scalar_prefetch = 0 : i64, scratch_operands = 13 : i64, tpu.core_type = #tpu.core_type<sc_vector_subcore>, window_params = [{transform_indices = #map}, {transform_indices = #map}, {transform_indices = #map}, {transform_indices = #map1}, {transform_indices = #map}]} {
    %mul3A = arith.constant 160 : i32
    %mul3A_0 = arith.muli %arg1, %mul3A : i32
    %mul3A_1 = arith.constant 10000 : i32
    %mul3A_2 = arith.muli %arg0, %mul3A_1 : i32
    %mul3A_3 = arith.constant 625 : i32
    %mul3A_4 = arith.muli %arg1, %mul3A_3 : i32
    %add3A = arith.addi %mul3A_2, %mul3A_4 : i32
    %mul3A_5 = arith.constant 625 : i32
    %mul3A_6 = arith.muli %arg1, %mul3A_5 : i32
    "tpu.region"() ({
      %run_scoped3A = tpu.sem_alloc : memref<!tpu.dma_semaphore, #tpu.memory_space<semaphore_mem>>
      %dma_start3A = arith.constant 0 : i32
      %dma_start3A_59 = tpu.memref_slice %arg8[%mul3A_6, %dma_start3A] : memref<10240x64xf32, #tpu.memory_space<vmem_shared>> -> memref<625x64xf32, #tpu.memory_space<vmem_shared>>
      %dma_start3A_60 = arith.constant 0 : i32
      %dma_start3A_61 = tpu.memref_slice %arg2[%add3A, %dma_start3A_60] : memref<20000x64xf32, #tpu.memory_space<hbm>> -> memref<625x64xf32, #tpu.memory_space<hbm>>
      tpu.enqueue_dma source(%dma_start3A_61 : memref<625x64xf32, #tpu.memory_space<hbm>>) target(%dma_start3A_59 : memref<625x64xf32, #tpu.memory_space<vmem_shared>>) target_semaphore(%run_scoped3A : memref<!tpu.dma_semaphore, #tpu.memory_space<semaphore_mem>>)
      %dma_wait3A = arith.constant 0 : i32
      %dma_wait3A_62 = tpu.memref_slice %arg8[%mul3A_6, %dma_wait3A] : memref<10240x64xf32, #tpu.memory_space<vmem_shared>> -> memref<625x64xf32, #tpu.memory_space<vmem_shared>>
      %dma_wait3A_63 = arith.constant 0 : i32
      %dma_wait3A_64 = tpu.memref_slice %arg2[%add3A, %dma_wait3A_63] : memref<20000x64xf32, #tpu.memory_space<hbm>> -> memref<625x64xf32, #tpu.memory_space<hbm>>
      tpu.wait_dma2 semaphore(%run_scoped3A : memref<!tpu.dma_semaphore, #tpu.memory_space<semaphore_mem>>) src(%dma_wait3A_64 : memref<625x64xf32, #tpu.memory_space<hbm>>) dst(%dma_wait3A_62 : memref<625x64xf32, #tpu.memory_space<vmem_shared>>)
      tpu.yield
    }) : () -> ()
    %broadcast_in_dim3A = arith.constant 0.000000e+00 : f32
    %broadcast_in_dim3A_7 = vector.broadcast %broadcast_in_dim3A : f32 to vector<16xf32>
    %mul3A_8 = arith.constant 640 : i32
    %mul3A_9 = arith.muli %arg1, %mul3A_8 : i32
    %scan3A = arith.constant 0 : i32
    %scan3A_10 = arith.constant 0 : i32
    %scan3A_11 = arith.constant 128 : i32
    %scan3A_12 = arith.addi %scan3A_10, %scan3A_11 : i32
    %scan3A_13 = arith.constant 1 : i32
    scf.for %scan3A_59 = %scan3A_10 to %scan3A_12 step %scan3A_13  : i32 {
      %swap3A = arith.index_cast %scan3A_59 : i32 to index
      %swap3A_60 = arith.constant 0 : index
      %swap3A_61 = tpu.vector_load %arg12[%swap3A, %swap3A_60] {strides = array<i32>} : memref<128x64xf32, #tpu.memory_space<vmem>>, vector<1x16xf32>,
      %swap3A_62 = vector.shape_cast %swap3A_61 : vector<1x16xf32> to vector<16xf32>
      %swap3A_63 = vector.shape_cast %broadcast_in_dim3A_7 : vector<16xf32> to vector<1x16xf32>
      tpu.vector_store %arg12[%swap3A, %swap3A_60], %swap3A_63 {strides = array<i32>} : memref<128x64xf32, #tpu.memory_space<vmem>>, vector<1x16xf32>,
      %swap3A_64 = arith.index_cast %scan3A_59 : i32 to index
      %swap3A_65 = arith.constant 16 : index
      %swap3A_66 = tpu.vector_load %arg12[%swap3A_64, %swap3A_65] {strides = array<i32>} : memref<128x64xf32, #tpu.memory_space<vmem>>, vector<1x16xf32>,
      %swap3A_67 = vector.shape_cast %swap3A_66 : vector<1x16xf32> to vector<16xf32>
      %swap3A_68 = vector.shape_cast %broadcast_in_dim3A_7 : vector<16xf32> to vector<1x16xf32>
      tpu.vector_store %arg12[%swap3A_64, %swap3A_65], %swap3A_68 {strides = array<i32>} : memref<128x64xf32, #tpu.memory_space<vmem>>, vector<1x16xf32>,
      %swap3A_69 = arith.index_cast %scan3A_59 : i32 to index
      %swap3A_70 = arith.constant 32 : index
      %swap3A_71 = tpu.vector_load %arg12[%swap3A_69, %swap3A_70] {strides = array<i32>} : memref<128x64xf32, #tpu.memory_space<vmem>>, vector<1x16xf32>,
      %swap3A_72 = vector.shape_cast %swap3A_71 : vector<1x16xf32> to vector<16xf32>
      %swap3A_73 = vector.shape_cast %broadcast_in_dim3A_7 : vector<16xf32> to vector<1x16xf32>
      tpu.vector_store %arg12[%swap3A_69, %swap3A_70], %swap3A_73 {strides = array<i32>} : memref<128x64xf32, #tpu.memory_space<vmem>>, vector<1x16xf32>,
      %swap3A_74 = arith.index_cast %scan3A_59 : i32 to index
      %swap3A_75 = arith.constant 48 : index
      %swap3A_76 = tpu.vector_load %arg12[%swap3A_74, %swap3A_75] {strides = array<i32>} : memref<128x64xf32, #tpu.memory_space<vmem>>, vector<1x16xf32>,
      %swap3A_77 = vector.shape_cast %swap3A_76 : vector<1x16xf32> to vector<16xf32>
      %swap3A_78 = vector.shape_cast %broadcast_in_dim3A_7 : vector<16xf32> to vector<1x16xf32>
      tpu.vector_store %arg12[%swap3A_74, %swap3A_75], %swap3A_78 {strides = array<i32>} : memref<128x64xf32, #tpu.memory_space<vmem>>, vector<1x16xf32>,
    }
    %scan3A_14 = arith.constant 128 : i32
    %add3A_15 = arith.constant 0 : i32
    %add3A_16 = arith.addi %mul3A_9, %add3A_15 : i32
    "tpu.region"() ({
      %run_scoped3A = tpu.sem_alloc : memref<!tpu.dma_semaphore, #tpu.memory_space<semaphore_mem>>
      %dma_start3A = arith.constant 0 : i32
      %dma_start3A_59 = arith.constant 0 : i32
      %dma_start3A_60 = tpu.memref_slice %arg12[%dma_start3A, %dma_start3A_59] : memref<128x64xf32, #tpu.memory_space<vmem>> -> memref<128x64xf32, #tpu.memory_space<vmem>>
      %dma_start3A_61 = arith.constant 0 : i32
      %dma_start3A_62 = tpu.memref_slice %arg7[%add3A_16, %dma_start3A_61] : memref<10240x64xf32, #tpu.memory_space<vmem_shared>> -> memref<128x64xf32, #tpu.memory_space<vmem_shared>>
      %dma_start3A_63 = arith.constant 0 : i32
      %dma_start3A_64 = tpu.memref_slice %arg7[%add3A_16, %dma_start3A_63] : memref<10240x64xf32, #tpu.memory_space<vmem_shared>> -> memref<128x64xf32, #tpu.memory_space<vmem_shared>>
      %dma_start3A_65 = arith.constant 0 : i32
      %dma_start3A_66 = arith.constant 0 : i32
      %dma_start3A_67 = tpu.memref_slice %arg12[%dma_start3A_65, %dma_start3A_66] : memref<128x64xf32, #tpu.memory_space<vmem>> -> memref<128x64xf32, #tpu.memory_space<vmem>>
      tpu.enqueue_dma source(%dma_start3A_67 : memref<128x64xf32, #tpu.memory_space<vmem>>) target(%dma_start3A_64 : memref<128x64xf32, #tpu.memory_space<vmem_shared>>) target_semaphore(%run_scoped3A : memref<!tpu.dma_semaphore, #tpu.memory_space<semaphore_mem>>)
      %dma_wait3A = arith.constant 0 : i32
      %dma_wait3A_68 = arith.constant 0 : i32
      %dma_wait3A_69 = tpu.memref_slice %arg12[%dma_wait3A, %dma_wait3A_68] : memref<128x64xf32, #tpu.memory_space<vmem>> -> memref<128x64xf32, #tpu.memory_space<vmem>>
      %dma_wait3A_70 = arith.constant 0 : i32
      %dma_wait3A_71 = tpu.memref_slice %arg7[%add3A_16, %dma_wait3A_70] : memref<10240x64xf32, #tpu.memory_space<vmem_shared>> -> memref<128x64xf32, #tpu.memory_space<vmem_shared>>
      %dma_wait3A_72 = arith.constant 0 : i32
      %dma_wait3A_73 = tpu.memref_slice %arg7[%add3A_16, %dma_wait3A_72] : memref<10240x64xf32, #tpu.memory_space<vmem_shared>> -> memref<128x64xf32, #tpu.memory_space<vmem_shared>>
      %dma_wait3A_74 = arith.constant 0 : i32
      %dma_wait3A_75 = arith.constant 0 : i32
      %dma_wait3A_76 = tpu.memref_slice %arg12[%dma_wait3A_74, %dma_wait3A_75] : memref<128x64xf32, #tpu.memory_space<vmem>> -> memref<128x64xf32, #tpu.memory_space<vmem>>
      tpu.wait_dma2 semaphore(%run_scoped3A : memref<!tpu.dma_semaphore, #tpu.memory_space<semaphore_mem>>) src(%dma_wait3A_76 : memref<128x64xf32, #tpu.memory_space<vmem>>) dst(%dma_wait3A_73 : memref<128x64xf32, #tpu.memory_space<vmem_shared>>)
      tpu.yield
    }) : () -> ()
    %add3A_17 = arith.constant 128 : i32
    %add3A_18 = arith.addi %mul3A_9, %add3A_17 : i32
    "tpu.region"() ({
      %run_scoped3A = tpu.sem_alloc : memref<!tpu.dma_semaphore, #tpu.memory_space<semaphore_mem>>
      %dma_start3A = arith.constant 0 : i32
      %dma_start3A_59 = arith.constant 0 : i32
      %dma_start3A_60 = tpu.memref_slice %arg12[%dma_start3A, %dma_start3A_59] : memref<128x64xf32, #tpu.memory_space<vmem>> -> memref<128x64xf32, #tpu.memory_space<vmem>>
      %dma_start3A_61 = arith.constant 0 : i32
      %dma_start3A_62 = tpu.memref_slice %arg7[%add3A_18, %dma_start3A_61] : memref<10240x64xf32, #tpu.memory_space<vmem_shared>> -> memref<128x64xf32, #tpu.memory_space<vmem_shared>>
      %dma_start3A_63 = arith.constant 0 : i32
      %dma_start3A_64 = tpu.memref_slice %arg7[%add3A_18, %dma_start3A_63] : memref<10240x64xf32, #tpu.memory_space<vmem_shared>> -> memref<128x64xf32, #tpu.memory_space<vmem_shared>>
      %dma_start3A_65 = arith.constant 0 : i32
      %dma_start3A_66 = arith.constant 0 : i32
      %dma_start3A_67 = tpu.memref_slice %arg12[%dma_start3A_65, %dma_start3A_66] : memref<128x64xf32, #tpu.memory_space<vmem>> -> memref<128x64xf32, #tpu.memory_space<vmem>>
      tpu.enqueue_dma source(%dma_start3A_67 : memref<128x64xf32, #tpu.memory_space<vmem>>) target(%dma_start3A_64 : memref<128x64xf32, #tpu.memory_space<vmem_shared>>) target_semaphore(%run_scoped3A : memref<!tpu.dma_semaphore, #tpu.memory_space<semaphore_mem>>)
      %dma_wait3A = arith.constant 0 : i32
      %dma_wait3A_68 = arith.constant 0 : i32
      %dma_wait3A_69 = tpu.memref_slice %arg12[%dma_wait3A, %dma_wait3A_68] : memref<128x64xf32, #tpu.memory_space<vmem>> -> memref<128x64xf32, #tpu.memory_space<vmem>>
      %dma_wait3A_70 = arith.constant 0 : i32
      %dma_wait3A_71 = tpu.memref_slice %arg7[%add3A_18, %dma_wait3A_70] : memref<10240x64xf32, #tpu.memory_space<vmem_shared>> -> memref<128x64xf32, #tpu.memory_space<vmem_shared>>
      %dma_wait3A_72 = arith.constant 0 : i32
      %dma_wait3A_73 = tpu.memref_slice %arg7[%add3A_18, %dma_wait3A_72] : memref<10240x64xf32, #tpu.memory_space<vmem_shared>> -> memref<128x64xf32, #tpu.memory_space<vmem_shared>>
      %dma_wait3A_74 = arith.constant 0 : i32
      %dma_wait3A_75 = arith.constant 0 : i32
      %dma_wait3A_76 = tpu.memref_slice %arg12[%dma_wait3A_74, %dma_wait3A_75] : memref<128x64xf32, #tpu.memory_space<vmem>> -> memref<128x64xf32, #tpu.memory_space<vmem>>
      tpu.wait_dma2 semaphore(%run_scoped3A : memref<!tpu.dma_semaphore, #tpu.memory_space<semaphore_mem>>) src(%dma_wait3A_76 : memref<128x64xf32, #tpu.memory_space<vmem>>) dst(%dma_wait3A_73 : memref<128x64xf32, #tpu.memory_space<vmem_shared>>)
      tpu.yield
    }) : () -> ()
    %add3A_19 = arith.constant 256 : i32
    %add3A_20 = arith.addi %mul3A_9, %add3A_19 : i32
    "tpu.region"() ({
      %run_scoped3A = tpu.sem_alloc : memref<!tpu.dma_semaphore, #tpu.memory_space<semaphore_mem>>
      %dma_start3A = arith.constant 0 : i32
      %dma_start3A_59 = arith.constant 0 : i32
      %dma_start3A_60 = tpu.memref_slice %arg12[%dma_start3A, %dma_start3A_59] : memref<128x64xf32, #tpu.memory_space<vmem>> -> memref<128x64xf32, #tpu.memory_space<vmem>>
      %dma_start3A_61 = arith.constant 0 : i32
      %dma_start3A_62 = tpu.memref_slice %arg7[%add3A_20, %dma_start3A_61] : memref<10240x64xf32, #tpu.memory_space<vmem_shared>> -> memref<128x64xf32, #tpu.memory_space<vmem_shared>>
      %dma_start3A_63 = arith.constant 0 : i32
      %dma_start3A_64 = tpu.memref_slice %arg7[%add3A_20, %dma_start3A_63] : memref<10240x64xf32, #tpu.memory_space<vmem_shared>> -> memref<128x64xf32, #tpu.memory_space<vmem_shared>>
      %dma_start3A_65 = arith.constant 0 : i32
      %dma_start3A_66 = arith.constant 0 : i32
      %dma_start3A_67 = tpu.memref_slice %arg12[%dma_start3A_65, %dma_start3A_66] : memref<128x64xf32, #tpu.memory_space<vmem>> -> memref<128x64xf32, #tpu.memory_space<vmem>>
      tpu.enqueue_dma source(%dma_start3A_67 : memref<128x64xf32, #tpu.memory_space<vmem>>) target(%dma_start3A_64 : memref<128x64xf32, #tpu.memory_space<vmem_shared>>) target_semaphore(%run_scoped3A : memref<!tpu.dma_semaphore, #tpu.memory_space<semaphore_mem>>)
      %dma_wait3A = arith.constant 0 : i32
      %dma_wait3A_68 = arith.constant 0 : i32
      %dma_wait3A_69 = tpu.memref_slice %arg12[%dma_wait3A, %dma_wait3A_68] : memref<128x64xf32, #tpu.memory_space<vmem>> -> memref<128x64xf32, #tpu.memory_space<vmem>>
      %dma_wait3A_70 = arith.constant 0 : i32
      %dma_wait3A_71 = tpu.memref_slice %arg7[%add3A_20, %dma_wait3A_70] : memref<10240x64xf32, #tpu.memory_space<vmem_shared>> -> memref<128x64xf32, #tpu.memory_space<vmem_shared>>
      %dma_wait3A_72 = arith.constant 0 : i32
      %dma_wait3A_73 = tpu.memref_slice %arg7[%add3A_20, %dma_wait3A_72] : memref<10240x64xf32, #tpu.memory_space<vmem_shared>> -> memref<128x64xf32, #tpu.memory_space<vmem_shared>>
      %dma_wait3A_74 = arith.constant 0 : i32
      %dma_wait3A_75 = arith.constant 0 : i32
      %dma_wait3A_76 = tpu.memref_slice %arg12[%dma_wait3A_74, %dma_wait3A_75] : memref<128x64xf32, #tpu.memory_space<vmem>> -> memref<128x64xf32, #tpu.memory_space<vmem>>
      tpu.wait_dma2 semaphore(%run_scoped3A : memref<!tpu.dma_semaphore, #tpu.memory_space<semaphore_mem>>) src(%dma_wait3A_76 : memref<128x64xf32, #tpu.memory_space<vmem>>) dst(%dma_wait3A_73 : memref<128x64xf32, #tpu.memory_space<vmem_shared>>)
      tpu.yield
    }) : () -> ()
    %add3A_21 = arith.constant 384 : i32
    %add3A_22 = arith.addi %mul3A_9, %add3A_21 : i32
    "tpu.region"() ({
      %run_scoped3A = tpu.sem_alloc : memref<!tpu.dma_semaphore, #tpu.memory_space<semaphore_mem>>
      %dma_start3A = arith.constant 0 : i32
      %dma_start3A_59 = arith.constant 0 : i32
      %dma_start3A_60 = tpu.memref_slice %arg12[%dma_start3A, %dma_start3A_59] : memref<128x64xf32, #tpu.memory_space<vmem>> -> memref<128x64xf32, #tpu.memory_space<vmem>>
      %dma_start3A_61 = arith.constant 0 : i32
      %dma_start3A_62 = tpu.memref_slice %arg7[%add3A_22, %dma_start3A_61] : memref<10240x64xf32, #tpu.memory_space<vmem_shared>> -> memref<128x64xf32, #tpu.memory_space<vmem_shared>>
      %dma_start3A_63 = arith.constant 0 : i32
      %dma_start3A_64 = tpu.memref_slice %arg7[%add3A_22, %dma_start3A_63] : memref<10240x64xf32, #tpu.memory_space<vmem_shared>> -> memref<128x64xf32, #tpu.memory_space<vmem_shared>>
      %dma_start3A_65 = arith.constant 0 : i32
      %dma_start3A_66 = arith.constant 0 : i32
      %dma_start3A_67 = tpu.memref_slice %arg12[%dma_start3A_65, %dma_start3A_66] : memref<128x64xf32, #tpu.memory_space<vmem>> -> memref<128x64xf32, #tpu.memory_space<vmem>>
      tpu.enqueue_dma source(%dma_start3A_67 : memref<128x64xf32, #tpu.memory_space<vmem>>) target(%dma_start3A_64 : memref<128x64xf32, #tpu.memory_space<vmem_shared>>) target_semaphore(%run_scoped3A : memref<!tpu.dma_semaphore, #tpu.memory_space<semaphore_mem>>)
      %dma_wait3A = arith.constant 0 : i32
      %dma_wait3A_68 = arith.constant 0 : i32
      %dma_wait3A_69 = tpu.memref_slice %arg12[%dma_wait3A, %dma_wait3A_68] : memref<128x64xf32, #tpu.memory_space<vmem>> -> memref<128x64xf32, #tpu.memory_space<vmem>>
      %dma_wait3A_70 = arith.constant 0 : i32
      %dma_wait3A_71 = tpu.memref_slice %arg7[%add3A_22, %dma_wait3A_70] : memref<10240x64xf32, #tpu.memory_space<vmem_shared>> -> memref<128x64xf32, #tpu.memory_space<vmem_shared>>
      %dma_wait3A_72 = arith.constant 0 : i32
      %dma_wait3A_73 = tpu.memref_slice %arg7[%add3A_22, %dma_wait3A_72] : memref<10240x64xf32, #tpu.memory_space<vmem_shared>> -> memref<128x64xf32, #tpu.memory_space<vmem_shared>>
      %dma_wait3A_74 = arith.constant 0 : i32
      %dma_wait3A_75 = arith.constant 0 : i32
      %dma_wait3A_76 = tpu.memref_slice %arg12[%dma_wait3A_74, %dma_wait3A_75] : memref<128x64xf32, #tpu.memory_space<vmem>> -> memref<128x64xf32, #tpu.memory_space<vmem>>
      tpu.wait_dma2 semaphore(%run_scoped3A : memref<!tpu.dma_semaphore, #tpu.memory_space<semaphore_mem>>) src(%dma_wait3A_76 : memref<128x64xf32, #tpu.memory_space<vmem>>) dst(%dma_wait3A_73 : memref<128x64xf32, #tpu.memory_space<vmem_shared>>)
      tpu.yield
    }) : () -> ()
    %add3A_23 = arith.constant 512 : i32
    %add3A_24 = arith.addi %mul3A_9, %add3A_23 : i32
    "tpu.region"() ({
      %run_scoped3A = tpu.sem_alloc : memref<!tpu.dma_semaphore, #tpu.memory_space<semaphore_mem>>
      %dma_start3A = arith.constant 0 : i32
      %dma_start3A_59 = arith.constant 0 : i32
      %dma_start3A_60 = tpu.memref_slice %arg12[%dma_start3A, %dma_start3A_59] : memref<128x64xf32, #tpu.memory_space<vmem>> -> memref<128x64xf32, #tpu.memory_space<vmem>>
      %dma_start3A_61 = arith.constant 0 : i32
      %dma_start3A_62 = tpu.memref_slice %arg7[%add3A_24, %dma_start3A_61] : memref<10240x64xf32, #tpu.memory_space<vmem_shared>> -> memref<128x64xf32, #tpu.memory_space<vmem_shared>>
      %dma_start3A_63 = arith.constant 0 : i32
      %dma_start3A_64 = tpu.memref_slice %arg7[%add3A_24, %dma_start3A_63] : memref<10240x64xf32, #tpu.memory_space<vmem_shared>> -> memref<128x64xf32, #tpu.memory_space<vmem_shared>>
      %dma_start3A_65 = arith.constant 0 : i32
      %dma_start3A_66 = arith.constant 0 : i32
      %dma_start3A_67 = tpu.memref_slice %arg12[%dma_start3A_65, %dma_start3A_66] : memref<128x64xf32, #tpu.memory_space<vmem>> -> memref<128x64xf32, #tpu.memory_space<vmem>>
      tpu.enqueue_dma source(%dma_start3A_67 : memref<128x64xf32, #tpu.memory_space<vmem>>) target(%dma_start3A_64 : memref<128x64xf32, #tpu.memory_space<vmem_shared>>) target_semaphore(%run_scoped3A : memref<!tpu.dma_semaphore, #tpu.memory_space<semaphore_mem>>)
      %dma_wait3A = arith.constant 0 : i32
      %dma_wait3A_68 = arith.constant 0 : i32
      %dma_wait3A_69 = tpu.memref_slice %arg12[%dma_wait3A, %dma_wait3A_68] : memref<128x64xf32, #tpu.memory_space<vmem>> -> memref<128x64xf32, #tpu.memory_space<vmem>>
      %dma_wait3A_70 = arith.constant 0 : i32
      %dma_wait3A_71 = tpu.memref_slice %arg7[%add3A_24, %dma_wait3A_70] : memref<10240x64xf32, #tpu.memory_space<vmem_shared>> -> memref<128x64xf32, #tpu.memory_space<vmem_shared>>
      %dma_wait3A_72 = arith.constant 0 : i32
      %dma_wait3A_73 = tpu.memref_slice %arg7[%add3A_24, %dma_wait3A_72] : memref<10240x64xf32, #tpu.memory_space<vmem_shared>> -> memref<128x64xf32, #tpu.memory_space<vmem_shared>>
      %dma_wait3A_74 = arith.constant 0 : i32
      %dma_wait3A_75 = arith.constant 0 : i32
      %dma_wait3A_76 = tpu.memref_slice %arg12[%dma_wait3A_74, %dma_wait3A_75] : memref<128x64xf32, #tpu.memory_space<vmem>> -> memref<128x64xf32, #tpu.memory_space<vmem>>
      tpu.wait_dma2 semaphore(%run_scoped3A : memref<!tpu.dma_semaphore, #tpu.memory_space<semaphore_mem>>) src(%dma_wait3A_76 : memref<128x64xf32, #tpu.memory_space<vmem>>) dst(%dma_wait3A_73 : memref<128x64xf32, #tpu.memory_space<vmem_shared>>)
      tpu.yield
    }) : () -> ()
    %barrier3A = arith.constant 0 : index
    tpu.barrier barrier_id(%barrier3A)
    %scan3A_25 = arith.constant 0 : i32
    %scan3A_26 = arith.constant 0 : i32
    %scan3A_27 = arith.constant 10 : i32
    %scan3A_28 = arith.addi %scan3A_26, %scan3A_27 : i32
    %scan3A_29 = arith.constant 1 : i32
    scf.for %scan3A_59 = %scan3A_26 to %scan3A_28 step %scan3A_29  : i32 {
      %mul3A_60 = arith.constant 16 : i32
      %mul3A_61 = arith.muli %scan3A_59, %mul3A_60 : i32
      %add3A_62 = arith.addi %mul3A_0, %mul3A_61 : i32
      "tpu.region"() ({
        %run_scoped3A = tpu.sem_alloc : memref<!tpu.dma_semaphore, #tpu.memory_space<semaphore_mem>>
        %dma_start3A_103 = arith.constant 0 : i32
        %dma_start3A_104 = tpu.memref_slice %arg3[%add3A_62, %dma_start3A_103] : memref<2560x128xi32, #tpu.memory_space<hbm>> -> memref<16x128xi32, #tpu.memory_space<hbm>>
        %dma_start3A_105 = arith.constant 0 : i32
        %dma_start3A_106 = tpu.memref_slice %arg3[%add3A_62, %dma_start3A_105] : memref<2560x128xi32, #tpu.memory_space<hbm>> -> memref<16x128xi32, #tpu.memory_space<hbm>>
        tpu.enqueue_dma source(%dma_start3A_106 : memref<16x128xi32, #tpu.memory_space<hbm>>) target(%arg9 : memref<16x128xi32, #tpu.memory_space<vmem>>) target_semaphore(%run_scoped3A : memref<!tpu.dma_semaphore, #tpu.memory_space<semaphore_mem>>)
        %dma_wait3A_107 = arith.constant 0 : i32
        %dma_wait3A_108 = tpu.memref_slice %arg3[%add3A_62, %dma_wait3A_107] : memref<2560x128xi32, #tpu.memory_space<hbm>> -> memref<16x128xi32, #tpu.memory_space<hbm>>
        %dma_wait3A_109 = arith.constant 0 : i32
        %dma_wait3A_110 = tpu.memref_slice %arg3[%add3A_62, %dma_wait3A_109] : memref<2560x128xi32, #tpu.memory_space<hbm>> -> memref<16x128xi32, #tpu.memory_space<hbm>>
        tpu.wait_dma2 semaphore(%run_scoped3A : memref<!tpu.dma_semaphore, #tpu.memory_space<semaphore_mem>>) src(%dma_wait3A_110 : memref<16x128xi32, #tpu.memory_space<hbm>>) dst(%arg9 : memref<16x128xi32, #tpu.memory_space<vmem>>)
        tpu.yield
      }) : () -> ()
      %mul3A_63 = arith.constant 16 : i32
      %mul3A_64 = arith.muli %scan3A_59, %mul3A_63 : i32
      %add3A_65 = arith.addi %mul3A_0, %mul3A_64 : i32
      "tpu.region"() ({
        %run_scoped3A = tpu.sem_alloc : memref<!tpu.dma_semaphore, #tpu.memory_space<semaphore_mem>>
        %dma_start3A_103 = arith.constant 0 : i32
        %dma_start3A_104 = tpu.memref_slice %arg4[%add3A_65, %dma_start3A_103] : memref<2560x128xi32, #tpu.memory_space<hbm>> -> memref<16x128xi32, #tpu.memory_space<hbm>>
        %dma_start3A_105 = arith.constant 0 : i32
        %dma_start3A_106 = tpu.memref_slice %arg4[%add3A_65, %dma_start3A_105] : memref<2560x128xi32, #tpu.memory_space<hbm>> -> memref<16x128xi32, #tpu.memory_space<hbm>>
        tpu.enqueue_dma source(%dma_start3A_106 : memref<16x128xi32, #tpu.memory_space<hbm>>) target(%arg10 : memref<16x128xi32, #tpu.memory_space<vmem>>) target_semaphore(%run_scoped3A : memref<!tpu.dma_semaphore, #tpu.memory_space<semaphore_mem>>)
        %dma_wait3A_107 = arith.constant 0 : i32
        %dma_wait3A_108 = tpu.memref_slice %arg4[%add3A_65, %dma_wait3A_107] : memref<2560x128xi32, #tpu.memory_space<hbm>> -> memref<16x128xi32, #tpu.memory_space<hbm>>
        %dma_wait3A_109 = arith.constant 0 : i32
        %dma_wait3A_110 = tpu.memref_slice %arg4[%add3A_65, %dma_wait3A_109] : memref<2560x128xi32, #tpu.memory_space<hbm>> -> memref<16x128xi32, #tpu.memory_space<hbm>>
        tpu.wait_dma2 semaphore(%run_scoped3A : memref<!tpu.dma_semaphore, #tpu.memory_space<semaphore_mem>>) src(%dma_wait3A_110 : memref<16x128xi32, #tpu.memory_space<hbm>>) dst(%arg10 : memref<16x128xi32, #tpu.memory_space<vmem>>)
        tpu.yield
      }) : () -> ()
      %mul3A_66 = arith.constant 16 : i32
      %mul3A_67 = arith.muli %scan3A_59, %mul3A_66 : i32
      %add3A_68 = arith.addi %mul3A_0, %mul3A_67 : i32
      %mul3A_69 = arith.constant 128 : i32
      %mul3A_70 = arith.muli %add3A_68, %mul3A_69 : i32
      %multiple_of3A = tpu.assume_multiple %mul3A_70, 128 : i32
      "tpu.region"() ({
        %run_scoped3A = tpu.sem_alloc : memref<!tpu.dma_semaphore, #tpu.memory_space<semaphore_mem>>
        %dma_start3A_103 = tpu.memref_slice %arg5[%multiple_of3A] : memref<327680xf32, #tpu.memory_space<hbm>> -> memref<2048xf32, #tpu.memory_space<hbm>>
        %dma_start3A_104 = tpu.memref_slice %arg5[%multiple_of3A] : memref<327680xf32, #tpu.memory_space<hbm>> -> memref<2048xf32, #tpu.memory_space<hbm>>
        tpu.enqueue_dma source(%dma_start3A_104 : memref<2048xf32, #tpu.memory_space<hbm>>) target(%arg11 : memref<2048xf32, #tpu.memory_space<vmem>>) target_semaphore(%run_scoped3A : memref<!tpu.dma_semaphore, #tpu.memory_space<semaphore_mem>>)
        %dma_wait3A_105 = tpu.memref_slice %arg5[%multiple_of3A] : memref<327680xf32, #tpu.memory_space<hbm>> -> memref<2048xf32, #tpu.memory_space<hbm>>
        %dma_wait3A_106 = tpu.memref_slice %arg5[%multiple_of3A] : memref<327680xf32, #tpu.memory_space<hbm>> -> memref<2048xf32, #tpu.memory_space<hbm>>
        tpu.wait_dma2 semaphore(%run_scoped3A : memref<!tpu.dma_semaphore, #tpu.memory_space<semaphore_mem>>) src(%dma_wait3A_106 : memref<2048xf32, #tpu.memory_space<hbm>>) dst(%arg11 : memref<2048xf32, #tpu.memory_space<vmem>>)
        tpu.yield
      }) : () -> ()
      %dma_start3A = arith.constant 0 : i32
      %dma_start3A_71 = arith.constant 0 : i32
      %dma_start3A_72 = tpu.memref_slice %arg10[%dma_start3A, %dma_start3A_71] : memref<16x128xi32, #tpu.memory_space<vmem>> -> memref<1x128xi32, #tpu.memory_space<vmem>>
      %dma_start3A_73 = tpu.memref_squeeze %dma_start3A_72 : memref<1x128xi32, #tpu.memory_space<vmem>> -> memref<128xi32, #tpu.memory_space<vmem>>
      %dma_start3A_74 = arith.constant 0 : i32
      %dma_start3A_75 = arith.constant 0 : i32
      %dma_start3A_76 = tpu.memref_slice %arg8[%dma_start3A_74, %dma_start3A_75] : memref<10240x64xf32, #tpu.memory_space<vmem_shared>> -> memref<10240x64xf32, #tpu.memory_space<vmem_shared>>
      tpu.enqueue_indirect_dma source(%dma_start3A_76 : memref<10240x64xf32, #tpu.memory_space<vmem_shared>>) target(%arg12 : memref<128x64xf32, #tpu.memory_space<vmem>>) offsets(%dma_start3A_73 : memref<128xi32, #tpu.memory_space<vmem>>) semaphore(%arg16 : memref<!tpu.dma_semaphore, #tpu.memory_space<semaphore_mem>>)
      %dma_start3A_77 = arith.constant 1 : i32
      %dma_start3A_78 = arith.constant 0 : i32
      %dma_start3A_79 = tpu.memref_slice %arg10[%dma_start3A_77, %dma_start3A_78] : memref<16x128xi32, #tpu.memory_space<vmem>> -> memref<1x128xi32, #tpu.memory_space<vmem>>
      %dma_start3A_80 = tpu.memref_squeeze %dma_start3A_79 : memref<1x128xi32, #tpu.memory_space<vmem>> -> memref<128xi32, #tpu.memory_space<vmem>>
      %dma_start3A_81 = arith.constant 0 : i32
      %dma_start3A_82 = arith.constant 0 : i32
      %dma_start3A_83 = tpu.memref_slice %arg8[%dma_start3A_81, %dma_start3A_82] : memref<10240x64xf32, #tpu.memory_space<vmem_shared>> -> memref<10240x64xf32, #tpu.memory_space<vmem_shared>>
      tpu.enqueue_indirect_dma source(%dma_start3A_83 : memref<10240x64xf32, #tpu.memory_space<vmem_shared>>) target(%arg13 : memref<128x64xf32, #tpu.memory_space<vmem>>) offsets(%dma_start3A_80 : memref<128xi32, #tpu.memory_space<vmem>>) semaphore(%arg17 : memref<!tpu.dma_semaphore, #tpu.memory_space<semaphore_mem>>)
      %scan3A_84 = arith.constant 0 : i32
      %scan3A_85 = arith.constant 0 : i32
      %scan3A_86 = arith.constant 8 : i32
      %scan3A_87 = arith.addi %scan3A_85, %scan3A_86 : i32
      %scan3A_88 = arith.constant 1 : i32
      scf.for %scan3A_103 = %scan3A_85 to %scan3A_87 step %scan3A_88  : i32 {
        %mul3A_104 = arith.constant 2 : i32
        %mul3A_105 = arith.muli %scan3A_103, %mul3A_104 : i32
        %add3A_106 = arith.constant 0 : i32
        %add3A_107 = arith.addi %mul3A_105, %add3A_106 : i32
        %dma_wait3A_108 = arith.constant 0 : i32
        %dma_wait3A_109 = tpu.memref_slice %arg10[%add3A_107, %dma_wait3A_108] : memref<16x128xi32, #tpu.memory_space<vmem>> -> memref<1x128xi32, #tpu.memory_space<vmem>>
        %dma_wait3A_110 = tpu.memref_squeeze %dma_wait3A_109 : memref<1x128xi32, #tpu.memory_space<vmem>> -> memref<128xi32, #tpu.memory_space<vmem>>
        %dma_wait3A_111 = arith.constant 0 : i32
        %dma_wait3A_112 = arith.constant 0 : i32
        %dma_wait3A_113 = tpu.memref_slice %arg8[%dma_wait3A_111, %dma_wait3A_112] : memref<10240x64xf32, #tpu.memory_space<vmem_shared>> -> memref<10240x64xf32, #tpu.memory_space<vmem_shared>>
        tpu.wait_indirect_dma semaphore(%arg16 : memref<!tpu.dma_semaphore, #tpu.memory_space<semaphore_mem>>) src(%dma_wait3A_113 : memref<10240x64xf32, #tpu.memory_space<vmem_shared>>) dst(%arg12 : memref<128x64xf32, #tpu.memory_space<vmem>>)
        %gt3A = arith.constant 0 : i32
        %gt3A_114 = arith.cmpi sgt, %scan3A_103, %gt3A : i32
        %convert_element_type3A = arith.extui %gt3A_114 : i1 to i32
        %cond3A = arith.constant 0 : i32
        %cond3A_115 = arith.cmpi ne, %convert_element_type3A, %cond3A : i32
        scf.if %cond3A_115 {
          %dma_wait3A_168 = arith.constant 0 : i32
          %dma_wait3A_169 = tpu.memref_slice %arg9[%add3A_107, %dma_wait3A_168] : memref<16x128xi32, #tpu.memory_space<vmem>> -> memref<1x128xi32, #tpu.memory_space<vmem>>
          %dma_wait3A_170 = tpu.memref_squeeze %dma_wait3A_169 : memref<1x128xi32, #tpu.memory_space<vmem>> -> memref<128xi32, #tpu.memory_space<vmem>>
          %dma_wait3A_171 = arith.constant 0 : i32
          %dma_wait3A_172 = arith.constant 0 : i32
          %dma_wait3A_173 = tpu.memref_slice %arg7[%dma_wait3A_171, %dma_wait3A_172] : memref<10240x64xf32, #tpu.memory_space<vmem_shared>> -> memref<10240x64xf32, #tpu.memory_space<vmem_shared>>
          tpu.wait_indirect_dma semaphore(%arg18 : memref<!tpu.dma_semaphore, #tpu.memory_space<semaphore_mem>>) src(%arg14 : memref<128x64xf32, #tpu.memory_space<vmem>>) dst(%dma_wait3A_173 : memref<10240x64xf32, #tpu.memory_space<vmem_shared>>)
        } else {
        }
        %scan3A_116 = arith.constant 0 : i32
        %scan3A_117 = arith.constant 0 : i32
        %scan3A_118 = arith.constant 8 : i32
        %scan3A_119 = arith.addi %scan3A_117, %scan3A_118 : i32
        %scan3A_120 = arith.constant 1 : i32
        scf.for %scan3A_168 = %scan3A_117 to %scan3A_119 step %scan3A_120  : i32 {
          %mul3A_169 = arith.constant 128 : i32
          %mul3A_170 = arith.muli %add3A_107, %mul3A_169 : i32
          %mul3A_171 = arith.constant 16 : i32
          %mul3A_172 = arith.muli %scan3A_168, %mul3A_171 : i32
          %add3A_173 = arith.addi %mul3A_170, %mul3A_172 : i32
          %get3A = arith.index_cast %add3A_173 : i32 to index
          %get3A_174 = tpu.vector_load %arg11[%get3A] {strides = array<i32>} : memref<2048xf32, #tpu.memory_space<vmem>>, vector<16xf32>,
          %get3A_175 = vector.shape_cast %get3A_174 : vector<16xf32> to vector<16xf32>
          %broadcast_in_dim3A_176 = arith.constant 0 : i32
          %broadcast_in_dim3A_177 = vector.broadcast %broadcast_in_dim3A_176 : i32 to vector<16x1xi32>
          %gather3A = vector.shape_cast %broadcast_in_dim3A_177 : vector<16x1xi32> to vector<16xi32>
          %gather3A_178 = tpu.dynamic_gather %get3A_175[%gather3A] in [0] : vector<16xf32>, vector<16xi32> -> vector<16xf32>
          %mul3A_179 = arith.constant 16 : i32
          %mul3A_180 = arith.muli %scan3A_168, %mul3A_179 : i32
          %add3A_181 = arith.constant 0 : i32
          %add3A_182 = arith.addi %mul3A_180, %add3A_181 : i32
          %get3A_183 = arith.index_cast %add3A_182 : i32 to index
          %get3A_184 = arith.constant 0 : index
          %get3A_185 = tpu.vector_load %arg12[%get3A_183, %get3A_184] {strides = array<i32>} : memref<128x64xf32, #tpu.memory_space<vmem>>, vector<1x16xf32>,
          %get3A_186 = vector.shape_cast %get3A_185 : vector<1x16xf32> to vector<16xf32>
          %mul3A_187 = arith.mulf %get3A_186, %gather3A_178 : vector<16xf32>
          %swap3A = arith.index_cast %add3A_182 : i32 to index
          %swap3A_188 = arith.constant 0 : index
          %swap3A_189 = tpu.vector_load %arg14[%swap3A, %swap3A_188] {strides = array<i32>} : memref<128x64xf32, #tpu.memory_space<vmem>>, vector<1x16xf32>,
          %swap3A_190 = vector.shape_cast %swap3A_189 : vector<1x16xf32> to vector<16xf32>
          %swap3A_191 = vector.shape_cast %mul3A_187 : vector<16xf32> to vector<1x16xf32>
          tpu.vector_store %arg14[%swap3A, %swap3A_188], %swap3A_191 {strides = array<i32>} : memref<128x64xf32, #tpu.memory_space<vmem>>, vector<1x16xf32>,
          %get3A_192 = arith.index_cast %add3A_182 : i32 to index
          %get3A_193 = arith.constant 16 : index
          %get3A_194 = tpu.vector_load %arg12[%get3A_192, %get3A_193] {strides = array<i32>} : memref<128x64xf32, #tpu.memory_space<vmem>>, vector<1x16xf32>,
          %get3A_195 = vector.shape_cast %get3A_194 : vector<1x16xf32> to vector<16xf32>
          %mul3A_196 = arith.mulf %get3A_195, %gather3A_178 : vector<16xf32>
          %swap3A_197 = arith.index_cast %add3A_182 : i32 to index
          %swap3A_198 = arith.constant 16 : index
          %swap3A_199 = tpu.vector_load %arg14[%swap3A_197, %swap3A_198] {strides = array<i32>} : memref<128x64xf32, #tpu.memory_space<vmem>>, vector<1x16xf32>,
          %swap3A_200 = vector.shape_cast %swap3A_199 : vector<1x16xf32> to vector<16xf32>
          %swap3A_201 = vector.shape_cast %mul3A_196 : vector<16xf32> to vector<1x16xf32>
          tpu.vector_store %arg14[%swap3A_197, %swap3A_198], %swap3A_201 {strides = array<i32>} : memref<128x64xf32, #tpu.memory_space<vmem>>, vector<1x16xf32>,
          %get3A_202 = arith.index_cast %add3A_182 : i32 to index
          %get3A_203 = arith.constant 32 : index
          %get3A_204 = tpu.vector_load %arg12[%get3A_202, %get3A_203] {strides = array<i32>} : memref<128x64xf32, #tpu.memory_space<vmem>>, vector<1x16xf32>,
          %get3A_205 = vector.shape_cast %get3A_204 : vector<1x16xf32> to vector<16xf32>
          %mul3A_206 = arith.mulf %get3A_205, %gather3A_178 : vector<16xf32>
          %swap3A_207 = arith.index_cast %add3A_182 : i32 to index
          %swap3A_208 = arith.constant 32 : index
          %swap3A_209 = tpu.vector_load %arg14[%swap3A_207, %swap3A_208] {strides = array<i32>} : memref<128x64xf32, #tpu.memory_space<vmem>>, vector<1x16xf32>,
          %swap3A_210 = vector.shape_cast %swap3A_209 : vector<1x16xf32> to vector<16xf32>
          %swap3A_211 = vector.shape_cast %mul3A_206 : vector<16xf32> to vector<1x16xf32>
          tpu.vector_store %arg14[%swap3A_207, %swap3A_208], %swap3A_211 {strides = array<i32>} : memref<128x64xf32, #tpu.memory_space<vmem>>, vector<1x16xf32>,
          %get3A_212 = arith.index_cast %add3A_182 : i32 to index
          %get3A_213 = arith.constant 48 : index
          %get3A_214 = tpu.vector_load %arg12[%get3A_212, %get3A_213] {strides = array<i32>} : memref<128x64xf32, #tpu.memory_space<vmem>>, vector<1x16xf32>,
          %get3A_215 = vector.shape_cast %get3A_214 : vector<1x16xf32> to vector<16xf32>
          %mul3A_216 = arith.mulf %get3A_215, %gather3A_178 : vector<16xf32>
          %swap3A_217 = arith.index_cast %add3A_182 : i32 to index
          %swap3A_218 = arith.constant 48 : index
          %swap3A_219 = tpu.vector_load %arg14[%swap3A_217, %swap3A_218] {strides = array<i32>} : memref<128x64xf32, #tpu.memory_space<vmem>>, vector<1x16xf32>,
          %swap3A_220 = vector.shape_cast %swap3A_219 : vector<1x16xf32> to vector<16xf32>
          %swap3A_221 = vector.shape_cast %mul3A_216 : vector<16xf32> to vector<1x16xf32>
          tpu.vector_store %arg14[%swap3A_217, %swap3A_218], %swap3A_221 {strides = array<i32>} : memref<128x64xf32, #tpu.memory_space<vmem>>, vector<1x16xf32>,
          %broadcast_in_dim3A_222 = arith.constant 1 : i32
          %broadcast_in_dim3A_223 = vector.broadcast %broadcast_in_dim3A_222 : i32 to vector<16x1xi32>
          %gather3A_224 = vector.shape_cast %broadcast_in_dim3A_223 : vector<16x1xi32> to vector<16xi32>
          %gather3A_225 = tpu.dynamic_gather %get3A_175[%gather3A_224] in [0] : vector<16xf32>, vector<16xi32> -> vector<16xf32>
          %mul3A_226 = arith.constant 16 : i32
          %mul3A_227 = arith.muli %scan3A_168, %mul3A_226 : i32
          %add3A_228 = arith.constant 1 : i32
          %add3A_229 = arith.addi %mul3A_227, %add3A_228 : i32
          %get3A_230 = arith.index_cast %add3A_229 : i32 to index
          %get3A_231 = arith.constant 0 : index
          %get3A_232 = tpu.vector_load %arg12[%get3A_230, %get3A_231] {strides = array<i32>} : memref<128x64xf32, #tpu.memory_space<vmem>>, vector<1x16xf32>,
          %get3A_233 = vector.shape_cast %get3A_232 : vector<1x16xf32> to vector<16xf32>
          %mul3A_234 = arith.mulf %get3A_233, %gather3A_225 : vector<16xf32>
          %swap3A_235 = arith.index_cast %add3A_229 : i32 to index
          %swap3A_236 = arith.constant 0 : index
          %swap3A_237 = tpu.vector_load %arg14[%swap3A_235, %swap3A_236] {strides = array<i32>} : memref<128x64xf32, #tpu.memory_space<vmem>>, vector<1x16xf32>,
          %swap3A_238 = vector.shape_cast %swap3A_237 : vector<1x16xf32> to vector<16xf32>
          %swap3A_239 = vector.shape_cast %mul3A_234 : vector<16xf32> to vector<1x16xf32>
          tpu.vector_store %arg14[%swap3A_235, %swap3A_236], %swap3A_239 {strides = array<i32>} : memref<128x64xf32, #tpu.memory_space<vmem>>, vector<1x16xf32>,
          %get3A_240 = arith.index_cast %add3A_229 : i32 to index
          %get3A_241 = arith.constant 16 : index
          %get3A_242 = tpu.vector_load %arg12[%get3A_240, %get3A_241] {strides = array<i32>} : memref<128x64xf32, #tpu.memory_space<vmem>>, vector<1x16xf32>,
          %get3A_243 = vector.shape_cast %get3A_242 : vector<1x16xf32> to vector<16xf32>
          %mul3A_244 = arith.mulf %get3A_243, %gather3A_225 : vector<16xf32>
          %swap3A_245 = arith.index_cast %add3A_229 : i32 to index
          %swap3A_246 = arith.constant 16 : index
          %swap3A_247 = tpu.vector_load %arg14[%swap3A_245, %swap3A_246] {strides = array<i32>} : memref<128x64xf32, #tpu.memory_space<vmem>>, vector<1x16xf32>,
          %swap3A_248 = vector.shape_cast %swap3A_247 : vector<1x16xf32> to vector<16xf32>
          %swap3A_249 = vector.shape_cast %mul3A_244 : vector<16xf32> to vector<1x16xf32>
          tpu.vector_store %arg14[%swap3A_245, %swap3A_246], %swap3A_249 {strides = array<i32>} : memref<128x64xf32, #tpu.memory_space<vmem>>, vector<1x16xf32>,
          %get3A_250 = arith.index_cast %add3A_229 : i32 to index
          %get3A_251 = arith.constant 32 : index
          %get3A_252 = tpu.vector_load %arg12[%get3A_250, %get3A_251] {strides = array<i32>} : memref<128x64xf32, #tpu.memory_space<vmem>>, vector<1x16xf32>,
          %get3A_253 = vector.shape_cast %get3A_252 : vector<1x16xf32> to vector<16xf32>
          %mul3A_254 = arith.mulf %get3A_253, %gather3A_225 : vector<16xf32>
          %swap3A_255 = arith.index_cast %add3A_229 : i32 to index
          %swap3A_256 = arith.constant 32 : index
          %swap3A_257 = tpu.vector_load %arg14[%swap3A_255, %swap3A_256] {strides = array<i32>} : memref<128x64xf32, #tpu.memory_space<vmem>>, vector<1x16xf32>,
          %swap3A_258 = vector.shape_cast %swap3A_257 : vector<1x16xf32> to vector<16xf32>
          %swap3A_259 = vector.shape_cast %mul3A_254 : vector<16xf32> to vector<1x16xf32>
          tpu.vector_store %arg14[%swap3A_255, %swap3A_256], %swap3A_259 {strides = array<i32>} : memref<128x64xf32, #tpu.memory_space<vmem>>, vector<1x16xf32>,
          %get3A_260 = arith.index_cast %add3A_229 : i32 to index
          %get3A_261 = arith.constant 48 : index
          %get3A_262 = tpu.vector_load %arg12[%get3A_260, %get3A_261] {strides = array<i32>} : memref<128x64xf32, #tpu.memory_space<vmem>>, vector<1x16xf32>,
          %get3A_263 = vector.shape_cast %get3A_262 : vector<1x16xf32> to vector<16xf32>
          %mul3A_264 = arith.mulf %get3A_263, %gather3A_225 : vector<16xf32>
          %swap3A_265 = arith.index_cast %add3A_229 : i32 to index
          %swap3A_266 = arith.constant 48 : index
          %swap3A_267 = tpu.vector_load %arg14[%swap3A_265, %swap3A_266] {strides = array<i32>} : memref<128x64xf32, #tpu.memory_space<vmem>>, vector<1x16xf32>,
          %swap3A_268 = vector.shape_cast %swap3A_267 : vector<1x16xf32> to vector<16xf32>
          %swap3A_269 = vector.shape_cast %mul3A_264 : vector<16xf32> to vector<1x16xf32>
          tpu.vector_store %arg14[%swap3A_265, %swap3A_266], %swap3A_269 {strides = array<i32>} : memref<128x64xf32, #tpu.memory_space<vmem>>, vector<1x16xf32>,
          %broadcast_in_dim3A_270 = arith.constant 2 : i32
          %broadcast_in_dim3A_271 = vector.broadcast %broadcast_in_dim3A_270 : i32 to vector<16x1xi32>
          %gather3A_272 = vector.shape_cast %broadcast_in_dim3A_271 : vector<16x1xi32> to vector<16xi32>
          %gather3A_273 = tpu.dynamic_gather %get3A_175[%gather3A_272] in [0] : vector<16xf32>, vector<16xi32> -> vector<16xf32>
          %mul3A_274 = arith.constant 16 : i32
          %mul3A_275 = arith.muli %scan3A_168, %mul3A_274 : i32
          %add3A_276 = arith.constant 2 : i32
          %add3A_277 = arith.addi %mul3A_275, %add3A_276 : i32
          %get3A_278 = arith.index_cast %add3A_277 : i32 to index
          %get3A_279 = arith.constant 0 : index
          %get3A_280 = tpu.vector_load %arg12[%get3A_278, %get3A_279] {strides = array<i32>} : memref<128x64xf32, #tpu.memory_space<vmem>>, vector<1x16xf32>,
          %get3A_281 = vector.shape_cast %get3A_280 : vector<1x16xf32> to vector<16xf32>
          %mul3A_282 = arith.mulf %get3A_281, %gather3A_273 : vector<16xf32>
          %swap3A_283 = arith.index_cast %add3A_277 : i32 to index
          %swap3A_284 = arith.constant 0 : index
          %swap3A_285 = tpu.vector_load %arg14[%swap3A_283, %swap3A_284] {strides = array<i32>} : memref<128x64xf32, #tpu.memory_space<vmem>>, vector<1x16xf32>,
          %swap3A_286 = vector.shape_cast %swap3A_285 : vector<1x16xf32> to vector<16xf32>
          %swap3A_287 = vector.shape_cast %mul3A_282 : vector<16xf32> to vector<1x16xf32>
          tpu.vector_store %arg14[%swap3A_283, %swap3A_284], %swap3A_287 {strides = array<i32>} : memref<128x64xf32, #tpu.memory_space<vmem>>, vector<1x16xf32>,
          %get3A_288 = arith.index_cast %add3A_277 : i32 to index
          %get3A_289 = arith.constant 16 : index
          %get3A_290 = tpu.vector_load %arg12[%get3A_288, %get3A_289] {strides = array<i32>} : memref<128x64xf32, #tpu.memory_space<vmem>>, vector<1x16xf32>,
          %get3A_291 = vector.shape_cast %get3A_290 : vector<1x16xf32> to vector<16xf32>
          %mul3A_292 = arith.mulf %get3A_291, %gather3A_273 : vector<16xf32>
          %swap3A_293 = arith.index_cast %add3A_277 : i32 to index
          %swap3A_294 = arith.constant 16 : index
          %swap3A_295 = tpu.vector_load %arg14[%swap3A_293, %swap3A_294] {strides = array<i32>} : memref<128x64xf32, #tpu.memory_space<vmem>>, vector<1x16xf32>,
          %swap3A_296 = vector.shape_cast %swap3A_295 : vector<1x16xf32> to vector<16xf32>
          %swap3A_297 = vector.shape_cast %mul3A_292 : vector<16xf32> to vector<1x16xf32>
          tpu.vector_store %arg14[%swap3A_293, %swap3A_294], %swap3A_297 {strides = array<i32>} : memref<128x64xf32, #tpu.memory_space<vmem>>, vector<1x16xf32>,
          %get3A_298 = arith.index_cast %add3A_277 : i32 to index
          %get3A_299 = arith.constant 32 : index
          %get3A_300 = tpu.vector_load %arg12[%get3A_298, %get3A_299] {strides = array<i32>} : memref<128x64xf32, #tpu.memory_space<vmem>>, vector<1x16xf32>,
          %get3A_301 = vector.shape_cast %get3A_300 : vector<1x16xf32> to vector<16xf32>
          %mul3A_302 = arith.mulf %get3A_301, %gather3A_273 : vector<16xf32>
          %swap3A_303 = arith.index_cast %add3A_277 : i32 to index
          %swap3A_304 = arith.constant 32 : index
          %swap3A_305 = tpu.vector_load %arg14[%swap3A_303, %swap3A_304] {strides = array<i32>} : memref<128x64xf32, #tpu.memory_space<vmem>>, vector<1x16xf32>,
          %swap3A_306 = vector.shape_cast %swap3A_305 : vector<1x16xf32> to vector<16xf32>
          %swap3A_307 = vector.shape_cast %mul3A_302 : vector<16xf32> to vector<1x16xf32>
          tpu.vector_store %arg14[%swap3A_303, %swap3A_304], %swap3A_307 {strides = array<i32>} : memref<128x64xf32, #tpu.memory_space<vmem>>, vector<1x16xf32>,
          %get3A_308 = arith.index_cast %add3A_277 : i32 to index
          %get3A_309 = arith.constant 48 : index
          %get3A_310 = tpu.vector_load %arg12[%get3A_308, %get3A_309] {strides = array<i32>} : memref<128x64xf32, #tpu.memory_space<vmem>>, vector<1x16xf32>,
          %get3A_311 = vector.shape_cast %get3A_310 : vector<1x16xf32> to vector<16xf32>
          %mul3A_312 = arith.mulf %get3A_311, %gather3A_273 : vector<16xf32>
          %swap3A_313 = arith.index_cast %add3A_277 : i32 to index
          %swap3A_314 = arith.constant 48 : index
          %swap3A_315 = tpu.vector_load %arg14[%swap3A_313, %swap3A_314] {strides = array<i32>} : memref<128x64xf32, #tpu.memory_space<vmem>>, vector<1x16xf32>,
          %swap3A_316 = vector.shape_cast %swap3A_315 : vector<1x16xf32> to vector<16xf32>
          %swap3A_317 = vector.shape_cast %mul3A_312 : vector<16xf32> to vector<1x16xf32>
          tpu.vector_store %arg14[%swap3A_313, %swap3A_314], %swap3A_317 {strides = array<i32>} : memref<128x64xf32, #tpu.memory_space<vmem>>, vector<1x16xf32>,
          %broadcast_in_dim3A_318 = arith.constant 3 : i32
          %broadcast_in_dim3A_319 = vector.broadcast %broadcast_in_dim3A_318 : i32 to vector<16x1xi32>
          %gather3A_320 = vector.shape_cast %broadcast_in_dim3A_319 : vector<16x1xi32> to vector<16xi32>
          %gather3A_321 = tpu.dynamic_gather %get3A_175[%gather3A_320] in [0] : vector<16xf32>, vector<16xi32> -> vector<16xf32>
          %mul3A_322 = arith.constant 16 : i32
          %mul3A_323 = arith.muli %scan3A_168, %mul3A_322 : i32
          %add3A_324 = arith.constant 3 : i32
          %add3A_325 = arith.addi %mul3A_323, %add3A_324 : i32
          %get3A_326 = arith.index_cast %add3A_325 : i32 to index
          %get3A_327 = arith.constant 0 : index
          %get3A_328 = tpu.vector_load %arg12[%get3A_326, %get3A_327] {strides = array<i32>} : memref<128x64xf32, #tpu.memory_space<vmem>>, vector<1x16xf32>,
          %get3A_329 = vector.shape_cast %get3A_328 : vector<1x16xf32> to vector<16xf32>
          %mul3A_330 = arith.mulf %get3A_329, %gather3A_321 : vector<16xf32>
          %swap3A_331 = arith.index_cast %add3A_325 : i32 to index
          %swap3A_332 = arith.constant 0 : index
          %swap3A_333 = tpu.vector_load %arg14[%swap3A_331, %swap3A_332] {strides = array<i32>} : memref<128x64xf32, #tpu.memory_space<vmem>>, vector<1x16xf32>,
          %swap3A_334 = vector.shape_cast %swap3A_333 : vector<1x16xf32> to vector<16xf32>
          %swap3A_335 = vector.shape_cast %mul3A_330 : vector<16xf32> to vector<1x16xf32>
          tpu.vector_store %arg14[%swap3A_331, %swap3A_332], %swap3A_335 {strides = array<i32>} : memref<128x64xf32, #tpu.memory_space<vmem>>, vector<1x16xf32>,
          %get3A_336 = arith.index_cast %add3A_325 : i32 to index
          %get3A_337 = arith.constant 16 : index
          %get3A_338 = tpu.vector_load %arg12[%get3A_336, %get3A_337] {strides = array<i32>} : memref<128x64xf32, #tpu.memory_space<vmem>>, vector<1x16xf32>,
          %get3A_339 = vector.shape_cast %get3A_338 : vector<1x16xf32> to vector<16xf32>
          %mul3A_340 = arith.mulf %get3A_339, %gather3A_321 : vector<16xf32>
          %swap3A_341 = arith.index_cast %add3A_325 : i32 to index
          %swap3A_342 = arith.constant 16 : index
          %swap3A_343 = tpu.vector_load %arg14[%swap3A_341, %swap3A_342] {strides = array<i32>} : memref<128x64xf32, #tpu.memory_space<vmem>>, vector<1x16xf32>,
          %swap3A_344 = vector.shape_cast %swap3A_343 : vector<1x16xf32> to vector<16xf32>
          %swap3A_345 = vector.shape_cast %mul3A_340 : vector<16xf32> to vector<1x16xf32>
          tpu.vector_store %arg14[%swap3A_341, %swap3A_342], %swap3A_345 {strides = array<i32>} : memref<128x64xf32, #tpu.memory_space<vmem>>, vector<1x16xf32>,
          %get3A_346 = arith.index_cast %add3A_325 : i32 to index
          %get3A_347 = arith.constant 32 : index
          %get3A_348 = tpu.vector_load %arg12[%get3A_346, %get3A_347] {strides = array<i32>} : memref<128x64xf32, #tpu.memory_space<vmem>>, vector<1x16xf32>,
          %get3A_349 = vector.shape_cast %get3A_348 : vector<1x16xf32> to vector<16xf32>
          %mul3A_350 = arith.mulf %get3A_349, %gather3A_321 : vector<16xf32>
          %swap3A_351 = arith.index_cast %add3A_325 : i32 to index
          %swap3A_352 = arith.constant 32 : index
          %swap3A_353 = tpu.vector_load %arg14[%swap3A_351, %swap3A_352] {strides = array<i32>} : memref<128x64xf32, #tpu.memory_space<vmem>>, vector<1x16xf32>,
          %swap3A_354 = vector.shape_cast %swap3A_353 : vector<1x16xf32> to vector<16xf32>
          %swap3A_355 = vector.shape_cast %mul3A_350 : vector<16xf32> to vector<1x16xf32>
          tpu.vector_store %arg14[%swap3A_351, %swap3A_352], %swap3A_355 {strides = array<i32>} : memref<128x64xf32, #tpu.memory_space<vmem>>, vector<1x16xf32>,
          %get3A_356 = arith.index_cast %add3A_325 : i32 to index
          %get3A_357 = arith.constant 48 : index
          %get3A_358 = tpu.vector_load %arg12[%get3A_356, %get3A_357] {strides = array<i32>} : memref<128x64xf32, #tpu.memory_space<vmem>>, vector<1x16xf32>,
          %get3A_359 = vector.shape_cast %get3A_358 : vector<1x16xf32> to vector<16xf32>
          %mul3A_360 = arith.mulf %get3A_359, %gather3A_321 : vector<16xf32>
          %swap3A_361 = arith.index_cast %add3A_325 : i32 to index
          %swap3A_362 = arith.constant 48 : index
          %swap3A_363 = tpu.vector_load %arg14[%swap3A_361, %swap3A_362] {strides = array<i32>} : memref<128x64xf32, #tpu.memory_space<vmem>>, vector<1x16xf32>,
          %swap3A_364 = vector.shape_cast %swap3A_363 : vector<1x16xf32> to vector<16xf32>
          %swap3A_365 = vector.shape_cast %mul3A_360 : vector<16xf32> to vector<1x16xf32>
          tpu.vector_store %arg14[%swap3A_361, %swap3A_362], %swap3A_365 {strides = array<i32>} : memref<128x64xf32, #tpu.memory_space<vmem>>, vector<1x16xf32>,
          %broadcast_in_dim3A_366 = arith.constant 4 : i32
          %broadcast_in_dim3A_367 = vector.broadcast %broadcast_in_dim3A_366 : i32 to vector<16x1xi32>
          %gather3A_368 = vector.shape_cast %broadcast_in_dim3A_367 : vector<16x1xi32> to vector<16xi32>
          %gather3A_369 = tpu.dynamic_gather %get3A_175[%gather3A_368] in [0] : vector<16xf32>, vector<16xi32> -> vector<16xf32>
          %mul3A_370 = arith.constant 16 : i32
          %mul3A_371 = arith.muli %scan3A_168, %mul3A_370 : i32
          %add3A_372 = arith.constant 4 : i32
          %add3A_373 = arith.addi %mul3A_371, %add3A_372 : i32
          %get3A_374 = arith.index_cast %add3A_373 : i32 to index
          %get3A_375 = arith.constant 0 : index
          %get3A_376 = tpu.vector_load %arg12[%get3A_374, %get3A_375] {strides = array<i32>} : memref<128x64xf32, #tpu.memory_space<vmem>>, vector<1x16xf32>,
          %get3A_377 = vector.shape_cast %get3A_376 : vector<1x16xf32> to vector<16xf32>
          %mul3A_378 = arith.mulf %get3A_377, %gather3A_369 : vector<16xf32>
          %swap3A_379 = arith.index_cast %add3A_373 : i32 to index
          %swap3A_380 = arith.constant 0 : index
          %swap3A_381 = tpu.vector_load %arg14[%swap3A_379, %swap3A_380] {strides = array<i32>} : memref<128x64xf32, #tpu.memory_space<vmem>>, vector<1x16xf32>,
          %swap3A_382 = vector.shape_cast %swap3A_381 : vector<1x16xf32> to vector<16xf32>
          %swap3A_383 = vector.shape_cast %mul3A_378 : vector<16xf32> to vector<1x16xf32>
          tpu.vector_store %arg14[%swap3A_379, %swap3A_380], %swap3A_383 {strides = array<i32>} : memref<128x64xf32, #tpu.memory_space<vmem>>, vector<1x16xf32>,
          %get3A_384 = arith.index_cast %add3A_373 : i32 to index
          %get3A_385 = arith.constant 16 : index
          %get3A_386 = tpu.vector_load %arg12[%get3A_384, %get3A_385] {strides = array<i32>} : memref<128x64xf32, #tpu.memory_space<vmem>>, vector<1x16xf32>,
          %get3A_387 = vector.shape_cast %get3A_386 : vector<1x16xf32> to vector<16xf32>
          %mul3A_388 = arith.mulf %get3A_387, %gather3A_369 : vector<16xf32>
          %swap3A_389 = arith.index_cast %add3A_373 : i32 to index
          %swap3A_390 = arith.constant 16 : index
          %swap3A_391 = tpu.vector_load %arg14[%swap3A_389, %swap3A_390] {strides = array<i32>} : memref<128x64xf32, #tpu.memory_space<vmem>>, vector<1x16xf32>,
          %swap3A_392 = vector.shape_cast %swap3A_391 : vector<1x16xf32> to vector<16xf32>
          %swap3A_393 = vector.shape_cast %mul3A_388 : vector<16xf32> to vector<1x16xf32>
          tpu.vector_store %arg14[%swap3A_389, %swap3A_390], %swap3A_393 {strides = array<i32>} : memref<128x64xf32, #tpu.memory_space<vmem>>, vector<1x16xf32>,
          %get3A_394 = arith.index_cast %add3A_373 : i32 to index
          %get3A_395 = arith.constant 32 : index
          %get3A_396 = tpu.vector_load %arg12[%get3A_394, %get3A_395] {strides = array<i32>} : memref<128x64xf32, #tpu.memory_space<vmem>>, vector<1x16xf32>,
          %get3A_397 = vector.shape_cast %get3A_396 : vector<1x16xf32> to vector<16xf32>
          %mul3A_398 = arith.mulf %get3A_397, %gather3A_369 : vector<16xf32>
          %swap3A_399 = arith.index_cast %add3A_373 : i32 to index
          %swap3A_400 = arith.constant 32 : index
          %swap3A_401 = tpu.vector_load %arg14[%swap3A_399, %swap3A_400] {strides = array<i32>} : memref<128x64xf32, #tpu.memory_space<vmem>>, vector<1x16xf32>,
          %swap3A_402 = vector.shape_cast %swap3A_401 : vector<1x16xf32> to vector<16xf32>
          %swap3A_403 = vector.shape_cast %mul3A_398 : vector<16xf32> to vector<1x16xf32>
          tpu.vector_store %arg14[%swap3A_399, %swap3A_400], %swap3A_403 {strides = array<i32>} : memref<128x64xf32, #tpu.memory_space<vmem>>, vector<1x16xf32>,
          %get3A_404 = arith.index_cast %add3A_373 : i32 to index
          %get3A_405 = arith.constant 48 : index
          %get3A_406 = tpu.vector_load %arg12[%get3A_404, %get3A_405] {strides = array<i32>} : memref<128x64xf32, #tpu.memory_space<vmem>>, vector<1x16xf32>,
          %get3A_407 = vector.shape_cast %get3A_406 : vector<1x16xf32> to vector<16xf32>
          %mul3A_408 = arith.mulf %get3A_407, %gather3A_369 : vector<16xf32>
          %swap3A_409 = arith.index_cast %add3A_373 : i32 to index
          %swap3A_410 = arith.constant 48 : index
          %swap3A_411 = tpu.vector_load %arg14[%swap3A_409, %swap3A_410] {strides = array<i32>} : memref<128x64xf32, #tpu.memory_space<vmem>>, vector<1x16xf32>,
          %swap3A_412 = vector.shape_cast %swap3A_411 : vector<1x16xf32> to vector<16xf32>
          %swap3A_413 = vector.shape_cast %mul3A_408 : vector<16xf32> to vector<1x16xf32>
          tpu.vector_store %arg14[%swap3A_409, %swap3A_410], %swap3A_413 {strides = array<i32>} : memref<128x64xf32, #tpu.memory_space<vmem>>, vector<1x16xf32>,
          %broadcast_in_dim3A_414 = arith.constant 5 : i32
          %broadcast_in_dim3A_415 = vector.broadcast %broadcast_in_dim3A_414 : i32 to vector<16x1xi32>
          %gather3A_416 = vector.shape_cast %broadcast_in_dim3A_415 : vector<16x1xi32> to vector<16xi32>
          %gather3A_417 = tpu.dynamic_gather %get3A_175[%gather3A_416] in [0] : vector<16xf32>, vector<16xi32> -> vector<16xf32>
          %mul3A_418 = arith.constant 16 : i32
          %mul3A_419 = arith.muli %scan3A_168, %mul3A_418 : i32
          %add3A_420 = arith.constant 5 : i32
          %add3A_421 = arith.addi %mul3A_419, %add3A_420 : i32
          %get3A_422 = arith.index_cast %add3A_421 : i32 to index
          %get3A_423 = arith.constant 0 : index
          %get3A_424 = tpu.vector_load %arg12[%get3A_422, %get3A_423] {strides = array<i32>} : memref<128x64xf32, #tpu.memory_space<vmem>>, vector<1x16xf32>,
          %get3A_425 = vector.shape_cast %get3A_424 : vector<1x16xf32> to vector<16xf32>
          %mul3A_426 = arith.mulf %get3A_425, %gather3A_417 : vector<16xf32>
          %swap3A_427 = arith.index_cast %add3A_421 : i32 to index
          %swap3A_428 = arith.constant 0 : index
          %swap3A_429 = tpu.vector_load %arg14[%swap3A_427, %swap3A_428] {strides = array<i32>} : memref<128x64xf32, #tpu.memory_space<vmem>>, vector<1x16xf32>,
          %swap3A_430 = vector.shape_cast %swap3A_429 : vector<1x16xf32> to vector<16xf32>
          %swap3A_431 = vector.shape_cast %mul3A_426 : vector<16xf32> to vector<1x16xf32>
          tpu.vector_store %arg14[%swap3A_427, %swap3A_428], %swap3A_431 {strides = array<i32>} : memref<128x64xf32, #tpu.memory_space<vmem>>, vector<1x16xf32>,
          %get3A_432 = arith.index_cast %add3A_421 : i32 to index
          %get3A_433 = arith.constant 16 : index
          %get3A_434 = tpu.vector_load %arg12[%get3A_432, %get3A_433] {strides = array<i32>} : memref<128x64xf32, #tpu.memory_space<vmem>>, vector<1x16xf32>,
          %get3A_435 = vector.shape_cast %get3A_434 : vector<1x16xf32> to vector<16xf32>
          %mul3A_436 = arith.mulf %get3A_435, %gather3A_417 : vector<16xf32>
          %swap3A_437 = arith.index_cast %add3A_421 : i32 to index
          %swap3A_438 = arith.constant 16 : index
          %swap3A_439 = tpu.vector_load %arg14[%swap3A_437, %swap3A_438] {strides = array<i32>} : memref<128x64xf32, #tpu.memory_space<vmem>>, vector<1x16xf32>,
          %swap3A_440 = vector.shape_cast %swap3A_439 : vector<1x16xf32> to vector<16xf32>
          %swap3A_441 = vector.shape_cast %mul3A_436 : vector<16xf32> to vector<1x16xf32>
          tpu.vector_store %arg14[%swap3A_437, %swap3A_438], %swap3A_441 {strides = array<i32>} : memref<128x64xf32, #tpu.memory_space<vmem>>, vector<1x16xf32>,
          %get3A_442 = arith.index_cast %add3A_421 : i32 to index
          %get3A_443 = arith.constant 32 : index
          %get3A_444 = tpu.vector_load %arg12[%get3A_442, %get3A_443] {strides = array<i32>} : memref<128x64xf32, #tpu.memory_space<vmem>>, vector<1x16xf32>,
          %get3A_445 = vector.shape_cast %get3A_444 : vector<1x16xf32> to vector<16xf32>
          %mul3A_446 = arith.mulf %get3A_445, %gather3A_417 : vector<16xf32>
          %swap3A_447 = arith.index_cast %add3A_421 : i32 to index
          %swap3A_448 = arith.constant 32 : index
          %swap3A_449 = tpu.vector_load %arg14[%swap3A_447, %swap3A_448] {strides = array<i32>} : memref<128x64xf32, #tpu.memory_space<vmem>>, vector<1x16xf32>,
          %swap3A_450 = vector.shape_cast %swap3A_449 : vector<1x16xf32> to vector<16xf32>
          %swap3A_451 = vector.shape_cast %mul3A_446 : vector<16xf32> to vector<1x16xf32>
          tpu.vector_store %arg14[%swap3A_447, %swap3A_448], %swap3A_451 {strides = array<i32>} : memref<128x64xf32, #tpu.memory_space<vmem>>, vector<1x16xf32>,
          %get3A_452 = arith.index_cast %add3A_421 : i32 to index
          %get3A_453 = arith.constant 48 : index
          %get3A_454 = tpu.vector_load %arg12[%get3A_452, %get3A_453] {strides = array<i32>} : memref<128x64xf32, #tpu.memory_space<vmem>>, vector<1x16xf32>,
          %get3A_455 = vector.shape_cast %get3A_454 : vector<1x16xf32> to vector<16xf32>
          %mul3A_456 = arith.mulf %get3A_455, %gather3A_417 : vector<16xf32>
          %swap3A_457 = arith.index_cast %add3A_421 : i32 to index
          %swap3A_458 = arith.constant 48 : index
          %swap3A_459 = tpu.vector_load %arg14[%swap3A_457, %swap3A_458] {strides = array<i32>} : memref<128x64xf32, #tpu.memory_space<vmem>>, vector<1x16xf32>,
          %swap3A_460 = vector.shape_cast %swap3A_459 : vector<1x16xf32> to vector<16xf32>
          %swap3A_461 = vector.shape_cast %mul3A_456 : vector<16xf32> to vector<1x16xf32>
          tpu.vector_store %arg14[%swap3A_457, %swap3A_458], %swap3A_461 {strides = array<i32>} : memref<128x64xf32, #tpu.memory_space<vmem>>, vector<1x16xf32>,
          %broadcast_in_dim3A_462 = arith.constant 6 : i32
          %broadcast_in_dim3A_463 = vector.broadcast %broadcast_in_dim3A_462 : i32 to vector<16x1xi32>
          %gather3A_464 = vector.shape_cast %broadcast_in_dim3A_463 : vector<16x1xi32> to vector<16xi32>
          %gather3A_465 = tpu.dynamic_gather %get3A_175[%gather3A_464] in [0] : vector<16xf32>, vector<16xi32> -> vector<16xf32>
          %mul3A_466 = arith.constant 16 : i32
          %mul3A_467 = arith.muli %scan3A_168, %mul3A_466 : i32
          %add3A_468 = arith.constant 6 : i32
          %add3A_469 = arith.addi %mul3A_467, %add3A_468 : i32
          %get3A_470 = arith.index_cast %add3A_469 : i32 to index
          %get3A_471 = arith.constant 0 : index
          %get3A_472 = tpu.vector_load %arg12[%get3A_470, %get3A_471] {strides = array<i32>} : memref<128x64xf32, #tpu.memory_space<vmem>>, vector<1x16xf32>,
          %get3A_473 = vector.shape_cast %get3A_472 : vector<1x16xf32> to vector<16xf32>
          %mul3A_474 = arith.mulf %get3A_473, %gather3A_465 : vector<16xf32>
          %swap3A_475 = arith.index_cast %add3A_469 : i32 to index
          %swap3A_476 = arith.constant 0 : index
          %swap3A_477 = tpu.vector_load %arg14[%swap3A_475, %swap3A_476] {strides = array<i32>} : memref<128x64xf32, #tpu.memory_space<vmem>>, vector<1x16xf32>,
          %swap3A_478 = vector.shape_cast %swap3A_477 : vector<1x16xf32> to vector<16xf32>
          %swap3A_479 = vector.shape_cast %mul3A_474 : vector<16xf32> to vector<1x16xf32>
          tpu.vector_store %arg14[%swap3A_475, %swap3A_476], %swap3A_479 {strides = array<i32>} : memref<128x64xf32, #tpu.memory_space<vmem>>, vector<1x16xf32>,
          %get3A_480 = arith.index_cast %add3A_469 : i32 to index
          %get3A_481 = arith.constant 16 : index
          %get3A_482 = tpu.vector_load %arg12[%get3A_480, %get3A_481] {strides = array<i32>} : memref<128x64xf32, #tpu.memory_space<vmem>>, vector<1x16xf32>,
          %get3A_483 = vector.shape_cast %get3A_482 : vector<1x16xf32> to vector<16xf32>
          %mul3A_484 = arith.mulf %get3A_483, %gather3A_465 : vector<16xf32>
          %swap3A_485 = arith.index_cast %add3A_469 : i32 to index
          %swap3A_486 = arith.constant 16 : index
          %swap3A_487 = tpu.vector_load %arg14[%swap3A_485, %swap3A_486] {strides = array<i32>} : memref<128x64xf32, #tpu.memory_space<vmem>>, vector<1x16xf32>,
          %swap3A_488 = vector.shape_cast %swap3A_487 : vector<1x16xf32> to vector<16xf32>
          %swap3A_489 = vector.shape_cast %mul3A_484 : vector<16xf32> to vector<1x16xf32>
          tpu.vector_store %arg14[%swap3A_485, %swap3A_486], %swap3A_489 {strides = array<i32>} : memref<128x64xf32, #tpu.memory_space<vmem>>, vector<1x16xf32>,
          %get3A_490 = arith.index_cast %add3A_469 : i32 to index
          %get3A_491 = arith.constant 32 : index
          %get3A_492 = tpu.vector_load %arg12[%get3A_490, %get3A_491] {strides = array<i32>} : memref<128x64xf32, #tpu.memory_space<vmem>>, vector<1x16xf32>,
          %get3A_493 = vector.shape_cast %get3A_492 : vector<1x16xf32> to vector<16xf32>
          %mul3A_494 = arith.mulf %get3A_493, %gather3A_465 : vector<16xf32>
          %swap3A_495 = arith.index_cast %add3A_469 : i32 to index
          %swap3A_496 = arith.constant 32 : index
          %swap3A_497 = tpu.vector_load %arg14[%swap3A_495, %swap3A_496] {strides = array<i32>} : memref<128x64xf32, #tpu.memory_space<vmem>>, vector<1x16xf32>,
          %swap3A_498 = vector.shape_cast %swap3A_497 : vector<1x16xf32> to vector<16xf32>
          %swap3A_499 = vector.shape_cast %mul3A_494 : vector<16xf32> to vector<1x16xf32>
          tpu.vector_store %arg14[%swap3A_495, %swap3A_496], %swap3A_499 {strides = array<i32>} : memref<128x64xf32, #tpu.memory_space<vmem>>, vector<1x16xf32>,
          %get3A_500 = arith.index_cast %add3A_469 : i32 to index
          %get3A_501 = arith.constant 48 : index
          %get3A_502 = tpu.vector_load %arg12[%get3A_500, %get3A_501] {strides = array<i32>} : memref<128x64xf32, #tpu.memory_space<vmem>>, vector<1x16xf32>,
          %get3A_503 = vector.shape_cast %get3A_502 : vector<1x16xf32> to vector<16xf32>
          %mul3A_504 = arith.mulf %get3A_503, %gather3A_465 : vector<16xf32>
          %swap3A_505 = arith.index_cast %add3A_469 : i32 to index
          %swap3A_506 = arith.constant 48 : index
          %swap3A_507 = tpu.vector_load %arg14[%swap3A_505, %swap3A_506] {strides = array<i32>} : memref<128x64xf32, #tpu.memory_space<vmem>>, vector<1x16xf32>,
          %swap3A_508 = vector.shape_cast %swap3A_507 : vector<1x16xf32> to vector<16xf32>
          %swap3A_509 = vector.shape_cast %mul3A_504 : vector<16xf32> to vector<1x16xf32>
          tpu.vector_store %arg14[%swap3A_505, %swap3A_506], %swap3A_509 {strides = array<i32>} : memref<128x64xf32, #tpu.memory_space<vmem>>, vector<1x16xf32>,
          %broadcast_in_dim3A_510 = arith.constant 7 : i32
          %broadcast_in_dim3A_511 = vector.broadcast %broadcast_in_dim3A_510 : i32 to vector<16x1xi32>
          %gather3A_512 = vector.shape_cast %broadcast_in_dim3A_511 : vector<16x1xi32> to vector<16xi32>
          %gather3A_513 = tpu.dynamic_gather %get3A_175[%gather3A_512] in [0] : vector<16xf32>, vector<16xi32> -> vector<16xf32>
          %mul3A_514 = arith.constant 16 : i32
          %mul3A_515 = arith.muli %scan3A_168, %mul3A_514 : i32
          %add3A_516 = arith.constant 7 : i32
          %add3A_517 = arith.addi %mul3A_515, %add3A_516 : i32
          %get3A_518 = arith.index_cast %add3A_517 : i32 to index
          %get3A_519 = arith.constant 0 : index
          %get3A_520 = tpu.vector_load %arg12[%get3A_518, %get3A_519] {strides = array<i32>} : memref<128x64xf32, #tpu.memory_space<vmem>>, vector<1x16xf32>,
          %get3A_521 = vector.shape_cast %get3A_520 : vector<1x16xf32> to vector<16xf32>
          %mul3A_522 = arith.mulf %get3A_521, %gather3A_513 : vector<16xf32>
          %swap3A_523 = arith.index_cast %add3A_517 : i32 to index
          %swap3A_524 = arith.constant 0 : index
          %swap3A_525 = tpu.vector_load %arg14[%swap3A_523, %swap3A_524] {strides = array<i32>} : memref<128x64xf32, #tpu.memory_space<vmem>>, vector<1x16xf32>,
          %swap3A_526 = vector.shape_cast %swap3A_525 : vector<1x16xf32> to vector<16xf32>
          %swap3A_527 = vector.shape_cast %mul3A_522 : vector<16xf32> to vector<1x16xf32>
          tpu.vector_store %arg14[%swap3A_523, %swap3A_524], %swap3A_527 {strides = array<i32>} : memref<128x64xf32, #tpu.memory_space<vmem>>, vector<1x16xf32>,
          %get3A_528 = arith.index_cast %add3A_517 : i32 to index
          %get3A_529 = arith.constant 16 : index
          %get3A_530 = tpu.vector_load %arg12[%get3A_528, %get3A_529] {strides = array<i32>} : memref<128x64xf32, #tpu.memory_space<vmem>>, vector<1x16xf32>,
          %get3A_531 = vector.shape_cast %get3A_530 : vector<1x16xf32> to vector<16xf32>
          %mul3A_532 = arith.mulf %get3A_531, %gather3A_513 : vector<16xf32>
          %swap3A_533 = arith.index_cast %add3A_517 : i32 to index
          %swap3A_534 = arith.constant 16 : index
          %swap3A_535 = tpu.vector_load %arg14[%swap3A_533, %swap3A_534] {strides = array<i32>} : memref<128x64xf32, #tpu.memory_space<vmem>>, vector<1x16xf32>,
          %swap3A_536 = vector.shape_cast %swap3A_535 : vector<1x16xf32> to vector<16xf32>
          %swap3A_537 = vector.shape_cast %mul3A_532 : vector<16xf32> to vector<1x16xf32>
          tpu.vector_store %arg14[%swap3A_533, %swap3A_534], %swap3A_537 {strides = array<i32>} : memref<128x64xf32, #tpu.memory_space<vmem>>, vector<1x16xf32>,
          %get3A_538 = arith.index_cast %add3A_517 : i32 to index
          %get3A_539 = arith.constant 32 : index
          %get3A_540 = tpu.vector_load %arg12[%get3A_538, %get3A_539] {strides = array<i32>} : memref<128x64xf32, #tpu.memory_space<vmem>>, vector<1x16xf32>,
          %get3A_541 = vector.shape_cast %get3A_540 : vector<1x16xf32> to vector<16xf32>
          %mul3A_542 = arith.mulf %get3A_541, %gather3A_513 : vector<16xf32>
          %swap3A_543 = arith.index_cast %add3A_517 : i32 to index
          %swap3A_544 = arith.constant 32 : index
          %swap3A_545 = tpu.vector_load %arg14[%swap3A_543, %swap3A_544] {strides = array<i32>} : memref<128x64xf32, #tpu.memory_space<vmem>>, vector<1x16xf32>,
          %swap3A_546 = vector.shape_cast %swap3A_545 : vector<1x16xf32> to vector<16xf32>
          %swap3A_547 = vector.shape_cast %mul3A_542 : vector<16xf32> to vector<1x16xf32>
          tpu.vector_store %arg14[%swap3A_543, %swap3A_544], %swap3A_547 {strides = array<i32>} : memref<128x64xf32, #tpu.memory_space<vmem>>, vector<1x16xf32>,
          %get3A_548 = arith.index_cast %add3A_517 : i32 to index
          %get3A_549 = arith.constant 48 : index
          %get3A_550 = tpu.vector_load %arg12[%get3A_548, %get3A_549] {strides = array<i32>} : memref<128x64xf32, #tpu.memory_space<vmem>>, vector<1x16xf32>,
          %get3A_551 = vector.shape_cast %get3A_550 : vector<1x16xf32> to vector<16xf32>
          %mul3A_552 = arith.mulf %get3A_551, %gather3A_513 : vector<16xf32>
          %swap3A_553 = arith.index_cast %add3A_517 : i32 to index
          %swap3A_554 = arith.constant 48 : index
          %swap3A_555 = tpu.vector_load %arg14[%swap3A_553, %swap3A_554] {strides = array<i32>} : memref<128x64xf32, #tpu.memory_space<vmem>>, vector<1x16xf32>,
          %swap3A_556 = vector.shape_cast %swap3A_555 : vector<1x16xf32> to vector<16xf32>
          %swap3A_557 = vector.shape_cast %mul3A_552 : vector<16xf32> to vector<1x16xf32>
          tpu.vector_store %arg14[%swap3A_553, %swap3A_554], %swap3A_557 {strides = array<i32>} : memref<128x64xf32, #tpu.memory_space<vmem>>, vector<1x16xf32>,
          %broadcast_in_dim3A_558 = arith.constant 8 : i32
          %broadcast_in_dim3A_559 = vector.broadcast %broadcast_in_dim3A_558 : i32 to vector<16x1xi32>
          %gather3A_560 = vector.shape_cast %broadcast_in_dim3A_559 : vector<16x1xi32> to vector<16xi32>
          %gather3A_561 = tpu.dynamic_gather %get3A_175[%gather3A_560] in [0] : vector<16xf32>, vector<16xi32> -> vector<16xf32>
          %mul3A_562 = arith.constant 16 : i32
          %mul3A_563 = arith.muli %scan3A_168, %mul3A_562 : i32
          %add3A_564 = arith.constant 8 : i32
          %add3A_565 = arith.addi %mul3A_563, %add3A_564 : i32
          %get3A_566 = arith.index_cast %add3A_565 : i32 to index
          %get3A_567 = arith.constant 0 : index
          %get3A_568 = tpu.vector_load %arg12[%get3A_566, %get3A_567] {strides = array<i32>} : memref<128x64xf32, #tpu.memory_space<vmem>>, vector<1x16xf32>,
          %get3A_569 = vector.shape_cast %get3A_568 : vector<1x16xf32> to vector<16xf32>
          %mul3A_570 = arith.mulf %get3A_569, %gather3A_561 : vector<16xf32>
          %swap3A_571 = arith.index_cast %add3A_565 : i32 to index
          %swap3A_572 = arith.constant 0 : index
          %swap3A_573 = tpu.vector_load %arg14[%swap3A_571, %swap3A_572] {strides = array<i32>} : memref<128x64xf32, #tpu.memory_space<vmem>>, vector<1x16xf32>,
          %swap3A_574 = vector.shape_cast %swap3A_573 : vector<1x16xf32> to vector<16xf32>
          %swap3A_575 = vector.shape_cast %mul3A_570 : vector<16xf32> to vector<1x16xf32>
          tpu.vector_store %arg14[%swap3A_571, %swap3A_572], %swap3A_575 {strides = array<i32>} : memref<128x64xf32, #tpu.memory_space<vmem>>, vector<1x16xf32>,
          %get3A_576 = arith.index_cast %add3A_565 : i32 to index
          %get3A_577 = arith.constant 16 : index
          %get3A_578 = tpu.vector_load %arg12[%get3A_576, %get3A_577] {strides = array<i32>} : memref<128x64xf32, #tpu.memory_space<vmem>>, vector<1x16xf32>,
          %get3A_579 = vector.shape_cast %get3A_578 : vector<1x16xf32> to vector<16xf32>
          %mul3A_580 = arith.mulf %get3A_579, %gather3A_561 : vector<16xf32>
          %swap3A_581 = arith.index_cast %add3A_565 : i32 to index
          %swap3A_582 = arith.constant 16 : index
          %swap3A_583 = tpu.vector_load %arg14[%swap3A_581, %swap3A_582] {strides = array<i32>} : memref<128x64xf32, #tpu.memory_space<vmem>>, vector<1x16xf32>,
          %swap3A_584 = vector.shape_cast %swap3A_583 : vector<1x16xf32> to vector<16xf32>
          %swap3A_585 = vector.shape_cast %mul3A_580 : vector<16xf32> to vector<1x16xf32>
          tpu.vector_store %arg14[%swap3A_581, %swap3A_582], %swap3A_585 {strides = array<i32>} : memref<128x64xf32, #tpu.memory_space<vmem>>, vector<1x16xf32>,
          %get3A_586 = arith.index_cast %add3A_565 : i32 to index
          %get3A_587 = arith.constant 32 : index
          %get3A_588 = tpu.vector_load %arg12[%get3A_586, %get3A_587] {strides = array<i32>} : memref<128x64xf32, #tpu.memory_space<vmem>>, vector<1x16xf32>,
          %get3A_589 = vector.shape_cast %get3A_588 : vector<1x16xf32> to vector<16xf32>
          %mul3A_590 = arith.mulf %get3A_589, %gather3A_561 : vector<16xf32>
          %swap3A_591 = arith.index_cast %add3A_565 : i32 to index
          %swap3A_592 = arith.constant 32 : index
          %swap3A_593 = tpu.vector_load %arg14[%swap3A_591, %swap3A_592] {strides = array<i32>} : memref<128x64xf32, #tpu.memory_space<vmem>>, vector<1x16xf32>,
          %swap3A_594 = vector.shape_cast %swap3A_593 : vector<1x16xf32> to vector<16xf32>
          %swap3A_595 = vector.shape_cast %mul3A_590 : vector<16xf32> to vector<1x16xf32>
          tpu.vector_store %arg14[%swap3A_591, %swap3A_592], %swap3A_595 {strides = array<i32>} : memref<128x64xf32, #tpu.memory_space<vmem>>, vector<1x16xf32>,
          %get3A_596 = arith.index_cast %add3A_565 : i32 to index
          %get3A_597 = arith.constant 48 : index
          %get3A_598 = tpu.vector_load %arg12[%get3A_596, %get3A_597] {strides = array<i32>} : memref<128x64xf32, #tpu.memory_space<vmem>>, vector<1x16xf32>,
          %get3A_599 = vector.shape_cast %get3A_598 : vector<1x16xf32> to vector<16xf32>
          %mul3A_600 = arith.mulf %get3A_599, %gather3A_561 : vector<16xf32>
          %swap3A_601 = arith.index_cast %add3A_565 : i32 to index
          %swap3A_602 = arith.constant 48 : index
          %swap3A_603 = tpu.vector_load %arg14[%swap3A_601, %swap3A_602] {strides = array<i32>} : memref<128x64xf32, #tpu.memory_space<vmem>>, vector<1x16xf32>,
          %swap3A_604 = vector.shape_cast %swap3A_603 : vector<1x16xf32> to vector<16xf32>
          %swap3A_605 = vector.shape_cast %mul3A_600 : vector<16xf32> to vector<1x16xf32>
          tpu.vector_store %arg14[%swap3A_601, %swap3A_602], %swap3A_605 {strides = array<i32>} : memref<128x64xf32, #tpu.memory_space<vmem>>, vector<1x16xf32>,
          %broadcast_in_dim3A_606 = arith.constant 9 : i32
          %broadcast_in_dim3A_607 = vector.broadcast %broadcast_in_dim3A_606 : i32 to vector<16x1xi32>
          %gather3A_608 = vector.shape_cast %broadcast_in_dim3A_607 : vector<16x1xi32> to vector<16xi32>
          %gather3A_609 = tpu.dynamic_gather %get3A_175[%gather3A_608] in [0] : vector<16xf32>, vector<16xi32> -> vector<16xf32>
          %mul3A_610 = arith.constant 16 : i32
          %mul3A_611 = arith.muli %scan3A_168, %mul3A_610 : i32
          %add3A_612 = arith.constant 9 : i32
          %add3A_613 = arith.addi %mul3A_611, %add3A_612 : i32
          %get3A_614 = arith.index_cast %add3A_613 : i32 to index
          %get3A_615 = arith.constant 0 : index
          %get3A_616 = tpu.vector_load %arg12[%get3A_614, %get3A_615] {strides = array<i32>} : memref<128x64xf32, #tpu.memory_space<vmem>>, vector<1x16xf32>,
          %get3A_617 = vector.shape_cast %get3A_616 : vector<1x16xf32> to vector<16xf32>
          %mul3A_618 = arith.mulf %get3A_617, %gather3A_609 : vector<16xf32>
          %swap3A_619 = arith.index_cast %add3A_613 : i32 to index
          %swap3A_620 = arith.constant 0 : index
          %swap3A_621 = tpu.vector_load %arg14[%swap3A_619, %swap3A_620] {strides = array<i32>} : memref<128x64xf32, #tpu.memory_space<vmem>>, vector<1x16xf32>,
          %swap3A_622 = vector.shape_cast %swap3A_621 : vector<1x16xf32> to vector<16xf32>
          %swap3A_623 = vector.shape_cast %mul3A_618 : vector<16xf32> to vector<1x16xf32>
          tpu.vector_store %arg14[%swap3A_619, %swap3A_620], %swap3A_623 {strides = array<i32>} : memref<128x64xf32, #tpu.memory_space<vmem>>, vector<1x16xf32>,
          %get3A_624 = arith.index_cast %add3A_613 : i32 to index
          %get3A_625 = arith.constant 16 : index
          %get3A_626 = tpu.vector_load %arg12[%get3A_624, %get3A_625] {strides = array<i32>} : memref<128x64xf32, #tpu.memory_space<vmem>>, vector<1x16xf32>,
          %get3A_627 = vector.shape_cast %get3A_626 : vector<1x16xf32> to vector<16xf32>
          %mul3A_628 = arith.mulf %get3A_627, %gather3A_609 : vector<16xf32>
          %swap3A_629 = arith.index_cast %add3A_613 : i32 to index
          %swap3A_630 = arith.constant 16 : index
          %swap3A_631 = tpu.vector_load %arg14[%swap3A_629, %swap3A_630] {strides = array<i32>} : memref<128x64xf32, #tpu.memory_space<vmem>>, vector<1x16xf32>,
          %swap3A_632 = vector.shape_cast %swap3A_631 : vector<1x16xf32> to vector<16xf32>
          %swap3A_633 = vector.shape_cast %mul3A_628 : vector<16xf32> to vector<1x16xf32>
          tpu.vector_store %arg14[%swap3A_629, %swap3A_630], %swap3A_633 {strides = array<i32>} : memref<128x64xf32, #tpu.memory_space<vmem>>, vector<1x16xf32>,
          %get3A_634 = arith.index_cast %add3A_613 : i32 to index
          %get3A_635 = arith.constant 32 : index
          %get3A_636 = tpu.vector_load %arg12[%get3A_634, %get3A_635] {strides = array<i32>} : memref<128x64xf32, #tpu.memory_space<vmem>>, vector<1x16xf32>,
          %get3A_637 = vector.shape_cast %get3A_636 : vector<1x16xf32> to vector<16xf32>
          %mul3A_638 = arith.mulf %get3A_637, %gather3A_609 : vector<16xf32>
          %swap3A_639 = arith.index_cast %add3A_613 : i32 to index
          %swap3A_640 = arith.constant 32 : index
          %swap3A_641 = tpu.vector_load %arg14[%swap3A_639, %swap3A_640] {strides = array<i32>} : memref<128x64xf32, #tpu.memory_space<vmem>>, vector<1x16xf32>,
          %swap3A_642 = vector.shape_cast %swap3A_641 : vector<1x16xf32> to vector<16xf32>
          %swap3A_643 = vector.shape_cast %mul3A_638 : vector<16xf32> to vector<1x16xf32>
          tpu.vector_store %arg14[%swap3A_639, %swap3A_640], %swap3A_643 {strides = array<i32>} : memref<128x64xf32, #tpu.memory_space<vmem>>, vector<1x16xf32>,
          %get3A_644 = arith.index_cast %add3A_613 : i32 to index
          %get3A_645 = arith.constant 48 : index
          %get3A_646 = tpu.vector_load %arg12[%get3A_644, %get3A_645] {strides = array<i32>} : memref<128x64xf32, #tpu.memory_space<vmem>>, vector<1x16xf32>,
          %get3A_647 = vector.shape_cast %get3A_646 : vector<1x16xf32> to vector<16xf32>
          %mul3A_648 = arith.mulf %get3A_647, %gather3A_609 : vector<16xf32>
          %swap3A_649 = arith.index_cast %add3A_613 : i32 to index
          %swap3A_650 = arith.constant 48 : index
          %swap3A_651 = tpu.vector_load %arg14[%swap3A_649, %swap3A_650] {strides = array<i32>} : memref<128x64xf32, #tpu.memory_space<vmem>>, vector<1x16xf32>,
          %swap3A_652 = vector.shape_cast %swap3A_651 : vector<1x16xf32> to vector<16xf32>
          %swap3A_653 = vector.shape_cast %mul3A_648 : vector<16xf32> to vector<1x16xf32>
          tpu.vector_store %arg14[%swap3A_649, %swap3A_650], %swap3A_653 {strides = array<i32>} : memref<128x64xf32, #tpu.memory_space<vmem>>, vector<1x16xf32>,
          %broadcast_in_dim3A_654 = arith.constant 10 : i32
          %broadcast_in_dim3A_655 = vector.broadcast %broadcast_in_dim3A_654 : i32 to vector<16x1xi32>
          %gather3A_656 = vector.shape_cast %broadcast_in_dim3A_655 : vector<16x1xi32> to vector<16xi32>
          %gather3A_657 = tpu.dynamic_gather %get3A_175[%gather3A_656] in [0] : vector<16xf32>, vector<16xi32> -> vector<16xf32>
          %mul3A_658 = arith.constant 16 : i32
          %mul3A_659 = arith.muli %scan3A_168, %mul3A_658 : i32
          %add3A_660 = arith.constant 10 : i32
          %add3A_661 = arith.addi %mul3A_659, %add3A_660 : i32
          %get3A_662 = arith.index_cast %add3A_661 : i32 to index
          %get3A_663 = arith.constant 0 : index
          %get3A_664 = tpu.vector_load %arg12[%get3A_662, %get3A_663] {strides = array<i32>} : memref<128x64xf32, #tpu.memory_space<vmem>>, vector<1x16xf32>,
          %get3A_665 = vector.shape_cast %get3A_664 : vector<1x16xf32> to vector<16xf32>
          %mul3A_666 = arith.mulf %get3A_665, %gather3A_657 : vector<16xf32>
          %swap3A_667 = arith.index_cast %add3A_661 : i32 to index
          %swap3A_668 = arith.constant 0 : index
          %swap3A_669 = tpu.vector_load %arg14[%swap3A_667, %swap3A_668] {strides = array<i32>} : memref<128x64xf32, #tpu.memory_space<vmem>>, vector<1x16xf32>,
          %swap3A_670 = vector.shape_cast %swap3A_669 : vector<1x16xf32> to vector<16xf32>
          %swap3A_671 = vector.shape_cast %mul3A_666 : vector<16xf32> to vector<1x16xf32>
          tpu.vector_store %arg14[%swap3A_667, %swap3A_668], %swap3A_671 {strides = array<i32>} : memref<128x64xf32, #tpu.memory_space<vmem>>, vector<1x16xf32>,
          %get3A_672 = arith.index_cast %add3A_661 : i32 to index
          %get3A_673 = arith.constant 16 : index
          %get3A_674 = tpu.vector_load %arg12[%get3A_672, %get3A_673] {strides = array<i32>} : memref<128x64xf32, #tpu.memory_space<vmem>>, vector<1x16xf32>,
          %get3A_675 = vector.shape_cast %get3A_674 : vector<1x16xf32> to vector<16xf32>
          %mul3A_676 = arith.mulf %get3A_675, %gather3A_657 : vector<16xf32>
          %swap3A_677 = arith.index_cast %add3A_661 : i32 to index
          %swap3A_678 = arith.constant 16 : index
          %swap3A_679 = tpu.vector_load %arg14[%swap3A_677, %swap3A_678] {strides = array<i32>} : memref<128x64xf32, #tpu.memory_space<vmem>>, vector<1x16xf32>,
          %swap3A_680 = vector.shape_cast %swap3A_679 : vector<1x16xf32> to vector<16xf32>
          %swap3A_681 = vector.shape_cast %mul3A_676 : vector<16xf32> to vector<1x16xf32>
          tpu.vector_store %arg14[%swap3A_677, %swap3A_678], %swap3A_681 {strides = array<i32>} : memref<128x64xf32, #tpu.memory_space<vmem>>, vector<1x16xf32>,
          %get3A_682 = arith.index_cast %add3A_661 : i32 to index
          %get3A_683 = arith.constant 32 : index
          %get3A_684 = tpu.vector_load %arg12[%get3A_682, %get3A_683] {strides = array<i32>} : memref<128x64xf32, #tpu.memory_space<vmem>>, vector<1x16xf32>,
          %get3A_685 = vector.shape_cast %get3A_684 : vector<1x16xf32> to vector<16xf32>
          %mul3A_686 = arith.mulf %get3A_685, %gather3A_657 : vector<16xf32>
          %swap3A_687 = arith.index_cast %add3A_661 : i32 to index
          %swap3A_688 = arith.constant 32 : index
          %swap3A_689 = tpu.vector_load %arg14[%swap3A_687, %swap3A_688] {strides = array<i32>} : memref<128x64xf32, #tpu.memory_space<vmem>>, vector<1x16xf32>,
          %swap3A_690 = vector.shape_cast %swap3A_689 : vector<1x16xf32> to vector<16xf32>
          %swap3A_691 = vector.shape_cast %mul3A_686 : vector<16xf32> to vector<1x16xf32>
          tpu.vector_store %arg14[%swap3A_687, %swap3A_688], %swap3A_691 {strides = array<i32>} : memref<128x64xf32, #tpu.memory_space<vmem>>, vector<1x16xf32>,
          %get3A_692 = arith.index_cast %add3A_661 : i32 to index
          %get3A_693 = arith.constant 48 : index
          %get3A_694 = tpu.vector_load %arg12[%get3A_692, %get3A_693] {strides = array<i32>} : memref<128x64xf32, #tpu.memory_space<vmem>>, vector<1x16xf32>,
          %get3A_695 = vector.shape_cast %get3A_694 : vector<1x16xf32> to vector<16xf32>
          %mul3A_696 = arith.mulf %get3A_695, %gather3A_657 : vector<16xf32>
          %swap3A_697 = arith.index_cast %add3A_661 : i32 to index
          %swap3A_698 = arith.constant 48 : index
          %swap3A_699 = tpu.vector_load %arg14[%swap3A_697, %swap3A_698] {strides = array<i32>} : memref<128x64xf32, #tpu.memory_space<vmem>>, vector<1x16xf32>,
          %swap3A_700 = vector.shape_cast %swap3A_699 : vector<1x16xf32> to vector<16xf32>
          %swap3A_701 = vector.shape_cast %mul3A_696 : vector<16xf32> to vector<1x16xf32>
          tpu.vector_store %arg14[%swap3A_697, %swap3A_698], %swap3A_701 {strides = array<i32>} : memref<128x64xf32, #tpu.memory_space<vmem>>, vector<1x16xf32>,
          %broadcast_in_dim3A_702 = arith.constant 11 : i32
          %broadcast_in_dim3A_703 = vector.broadcast %broadcast_in_dim3A_702 : i32 to vector<16x1xi32>
          %gather3A_704 = vector.shape_cast %broadcast_in_dim3A_703 : vector<16x1xi32> to vector<16xi32>
          %gather3A_705 = tpu.dynamic_gather %get3A_175[%gather3A_704] in [0] : vector<16xf32>, vector<16xi32> -> vector<16xf32>
          %mul3A_706 = arith.constant 16 : i32
          %mul3A_707 = arith.muli %scan3A_168, %mul3A_706 : i32
          %add3A_708 = arith.constant 11 : i32
          %add3A_709 = arith.addi %mul3A_707, %add3A_708 : i32
          %get3A_710 = arith.index_cast %add3A_709 : i32 to index
          %get3A_711 = arith.constant 0 : index
          %get3A_712 = tpu.vector_load %arg12[%get3A_710, %get3A_711] {strides = array<i32>} : memref<128x64xf32, #tpu.memory_space<vmem>>, vector<1x16xf32>,
          %get3A_713 = vector.shape_cast %get3A_712 : vector<1x16xf32> to vector<16xf32>
          %mul3A_714 = arith.mulf %get3A_713, %gather3A_705 : vector<16xf32>
          %swap3A_715 = arith.index_cast %add3A_709 : i32 to index
          %swap3A_716 = arith.constant 0 : index
          %swap3A_717 = tpu.vector_load %arg14[%swap3A_715, %swap3A_716] {strides = array<i32>} : memref<128x64xf32, #tpu.memory_space<vmem>>, vector<1x16xf32>,
          %swap3A_718 = vector.shape_cast %swap3A_717 : vector<1x16xf32> to vector<16xf32>
          %swap3A_719 = vector.shape_cast %mul3A_714 : vector<16xf32> to vector<1x16xf32>
          tpu.vector_store %arg14[%swap3A_715, %swap3A_716], %swap3A_719 {strides = array<i32>} : memref<128x64xf32, #tpu.memory_space<vmem>>, vector<1x16xf32>,
          %get3A_720 = arith.index_cast %add3A_709 : i32 to index
          %get3A_721 = arith.constant 16 : index
          %get3A_722 = tpu.vector_load %arg12[%get3A_720, %get3A_721] {strides = array<i32>} : memref<128x64xf32, #tpu.memory_space<vmem>>, vector<1x16xf32>,
          %get3A_723 = vector.shape_cast %get3A_722 : vector<1x16xf32> to vector<16xf32>
          %mul3A_724 = arith.mulf %get3A_723, %gather3A_705 : vector<16xf32>
          %swap3A_725 = arith.index_cast %add3A_709 : i32 to index
          %swap3A_726 = arith.constant 16 : index
          %swap3A_727 = tpu.vector_load %arg14[%swap3A_725, %swap3A_726] {strides = array<i32>} : memref<128x64xf32, #tpu.memory_space<vmem>>, vector<1x16xf32>,
          %swap3A_728 = vector.shape_cast %swap3A_727 : vector<1x16xf32> to vector<16xf32>
          %swap3A_729 = vector.shape_cast %mul3A_724 : vector<16xf32> to vector<1x16xf32>
          tpu.vector_store %arg14[%swap3A_725, %swap3A_726], %swap3A_729 {strides = array<i32>} : memref<128x64xf32, #tpu.memory_space<vmem>>, vector<1x16xf32>,
          %get3A_730 = arith.index_cast %add3A_709 : i32 to index
          %get3A_731 = arith.constant 32 : index
          %get3A_732 = tpu.vector_load %arg12[%get3A_730, %get3A_731] {strides = array<i32>} : memref<128x64xf32, #tpu.memory_space<vmem>>, vector<1x16xf32>,
          %get3A_733 = vector.shape_cast %get3A_732 : vector<1x16xf32> to vector<16xf32>
          %mul3A_734 = arith.mulf %get3A_733, %gather3A_705 : vector<16xf32>
          %swap3A_735 = arith.index_cast %add3A_709 : i32 to index
          %swap3A_736 = arith.constant 32 : index
          %swap3A_737 = tpu.vector_load %arg14[%swap3A_735, %swap3A_736] {strides = array<i32>} : memref<128x64xf32, #tpu.memory_space<vmem>>, vector<1x16xf32>,
          %swap3A_738 = vector.shape_cast %swap3A_737 : vector<1x16xf32> to vector<16xf32>
          %swap3A_739 = vector.shape_cast %mul3A_734 : vector<16xf32> to vector<1x16xf32>
          tpu.vector_store %arg14[%swap3A_735, %swap3A_736], %swap3A_739 {strides = array<i32>} : memref<128x64xf32, #tpu.memory_space<vmem>>, vector<1x16xf32>,
          %get3A_740 = arith.index_cast %add3A_709 : i32 to index
          %get3A_741 = arith.constant 48 : index
          %get3A_742 = tpu.vector_load %arg12[%get3A_740, %get3A_741] {strides = array<i32>} : memref<128x64xf32, #tpu.memory_space<vmem>>, vector<1x16xf32>,
          %get3A_743 = vector.shape_cast %get3A_742 : vector<1x16xf32> to vector<16xf32>
          %mul3A_744 = arith.mulf %get3A_743, %gather3A_705 : vector<16xf32>
          %swap3A_745 = arith.index_cast %add3A_709 : i32 to index
          %swap3A_746 = arith.constant 48 : index
          %swap3A_747 = tpu.vector_load %arg14[%swap3A_745, %swap3A_746] {strides = array<i32>} : memref<128x64xf32, #tpu.memory_space<vmem>>, vector<1x16xf32>,
          %swap3A_748 = vector.shape_cast %swap3A_747 : vector<1x16xf32> to vector<16xf32>
          %swap3A_749 = vector.shape_cast %mul3A_744 : vector<16xf32> to vector<1x16xf32>
          tpu.vector_store %arg14[%swap3A_745, %swap3A_746], %swap3A_749 {strides = array<i32>} : memref<128x64xf32, #tpu.memory_space<vmem>>, vector<1x16xf32>,
          %broadcast_in_dim3A_750 = arith.constant 12 : i32
          %broadcast_in_dim3A_751 = vector.broadcast %broadcast_in_dim3A_750 : i32 to vector<16x1xi32>
          %gather3A_752 = vector.shape_cast %broadcast_in_dim3A_751 : vector<16x1xi32> to vector<16xi32>
          %gather3A_753 = tpu.dynamic_gather %get3A_175[%gather3A_752] in [0] : vector<16xf32>, vector<16xi32> -> vector<16xf32>
          %mul3A_754 = arith.constant 16 : i32
          %mul3A_755 = arith.muli %scan3A_168, %mul3A_754 : i32
          %add3A_756 = arith.constant 12 : i32
          %add3A_757 = arith.addi %mul3A_755, %add3A_756 : i32
          %get3A_758 = arith.index_cast %add3A_757 : i32 to index
          %get3A_759 = arith.constant 0 : index
          %get3A_760 = tpu.vector_load %arg12[%get3A_758, %get3A_759] {strides = array<i32>} : memref<128x64xf32, #tpu.memory_space<vmem>>, vector<1x16xf32>,
          %get3A_761 = vector.shape_cast %get3A_760 : vector<1x16xf32> to vector<16xf32>
          %mul3A_762 = arith.mulf %get3A_761, %gather3A_753 : vector<16xf32>
          %swap3A_763 = arith.index_cast %add3A_757 : i32 to index
          %swap3A_764 = arith.constant 0 : index
          %swap3A_765 = tpu.vector_load %arg14[%swap3A_763, %swap3A_764] {strides = array<i32>} : memref<128x64xf32, #tpu.memory_space<vmem>>, vector<1x16xf32>,
          %swap3A_766 = vector.shape_cast %swap3A_765 : vector<1x16xf32> to vector<16xf32>
          %swap3A_767 = vector.shape_cast %mul3A_762 : vector<16xf32> to vector<1x16xf32>
          tpu.vector_store %arg14[%swap3A_763, %swap3A_764], %swap3A_767 {strides = array<i32>} : memref<128x64xf32, #tpu.memory_space<vmem>>, vector<1x16xf32>,
          %get3A_768 = arith.index_cast %add3A_757 : i32 to index
          %get3A_769 = arith.constant 16 : index
          %get3A_770 = tpu.vector_load %arg12[%get3A_768, %get3A_769] {strides = array<i32>} : memref<128x64xf32, #tpu.memory_space<vmem>>, vector<1x16xf32>,
          %get3A_771 = vector.shape_cast %get3A_770 : vector<1x16xf32> to vector<16xf32>
          %mul3A_772 = arith.mulf %get3A_771, %gather3A_753 : vector<16xf32>
          %swap3A_773 = arith.index_cast %add3A_757 : i32 to index
          %swap3A_774 = arith.constant 16 : index
          %swap3A_775 = tpu.vector_load %arg14[%swap3A_773, %swap3A_774] {strides = array<i32>} : memref<128x64xf32, #tpu.memory_space<vmem>>, vector<1x16xf32>,
          %swap3A_776 = vector.shape_cast %swap3A_775 : vector<1x16xf32> to vector<16xf32>
          %swap3A_777 = vector.shape_cast %mul3A_772 : vector<16xf32> to vector<1x16xf32>
          tpu.vector_store %arg14[%swap3A_773, %swap3A_774], %swap3A_777 {strides = array<i32>} : memref<128x64xf32, #tpu.memory_space<vmem>>, vector<1x16xf32>,
          %get3A_778 = arith.index_cast %add3A_757 : i32 to index
          %get3A_779 = arith.constant 32 : index
          %get3A_780 = tpu.vector_load %arg12[%get3A_778, %get3A_779] {strides = array<i32>} : memref<128x64xf32, #tpu.memory_space<vmem>>, vector<1x16xf32>,
          %get3A_781 = vector.shape_cast %get3A_780 : vector<1x16xf32> to vector<16xf32>
          %mul3A_782 = arith.mulf %get3A_781, %gather3A_753 : vector<16xf32>
          %swap3A_783 = arith.index_cast %add3A_757 : i32 to index
          %swap3A_784 = arith.constant 32 : index
          %swap3A_785 = tpu.vector_load %arg14[%swap3A_783, %swap3A_784] {strides = array<i32>} : memref<128x64xf32, #tpu.memory_space<vmem>>, vector<1x16xf32>,
          %swap3A_786 = vector.shape_cast %swap3A_785 : vector<1x16xf32> to vector<16xf32>
          %swap3A_787 = vector.shape_cast %mul3A_782 : vector<16xf32> to vector<1x16xf32>
          tpu.vector_store %arg14[%swap3A_783, %swap3A_784], %swap3A_787 {strides = array<i32>} : memref<128x64xf32, #tpu.memory_space<vmem>>, vector<1x16xf32>,
          %get3A_788 = arith.index_cast %add3A_757 : i32 to index
          %get3A_789 = arith.constant 48 : index
          %get3A_790 = tpu.vector_load %arg12[%get3A_788, %get3A_789] {strides = array<i32>} : memref<128x64xf32, #tpu.memory_space<vmem>>, vector<1x16xf32>,
          %get3A_791 = vector.shape_cast %get3A_790 : vector<1x16xf32> to vector<16xf32>
          %mul3A_792 = arith.mulf %get3A_791, %gather3A_753 : vector<16xf32>
          %swap3A_793 = arith.index_cast %add3A_757 : i32 to index
          %swap3A_794 = arith.constant 48 : index
          %swap3A_795 = tpu.vector_load %arg14[%swap3A_793, %swap3A_794] {strides = array<i32>} : memref<128x64xf32, #tpu.memory_space<vmem>>, vector<1x16xf32>,
          %swap3A_796 = vector.shape_cast %swap3A_795 : vector<1x16xf32> to vector<16xf32>
          %swap3A_797 = vector.shape_cast %mul3A_792 : vector<16xf32> to vector<1x16xf32>
          tpu.vector_store %arg14[%swap3A_793, %swap3A_794], %swap3A_797 {strides = array<i32>} : memref<128x64xf32, #tpu.memory_space<vmem>>, vector<1x16xf32>,
          %broadcast_in_dim3A_798 = arith.constant 13 : i32
          %broadcast_in_dim3A_799 = vector.broadcast %broadcast_in_dim3A_798 : i32 to vector<16x1xi32>
          %gather3A_800 = vector.shape_cast %broadcast_in_dim3A_799 : vector<16x1xi32> to vector<16xi32>
          %gather3A_801 = tpu.dynamic_gather %get3A_175[%gather3A_800] in [0] : vector<16xf32>, vector<16xi32> -> vector<16xf32>
          %mul3A_802 = arith.constant 16 : i32
          %mul3A_803 = arith.muli %scan3A_168, %mul3A_802 : i32
          %add3A_804 = arith.constant 13 : i32
          %add3A_805 = arith.addi %mul3A_803, %add3A_804 : i32
          %get3A_806 = arith.index_cast %add3A_805 : i32 to index
          %get3A_807 = arith.constant 0 : index
          %get3A_808 = tpu.vector_load %arg12[%get3A_806, %get3A_807] {strides = array<i32>} : memref<128x64xf32, #tpu.memory_space<vmem>>, vector<1x16xf32>,
          %get3A_809 = vector.shape_cast %get3A_808 : vector<1x16xf32> to vector<16xf32>
          %mul3A_810 = arith.mulf %get3A_809, %gather3A_801 : vector<16xf32>
          %swap3A_811 = arith.index_cast %add3A_805 : i32 to index
          %swap3A_812 = arith.constant 0 : index
          %swap3A_813 = tpu.vector_load %arg14[%swap3A_811, %swap3A_812] {strides = array<i32>} : memref<128x64xf32, #tpu.memory_space<vmem>>, vector<1x16xf32>,
          %swap3A_814 = vector.shape_cast %swap3A_813 : vector<1x16xf32> to vector<16xf32>
          %swap3A_815 = vector.shape_cast %mul3A_810 : vector<16xf32> to vector<1x16xf32>
          tpu.vector_store %arg14[%swap3A_811, %swap3A_812], %swap3A_815 {strides = array<i32>} : memref<128x64xf32, #tpu.memory_space<vmem>>, vector<1x16xf32>,
          %get3A_816 = arith.index_cast %add3A_805 : i32 to index
          %get3A_817 = arith.constant 16 : index
          %get3A_818 = tpu.vector_load %arg12[%get3A_816, %get3A_817] {strides = array<i32>} : memref<128x64xf32, #tpu.memory_space<vmem>>, vector<1x16xf32>,
          %get3A_819 = vector.shape_cast %get3A_818 : vector<1x16xf32> to vector<16xf32>
          %mul3A_820 = arith.mulf %get3A_819, %gather3A_801 : vector<16xf32>
          %swap3A_821 = arith.index_cast %add3A_805 : i32 to index
          %swap3A_822 = arith.constant 16 : index
          %swap3A_823 = tpu.vector_load %arg14[%swap3A_821, %swap3A_822] {strides = array<i32>} : memref<128x64xf32, #tpu.memory_space<vmem>>, vector<1x16xf32>,
          %swap3A_824 = vector.shape_cast %swap3A_823 : vector<1x16xf32> to vector<16xf32>
          %swap3A_825 = vector.shape_cast %mul3A_820 : vector<16xf32> to vector<1x16xf32>
          tpu.vector_store %arg14[%swap3A_821, %swap3A_822], %swap3A_825 {strides = array<i32>} : memref<128x64xf32, #tpu.memory_space<vmem>>, vector<1x16xf32>,
          %get3A_826 = arith.index_cast %add3A_805 : i32 to index
          %get3A_827 = arith.constant 32 : index
          %get3A_828 = tpu.vector_load %arg12[%get3A_826, %get3A_827] {strides = array<i32>} : memref<128x64xf32, #tpu.memory_space<vmem>>, vector<1x16xf32>,
          %get3A_829 = vector.shape_cast %get3A_828 : vector<1x16xf32> to vector<16xf32>
          %mul3A_830 = arith.mulf %get3A_829, %gather3A_801 : vector<16xf32>
          %swap3A_831 = arith.index_cast %add3A_805 : i32 to index
          %swap3A_832 = arith.constant 32 : index
          %swap3A_833 = tpu.vector_load %arg14[%swap3A_831, %swap3A_832] {strides = array<i32>} : memref<128x64xf32, #tpu.memory_space<vmem>>, vector<1x16xf32>,
          %swap3A_834 = vector.shape_cast %swap3A_833 : vector<1x16xf32> to vector<16xf32>
          %swap3A_835 = vector.shape_cast %mul3A_830 : vector<16xf32> to vector<1x16xf32>
          tpu.vector_store %arg14[%swap3A_831, %swap3A_832], %swap3A_835 {strides = array<i32>} : memref<128x64xf32, #tpu.memory_space<vmem>>, vector<1x16xf32>,
          %get3A_836 = arith.index_cast %add3A_805 : i32 to index
          %get3A_837 = arith.constant 48 : index
          %get3A_838 = tpu.vector_load %arg12[%get3A_836, %get3A_837] {strides = array<i32>} : memref<128x64xf32, #tpu.memory_space<vmem>>, vector<1x16xf32>,
          %get3A_839 = vector.shape_cast %get3A_838 : vector<1x16xf32> to vector<16xf32>
          %mul3A_840 = arith.mulf %get3A_839, %gather3A_801 : vector<16xf32>
          %swap3A_841 = arith.index_cast %add3A_805 : i32 to index
          %swap3A_842 = arith.constant 48 : index
          %swap3A_843 = tpu.vector_load %arg14[%swap3A_841, %swap3A_842] {strides = array<i32>} : memref<128x64xf32, #tpu.memory_space<vmem>>, vector<1x16xf32>,
          %swap3A_844 = vector.shape_cast %swap3A_843 : vector<1x16xf32> to vector<16xf32>
          %swap3A_845 = vector.shape_cast %mul3A_840 : vector<16xf32> to vector<1x16xf32>
          tpu.vector_store %arg14[%swap3A_841, %swap3A_842], %swap3A_845 {strides = array<i32>} : memref<128x64xf32, #tpu.memory_space<vmem>>, vector<1x16xf32>,
          %broadcast_in_dim3A_846 = arith.constant 14 : i32
          %broadcast_in_dim3A_847 = vector.broadcast %broadcast_in_dim3A_846 : i32 to vector<16x1xi32>
          %gather3A_848 = vector.shape_cast %broadcast_in_dim3A_847 : vector<16x1xi32> to vector<16xi32>
          %gather3A_849 = tpu.dynamic_gather %get3A_175[%gather3A_848] in [0] : vector<16xf32>, vector<16xi32> -> vector<16xf32>
          %mul3A_850 = arith.constant 16 : i32
          %mul3A_851 = arith.muli %scan3A_168, %mul3A_850 : i32
          %add3A_852 = arith.constant 14 : i32
          %add3A_853 = arith.addi %mul3A_851, %add3A_852 : i32
          %get3A_854 = arith.index_cast %add3A_853 : i32 to index
          %get3A_855 = arith.constant 0 : index
          %get3A_856 = tpu.vector_load %arg12[%get3A_854, %get3A_855] {strides = array<i32>} : memref<128x64xf32, #tpu.memory_space<vmem>>, vector<1x16xf32>,
          %get3A_857 = vector.shape_cast %get3A_856 : vector<1x16xf32> to vector<16xf32>
          %mul3A_858 = arith.mulf %get3A_857, %gather3A_849 : vector<16xf32>
          %swap3A_859 = arith.index_cast %add3A_853 : i32 to index
          %swap3A_860 = arith.constant 0 : index
          %swap3A_861 = tpu.vector_load %arg14[%swap3A_859, %swap3A_860] {strides = array<i32>} : memref<128x64xf32, #tpu.memory_space<vmem>>, vector<1x16xf32>,
          %swap3A_862 = vector.shape_cast %swap3A_861 : vector<1x16xf32> to vector<16xf32>
          %swap3A_863 = vector.shape_cast %mul3A_858 : vector<16xf32> to vector<1x16xf32>
          tpu.vector_store %arg14[%swap3A_859, %swap3A_860], %swap3A_863 {strides = array<i32>} : memref<128x64xf32, #tpu.memory_space<vmem>>, vector<1x16xf32>,
          %get3A_864 = arith.index_cast %add3A_853 : i32 to index
          %get3A_865 = arith.constant 16 : index
          %get3A_866 = tpu.vector_load %arg12[%get3A_864, %get3A_865] {strides = array<i32>} : memref<128x64xf32, #tpu.memory_space<vmem>>, vector<1x16xf32>,
          %get3A_867 = vector.shape_cast %get3A_866 : vector<1x16xf32> to vector<16xf32>
          %mul3A_868 = arith.mulf %get3A_867, %gather3A_849 : vector<16xf32>
          %swap3A_869 = arith.index_cast %add3A_853 : i32 to index
          %swap3A_870 = arith.constant 16 : index
          %swap3A_871 = tpu.vector_load %arg14[%swap3A_869, %swap3A_870] {strides = array<i32>} : memref<128x64xf32, #tpu.memory_space<vmem>>, vector<1x16xf32>,
          %swap3A_872 = vector.shape_cast %swap3A_871 : vector<1x16xf32> to vector<16xf32>
          %swap3A_873 = vector.shape_cast %mul3A_868 : vector<16xf32> to vector<1x16xf32>
          tpu.vector_store %arg14[%swap3A_869, %swap3A_870], %swap3A_873 {strides = array<i32>} : memref<128x64xf32, #tpu.memory_space<vmem>>, vector<1x16xf32>,
          %get3A_874 = arith.index_cast %add3A_853 : i32 to index
          %get3A_875 = arith.constant 32 : index
          %get3A_876 = tpu.vector_load %arg12[%get3A_874, %get3A_875] {strides = array<i32>} : memref<128x64xf32, #tpu.memory_space<vmem>>, vector<1x16xf32>,
          %get3A_877 = vector.shape_cast %get3A_876 : vector<1x16xf32> to vector<16xf32>
          %mul3A_878 = arith.mulf %get3A_877, %gather3A_849 : vector<16xf32>
          %swap3A_879 = arith.index_cast %add3A_853 : i32 to index
          %swap3A_880 = arith.constant 32 : index
          %swap3A_881 = tpu.vector_load %arg14[%swap3A_879, %swap3A_880] {strides = array<i32>} : memref<128x64xf32, #tpu.memory_space<vmem>>, vector<1x16xf32>,
          %swap3A_882 = vector.shape_cast %swap3A_881 : vector<1x16xf32> to vector<16xf32>
          %swap3A_883 = vector.shape_cast %mul3A_878 : vector<16xf32> to vector<1x16xf32>
          tpu.vector_store %arg14[%swap3A_879, %swap3A_880], %swap3A_883 {strides = array<i32>} : memref<128x64xf32, #tpu.memory_space<vmem>>, vector<1x16xf32>,
          %get3A_884 = arith.index_cast %add3A_853 : i32 to index
          %get3A_885 = arith.constant 48 : index
          %get3A_886 = tpu.vector_load %arg12[%get3A_884, %get3A_885] {strides = array<i32>} : memref<128x64xf32, #tpu.memory_space<vmem>>, vector<1x16xf32>,
          %get3A_887 = vector.shape_cast %get3A_886 : vector<1x16xf32> to vector<16xf32>
          %mul3A_888 = arith.mulf %get3A_887, %gather3A_849 : vector<16xf32>
          %swap3A_889 = arith.index_cast %add3A_853 : i32 to index
          %swap3A_890 = arith.constant 48 : index
          %swap3A_891 = tpu.vector_load %arg14[%swap3A_889, %swap3A_890] {strides = array<i32>} : memref<128x64xf32, #tpu.memory_space<vmem>>, vector<1x16xf32>,
          %swap3A_892 = vector.shape_cast %swap3A_891 : vector<1x16xf32> to vector<16xf32>
          %swap3A_893 = vector.shape_cast %mul3A_888 : vector<16xf32> to vector<1x16xf32>
          tpu.vector_store %arg14[%swap3A_889, %swap3A_890], %swap3A_893 {strides = array<i32>} : memref<128x64xf32, #tpu.memory_space<vmem>>, vector<1x16xf32>,
          %broadcast_in_dim3A_894 = arith.constant 15 : i32
          %broadcast_in_dim3A_895 = vector.broadcast %broadcast_in_dim3A_894 : i32 to vector<16x1xi32>
          %gather3A_896 = vector.shape_cast %broadcast_in_dim3A_895 : vector<16x1xi32> to vector<16xi32>
          %gather3A_897 = tpu.dynamic_gather %get3A_175[%gather3A_896] in [0] : vector<16xf32>, vector<16xi32> -> vector<16xf32>
          %mul3A_898 = arith.constant 16 : i32
          %mul3A_899 = arith.muli %scan3A_168, %mul3A_898 : i32
          %add3A_900 = arith.constant 15 : i32
          %add3A_901 = arith.addi %mul3A_899, %add3A_900 : i32
          %get3A_902 = arith.index_cast %add3A_901 : i32 to index
          %get3A_903 = arith.constant 0 : index
          %get3A_904 = tpu.vector_load %arg12[%get3A_902, %get3A_903] {strides = array<i32>} : memref<128x64xf32, #tpu.memory_space<vmem>>, vector<1x16xf32>,
          %get3A_905 = vector.shape_cast %get3A_904 : vector<1x16xf32> to vector<16xf32>
          %mul3A_906 = arith.mulf %get3A_905, %gather3A_897 : vector<16xf32>
          %swap3A_907 = arith.index_cast %add3A_901 : i32 to index
          %swap3A_908 = arith.constant 0 : index
          %swap3A_909 = tpu.vector_load %arg14[%swap3A_907, %swap3A_908] {strides = array<i32>} : memref<128x64xf32, #tpu.memory_space<vmem>>, vector<1x16xf32>,
          %swap3A_910 = vector.shape_cast %swap3A_909 : vector<1x16xf32> to vector<16xf32>
          %swap3A_911 = vector.shape_cast %mul3A_906 : vector<16xf32> to vector<1x16xf32>
          tpu.vector_store %arg14[%swap3A_907, %swap3A_908], %swap3A_911 {strides = array<i32>} : memref<128x64xf32, #tpu.memory_space<vmem>>, vector<1x16xf32>,
          %get3A_912 = arith.index_cast %add3A_901 : i32 to index
          %get3A_913 = arith.constant 16 : index
          %get3A_914 = tpu.vector_load %arg12[%get3A_912, %get3A_913] {strides = array<i32>} : memref<128x64xf32, #tpu.memory_space<vmem>>, vector<1x16xf32>,
          %get3A_915 = vector.shape_cast %get3A_914 : vector<1x16xf32> to vector<16xf32>
          %mul3A_916 = arith.mulf %get3A_915, %gather3A_897 : vector<16xf32>
          %swap3A_917 = arith.index_cast %add3A_901 : i32 to index
          %swap3A_918 = arith.constant 16 : index
          %swap3A_919 = tpu.vector_load %arg14[%swap3A_917, %swap3A_918] {strides = array<i32>} : memref<128x64xf32, #tpu.memory_space<vmem>>, vector<1x16xf32>,
          %swap3A_920 = vector.shape_cast %swap3A_919 : vector<1x16xf32> to vector<16xf32>
          %swap3A_921 = vector.shape_cast %mul3A_916 : vector<16xf32> to vector<1x16xf32>
          tpu.vector_store %arg14[%swap3A_917, %swap3A_918], %swap3A_921 {strides = array<i32>} : memref<128x64xf32, #tpu.memory_space<vmem>>, vector<1x16xf32>,
          %get3A_922 = arith.index_cast %add3A_901 : i32 to index
          %get3A_923 = arith.constant 32 : index
          %get3A_924 = tpu.vector_load %arg12[%get3A_922, %get3A_923] {strides = array<i32>} : memref<128x64xf32, #tpu.memory_space<vmem>>, vector<1x16xf32>,
          %get3A_925 = vector.shape_cast %get3A_924 : vector<1x16xf32> to vector<16xf32>
          %mul3A_926 = arith.mulf %get3A_925, %gather3A_897 : vector<16xf32>
          %swap3A_927 = arith.index_cast %add3A_901 : i32 to index
          %swap3A_928 = arith.constant 32 : index
          %swap3A_929 = tpu.vector_load %arg14[%swap3A_927, %swap3A_928] {strides = array<i32>} : memref<128x64xf32, #tpu.memory_space<vmem>>, vector<1x16xf32>,
          %swap3A_930 = vector.shape_cast %swap3A_929 : vector<1x16xf32> to vector<16xf32>
          %swap3A_931 = vector.shape_cast %mul3A_926 : vector<16xf32> to vector<1x16xf32>
          tpu.vector_store %arg14[%swap3A_927, %swap3A_928], %swap3A_931 {strides = array<i32>} : memref<128x64xf32, #tpu.memory_space<vmem>>, vector<1x16xf32>,
          %get3A_932 = arith.index_cast %add3A_901 : i32 to index
          %get3A_933 = arith.constant 48 : index
          %get3A_934 = tpu.vector_load %arg12[%get3A_932, %get3A_933] {strides = array<i32>} : memref<128x64xf32, #tpu.memory_space<vmem>>, vector<1x16xf32>,
          %get3A_935 = vector.shape_cast %get3A_934 : vector<1x16xf32> to vector<16xf32>
          %mul3A_936 = arith.mulf %get3A_935, %gather3A_897 : vector<16xf32>
          %swap3A_937 = arith.index_cast %add3A_901 : i32 to index
          %swap3A_938 = arith.constant 48 : index
          %swap3A_939 = tpu.vector_load %arg14[%swap3A_937, %swap3A_938] {strides = array<i32>} : memref<128x64xf32, #tpu.memory_space<vmem>>, vector<1x16xf32>,
          %swap3A_940 = vector.shape_cast %swap3A_939 : vector<1x16xf32> to vector<16xf32>
          %swap3A_941 = vector.shape_cast %mul3A_936 : vector<16xf32> to vector<1x16xf32>
          tpu.vector_store %arg14[%swap3A_937, %swap3A_938], %swap3A_941 {strides = array<i32>} : memref<128x64xf32, #tpu.memory_space<vmem>>, vector<1x16xf32>,
        }
        %scan3A_121 = arith.constant 8 : i32
        %dma_start3A_122 = arith.constant 0 : i32
        %dma_start3A_123 = tpu.memref_slice %arg9[%add3A_107, %dma_start3A_122] : memref<16x128xi32, #tpu.memory_space<vmem>> -> memref<1x128xi32, #tpu.memory_space<vmem>>
        %dma_start3A_124 = tpu.memref_squeeze %dma_start3A_123 : memref<1x128xi32, #tpu.memory_space<vmem>> -> memref<128xi32, #tpu.memory_space<vmem>>
        %dma_start3A_125 = arith.constant 0 : i32
        %dma_start3A_126 = arith.constant 0 : i32
        %dma_start3A_127 = tpu.memref_slice %arg7[%dma_start3A_125, %dma_start3A_126] : memref<10240x64xf32, #tpu.memory_space<vmem_shared>> -> memref<10240x64xf32, #tpu.memory_space<vmem_shared>>
        tpu.enqueue_indirect_dma source(%arg14 : memref<128x64xf32, #tpu.memory_space<vmem>>) target(%dma_start3A_127 : memref<10240x64xf32, #tpu.memory_space<vmem_shared>>) offsets(%dma_start3A_124 : memref<128xi32, #tpu.memory_space<vmem>>) semaphore(%arg18 : memref<!tpu.dma_semaphore, #tpu.memory_space<semaphore_mem>>) {add = true}
        %add3A_128 = arith.constant 2 : i32
        %add3A_129 = arith.addi %add3A_107, %add3A_128 : i32
        %lt3A = arith.constant 16 : i32
        %lt3A_130 = arith.cmpi slt, %add3A_129, %lt3A : i32
        %convert_element_type3A_131 = arith.extui %lt3A_130 : i1 to i32
        %cond3A_132 = arith.constant 0 : i32
        %cond3A_133 = arith.cmpi ne, %convert_element_type3A_131, %cond3A_132 : i32
        scf.if %cond3A_133 {
          %add3A_168 = arith.constant 2 : i32
          %add3A_169 = arith.addi %add3A_107, %add3A_168 : i32
          %dma_start3A_170 = arith.constant 0 : i32
          %dma_start3A_171 = tpu.memref_slice %arg10[%add3A_169, %dma_start3A_170] : memref<16x128xi32, #tpu.memory_space<vmem>> -> memref<1x128xi32, #tpu.memory_space<vmem>>
          %dma_start3A_172 = tpu.memref_squeeze %dma_start3A_171 : memref<1x128xi32, #tpu.memory_space<vmem>> -> memref<128xi32, #tpu.memory_space<vmem>>
          %dma_start3A_173 = arith.constant 0 : i32
          %dma_start3A_174 = arith.constant 0 : i32
          %dma_start3A_175 = tpu.memref_slice %arg8[%dma_start3A_173, %dma_start3A_174] : memref<10240x64xf32, #tpu.memory_space<vmem_shared>> -> memref<10240x64xf32, #tpu.memory_space<vmem_shared>>
          tpu.enqueue_indirect_dma source(%dma_start3A_175 : memref<10240x64xf32, #tpu.memory_space<vmem_shared>>) target(%arg12 : memref<128x64xf32, #tpu.memory_space<vmem>>) offsets(%dma_start3A_172 : memref<128xi32, #tpu.memory_space<vmem>>) semaphore(%arg16 : memref<!tpu.dma_semaphore, #tpu.memory_space<semaphore_mem>>)
        } else {
        }
        %mul3A_134 = arith.constant 2 : i32
        %mul3A_135 = arith.muli %scan3A_103, %mul3A_134 : i32
        %add3A_136 = arith.constant 1 : i32
        %add3A_137 = arith.addi %mul3A_135, %add3A_136 : i32
        %dma_wait3A_138 = arith.constant 0 : i32
        %dma_wait3A_139 = tpu.memref_slice %arg10[%add3A_137, %dma_wait3A_138] : memref<16x128xi32, #tpu.memory_space<vmem>> -> memref<1x128xi32, #tpu.memory_space<vmem>>
        %dma_wait3A_140 = tpu.memref_squeeze %dma_wait3A_139 : memref<1x128xi32, #tpu.memory_space<vmem>> -> memref<128xi32, #tpu.memory_space<vmem>>
        %dma_wait3A_141 = arith.constant 0 : i32
        %dma_wait3A_142 = arith.constant 0 : i32
        %dma_wait3A_143 = tpu.memref_slice %arg8[%dma_wait3A_141, %dma_wait3A_142] : memref<10240x64xf32, #tpu.memory_space<vmem_shared>> -> memref<10240x64xf32, #tpu.memory_space<vmem_shared>>
        tpu.wait_indirect_dma semaphore(%arg17 : memref<!tpu.dma_semaphore, #tpu.memory_space<semaphore_mem>>) src(%dma_wait3A_143 : memref<10240x64xf32, #tpu.memory_space<vmem_shared>>) dst(%arg13 : memref<128x64xf32, #tpu.memory_space<vmem>>)
        %gt3A_144 = arith.constant 0 : i32
        %gt3A_145 = arith.cmpi sgt, %scan3A_103, %gt3A_144 : i32
        %convert_element_type3A_146 = arith.extui %gt3A_145 : i1 to i32
        %cond3A_147 = arith.constant 0 : i32
        %cond3A_148 = arith.cmpi ne, %convert_element_type3A_146, %cond3A_147 : i32
        scf.if %cond3A_148 {
          %dma_wait3A_168 = arith.constant 0 : i32
          %dma_wait3A_169 = tpu.memref_slice %arg9[%add3A_137, %dma_wait3A_168] : memref<16x128xi32, #tpu.memory_space<vmem>> -> memref<1x128xi32, #tpu.memory_space<vmem>>
          %dma_wait3A_170 = tpu.memref_squeeze %dma_wait3A_169 : memref<1x128xi32, #tpu.memory_space<vmem>> -> memref<128xi32, #tpu.memory_space<vmem>>
          %dma_wait3A_171 = arith.constant 0 : i32
          %dma_wait3A_172 = arith.constant 0 : i32
          %dma_wait3A_173 = tpu.memref_slice %arg7[%dma_wait3A_171, %dma_wait3A_172] : memref<10240x64xf32, #tpu.memory_space<vmem_shared>> -> memref<10240x64xf32, #tpu.memory_space<vmem_shared>>
          tpu.wait_indirect_dma semaphore(%arg19 : memref<!tpu.dma_semaphore, #tpu.memory_space<semaphore_mem>>) src(%arg15 : memref<128x64xf32, #tpu.memory_space<vmem>>) dst(%dma_wait3A_173 : memref<10240x64xf32, #tpu.memory_space<vmem_shared>>)
        } else {
        }
        %scan3A_149 = arith.constant 0 : i32
        %scan3A_150 = arith.constant 0 : i32
        %scan3A_151 = arith.constant 8 : i32
        %scan3A_152 = arith.addi %scan3A_150, %scan3A_151 : i32
        %scan3A_153 = arith.constant 1 : i32
        scf.for %scan3A_168 = %scan3A_150 to %scan3A_152 step %scan3A_153  : i32 {
          %mul3A_169 = arith.constant 128 : i32
          %mul3A_170 = arith.muli %add3A_137, %mul3A_169 : i32
          %mul3A_171 = arith.constant 16 : i32
          %mul3A_172 = arith.muli %scan3A_168, %mul3A_171 : i32
          %add3A_173 = arith.addi %mul3A_170, %mul3A_172 : i32
          %get3A = arith.index_cast %add3A_173 : i32 to index
          %get3A_174 = tpu.vector_load %arg11[%get3A] {strides = array<i32>} : memref<2048xf32, #tpu.memory_space<vmem>>, vector<16xf32>,
          %get3A_175 = vector.shape_cast %get3A_174 : vector<16xf32> to vector<16xf32>
          %broadcast_in_dim3A_176 = arith.constant 0 : i32
          %broadcast_in_dim3A_177 = vector.broadcast %broadcast_in_dim3A_176 : i32 to vector<16x1xi32>
          %gather3A = vector.shape_cast %broadcast_in_dim3A_177 : vector<16x1xi32> to vector<16xi32>
          %gather3A_178 = tpu.dynamic_gather %get3A_175[%gather3A] in [0] : vector<16xf32>, vector<16xi32> -> vector<16xf32>
          %mul3A_179 = arith.constant 16 : i32
          %mul3A_180 = arith.muli %scan3A_168, %mul3A_179 : i32
          %add3A_181 = arith.constant 0 : i32
          %add3A_182 = arith.addi %mul3A_180, %add3A_181 : i32
          %get3A_183 = arith.index_cast %add3A_182 : i32 to index
          %get3A_184 = arith.constant 0 : index
          %get3A_185 = tpu.vector_load %arg13[%get3A_183, %get3A_184] {strides = array<i32>} : memref<128x64xf32, #tpu.memory_space<vmem>>, vector<1x16xf32>,
          %get3A_186 = vector.shape_cast %get3A_185 : vector<1x16xf32> to vector<16xf32>
          %mul3A_187 = arith.mulf %get3A_186, %gather3A_178 : vector<16xf32>
          %swap3A = arith.index_cast %add3A_182 : i32 to index
          %swap3A_188 = arith.constant 0 : index
          %swap3A_189 = tpu.vector_load %arg15[%swap3A, %swap3A_188] {strides = array<i32>} : memref<128x64xf32, #tpu.memory_space<vmem>>, vector<1x16xf32>,
          %swap3A_190 = vector.shape_cast %swap3A_189 : vector<1x16xf32> to vector<16xf32>
          %swap3A_191 = vector.shape_cast %mul3A_187 : vector<16xf32> to vector<1x16xf32>
          tpu.vector_store %arg15[%swap3A, %swap3A_188], %swap3A_191 {strides = array<i32>} : memref<128x64xf32, #tpu.memory_space<vmem>>, vector<1x16xf32>,
          %get3A_192 = arith.index_cast %add3A_182 : i32 to index
          %get3A_193 = arith.constant 16 : index
          %get3A_194 = tpu.vector_load %arg13[%get3A_192, %get3A_193] {strides = array<i32>} : memref<128x64xf32, #tpu.memory_space<vmem>>, vector<1x16xf32>,
          %get3A_195 = vector.shape_cast %get3A_194 : vector<1x16xf32> to vector<16xf32>
          %mul3A_196 = arith.mulf %get3A_195, %gather3A_178 : vector<16xf32>
          %swap3A_197 = arith.index_cast %add3A_182 : i32 to index
          %swap3A_198 = arith.constant 16 : index
          %swap3A_199 = tpu.vector_load %arg15[%swap3A_197, %swap3A_198] {strides = array<i32>} : memref<128x64xf32, #tpu.memory_space<vmem>>, vector<1x16xf32>,
          %swap3A_200 = vector.shape_cast %swap3A_199 : vector<1x16xf32> to vector<16xf32>
          %swap3A_201 = vector.shape_cast %mul3A_196 : vector<16xf32> to vector<1x16xf32>
          tpu.vector_store %arg15[%swap3A_197, %swap3A_198], %swap3A_201 {strides = array<i32>} : memref<128x64xf32, #tpu.memory_space<vmem>>, vector<1x16xf32>,
          %get3A_202 = arith.index_cast %add3A_182 : i32 to index
          %get3A_203 = arith.constant 32 : index
          %get3A_204 = tpu.vector_load %arg13[%get3A_202, %get3A_203] {strides = array<i32>} : memref<128x64xf32, #tpu.memory_space<vmem>>, vector<1x16xf32>,
          %get3A_205 = vector.shape_cast %get3A_204 : vector<1x16xf32> to vector<16xf32>
          %mul3A_206 = arith.mulf %get3A_205, %gather3A_178 : vector<16xf32>
          %swap3A_207 = arith.index_cast %add3A_182 : i32 to index
          %swap3A_208 = arith.constant 32 : index
          %swap3A_209 = tpu.vector_load %arg15[%swap3A_207, %swap3A_208] {strides = array<i32>} : memref<128x64xf32, #tpu.memory_space<vmem>>, vector<1x16xf32>,
          %swap3A_210 = vector.shape_cast %swap3A_209 : vector<1x16xf32> to vector<16xf32>
          %swap3A_211 = vector.shape_cast %mul3A_206 : vector<16xf32> to vector<1x16xf32>
          tpu.vector_store %arg15[%swap3A_207, %swap3A_208], %swap3A_211 {strides = array<i32>} : memref<128x64xf32, #tpu.memory_space<vmem>>, vector<1x16xf32>,
          %get3A_212 = arith.index_cast %add3A_182 : i32 to index
          %get3A_213 = arith.constant 48 : index
          %get3A_214 = tpu.vector_load %arg13[%get3A_212, %get3A_213] {strides = array<i32>} : memref<128x64xf32, #tpu.memory_space<vmem>>, vector<1x16xf32>,
          %get3A_215 = vector.shape_cast %get3A_214 : vector<1x16xf32> to vector<16xf32>
          %mul3A_216 = arith.mulf %get3A_215, %gather3A_178 : vector<16xf32>
          %swap3A_217 = arith.index_cast %add3A_182 : i32 to index
          %swap3A_218 = arith.constant 48 : index
          %swap3A_219 = tpu.vector_load %arg15[%swap3A_217, %swap3A_218] {strides = array<i32>} : memref<128x64xf32, #tpu.memory_space<vmem>>, vector<1x16xf32>,
          %swap3A_220 = vector.shape_cast %swap3A_219 : vector<1x16xf32> to vector<16xf32>
          %swap3A_221 = vector.shape_cast %mul3A_216 : vector<16xf32> to vector<1x16xf32>
          tpu.vector_store %arg15[%swap3A_217, %swap3A_218], %swap3A_221 {strides = array<i32>} : memref<128x64xf32, #tpu.memory_space<vmem>>, vector<1x16xf32>,
          %broadcast_in_dim3A_222 = arith.constant 1 : i32
          %broadcast_in_dim3A_223 = vector.broadcast %broadcast_in_dim3A_222 : i32 to vector<16x1xi32>
          %gather3A_224 = vector.shape_cast %broadcast_in_dim3A_223 : vector<16x1xi32> to vector<16xi32>
          %gather3A_225 = tpu.dynamic_gather %get3A_175[%gather3A_224] in [0] : vector<16xf32>, vector<16xi32> -> vector<16xf32>
          %mul3A_226 = arith.constant 16 : i32
          %mul3A_227 = arith.muli %scan3A_168, %mul3A_226 : i32
          %add3A_228 = arith.constant 1 : i32
          %add3A_229 = arith.addi %mul3A_227, %add3A_228 : i32
          %get3A_230 = arith.index_cast %add3A_229 : i32 to index
          %get3A_231 = arith.constant 0 : index
          %get3A_232 = tpu.vector_load %arg13[%get3A_230, %get3A_231] {strides = array<i32>} : memref<128x64xf32, #tpu.memory_space<vmem>>, vector<1x16xf32>,
          %get3A_233 = vector.shape_cast %get3A_232 : vector<1x16xf32> to vector<16xf32>
          %mul3A_234 = arith.mulf %get3A_233, %gather3A_225 : vector<16xf32>
          %swap3A_235 = arith.index_cast %add3A_229 : i32 to index
          %swap3A_236 = arith.constant 0 : index
          %swap3A_237 = tpu.vector_load %arg15[%swap3A_235, %swap3A_236] {strides = array<i32>} : memref<128x64xf32, #tpu.memory_space<vmem>>, vector<1x16xf32>,
          %swap3A_238 = vector.shape_cast %swap3A_237 : vector<1x16xf32> to vector<16xf32>
          %swap3A_239 = vector.shape_cast %mul3A_234 : vector<16xf32> to vector<1x16xf32>
          tpu.vector_store %arg15[%swap3A_235, %swap3A_236], %swap3A_239 {strides = array<i32>} : memref<128x64xf32, #tpu.memory_space<vmem>>, vector<1x16xf32>,
          %get3A_240 = arith.index_cast %add3A_229 : i32 to index
          %get3A_241 = arith.constant 16 : index
          %get3A_242 = tpu.vector_load %arg13[%get3A_240, %get3A_241] {strides = array<i32>} : memref<128x64xf32, #tpu.memory_space<vmem>>, vector<1x16xf32>,
          %get3A_243 = vector.shape_cast %get3A_242 : vector<1x16xf32> to vector<16xf32>
          %mul3A_244 = arith.mulf %get3A_243, %gather3A_225 : vector<16xf32>
          %swap3A_245 = arith.index_cast %add3A_229 : i32 to index
          %swap3A_246 = arith.constant 16 : index
          %swap3A_247 = tpu.vector_load %arg15[%swap3A_245, %swap3A_246] {strides = array<i32>} : memref<128x64xf32, #tpu.memory_space<vmem>>, vector<1x16xf32>,
          %swap3A_248 = vector.shape_cast %swap3A_247 : vector<1x16xf32> to vector<16xf32>
          %swap3A_249 = vector.shape_cast %mul3A_244 : vector<16xf32> to vector<1x16xf32>
          tpu.vector_store %arg15[%swap3A_245, %swap3A_246], %swap3A_249 {strides = array<i32>} : memref<128x64xf32, #tpu.memory_space<vmem>>, vector<1x16xf32>,
          %get3A_250 = arith.index_cast %add3A_229 : i32 to index
          %get3A_251 = arith.constant 32 : index
          %get3A_252 = tpu.vector_load %arg13[%get3A_250, %get3A_251] {strides = array<i32>} : memref<128x64xf32, #tpu.memory_space<vmem>>, vector<1x16xf32>,
          %get3A_253 = vector.shape_cast %get3A_252 : vector<1x16xf32> to vector<16xf32>
          %mul3A_254 = arith.mulf %get3A_253, %gather3A_225 : vector<16xf32>
          %swap3A_255 = arith.index_cast %add3A_229 : i32 to index
          %swap3A_256 = arith.constant 32 : index
          %swap3A_257 = tpu.vector_load %arg15[%swap3A_255, %swap3A_256] {strides = array<i32>} : memref<128x64xf32, #tpu.memory_space<vmem>>, vector<1x16xf32>,
          %swap3A_258 = vector.shape_cast %swap3A_257 : vector<1x16xf32> to vector<16xf32>
          %swap3A_259 = vector.shape_cast %mul3A_254 : vector<16xf32> to vector<1x16xf32>
          tpu.vector_store %arg15[%swap3A_255, %swap3A_256], %swap3A_259 {strides = array<i32>} : memref<128x64xf32, #tpu.memory_space<vmem>>, vector<1x16xf32>,
          %get3A_260 = arith.index_cast %add3A_229 : i32 to index
          %get3A_261 = arith.constant 48 : index
          %get3A_262 = tpu.vector_load %arg13[%get3A_260, %get3A_261] {strides = array<i32>} : memref<128x64xf32, #tpu.memory_space<vmem>>, vector<1x16xf32>,
          %get3A_263 = vector.shape_cast %get3A_262 : vector<1x16xf32> to vector<16xf32>
          %mul3A_264 = arith.mulf %get3A_263, %gather3A_225 : vector<16xf32>
          %swap3A_265 = arith.index_cast %add3A_229 : i32 to index
          %swap3A_266 = arith.constant 48 : index
          %swap3A_267 = tpu.vector_load %arg15[%swap3A_265, %swap3A_266] {strides = array<i32>} : memref<128x64xf32, #tpu.memory_space<vmem>>, vector<1x16xf32>,
          %swap3A_268 = vector.shape_cast %swap3A_267 : vector<1x16xf32> to vector<16xf32>
          %swap3A_269 = vector.shape_cast %mul3A_264 : vector<16xf32> to vector<1x16xf32>
          tpu.vector_store %arg15[%swap3A_265, %swap3A_266], %swap3A_269 {strides = array<i32>} : memref<128x64xf32, #tpu.memory_space<vmem>>, vector<1x16xf32>,
          %broadcast_in_dim3A_270 = arith.constant 2 : i32
          %broadcast_in_dim3A_271 = vector.broadcast %broadcast_in_dim3A_270 : i32 to vector<16x1xi32>
          %gather3A_272 = vector.shape_cast %broadcast_in_dim3A_271 : vector<16x1xi32> to vector<16xi32>
          %gather3A_273 = tpu.dynamic_gather %get3A_175[%gather3A_272] in [0] : vector<16xf32>, vector<16xi32> -> vector<16xf32>
          %mul3A_274 = arith.constant 16 : i32
          %mul3A_275 = arith.muli %scan3A_168, %mul3A_274 : i32
          %add3A_276 = arith.constant 2 : i32
          %add3A_277 = arith.addi %mul3A_275, %add3A_276 : i32
          %get3A_278 = arith.index_cast %add3A_277 : i32 to index
          %get3A_279 = arith.constant 0 : index
          %get3A_280 = tpu.vector_load %arg13[%get3A_278, %get3A_279] {strides = array<i32>} : memref<128x64xf32, #tpu.memory_space<vmem>>, vector<1x16xf32>,
          %get3A_281 = vector.shape_cast %get3A_280 : vector<1x16xf32> to vector<16xf32>
          %mul3A_282 = arith.mulf %get3A_281, %gather3A_273 : vector<16xf32>
          %swap3A_283 = arith.index_cast %add3A_277 : i32 to index
          %swap3A_284 = arith.constant 0 : index
          %swap3A_285 = tpu.vector_load %arg15[%swap3A_283, %swap3A_284] {strides = array<i32>} : memref<128x64xf32, #tpu.memory_space<vmem>>, vector<1x16xf32>,
          %swap3A_286 = vector.shape_cast %swap3A_285 : vector<1x16xf32> to vector<16xf32>
          %swap3A_287 = vector.shape_cast %mul3A_282 : vector<16xf32> to vector<1x16xf32>
          tpu.vector_store %arg15[%swap3A_283, %swap3A_284], %swap3A_287 {strides = array<i32>} : memref<128x64xf32, #tpu.memory_space<vmem>>, vector<1x16xf32>,
          %get3A_288 = arith.index_cast %add3A_277 : i32 to index
          %get3A_289 = arith.constant 16 : index
          %get3A_290 = tpu.vector_load %arg13[%get3A_288, %get3A_289] {strides = array<i32>} : memref<128x64xf32, #tpu.memory_space<vmem>>, vector<1x16xf32>,
          %get3A_291 = vector.shape_cast %get3A_290 : vector<1x16xf32> to vector<16xf32>
          %mul3A_292 = arith.mulf %get3A_291, %gather3A_273 : vector<16xf32>
          %swap3A_293 = arith.index_cast %add3A_277 : i32 to index
          %swap3A_294 = arith.constant 16 : index
          %swap3A_295 = tpu.vector_load %arg15[%swap3A_293, %swap3A_294] {strides = array<i32>} : memref<128x64xf32, #tpu.memory_space<vmem>>, vector<1x16xf32>,
          %swap3A_296 = vector.shape_cast %swap3A_295 : vector<1x16xf32> to vector<16xf32>
          %swap3A_297 = vector.shape_cast %mul3A_292 : vector<16xf32> to vector<1x16xf32>
          tpu.vector_store %arg15[%swap3A_293, %swap3A_294], %swap3A_297 {strides = array<i32>} : memref<128x64xf32, #tpu.memory_space<vmem>>, vector<1x16xf32>,
          %get3A_298 = arith.index_cast %add3A_277 : i32 to index
          %get3A_299 = arith.constant 32 : index
          %get3A_300 = tpu.vector_load %arg13[%get3A_298, %get3A_299] {strides = array<i32>} : memref<128x64xf32, #tpu.memory_space<vmem>>, vector<1x16xf32>,
          %get3A_301 = vector.shape_cast %get3A_300 : vector<1x16xf32> to vector<16xf32>
          %mul3A_302 = arith.mulf %get3A_301, %gather3A_273 : vector<16xf32>
          %swap3A_303 = arith.index_cast %add3A_277 : i32 to index
          %swap3A_304 = arith.constant 32 : index
          %swap3A_305 = tpu.vector_load %arg15[%swap3A_303, %swap3A_304] {strides = array<i32>} : memref<128x64xf32, #tpu.memory_space<vmem>>, vector<1x16xf32>,
          %swap3A_306 = vector.shape_cast %swap3A_305 : vector<1x16xf32> to vector<16xf32>
          %swap3A_307 = vector.shape_cast %mul3A_302 : vector<16xf32> to vector<1x16xf32>
          tpu.vector_store %arg15[%swap3A_303, %swap3A_304], %swap3A_307 {strides = array<i32>} : memref<128x64xf32, #tpu.memory_space<vmem>>, vector<1x16xf32>,
          %get3A_308 = arith.index_cast %add3A_277 : i32 to index
          %get3A_309 = arith.constant 48 : index
          %get3A_310 = tpu.vector_load %arg13[%get3A_308, %get3A_309] {strides = array<i32>} : memref<128x64xf32, #tpu.memory_space<vmem>>, vector<1x16xf32>,
          %get3A_311 = vector.shape_cast %get3A_310 : vector<1x16xf32> to vector<16xf32>
          %mul3A_312 = arith.mulf %get3A_311, %gather3A_273 : vector<16xf32>
          %swap3A_313 = arith.index_cast %add3A_277 : i32 to index
          %swap3A_314 = arith.constant 48 : index
          %swap3A_315 = tpu.vector_load %arg15[%swap3A_313, %swap3A_314] {strides = array<i32>} : memref<128x64xf32, #tpu.memory_space<vmem>>, vector<1x16xf32>,
          %swap3A_316 = vector.shape_cast %swap3A_315 : vector<1x16xf32> to vector<16xf32>
          %swap3A_317 = vector.shape_cast %mul3A_312 : vector<16xf32> to vector<1x16xf32>
          tpu.vector_store %arg15[%swap3A_313, %swap3A_314], %swap3A_317 {strides = array<i32>} : memref<128x64xf32, #tpu.memory_space<vmem>>, vector<1x16xf32>,
          %broadcast_in_dim3A_318 = arith.constant 3 : i32
          %broadcast_in_dim3A_319 = vector.broadcast %broadcast_in_dim3A_318 : i32 to vector<16x1xi32>
          %gather3A_320 = vector.shape_cast %broadcast_in_dim3A_319 : vector<16x1xi32> to vector<16xi32>
          %gather3A_321 = tpu.dynamic_gather %get3A_175[%gather3A_320] in [0] : vector<16xf32>, vector<16xi32> -> vector<16xf32>
          %mul3A_322 = arith.constant 16 : i32
          %mul3A_323 = arith.muli %scan3A_168, %mul3A_322 : i32
          %add3A_324 = arith.constant 3 : i32
          %add3A_325 = arith.addi %mul3A_323, %add3A_324 : i32
          %get3A_326 = arith.index_cast %add3A_325 : i32 to index
          %get3A_327 = arith.constant 0 : index
          %get3A_328 = tpu.vector_load %arg13[%get3A_326, %get3A_327] {strides = array<i32>} : memref<128x64xf32, #tpu.memory_space<vmem>>, vector<1x16xf32>,
          %get3A_329 = vector.shape_cast %get3A_328 : vector<1x16xf32> to vector<16xf32>
          %mul3A_330 = arith.mulf %get3A_329, %gather3A_321 : vector<16xf32>
          %swap3A_331 = arith.index_cast %add3A_325 : i32 to index
          %swap3A_332 = arith.constant 0 : index
          %swap3A_333 = tpu.vector_load %arg15[%swap3A_331, %swap3A_332] {strides = array<i32>} : memref<128x64xf32, #tpu.memory_space<vmem>>, vector<1x16xf32>,
          %swap3A_334 = vector.shape_cast %swap3A_333 : vector<1x16xf32> to vector<16xf32>
          %swap3A_335 = vector.shape_cast %mul3A_330 : vector<16xf32> to vector<1x16xf32>
          tpu.vector_store %arg15[%swap3A_331, %swap3A_332], %swap3A_335 {strides = array<i32>} : memref<128x64xf32, #tpu.memory_space<vmem>>, vector<1x16xf32>,
          %get3A_336 = arith.index_cast %add3A_325 : i32 to index
          %get3A_337 = arith.constant 16 : index
          %get3A_338 = tpu.vector_load %arg13[%get3A_336, %get3A_337] {strides = array<i32>} : memref<128x64xf32, #tpu.memory_space<vmem>>, vector<1x16xf32>,
          %get3A_339 = vector.shape_cast %get3A_338 : vector<1x16xf32> to vector<16xf32>
          %mul3A_340 = arith.mulf %get3A_339, %gather3A_321 : vector<16xf32>
          %swap3A_341 = arith.index_cast %add3A_325 : i32 to index
          %swap3A_342 = arith.constant 16 : index
          %swap3A_343 = tpu.vector_load %arg15[%swap3A_341, %swap3A_342] {strides = array<i32>} : memref<128x64xf32, #tpu.memory_space<vmem>>, vector<1x16xf32>,
          %swap3A_344 = vector.shape_cast %swap3A_343 : vector<1x16xf32> to vector<16xf32>
          %swap3A_345 = vector.shape_cast %mul3A_340 : vector<16xf32> to vector<1x16xf32>
          tpu.vector_store %arg15[%swap3A_341, %swap3A_342], %swap3A_345 {strides = array<i32>} : memref<128x64xf32, #tpu.memory_space<vmem>>, vector<1x16xf32>,
          %get3A_346 = arith.index_cast %add3A_325 : i32 to index
          %get3A_347 = arith.constant 32 : index
          %get3A_348 = tpu.vector_load %arg13[%get3A_346, %get3A_347] {strides = array<i32>} : memref<128x64xf32, #tpu.memory_space<vmem>>, vector<1x16xf32>,
          %get3A_349 = vector.shape_cast %get3A_348 : vector<1x16xf32> to vector<16xf32>
          %mul3A_350 = arith.mulf %get3A_349, %gather3A_321 : vector<16xf32>
          %swap3A_351 = arith.index_cast %add3A_325 : i32 to index
          %swap3A_352 = arith.constant 32 : index
          %swap3A_353 = tpu.vector_load %arg15[%swap3A_351, %swap3A_352] {strides = array<i32>} : memref<128x64xf32, #tpu.memory_space<vmem>>, vector<1x16xf32>,
          %swap3A_354 = vector.shape_cast %swap3A_353 : vector<1x16xf32> to vector<16xf32>
          %swap3A_355 = vector.shape_cast %mul3A_350 : vector<16xf32> to vector<1x16xf32>
          tpu.vector_store %arg15[%swap3A_351, %swap3A_352], %swap3A_355 {strides = array<i32>} : memref<128x64xf32, #tpu.memory_space<vmem>>, vector<1x16xf32>,
          %get3A_356 = arith.index_cast %add3A_325 : i32 to index
          %get3A_357 = arith.constant 48 : index
          %get3A_358 = tpu.vector_load %arg13[%get3A_356, %get3A_357] {strides = array<i32>} : memref<128x64xf32, #tpu.memory_space<vmem>>, vector<1x16xf32>,
          %get3A_359 = vector.shape_cast %get3A_358 : vector<1x16xf32> to vector<16xf32>
          %mul3A_360 = arith.mulf %get3A_359, %gather3A_321 : vector<16xf32>
          %swap3A_361 = arith.index_cast %add3A_325 : i32 to index
          %swap3A_362 = arith.constant 48 : index
          %swap3A_363 = tpu.vector_load %arg15[%swap3A_361, %swap3A_362] {strides = array<i32>} : memref<128x64xf32, #tpu.memory_space<vmem>>, vector<1x16xf32>,
          %swap3A_364 = vector.shape_cast %swap3A_363 : vector<1x16xf32> to vector<16xf32>
          %swap3A_365 = vector.shape_cast %mul3A_360 : vector<16xf32> to vector<1x16xf32>
          tpu.vector_store %arg15[%swap3A_361, %swap3A_362], %swap3A_365 {strides = array<i32>} : memref<128x64xf32, #tpu.memory_space<vmem>>, vector<1x16xf32>,
          %broadcast_in_dim3A_366 = arith.constant 4 : i32
          %broadcast_in_dim3A_367 = vector.broadcast %broadcast_in_dim3A_366 : i32 to vector<16x1xi32>
          %gather3A_368 = vector.shape_cast %broadcast_in_dim3A_367 : vector<16x1xi32> to vector<16xi32>
          %gather3A_369 = tpu.dynamic_gather %get3A_175[%gather3A_368] in [0] : vector<16xf32>, vector<16xi32> -> vector<16xf32>
          %mul3A_370 = arith.constant 16 : i32
          %mul3A_371 = arith.muli %scan3A_168, %mul3A_370 : i32
          %add3A_372 = arith.constant 4 : i32
          %add3A_373 = arith.addi %mul3A_371, %add3A_372 : i32
          %get3A_374 = arith.index_cast %add3A_373 : i32 to index
          %get3A_375 = arith.constant 0 : index
          %get3A_376 = tpu.vector_load %arg13[%get3A_374, %get3A_375] {strides = array<i32>} : memref<128x64xf32, #tpu.memory_space<vmem>>, vector<1x16xf32>,
          %get3A_377 = vector.shape_cast %get3A_376 : vector<1x16xf32> to vector<16xf32>
          %mul3A_378 = arith.mulf %get3A_377, %gather3A_369 : vector<16xf32>
          %swap3A_379 = arith.index_cast %add3A_373 : i32 to index
          %swap3A_380 = arith.constant 0 : index
          %swap3A_381 = tpu.vector_load %arg15[%swap3A_379, %swap3A_380] {strides = array<i32>} : memref<128x64xf32, #tpu.memory_space<vmem>>, vector<1x16xf32>,
          %swap3A_382 = vector.shape_cast %swap3A_381 : vector<1x16xf32> to vector<16xf32>
          %swap3A_383 = vector.shape_cast %mul3A_378 : vector<16xf32> to vector<1x16xf32>
          tpu.vector_store %arg15[%swap3A_379, %swap3A_380], %swap3A_383 {strides = array<i32>} : memref<128x64xf32, #tpu.memory_space<vmem>>, vector<1x16xf32>,
          %get3A_384 = arith.index_cast %add3A_373 : i32 to index
          %get3A_385 = arith.constant 16 : index
          %get3A_386 = tpu.vector_load %arg13[%get3A_384, %get3A_385] {strides = array<i32>} : memref<128x64xf32, #tpu.memory_space<vmem>>, vector<1x16xf32>,
          %get3A_387 = vector.shape_cast %get3A_386 : vector<1x16xf32> to vector<16xf32>
          %mul3A_388 = arith.mulf %get3A_387, %gather3A_369 : vector<16xf32>
          %swap3A_389 = arith.index_cast %add3A_373 : i32 to index
          %swap3A_390 = arith.constant 16 : index
          %swap3A_391 = tpu.vector_load %arg15[%swap3A_389, %swap3A_390] {strides = array<i32>} : memref<128x64xf32, #tpu.memory_space<vmem>>, vector<1x16xf32>,
          %swap3A_392 = vector.shape_cast %swap3A_391 : vector<1x16xf32> to vector<16xf32>
          %swap3A_393 = vector.shape_cast %mul3A_388 : vector<16xf32> to vector<1x16xf32>
          tpu.vector_store %arg15[%swap3A_389, %swap3A_390], %swap3A_393 {strides = array<i32>} : memref<128x64xf32, #tpu.memory_space<vmem>>, vector<1x16xf32>,
          %get3A_394 = arith.index_cast %add3A_373 : i32 to index
          %get3A_395 = arith.constant 32 : index
          %get3A_396 = tpu.vector_load %arg13[%get3A_394, %get3A_395] {strides = array<i32>} : memref<128x64xf32, #tpu.memory_space<vmem>>, vector<1x16xf32>,
          %get3A_397 = vector.shape_cast %get3A_396 : vector<1x16xf32> to vector<16xf32>
          %mul3A_398 = arith.mulf %get3A_397, %gather3A_369 : vector<16xf32>
          %swap3A_399 = arith.index_cast %add3A_373 : i32 to index
          %swap3A_400 = arith.constant 32 : index
          %swap3A_401 = tpu.vector_load %arg15[%swap3A_399, %swap3A_400] {strides = array<i32>} : memref<128x64xf32, #tpu.memory_space<vmem>>, vector<1x16xf32>,
          %swap3A_402 = vector.shape_cast %swap3A_401 : vector<1x16xf32> to vector<16xf32>
          %swap3A_403 = vector.shape_cast %mul3A_398 : vector<16xf32> to vector<1x16xf32>
          tpu.vector_store %arg15[%swap3A_399, %swap3A_400], %swap3A_403 {strides = array<i32>} : memref<128x64xf32, #tpu.memory_space<vmem>>, vector<1x16xf32>,
          %get3A_404 = arith.index_cast %add3A_373 : i32 to index
          %get3A_405 = arith.constant 48 : index
          %get3A_406 = tpu.vector_load %arg13[%get3A_404, %get3A_405] {strides = array<i32>} : memref<128x64xf32, #tpu.memory_space<vmem>>, vector<1x16xf32>,
          %get3A_407 = vector.shape_cast %get3A_406 : vector<1x16xf32> to vector<16xf32>
          %mul3A_408 = arith.mulf %get3A_407, %gather3A_369 : vector<16xf32>
          %swap3A_409 = arith.index_cast %add3A_373 : i32 to index
          %swap3A_410 = arith.constant 48 : index
          %swap3A_411 = tpu.vector_load %arg15[%swap3A_409, %swap3A_410] {strides = array<i32>} : memref<128x64xf32, #tpu.memory_space<vmem>>, vector<1x16xf32>,
          %swap3A_412 = vector.shape_cast %swap3A_411 : vector<1x16xf32> to vector<16xf32>
          %swap3A_413 = vector.shape_cast %mul3A_408 : vector<16xf32> to vector<1x16xf32>
          tpu.vector_store %arg15[%swap3A_409, %swap3A_410], %swap3A_413 {strides = array<i32>} : memref<128x64xf32, #tpu.memory_space<vmem>>, vector<1x16xf32>,
          %broadcast_in_dim3A_414 = arith.constant 5 : i32
          %broadcast_in_dim3A_415 = vector.broadcast %broadcast_in_dim3A_414 : i32 to vector<16x1xi32>
          %gather3A_416 = vector.shape_cast %broadcast_in_dim3A_415 : vector<16x1xi32> to vector<16xi32>
          %gather3A_417 = tpu.dynamic_gather %get3A_175[%gather3A_416] in [0] : vector<16xf32>, vector<16xi32> -> vector<16xf32>
          %mul3A_418 = arith.constant 16 : i32
          %mul3A_419 = arith.muli %scan3A_168, %mul3A_418 : i32
          %add3A_420 = arith.constant 5 : i32
          %add3A_421 = arith.addi %mul3A_419, %add3A_420 : i32
          %get3A_422 = arith.index_cast %add3A_421 : i32 to index
          %get3A_423 = arith.constant 0 : index
          %get3A_424 = tpu.vector_load %arg13[%get3A_422, %get3A_423] {strides = array<i32>} : memref<128x64xf32, #tpu.memory_space<vmem>>, vector<1x16xf32>,
          %get3A_425 = vector.shape_cast %get3A_424 : vector<1x16xf32> to vector<16xf32>
          %mul3A_426 = arith.mulf %get3A_425, %gather3A_417 : vector<16xf32>
          %swap3A_427 = arith.index_cast %add3A_421 : i32 to index
          %swap3A_428 = arith.constant 0 : index
          %swap3A_429 = tpu.vector_load %arg15[%swap3A_427, %swap3A_428] {strides = array<i32>} : memref<128x64xf32, #tpu.memory_space<vmem>>, vector<1x16xf32>,
          %swap3A_430 = vector.shape_cast %swap3A_429 : vector<1x16xf32> to vector<16xf32>
          %swap3A_431 = vector.shape_cast %mul3A_426 : vector<16xf32> to vector<1x16xf32>
          tpu.vector_store %arg15[%swap3A_427, %swap3A_428], %swap3A_431 {strides = array<i32>} : memref<128x64xf32, #tpu.memory_space<vmem>>, vector<1x16xf32>,
          %get3A_432 = arith.index_cast %add3A_421 : i32 to index
          %get3A_433 = arith.constant 16 : index
          %get3A_434 = tpu.vector_load %arg13[%get3A_432, %get3A_433] {strides = array<i32>} : memref<128x64xf32, #tpu.memory_space<vmem>>, vector<1x16xf32>,
          %get3A_435 = vector.shape_cast %get3A_434 : vector<1x16xf32> to vector<16xf32>
          %mul3A_436 = arith.mulf %get3A_435, %gather3A_417 : vector<16xf32>
          %swap3A_437 = arith.index_cast %add3A_421 : i32 to index
          %swap3A_438 = arith.constant 16 : index
          %swap3A_439 = tpu.vector_load %arg15[%swap3A_437, %swap3A_438] {strides = array<i32>} : memref<128x64xf32, #tpu.memory_space<vmem>>, vector<1x16xf32>,
          %swap3A_440 = vector.shape_cast %swap3A_439 : vector<1x16xf32> to vector<16xf32>
          %swap3A_441 = vector.shape_cast %mul3A_436 : vector<16xf32> to vector<1x16xf32>
          tpu.vector_store %arg15[%swap3A_437, %swap3A_438], %swap3A_441 {strides = array<i32>} : memref<128x64xf32, #tpu.memory_space<vmem>>, vector<1x16xf32>,
          %get3A_442 = arith.index_cast %add3A_421 : i32 to index
          %get3A_443 = arith.constant 32 : index
          %get3A_444 = tpu.vector_load %arg13[%get3A_442, %get3A_443] {strides = array<i32>} : memref<128x64xf32, #tpu.memory_space<vmem>>, vector<1x16xf32>,
          %get3A_445 = vector.shape_cast %get3A_444 : vector<1x16xf32> to vector<16xf32>
          %mul3A_446 = arith.mulf %get3A_445, %gather3A_417 : vector<16xf32>
          %swap3A_447 = arith.index_cast %add3A_421 : i32 to index
          %swap3A_448 = arith.constant 32 : index
          %swap3A_449 = tpu.vector_load %arg15[%swap3A_447, %swap3A_448] {strides = array<i32>} : memref<128x64xf32, #tpu.memory_space<vmem>>, vector<1x16xf32>,
          %swap3A_450 = vector.shape_cast %swap3A_449 : vector<1x16xf32> to vector<16xf32>
          %swap3A_451 = vector.shape_cast %mul3A_446 : vector<16xf32> to vector<1x16xf32>
          tpu.vector_store %arg15[%swap3A_447, %swap3A_448], %swap3A_451 {strides = array<i32>} : memref<128x64xf32, #tpu.memory_space<vmem>>, vector<1x16xf32>,
          %get3A_452 = arith.index_cast %add3A_421 : i32 to index
          %get3A_453 = arith.constant 48 : index
          %get3A_454 = tpu.vector_load %arg13[%get3A_452, %get3A_453] {strides = array<i32>} : memref<128x64xf32, #tpu.memory_space<vmem>>, vector<1x16xf32>,
          %get3A_455 = vector.shape_cast %get3A_454 : vector<1x16xf32> to vector<16xf32>
          %mul3A_456 = arith.mulf %get3A_455, %gather3A_417 : vector<16xf32>
          %swap3A_457 = arith.index_cast %add3A_421 : i32 to index
          %swap3A_458 = arith.constant 48 : index
          %swap3A_459 = tpu.vector_load %arg15[%swap3A_457, %swap3A_458] {strides = array<i32>} : memref<128x64xf32, #tpu.memory_space<vmem>>, vector<1x16xf32>,
          %swap3A_460 = vector.shape_cast %swap3A_459 : vector<1x16xf32> to vector<16xf32>
          %swap3A_461 = vector.shape_cast %mul3A_456 : vector<16xf32> to vector<1x16xf32>
          tpu.vector_store %arg15[%swap3A_457, %swap3A_458], %swap3A_461 {strides = array<i32>} : memref<128x64xf32, #tpu.memory_space<vmem>>, vector<1x16xf32>,
          %broadcast_in_dim3A_462 = arith.constant 6 : i32
          %broadcast_in_dim3A_463 = vector.broadcast %broadcast_in_dim3A_462 : i32 to vector<16x1xi32>
          %gather3A_464 = vector.shape_cast %broadcast_in_dim3A_463 : vector<16x1xi32> to vector<16xi32>
          %gather3A_465 = tpu.dynamic_gather %get3A_175[%gather3A_464] in [0] : vector<16xf32>, vector<16xi32> -> vector<16xf32>
          %mul3A_466 = arith.constant 16 : i32
          %mul3A_467 = arith.muli %scan3A_168, %mul3A_466 : i32
          %add3A_468 = arith.constant 6 : i32
          %add3A_469 = arith.addi %mul3A_467, %add3A_468 : i32
          %get3A_470 = arith.index_cast %add3A_469 : i32 to index
          %get3A_471 = arith.constant 0 : index
          %get3A_472 = tpu.vector_load %arg13[%get3A_470, %get3A_471] {strides = array<i32>} : memref<128x64xf32, #tpu.memory_space<vmem>>, vector<1x16xf32>,
          %get3A_473 = vector.shape_cast %get3A_472 : vector<1x16xf32> to vector<16xf32>
          %mul3A_474 = arith.mulf %get3A_473, %gather3A_465 : vector<16xf32>
          %swap3A_475 = arith.index_cast %add3A_469 : i32 to index
          %swap3A_476 = arith.constant 0 : index
          %swap3A_477 = tpu.vector_load %arg15[%swap3A_475, %swap3A_476] {strides = array<i32>} : memref<128x64xf32, #tpu.memory_space<vmem>>, vector<1x16xf32>,
          %swap3A_478 = vector.shape_cast %swap3A_477 : vector<1x16xf32> to vector<16xf32>
          %swap3A_479 = vector.shape_cast %mul3A_474 : vector<16xf32> to vector<1x16xf32>
          tpu.vector_store %arg15[%swap3A_475, %swap3A_476], %swap3A_479 {strides = array<i32>} : memref<128x64xf32, #tpu.memory_space<vmem>>, vector<1x16xf32>,
          %get3A_480 = arith.index_cast %add3A_469 : i32 to index
          %get3A_481 = arith.constant 16 : index
          %get3A_482 = tpu.vector_load %arg13[%get3A_480, %get3A_481] {strides = array<i32>} : memref<128x64xf32, #tpu.memory_space<vmem>>, vector<1x16xf32>,
          %get3A_483 = vector.shape_cast %get3A_482 : vector<1x16xf32> to vector<16xf32>
          %mul3A_484 = arith.mulf %get3A_483, %gather3A_465 : vector<16xf32>
          %swap3A_485 = arith.index_cast %add3A_469 : i32 to index
          %swap3A_486 = arith.constant 16 : index
          %swap3A_487 = tpu.vector_load %arg15[%swap3A_485, %swap3A_486] {strides = array<i32>} : memref<128x64xf32, #tpu.memory_space<vmem>>, vector<1x16xf32>,
          %swap3A_488 = vector.shape_cast %swap3A_487 : vector<1x16xf32> to vector<16xf32>
          %swap3A_489 = vector.shape_cast %mul3A_484 : vector<16xf32> to vector<1x16xf32>
          tpu.vector_store %arg15[%swap3A_485, %swap3A_486], %swap3A_489 {strides = array<i32>} : memref<128x64xf32, #tpu.memory_space<vmem>>, vector<1x16xf32>,
          %get3A_490 = arith.index_cast %add3A_469 : i32 to index
          %get3A_491 = arith.constant 32 : index
          %get3A_492 = tpu.vector_load %arg13[%get3A_490, %get3A_491] {strides = array<i32>} : memref<128x64xf32, #tpu.memory_space<vmem>>, vector<1x16xf32>,
          %get3A_493 = vector.shape_cast %get3A_492 : vector<1x16xf32> to vector<16xf32>
          %mul3A_494 = arith.mulf %get3A_493, %gather3A_465 : vector<16xf32>
          %swap3A_495 = arith.index_cast %add3A_469 : i32 to index
          %swap3A_496 = arith.constant 32 : index
          %swap3A_497 = tpu.vector_load %arg15[%swap3A_495, %swap3A_496] {strides = array<i32>} : memref<128x64xf32, #tpu.memory_space<vmem>>, vector<1x16xf32>,
          %swap3A_498 = vector.shape_cast %swap3A_497 : vector<1x16xf32> to vector<16xf32>
          %swap3A_499 = vector.shape_cast %mul3A_494 : vector<16xf32> to vector<1x16xf32>
          tpu.vector_store %arg15[%swap3A_495, %swap3A_496], %swap3A_499 {strides = array<i32>} : memref<128x64xf32, #tpu.memory_space<vmem>>, vector<1x16xf32>,
          %get3A_500 = arith.index_cast %add3A_469 : i32 to index
          %get3A_501 = arith.constant 48 : index
          %get3A_502 = tpu.vector_load %arg13[%get3A_500, %get3A_501] {strides = array<i32>} : memref<128x64xf32, #tpu.memory_space<vmem>>, vector<1x16xf32>,
          %get3A_503 = vector.shape_cast %get3A_502 : vector<1x16xf32> to vector<16xf32>
          %mul3A_504 = arith.mulf %get3A_503, %gather3A_465 : vector<16xf32>
          %swap3A_505 = arith.index_cast %add3A_469 : i32 to index
          %swap3A_506 = arith.constant 48 : index
          %swap3A_507 = tpu.vector_load %arg15[%swap3A_505, %swap3A_506] {strides = array<i32>} : memref<128x64xf32, #tpu.memory_space<vmem>>, vector<1x16xf32>,
          %swap3A_508 = vector.shape_cast %swap3A_507 : vector<1x16xf32> to vector<16xf32>
          %swap3A_509 = vector.shape_cast %mul3A_504 : vector<16xf32> to vector<1x16xf32>
          tpu.vector_store %arg15[%swap3A_505, %swap3A_506], %swap3A_509 {strides = array<i32>} : memref<128x64xf32, #tpu.memory_space<vmem>>, vector<1x16xf32>,
          %broadcast_in_dim3A_510 = arith.constant 7 : i32
          %broadcast_in_dim3A_511 = vector.broadcast %broadcast_in_dim3A_510 : i32 to vector<16x1xi32>
          %gather3A_512 = vector.shape_cast %broadcast_in_dim3A_511 : vector<16x1xi32> to vector<16xi32>
          %gather3A_513 = tpu.dynamic_gather %get3A_175[%gather3A_512] in [0] : vector<16xf32>, vector<16xi32> -> vector<16xf32>
          %mul3A_514 = arith.constant 16 : i32
          %mul3A_515 = arith.muli %scan3A_168, %mul3A_514 : i32
          %add3A_516 = arith.constant 7 : i32
          %add3A_517 = arith.addi %mul3A_515, %add3A_516 : i32
          %get3A_518 = arith.index_cast %add3A_517 : i32 to index
          %get3A_519 = arith.constant 0 : index
          %get3A_520 = tpu.vector_load %arg13[%get3A_518, %get3A_519] {strides = array<i32>} : memref<128x64xf32, #tpu.memory_space<vmem>>, vector<1x16xf32>,
          %get3A_521 = vector.shape_cast %get3A_520 : vector<1x16xf32> to vector<16xf32>
          %mul3A_522 = arith.mulf %get3A_521, %gather3A_513 : vector<16xf32>
          %swap3A_523 = arith.index_cast %add3A_517 : i32 to index
          %swap3A_524 = arith.constant 0 : index
          %swap3A_525 = tpu.vector_load %arg15[%swap3A_523, %swap3A_524] {strides = array<i32>} : memref<128x64xf32, #tpu.memory_space<vmem>>, vector<1x16xf32>,
          %swap3A_526 = vector.shape_cast %swap3A_525 : vector<1x16xf32> to vector<16xf32>
          %swap3A_527 = vector.shape_cast %mul3A_522 : vector<16xf32> to vector<1x16xf32>
          tpu.vector_store %arg15[%swap3A_523, %swap3A_524], %swap3A_527 {strides = array<i32>} : memref<128x64xf32, #tpu.memory_space<vmem>>, vector<1x16xf32>,
          %get3A_528 = arith.index_cast %add3A_517 : i32 to index
          %get3A_529 = arith.constant 16 : index
          %get3A_530 = tpu.vector_load %arg13[%get3A_528, %get3A_529] {strides = array<i32>} : memref<128x64xf32, #tpu.memory_space<vmem>>, vector<1x16xf32>,
          %get3A_531 = vector.shape_cast %get3A_530 : vector<1x16xf32> to vector<16xf32>
          %mul3A_532 = arith.mulf %get3A_531, %gather3A_513 : vector<16xf32>
          %swap3A_533 = arith.index_cast %add3A_517 : i32 to index
          %swap3A_534 = arith.constant 16 : index
          %swap3A_535 = tpu.vector_load %arg15[%swap3A_533, %swap3A_534] {strides = array<i32>} : memref<128x64xf32, #tpu.memory_space<vmem>>, vector<1x16xf32>,
          %swap3A_536 = vector.shape_cast %swap3A_535 : vector<1x16xf32> to vector<16xf32>
          %swap3A_537 = vector.shape_cast %mul3A_532 : vector<16xf32> to vector<1x16xf32>
          tpu.vector_store %arg15[%swap3A_533, %swap3A_534], %swap3A_537 {strides = array<i32>} : memref<128x64xf32, #tpu.memory_space<vmem>>, vector<1x16xf32>,
          %get3A_538 = arith.index_cast %add3A_517 : i32 to index
          %get3A_539 = arith.constant 32 : index
          %get3A_540 = tpu.vector_load %arg13[%get3A_538, %get3A_539] {strides = array<i32>} : memref<128x64xf32, #tpu.memory_space<vmem>>, vector<1x16xf32>,
          %get3A_541 = vector.shape_cast %get3A_540 : vector<1x16xf32> to vector<16xf32>
          %mul3A_542 = arith.mulf %get3A_541, %gather3A_513 : vector<16xf32>
          %swap3A_543 = arith.index_cast %add3A_517 : i32 to index
          %swap3A_544 = arith.constant 32 : index
          %swap3A_545 = tpu.vector_load %arg15[%swap3A_543, %swap3A_544] {strides = array<i32>} : memref<128x64xf32, #tpu.memory_space<vmem>>, vector<1x16xf32>,
          %swap3A_546 = vector.shape_cast %swap3A_545 : vector<1x16xf32> to vector<16xf32>
          %swap3A_547 = vector.shape_cast %mul3A_542 : vector<16xf32> to vector<1x16xf32>
          tpu.vector_store %arg15[%swap3A_543, %swap3A_544], %swap3A_547 {strides = array<i32>} : memref<128x64xf32, #tpu.memory_space<vmem>>, vector<1x16xf32>,
          %get3A_548 = arith.index_cast %add3A_517 : i32 to index
          %get3A_549 = arith.constant 48 : index
          %get3A_550 = tpu.vector_load %arg13[%get3A_548, %get3A_549] {strides = array<i32>} : memref<128x64xf32, #tpu.memory_space<vmem>>, vector<1x16xf32>,
          %get3A_551 = vector.shape_cast %get3A_550 : vector<1x16xf32> to vector<16xf32>
          %mul3A_552 = arith.mulf %get3A_551, %gather3A_513 : vector<16xf32>
          %swap3A_553 = arith.index_cast %add3A_517 : i32 to index
          %swap3A_554 = arith.constant 48 : index
          %swap3A_555 = tpu.vector_load %arg15[%swap3A_553, %swap3A_554] {strides = array<i32>} : memref<128x64xf32, #tpu.memory_space<vmem>>, vector<1x16xf32>,
          %swap3A_556 = vector.shape_cast %swap3A_555 : vector<1x16xf32> to vector<16xf32>
          %swap3A_557 = vector.shape_cast %mul3A_552 : vector<16xf32> to vector<1x16xf32>
          tpu.vector_store %arg15[%swap3A_553, %swap3A_554], %swap3A_557 {strides = array<i32>} : memref<128x64xf32, #tpu.memory_space<vmem>>, vector<1x16xf32>,
          %broadcast_in_dim3A_558 = arith.constant 8 : i32
          %broadcast_in_dim3A_559 = vector.broadcast %broadcast_in_dim3A_558 : i32 to vector<16x1xi32>
          %gather3A_560 = vector.shape_cast %broadcast_in_dim3A_559 : vector<16x1xi32> to vector<16xi32>
          %gather3A_561 = tpu.dynamic_gather %get3A_175[%gather3A_560] in [0] : vector<16xf32>, vector<16xi32> -> vector<16xf32>
          %mul3A_562 = arith.constant 16 : i32
          %mul3A_563 = arith.muli %scan3A_168, %mul3A_562 : i32
          %add3A_564 = arith.constant 8 : i32
          %add3A_565 = arith.addi %mul3A_563, %add3A_564 : i32
          %get3A_566 = arith.index_cast %add3A_565 : i32 to index
          %get3A_567 = arith.constant 0 : index
          %get3A_568 = tpu.vector_load %arg13[%get3A_566, %get3A_567] {strides = array<i32>} : memref<128x64xf32, #tpu.memory_space<vmem>>, vector<1x16xf32>,
          %get3A_569 = vector.shape_cast %get3A_568 : vector<1x16xf32> to vector<16xf32>
          %mul3A_570 = arith.mulf %get3A_569, %gather3A_561 : vector<16xf32>
          %swap3A_571 = arith.index_cast %add3A_565 : i32 to index
          %swap3A_572 = arith.constant 0 : index
          %swap3A_573 = tpu.vector_load %arg15[%swap3A_571, %swap3A_572] {strides = array<i32>} : memref<128x64xf32, #tpu.memory_space<vmem>>, vector<1x16xf32>,
          %swap3A_574 = vector.shape_cast %swap3A_573 : vector<1x16xf32> to vector<16xf32>
          %swap3A_575 = vector.shape_cast %mul3A_570 : vector<16xf32> to vector<1x16xf32>
          tpu.vector_store %arg15[%swap3A_571, %swap3A_572], %swap3A_575 {strides = array<i32>} : memref<128x64xf32, #tpu.memory_space<vmem>>, vector<1x16xf32>,
          %get3A_576 = arith.index_cast %add3A_565 : i32 to index
          %get3A_577 = arith.constant 16 : index
          %get3A_578 = tpu.vector_load %arg13[%get3A_576, %get3A_577] {strides = array<i32>} : memref<128x64xf32, #tpu.memory_space<vmem>>, vector<1x16xf32>,
          %get3A_579 = vector.shape_cast %get3A_578 : vector<1x16xf32> to vector<16xf32>
          %mul3A_580 = arith.mulf %get3A_579, %gather3A_561 : vector<16xf32>
          %swap3A_581 = arith.index_cast %add3A_565 : i32 to index
          %swap3A_582 = arith.constant 16 : index
          %swap3A_583 = tpu.vector_load %arg15[%swap3A_581, %swap3A_582] {strides = array<i32>} : memref<128x64xf32, #tpu.memory_space<vmem>>, vector<1x16xf32>,
          %swap3A_584 = vector.shape_cast %swap3A_583 : vector<1x16xf32> to vector<16xf32>
          %swap3A_585 = vector.shape_cast %mul3A_580 : vector<16xf32> to vector<1x16xf32>
          tpu.vector_store %arg15[%swap3A_581, %swap3A_582], %swap3A_585 {strides = array<i32>} : memref<128x64xf32, #tpu.memory_space<vmem>>, vector<1x16xf32>,
          %get3A_586 = arith.index_cast %add3A_565 : i32 to index
          %get3A_587 = arith.constant 32 : index
          %get3A_588 = tpu.vector_load %arg13[%get3A_586, %get3A_587] {strides = array<i32>} : memref<128x64xf32, #tpu.memory_space<vmem>>, vector<1x16xf32>,
          %get3A_589 = vector.shape_cast %get3A_588 : vector<1x16xf32> to vector<16xf32>
          %mul3A_590 = arith.mulf %get3A_589, %gather3A_561 : vector<16xf32>
          %swap3A_591 = arith.index_cast %add3A_565 : i32 to index
          %swap3A_592 = arith.constant 32 : index
          %swap3A_593 = tpu.vector_load %arg15[%swap3A_591, %swap3A_592] {strides = array<i32>} : memref<128x64xf32, #tpu.memory_space<vmem>>, vector<1x16xf32>,
          %swap3A_594 = vector.shape_cast %swap3A_593 : vector<1x16xf32> to vector<16xf32>
          %swap3A_595 = vector.shape_cast %mul3A_590 : vector<16xf32> to vector<1x16xf32>
          tpu.vector_store %arg15[%swap3A_591, %swap3A_592], %swap3A_595 {strides = array<i32>} : memref<128x64xf32, #tpu.memory_space<vmem>>, vector<1x16xf32>,
          %get3A_596 = arith.index_cast %add3A_565 : i32 to index
          %get3A_597 = arith.constant 48 : index
          %get3A_598 = tpu.vector_load %arg13[%get3A_596, %get3A_597] {strides = array<i32>} : memref<128x64xf32, #tpu.memory_space<vmem>>, vector<1x16xf32>,
          %get3A_599 = vector.shape_cast %get3A_598 : vector<1x16xf32> to vector<16xf32>
          %mul3A_600 = arith.mulf %get3A_599, %gather3A_561 : vector<16xf32>
          %swap3A_601 = arith.index_cast %add3A_565 : i32 to index
          %swap3A_602 = arith.constant 48 : index
          %swap3A_603 = tpu.vector_load %arg15[%swap3A_601, %swap3A_602] {strides = array<i32>} : memref<128x64xf32, #tpu.memory_space<vmem>>, vector<1x16xf32>,
          %swap3A_604 = vector.shape_cast %swap3A_603 : vector<1x16xf32> to vector<16xf32>
          %swap3A_605 = vector.shape_cast %mul3A_600 : vector<16xf32> to vector<1x16xf32>
          tpu.vector_store %arg15[%swap3A_601, %swap3A_602], %swap3A_605 {strides = array<i32>} : memref<128x64xf32, #tpu.memory_space<vmem>>, vector<1x16xf32>,
          %broadcast_in_dim3A_606 = arith.constant 9 : i32
          %broadcast_in_dim3A_607 = vector.broadcast %broadcast_in_dim3A_606 : i32 to vector<16x1xi32>
          %gather3A_608 = vector.shape_cast %broadcast_in_dim3A_607 : vector<16x1xi32> to vector<16xi32>
          %gather3A_609 = tpu.dynamic_gather %get3A_175[%gather3A_608] in [0] : vector<16xf32>, vector<16xi32> -> vector<16xf32>
          %mul3A_610 = arith.constant 16 : i32
          %mul3A_611 = arith.muli %scan3A_168, %mul3A_610 : i32
          %add3A_612 = arith.constant 9 : i32
          %add3A_613 = arith.addi %mul3A_611, %add3A_612 : i32
          %get3A_614 = arith.index_cast %add3A_613 : i32 to index
          %get3A_615 = arith.constant 0 : index
          %get3A_616 = tpu.vector_load %arg13[%get3A_614, %get3A_615] {strides = array<i32>} : memref<128x64xf32, #tpu.memory_space<vmem>>, vector<1x16xf32>,
          %get3A_617 = vector.shape_cast %get3A_616 : vector<1x16xf32> to vector<16xf32>
          %mul3A_618 = arith.mulf %get3A_617, %gather3A_609 : vector<16xf32>
          %swap3A_619 = arith.index_cast %add3A_613 : i32 to index
          %swap3A_620 = arith.constant 0 : index
          %swap3A_621 = tpu.vector_load %arg15[%swap3A_619, %swap3A_620] {strides = array<i32>} : memref<128x64xf32, #tpu.memory_space<vmem>>, vector<1x16xf32>,
          %swap3A_622 = vector.shape_cast %swap3A_621 : vector<1x16xf32> to vector<16xf32>
          %swap3A_623 = vector.shape_cast %mul3A_618 : vector<16xf32> to vector<1x16xf32>
          tpu.vector_store %arg15[%swap3A_619, %swap3A_620], %swap3A_623 {strides = array<i32>} : memref<128x64xf32, #tpu.memory_space<vmem>>, vector<1x16xf32>,
          %get3A_624 = arith.index_cast %add3A_613 : i32 to index
          %get3A_625 = arith.constant 16 : index
          %get3A_626 = tpu.vector_load %arg13[%get3A_624, %get3A_625] {strides = array<i32>} : memref<128x64xf32, #tpu.memory_space<vmem>>, vector<1x16xf32>,
          %get3A_627 = vector.shape_cast %get3A_626 : vector<1x16xf32> to vector<16xf32>
          %mul3A_628 = arith.mulf %get3A_627, %gather3A_609 : vector<16xf32>
          %swap3A_629 = arith.index_cast %add3A_613 : i32 to index
          %swap3A_630 = arith.constant 16 : index
          %swap3A_631 = tpu.vector_load %arg15[%swap3A_629, %swap3A_630] {strides = array<i32>} : memref<128x64xf32, #tpu.memory_space<vmem>>, vector<1x16xf32>,
          %swap3A_632 = vector.shape_cast %swap3A_631 : vector<1x16xf32> to vector<16xf32>
          %swap3A_633 = vector.shape_cast %mul3A_628 : vector<16xf32> to vector<1x16xf32>
          tpu.vector_store %arg15[%swap3A_629, %swap3A_630], %swap3A_633 {strides = array<i32>} : memref<128x64xf32, #tpu.memory_space<vmem>>, vector<1x16xf32>,
          %get3A_634 = arith.index_cast %add3A_613 : i32 to index
          %get3A_635 = arith.constant 32 : index
          %get3A_636 = tpu.vector_load %arg13[%get3A_634, %get3A_635] {strides = array<i32>} : memref<128x64xf32, #tpu.memory_space<vmem>>, vector<1x16xf32>,
          %get3A_637 = vector.shape_cast %get3A_636 : vector<1x16xf32> to vector<16xf32>
          %mul3A_638 = arith.mulf %get3A_637, %gather3A_609 : vector<16xf32>
          %swap3A_639 = arith.index_cast %add3A_613 : i32 to index
          %swap3A_640 = arith.constant 32 : index
          %swap3A_641 = tpu.vector_load %arg15[%swap3A_639, %swap3A_640] {strides = array<i32>} : memref<128x64xf32, #tpu.memory_space<vmem>>, vector<1x16xf32>,
          %swap3A_642 = vector.shape_cast %swap3A_641 : vector<1x16xf32> to vector<16xf32>
          %swap3A_643 = vector.shape_cast %mul3A_638 : vector<16xf32> to vector<1x16xf32>
          tpu.vector_store %arg15[%swap3A_639, %swap3A_640], %swap3A_643 {strides = array<i32>} : memref<128x64xf32, #tpu.memory_space<vmem>>, vector<1x16xf32>,
          %get3A_644 = arith.index_cast %add3A_613 : i32 to index
          %get3A_645 = arith.constant 48 : index
          %get3A_646 = tpu.vector_load %arg13[%get3A_644, %get3A_645] {strides = array<i32>} : memref<128x64xf32, #tpu.memory_space<vmem>>, vector<1x16xf32>,
          %get3A_647 = vector.shape_cast %get3A_646 : vector<1x16xf32> to vector<16xf32>
          %mul3A_648 = arith.mulf %get3A_647, %gather3A_609 : vector<16xf32>
          %swap3A_649 = arith.index_cast %add3A_613 : i32 to index
          %swap3A_650 = arith.constant 48 : index
          %swap3A_651 = tpu.vector_load %arg15[%swap3A_649, %swap3A_650] {strides = array<i32>} : memref<128x64xf32, #tpu.memory_space<vmem>>, vector<1x16xf32>,
          %swap3A_652 = vector.shape_cast %swap3A_651 : vector<1x16xf32> to vector<16xf32>
          %swap3A_653 = vector.shape_cast %mul3A_648 : vector<16xf32> to vector<1x16xf32>
          tpu.vector_store %arg15[%swap3A_649, %swap3A_650], %swap3A_653 {strides = array<i32>} : memref<128x64xf32, #tpu.memory_space<vmem>>, vector<1x16xf32>,
          %broadcast_in_dim3A_654 = arith.constant 10 : i32
          %broadcast_in_dim3A_655 = vector.broadcast %broadcast_in_dim3A_654 : i32 to vector<16x1xi32>
          %gather3A_656 = vector.shape_cast %broadcast_in_dim3A_655 : vector<16x1xi32> to vector<16xi32>
          %gather3A_657 = tpu.dynamic_gather %get3A_175[%gather3A_656] in [0] : vector<16xf32>, vector<16xi32> -> vector<16xf32>
          %mul3A_658 = arith.constant 16 : i32
          %mul3A_659 = arith.muli %scan3A_168, %mul3A_658 : i32
          %add3A_660 = arith.constant 10 : i32
          %add3A_661 = arith.addi %mul3A_659, %add3A_660 : i32
          %get3A_662 = arith.index_cast %add3A_661 : i32 to index
          %get3A_663 = arith.constant 0 : index
          %get3A_664 = tpu.vector_load %arg13[%get3A_662, %get3A_663] {strides = array<i32>} : memref<128x64xf32, #tpu.memory_space<vmem>>, vector<1x16xf32>,
          %get3A_665 = vector.shape_cast %get3A_664 : vector<1x16xf32> to vector<16xf32>
          %mul3A_666 = arith.mulf %get3A_665, %gather3A_657 : vector<16xf32>
          %swap3A_667 = arith.index_cast %add3A_661 : i32 to index
          %swap3A_668 = arith.constant 0 : index
          %swap3A_669 = tpu.vector_load %arg15[%swap3A_667, %swap3A_668] {strides = array<i32>} : memref<128x64xf32, #tpu.memory_space<vmem>>, vector<1x16xf32>,
          %swap3A_670 = vector.shape_cast %swap3A_669 : vector<1x16xf32> to vector<16xf32>
          %swap3A_671 = vector.shape_cast %mul3A_666 : vector<16xf32> to vector<1x16xf32>
          tpu.vector_store %arg15[%swap3A_667, %swap3A_668], %swap3A_671 {strides = array<i32>} : memref<128x64xf32, #tpu.memory_space<vmem>>, vector<1x16xf32>,
          %get3A_672 = arith.index_cast %add3A_661 : i32 to index
          %get3A_673 = arith.constant 16 : index
          %get3A_674 = tpu.vector_load %arg13[%get3A_672, %get3A_673] {strides = array<i32>} : memref<128x64xf32, #tpu.memory_space<vmem>>, vector<1x16xf32>,
          %get3A_675 = vector.shape_cast %get3A_674 : vector<1x16xf32> to vector<16xf32>
          %mul3A_676 = arith.mulf %get3A_675, %gather3A_657 : vector<16xf32>
          %swap3A_677 = arith.index_cast %add3A_661 : i32 to index
          %swap3A_678 = arith.constant 16 : index
          %swap3A_679 = tpu.vector_load %arg15[%swap3A_677, %swap3A_678] {strides = array<i32>} : memref<128x64xf32, #tpu.memory_space<vmem>>, vector<1x16xf32>,
          %swap3A_680 = vector.shape_cast %swap3A_679 : vector<1x16xf32> to vector<16xf32>
          %swap3A_681 = vector.shape_cast %mul3A_676 : vector<16xf32> to vector<1x16xf32>
          tpu.vector_store %arg15[%swap3A_677, %swap3A_678], %swap3A_681 {strides = array<i32>} : memref<128x64xf32, #tpu.memory_space<vmem>>, vector<1x16xf32>,
          %get3A_682 = arith.index_cast %add3A_661 : i32 to index
          %get3A_683 = arith.constant 32 : index
          %get3A_684 = tpu.vector_load %arg13[%get3A_682, %get3A_683] {strides = array<i32>} : memref<128x64xf32, #tpu.memory_space<vmem>>, vector<1x16xf32>,
          %get3A_685 = vector.shape_cast %get3A_684 : vector<1x16xf32> to vector<16xf32>
          %mul3A_686 = arith.mulf %get3A_685, %gather3A_657 : vector<16xf32>
          %swap3A_687 = arith.index_cast %add3A_661 : i32 to index
          %swap3A_688 = arith.constant 32 : index
          %swap3A_689 = tpu.vector_load %arg15[%swap3A_687, %swap3A_688] {strides = array<i32>} : memref<128x64xf32, #tpu.memory_space<vmem>>, vector<1x16xf32>,
          %swap3A_690 = vector.shape_cast %swap3A_689 : vector<1x16xf32> to vector<16xf32>
          %swap3A_691 = vector.shape_cast %mul3A_686 : vector<16xf32> to vector<1x16xf32>
          tpu.vector_store %arg15[%swap3A_687, %swap3A_688], %swap3A_691 {strides = array<i32>} : memref<128x64xf32, #tpu.memory_space<vmem>>, vector<1x16xf32>,
          %get3A_692 = arith.index_cast %add3A_661 : i32 to index
          %get3A_693 = arith.constant 48 : index
          %get3A_694 = tpu.vector_load %arg13[%get3A_692, %get3A_693] {strides = array<i32>} : memref<128x64xf32, #tpu.memory_space<vmem>>, vector<1x16xf32>,
          %get3A_695 = vector.shape_cast %get3A_694 : vector<1x16xf32> to vector<16xf32>
          %mul3A_696 = arith.mulf %get3A_695, %gather3A_657 : vector<16xf32>
          %swap3A_697 = arith.index_cast %add3A_661 : i32 to index
          %swap3A_698 = arith.constant 48 : index
          %swap3A_699 = tpu.vector_load %arg15[%swap3A_697, %swap3A_698] {strides = array<i32>} : memref<128x64xf32, #tpu.memory_space<vmem>>, vector<1x16xf32>,
          %swap3A_700 = vector.shape_cast %swap3A_699 : vector<1x16xf32> to vector<16xf32>
          %swap3A_701 = vector.shape_cast %mul3A_696 : vector<16xf32> to vector<1x16xf32>
          tpu.vector_store %arg15[%swap3A_697, %swap3A_698], %swap3A_701 {strides = array<i32>} : memref<128x64xf32, #tpu.memory_space<vmem>>, vector<1x16xf32>,
          %broadcast_in_dim3A_702 = arith.constant 11 : i32
          %broadcast_in_dim3A_703 = vector.broadcast %broadcast_in_dim3A_702 : i32 to vector<16x1xi32>
          %gather3A_704 = vector.shape_cast %broadcast_in_dim3A_703 : vector<16x1xi32> to vector<16xi32>
          %gather3A_705 = tpu.dynamic_gather %get3A_175[%gather3A_704] in [0] : vector<16xf32>, vector<16xi32> -> vector<16xf32>
          %mul3A_706 = arith.constant 16 : i32
          %mul3A_707 = arith.muli %scan3A_168, %mul3A_706 : i32
          %add3A_708 = arith.constant 11 : i32
          %add3A_709 = arith.addi %mul3A_707, %add3A_708 : i32
          %get3A_710 = arith.index_cast %add3A_709 : i32 to index
          %get3A_711 = arith.constant 0 : index
          %get3A_712 = tpu.vector_load %arg13[%get3A_710, %get3A_711] {strides = array<i32>} : memref<128x64xf32, #tpu.memory_space<vmem>>, vector<1x16xf32>,
          %get3A_713 = vector.shape_cast %get3A_712 : vector<1x16xf32> to vector<16xf32>
          %mul3A_714 = arith.mulf %get3A_713, %gather3A_705 : vector<16xf32>
          %swap3A_715 = arith.index_cast %add3A_709 : i32 to index
          %swap3A_716 = arith.constant 0 : index
          %swap3A_717 = tpu.vector_load %arg15[%swap3A_715, %swap3A_716] {strides = array<i32>} : memref<128x64xf32, #tpu.memory_space<vmem>>, vector<1x16xf32>,
          %swap3A_718 = vector.shape_cast %swap3A_717 : vector<1x16xf32> to vector<16xf32>
          %swap3A_719 = vector.shape_cast %mul3A_714 : vector<16xf32> to vector<1x16xf32>
          tpu.vector_store %arg15[%swap3A_715, %swap3A_716], %swap3A_719 {strides = array<i32>} : memref<128x64xf32, #tpu.memory_space<vmem>>, vector<1x16xf32>,
          %get3A_720 = arith.index_cast %add3A_709 : i32 to index
          %get3A_721 = arith.constant 16 : index
          %get3A_722 = tpu.vector_load %arg13[%get3A_720, %get3A_721] {strides = array<i32>} : memref<128x64xf32, #tpu.memory_space<vmem>>, vector<1x16xf32>,
          %get3A_723 = vector.shape_cast %get3A_722 : vector<1x16xf32> to vector<16xf32>
          %mul3A_724 = arith.mulf %get3A_723, %gather3A_705 : vector<16xf32>
          %swap3A_725 = arith.index_cast %add3A_709 : i32 to index
          %swap3A_726 = arith.constant 16 : index
          %swap3A_727 = tpu.vector_load %arg15[%swap3A_725, %swap3A_726] {strides = array<i32>} : memref<128x64xf32, #tpu.memory_space<vmem>>, vector<1x16xf32>,
          %swap3A_728 = vector.shape_cast %swap3A_727 : vector<1x16xf32> to vector<16xf32>
          %swap3A_729 = vector.shape_cast %mul3A_724 : vector<16xf32> to vector<1x16xf32>
          tpu.vector_store %arg15[%swap3A_725, %swap3A_726], %swap3A_729 {strides = array<i32>} : memref<128x64xf32, #tpu.memory_space<vmem>>, vector<1x16xf32>,
          %get3A_730 = arith.index_cast %add3A_709 : i32 to index
          %get3A_731 = arith.constant 32 : index
          %get3A_732 = tpu.vector_load %arg13[%get3A_730, %get3A_731] {strides = array<i32>} : memref<128x64xf32, #tpu.memory_space<vmem>>, vector<1x16xf32>,
          %get3A_733 = vector.shape_cast %get3A_732 : vector<1x16xf32> to vector<16xf32>
          %mul3A_734 = arith.mulf %get3A_733, %gather3A_705 : vector<16xf32>
          %swap3A_735 = arith.index_cast %add3A_709 : i32 to index
          %swap3A_736 = arith.constant 32 : index
          %swap3A_737 = tpu.vector_load %arg15[%swap3A_735, %swap3A_736] {strides = array<i32>} : memref<128x64xf32, #tpu.memory_space<vmem>>, vector<1x16xf32>,
          %swap3A_738 = vector.shape_cast %swap3A_737 : vector<1x16xf32> to vector<16xf32>
          %swap3A_739 = vector.shape_cast %mul3A_734 : vector<16xf32> to vector<1x16xf32>
          tpu.vector_store %arg15[%swap3A_735, %swap3A_736], %swap3A_739 {strides = array<i32>} : memref<128x64xf32, #tpu.memory_space<vmem>>, vector<1x16xf32>,
          %get3A_740 = arith.index_cast %add3A_709 : i32 to index
          %get3A_741 = arith.constant 48 : index
          %get3A_742 = tpu.vector_load %arg13[%get3A_740, %get3A_741] {strides = array<i32>} : memref<128x64xf32, #tpu.memory_space<vmem>>, vector<1x16xf32>,
          %get3A_743 = vector.shape_cast %get3A_742 : vector<1x16xf32> to vector<16xf32>
          %mul3A_744 = arith.mulf %get3A_743, %gather3A_705 : vector<16xf32>
          %swap3A_745 = arith.index_cast %add3A_709 : i32 to index
          %swap3A_746 = arith.constant 48 : index
          %swap3A_747 = tpu.vector_load %arg15[%swap3A_745, %swap3A_746] {strides = array<i32>} : memref<128x64xf32, #tpu.memory_space<vmem>>, vector<1x16xf32>,
          %swap3A_748 = vector.shape_cast %swap3A_747 : vector<1x16xf32> to vector<16xf32>
          %swap3A_749 = vector.shape_cast %mul3A_744 : vector<16xf32> to vector<1x16xf32>
          tpu.vector_store %arg15[%swap3A_745, %swap3A_746], %swap3A_749 {strides = array<i32>} : memref<128x64xf32, #tpu.memory_space<vmem>>, vector<1x16xf32>,
          %broadcast_in_dim3A_750 = arith.constant 12 : i32
          %broadcast_in_dim3A_751 = vector.broadcast %broadcast_in_dim3A_750 : i32 to vector<16x1xi32>
          %gather3A_752 = vector.shape_cast %broadcast_in_dim3A_751 : vector<16x1xi32> to vector<16xi32>
          %gather3A_753 = tpu.dynamic_gather %get3A_175[%gather3A_752] in [0] : vector<16xf32>, vector<16xi32> -> vector<16xf32>
          %mul3A_754 = arith.constant 16 : i32
          %mul3A_755 = arith.muli %scan3A_168, %mul3A_754 : i32
          %add3A_756 = arith.constant 12 : i32
          %add3A_757 = arith.addi %mul3A_755, %add3A_756 : i32
          %get3A_758 = arith.index_cast %add3A_757 : i32 to index
          %get3A_759 = arith.constant 0 : index
          %get3A_760 = tpu.vector_load %arg13[%get3A_758, %get3A_759] {strides = array<i32>} : memref<128x64xf32, #tpu.memory_space<vmem>>, vector<1x16xf32>,
          %get3A_761 = vector.shape_cast %get3A_760 : vector<1x16xf32> to vector<16xf32>
          %mul3A_762 = arith.mulf %get3A_761, %gather3A_753 : vector<16xf32>
          %swap3A_763 = arith.index_cast %add3A_757 : i32 to index
          %swap3A_764 = arith.constant 0 : index
          %swap3A_765 = tpu.vector_load %arg15[%swap3A_763, %swap3A_764] {strides = array<i32>} : memref<128x64xf32, #tpu.memory_space<vmem>>, vector<1x16xf32>,
          %swap3A_766 = vector.shape_cast %swap3A_765 : vector<1x16xf32> to vector<16xf32>
          %swap3A_767 = vector.shape_cast %mul3A_762 : vector<16xf32> to vector<1x16xf32>
          tpu.vector_store %arg15[%swap3A_763, %swap3A_764], %swap3A_767 {strides = array<i32>} : memref<128x64xf32, #tpu.memory_space<vmem>>, vector<1x16xf32>,
          %get3A_768 = arith.index_cast %add3A_757 : i32 to index
          %get3A_769 = arith.constant 16 : index
          %get3A_770 = tpu.vector_load %arg13[%get3A_768, %get3A_769] {strides = array<i32>} : memref<128x64xf32, #tpu.memory_space<vmem>>, vector<1x16xf32>,
          %get3A_771 = vector.shape_cast %get3A_770 : vector<1x16xf32> to vector<16xf32>
          %mul3A_772 = arith.mulf %get3A_771, %gather3A_753 : vector<16xf32>
          %swap3A_773 = arith.index_cast %add3A_757 : i32 to index
          %swap3A_774 = arith.constant 16 : index
          %swap3A_775 = tpu.vector_load %arg15[%swap3A_773, %swap3A_774] {strides = array<i32>} : memref<128x64xf32, #tpu.memory_space<vmem>>, vector<1x16xf32>,
          %swap3A_776 = vector.shape_cast %swap3A_775 : vector<1x16xf32> to vector<16xf32>
          %swap3A_777 = vector.shape_cast %mul3A_772 : vector<16xf32> to vector<1x16xf32>
          tpu.vector_store %arg15[%swap3A_773, %swap3A_774], %swap3A_777 {strides = array<i32>} : memref<128x64xf32, #tpu.memory_space<vmem>>, vector<1x16xf32>,
          %get3A_778 = arith.index_cast %add3A_757 : i32 to index
          %get3A_779 = arith.constant 32 : index
          %get3A_780 = tpu.vector_load %arg13[%get3A_778, %get3A_779] {strides = array<i32>} : memref<128x64xf32, #tpu.memory_space<vmem>>, vector<1x16xf32>,
          %get3A_781 = vector.shape_cast %get3A_780 : vector<1x16xf32> to vector<16xf32>
          %mul3A_782 = arith.mulf %get3A_781, %gather3A_753 : vector<16xf32>
          %swap3A_783 = arith.index_cast %add3A_757 : i32 to index
          %swap3A_784 = arith.constant 32 : index
          %swap3A_785 = tpu.vector_load %arg15[%swap3A_783, %swap3A_784] {strides = array<i32>} : memref<128x64xf32, #tpu.memory_space<vmem>>, vector<1x16xf32>,
          %swap3A_786 = vector.shape_cast %swap3A_785 : vector<1x16xf32> to vector<16xf32>
          %swap3A_787 = vector.shape_cast %mul3A_782 : vector<16xf32> to vector<1x16xf32>
          tpu.vector_store %arg15[%swap3A_783, %swap3A_784], %swap3A_787 {strides = array<i32>} : memref<128x64xf32, #tpu.memory_space<vmem>>, vector<1x16xf32>,
          %get3A_788 = arith.index_cast %add3A_757 : i32 to index
          %get3A_789 = arith.constant 48 : index
          %get3A_790 = tpu.vector_load %arg13[%get3A_788, %get3A_789] {strides = array<i32>} : memref<128x64xf32, #tpu.memory_space<vmem>>, vector<1x16xf32>,
          %get3A_791 = vector.shape_cast %get3A_790 : vector<1x16xf32> to vector<16xf32>
          %mul3A_792 = arith.mulf %get3A_791, %gather3A_753 : vector<16xf32>
          %swap3A_793 = arith.index_cast %add3A_757 : i32 to index
          %swap3A_794 = arith.constant 48 : index
          %swap3A_795 = tpu.vector_load %arg15[%swap3A_793, %swap3A_794] {strides = array<i32>} : memref<128x64xf32, #tpu.memory_space<vmem>>, vector<1x16xf32>,
          %swap3A_796 = vector.shape_cast %swap3A_795 : vector<1x16xf32> to vector<16xf32>
          %swap3A_797 = vector.shape_cast %mul3A_792 : vector<16xf32> to vector<1x16xf32>
          tpu.vector_store %arg15[%swap3A_793, %swap3A_794], %swap3A_797 {strides = array<i32>} : memref<128x64xf32, #tpu.memory_space<vmem>>, vector<1x16xf32>,
          %broadcast_in_dim3A_798 = arith.constant 13 : i32
          %broadcast_in_dim3A_799 = vector.broadcast %broadcast_in_dim3A_798 : i32 to vector<16x1xi32>
          %gather3A_800 = vector.shape_cast %broadcast_in_dim3A_799 : vector<16x1xi32> to vector<16xi32>
          %gather3A_801 = tpu.dynamic_gather %get3A_175[%gather3A_800] in [0] : vector<16xf32>, vector<16xi32> -> vector<16xf32>
          %mul3A_802 = arith.constant 16 : i32
          %mul3A_803 = arith.muli %scan3A_168, %mul3A_802 : i32
          %add3A_804 = arith.constant 13 : i32
          %add3A_805 = arith.addi %mul3A_803, %add3A_804 : i32
          %get3A_806 = arith.index_cast %add3A_805 : i32 to index
          %get3A_807 = arith.constant 0 : index
          %get3A_808 = tpu.vector_load %arg13[%get3A_806, %get3A_807] {strides = array<i32>} : memref<128x64xf32, #tpu.memory_space<vmem>>, vector<1x16xf32>,
          %get3A_809 = vector.shape_cast %get3A_808 : vector<1x16xf32> to vector<16xf32>
          %mul3A_810 = arith.mulf %get3A_809, %gather3A_801 : vector<16xf32>
          %swap3A_811 = arith.index_cast %add3A_805 : i32 to index
          %swap3A_812 = arith.constant 0 : index
          %swap3A_813 = tpu.vector_load %arg15[%swap3A_811, %swap3A_812] {strides = array<i32>} : memref<128x64xf32, #tpu.memory_space<vmem>>, vector<1x16xf32>,
          %swap3A_814 = vector.shape_cast %swap3A_813 : vector<1x16xf32> to vector<16xf32>
          %swap3A_815 = vector.shape_cast %mul3A_810 : vector<16xf32> to vector<1x16xf32>
          tpu.vector_store %arg15[%swap3A_811, %swap3A_812], %swap3A_815 {strides = array<i32>} : memref<128x64xf32, #tpu.memory_space<vmem>>, vector<1x16xf32>,
          %get3A_816 = arith.index_cast %add3A_805 : i32 to index
          %get3A_817 = arith.constant 16 : index
          %get3A_818 = tpu.vector_load %arg13[%get3A_816, %get3A_817] {strides = array<i32>} : memref<128x64xf32, #tpu.memory_space<vmem>>, vector<1x16xf32>,
          %get3A_819 = vector.shape_cast %get3A_818 : vector<1x16xf32> to vector<16xf32>
          %mul3A_820 = arith.mulf %get3A_819, %gather3A_801 : vector<16xf32>
          %swap3A_821 = arith.index_cast %add3A_805 : i32 to index
          %swap3A_822 = arith.constant 16 : index
          %swap3A_823 = tpu.vector_load %arg15[%swap3A_821, %swap3A_822] {strides = array<i32>} : memref<128x64xf32, #tpu.memory_space<vmem>>, vector<1x16xf32>,
          %swap3A_824 = vector.shape_cast %swap3A_823 : vector<1x16xf32> to vector<16xf32>
          %swap3A_825 = vector.shape_cast %mul3A_820 : vector<16xf32> to vector<1x16xf32>
          tpu.vector_store %arg15[%swap3A_821, %swap3A_822], %swap3A_825 {strides = array<i32>} : memref<128x64xf32, #tpu.memory_space<vmem>>, vector<1x16xf32>,
          %get3A_826 = arith.index_cast %add3A_805 : i32 to index
          %get3A_827 = arith.constant 32 : index
          %get3A_828 = tpu.vector_load %arg13[%get3A_826, %get3A_827] {strides = array<i32>} : memref<128x64xf32, #tpu.memory_space<vmem>>, vector<1x16xf32>,
          %get3A_829 = vector.shape_cast %get3A_828 : vector<1x16xf32> to vector<16xf32>
          %mul3A_830 = arith.mulf %get3A_829, %gather3A_801 : vector<16xf32>
          %swap3A_831 = arith.index_cast %add3A_805 : i32 to index
          %swap3A_832 = arith.constant 32 : index
          %swap3A_833 = tpu.vector_load %arg15[%swap3A_831, %swap3A_832] {strides = array<i32>} : memref<128x64xf32, #tpu.memory_space<vmem>>, vector<1x16xf32>,
          %swap3A_834 = vector.shape_cast %swap3A_833 : vector<1x16xf32> to vector<16xf32>
          %swap3A_835 = vector.shape_cast %mul3A_830 : vector<16xf32> to vector<1x16xf32>
          tpu.vector_store %arg15[%swap3A_831, %swap3A_832], %swap3A_835 {strides = array<i32>} : memref<128x64xf32, #tpu.memory_space<vmem>>, vector<1x16xf32>,
          %get3A_836 = arith.index_cast %add3A_805 : i32 to index
          %get3A_837 = arith.constant 48 : index
          %get3A_838 = tpu.vector_load %arg13[%get3A_836, %get3A_837] {strides = array<i32>} : memref<128x64xf32, #tpu.memory_space<vmem>>, vector<1x16xf32>,
          %get3A_839 = vector.shape_cast %get3A_838 : vector<1x16xf32> to vector<16xf32>
          %mul3A_840 = arith.mulf %get3A_839, %gather3A_801 : vector<16xf32>
          %swap3A_841 = arith.index_cast %add3A_805 : i32 to index
          %swap3A_842 = arith.constant 48 : index
          %swap3A_843 = tpu.vector_load %arg15[%swap3A_841, %swap3A_842] {strides = array<i32>} : memref<128x64xf32, #tpu.memory_space<vmem>>, vector<1x16xf32>,
          %swap3A_844 = vector.shape_cast %swap3A_843 : vector<1x16xf32> to vector<16xf32>
          %swap3A_845 = vector.shape_cast %mul3A_840 : vector<16xf32> to vector<1x16xf32>
          tpu.vector_store %arg15[%swap3A_841, %swap3A_842], %swap3A_845 {strides = array<i32>} : memref<128x64xf32, #tpu.memory_space<vmem>>, vector<1x16xf32>,
          %broadcast_in_dim3A_846 = arith.constant 14 : i32
          %broadcast_in_dim3A_847 = vector.broadcast %broadcast_in_dim3A_846 : i32 to vector<16x1xi32>
          %gather3A_848 = vector.shape_cast %broadcast_in_dim3A_847 : vector<16x1xi32> to vector<16xi32>
          %gather3A_849 = tpu.dynamic_gather %get3A_175[%gather3A_848] in [0] : vector<16xf32>, vector<16xi32> -> vector<16xf32>
          %mul3A_850 = arith.constant 16 : i32
          %mul3A_851 = arith.muli %scan3A_168, %mul3A_850 : i32
          %add3A_852 = arith.constant 14 : i32
          %add3A_853 = arith.addi %mul3A_851, %add3A_852 : i32
          %get3A_854 = arith.index_cast %add3A_853 : i32 to index
          %get3A_855 = arith.constant 0 : index
          %get3A_856 = tpu.vector_load %arg13[%get3A_854, %get3A_855] {strides = array<i32>} : memref<128x64xf32, #tpu.memory_space<vmem>>, vector<1x16xf32>,
          %get3A_857 = vector.shape_cast %get3A_856 : vector<1x16xf32> to vector<16xf32>
          %mul3A_858 = arith.mulf %get3A_857, %gather3A_849 : vector<16xf32>
          %swap3A_859 = arith.index_cast %add3A_853 : i32 to index
          %swap3A_860 = arith.constant 0 : index
          %swap3A_861 = tpu.vector_load %arg15[%swap3A_859, %swap3A_860] {strides = array<i32>} : memref<128x64xf32, #tpu.memory_space<vmem>>, vector<1x16xf32>,
          %swap3A_862 = vector.shape_cast %swap3A_861 : vector<1x16xf32> to vector<16xf32>
          %swap3A_863 = vector.shape_cast %mul3A_858 : vector<16xf32> to vector<1x16xf32>
          tpu.vector_store %arg15[%swap3A_859, %swap3A_860], %swap3A_863 {strides = array<i32>} : memref<128x64xf32, #tpu.memory_space<vmem>>, vector<1x16xf32>,
          %get3A_864 = arith.index_cast %add3A_853 : i32 to index
          %get3A_865 = arith.constant 16 : index
          %get3A_866 = tpu.vector_load %arg13[%get3A_864, %get3A_865] {strides = array<i32>} : memref<128x64xf32, #tpu.memory_space<vmem>>, vector<1x16xf32>,
          %get3A_867 = vector.shape_cast %get3A_866 : vector<1x16xf32> to vector<16xf32>
          %mul3A_868 = arith.mulf %get3A_867, %gather3A_849 : vector<16xf32>
          %swap3A_869 = arith.index_cast %add3A_853 : i32 to index
          %swap3A_870 = arith.constant 16 : index
          %swap3A_871 = tpu.vector_load %arg15[%swap3A_869, %swap3A_870] {strides = array<i32>} : memref<128x64xf32, #tpu.memory_space<vmem>>, vector<1x16xf32>,
          %swap3A_872 = vector.shape_cast %swap3A_871 : vector<1x16xf32> to vector<16xf32>
          %swap3A_873 = vector.shape_cast %mul3A_868 : vector<16xf32> to vector<1x16xf32>
          tpu.vector_store %arg15[%swap3A_869, %swap3A_870], %swap3A_873 {strides = array<i32>} : memref<128x64xf32, #tpu.memory_space<vmem>>, vector<1x16xf32>,
          %get3A_874 = arith.index_cast %add3A_853 : i32 to index
          %get3A_875 = arith.constant 32 : index
          %get3A_876 = tpu.vector_load %arg13[%get3A_874, %get3A_875] {strides = array<i32>} : memref<128x64xf32, #tpu.memory_space<vmem>>, vector<1x16xf32>,
          %get3A_877 = vector.shape_cast %get3A_876 : vector<1x16xf32> to vector<16xf32>
          %mul3A_878 = arith.mulf %get3A_877, %gather3A_849 : vector<16xf32>
          %swap3A_879 = arith.index_cast %add3A_853 : i32 to index
          %swap3A_880 = arith.constant 32 : index
          %swap3A_881 = tpu.vector_load %arg15[%swap3A_879, %swap3A_880] {strides = array<i32>} : memref<128x64xf32, #tpu.memory_space<vmem>>, vector<1x16xf32>,
          %swap3A_882 = vector.shape_cast %swap3A_881 : vector<1x16xf32> to vector<16xf32>
          %swap3A_883 = vector.shape_cast %mul3A_878 : vector<16xf32> to vector<1x16xf32>
          tpu.vector_store %arg15[%swap3A_879, %swap3A_880], %swap3A_883 {strides = array<i32>} : memref<128x64xf32, #tpu.memory_space<vmem>>, vector<1x16xf32>,
          %get3A_884 = arith.index_cast %add3A_853 : i32 to index
          %get3A_885 = arith.constant 48 : index
          %get3A_886 = tpu.vector_load %arg13[%get3A_884, %get3A_885] {strides = array<i32>} : memref<128x64xf32, #tpu.memory_space<vmem>>, vector<1x16xf32>,
          %get3A_887 = vector.shape_cast %get3A_886 : vector<1x16xf32> to vector<16xf32>
          %mul3A_888 = arith.mulf %get3A_887, %gather3A_849 : vector<16xf32>
          %swap3A_889 = arith.index_cast %add3A_853 : i32 to index
          %swap3A_890 = arith.constant 48 : index
          %swap3A_891 = tpu.vector_load %arg15[%swap3A_889, %swap3A_890] {strides = array<i32>} : memref<128x64xf32, #tpu.memory_space<vmem>>, vector<1x16xf32>,
          %swap3A_892 = vector.shape_cast %swap3A_891 : vector<1x16xf32> to vector<16xf32>
          %swap3A_893 = vector.shape_cast %mul3A_888 : vector<16xf32> to vector<1x16xf32>
          tpu.vector_store %arg15[%swap3A_889, %swap3A_890], %swap3A_893 {strides = array<i32>} : memref<128x64xf32, #tpu.memory_space<vmem>>, vector<1x16xf32>,
          %broadcast_in_dim3A_894 = arith.constant 15 : i32
          %broadcast_in_dim3A_895 = vector.broadcast %broadcast_in_dim3A_894 : i32 to vector<16x1xi32>
          %gather3A_896 = vector.shape_cast %broadcast_in_dim3A_895 : vector<16x1xi32> to vector<16xi32>
          %gather3A_897 = tpu.dynamic_gather %get3A_175[%gather3A_896] in [0] : vector<16xf32>, vector<16xi32> -> vector<16xf32>
          %mul3A_898 = arith.constant 16 : i32
          %mul3A_899 = arith.muli %scan3A_168, %mul3A_898 : i32
          %add3A_900 = arith.constant 15 : i32
          %add3A_901 = arith.addi %mul3A_899, %add3A_900 : i32
          %get3A_902 = arith.index_cast %add3A_901 : i32 to index
          %get3A_903 = arith.constant 0 : index
          %get3A_904 = tpu.vector_load %arg13[%get3A_902, %get3A_903] {strides = array<i32>} : memref<128x64xf32, #tpu.memory_space<vmem>>, vector<1x16xf32>,
          %get3A_905 = vector.shape_cast %get3A_904 : vector<1x16xf32> to vector<16xf32>
          %mul3A_906 = arith.mulf %get3A_905, %gather3A_897 : vector<16xf32>
          %swap3A_907 = arith.index_cast %add3A_901 : i32 to index
          %swap3A_908 = arith.constant 0 : index
          %swap3A_909 = tpu.vector_load %arg15[%swap3A_907, %swap3A_908] {strides = array<i32>} : memref<128x64xf32, #tpu.memory_space<vmem>>, vector<1x16xf32>,
          %swap3A_910 = vector.shape_cast %swap3A_909 : vector<1x16xf32> to vector<16xf32>
          %swap3A_911 = vector.shape_cast %mul3A_906 : vector<16xf32> to vector<1x16xf32>
          tpu.vector_store %arg15[%swap3A_907, %swap3A_908], %swap3A_911 {strides = array<i32>} : memref<128x64xf32, #tpu.memory_space<vmem>>, vector<1x16xf32>,
          %get3A_912 = arith.index_cast %add3A_901 : i32 to index
          %get3A_913 = arith.constant 16 : index
          %get3A_914 = tpu.vector_load %arg13[%get3A_912, %get3A_913] {strides = array<i32>} : memref<128x64xf32, #tpu.memory_space<vmem>>, vector<1x16xf32>,
          %get3A_915 = vector.shape_cast %get3A_914 : vector<1x16xf32> to vector<16xf32>
          %mul3A_916 = arith.mulf %get3A_915, %gather3A_897 : vector<16xf32>
          %swap3A_917 = arith.index_cast %add3A_901 : i32 to index
          %swap3A_918 = arith.constant 16 : index
          %swap3A_919 = tpu.vector_load %arg15[%swap3A_917, %swap3A_918] {strides = array<i32>} : memref<128x64xf32, #tpu.memory_space<vmem>>, vector<1x16xf32>,
          %swap3A_920 = vector.shape_cast %swap3A_919 : vector<1x16xf32> to vector<16xf32>
          %swap3A_921 = vector.shape_cast %mul3A_916 : vector<16xf32> to vector<1x16xf32>
          tpu.vector_store %arg15[%swap3A_917, %swap3A_918], %swap3A_921 {strides = array<i32>} : memref<128x64xf32, #tpu.memory_space<vmem>>, vector<1x16xf32>,
          %get3A_922 = arith.index_cast %add3A_901 : i32 to index
          %get3A_923 = arith.constant 32 : index
          %get3A_924 = tpu.vector_load %arg13[%get3A_922, %get3A_923] {strides = array<i32>} : memref<128x64xf32, #tpu.memory_space<vmem>>, vector<1x16xf32>,
          %get3A_925 = vector.shape_cast %get3A_924 : vector<1x16xf32> to vector<16xf32>
          %mul3A_926 = arith.mulf %get3A_925, %gather3A_897 : vector<16xf32>
          %swap3A_927 = arith.index_cast %add3A_901 : i32 to index
          %swap3A_928 = arith.constant 32 : index
          %swap3A_929 = tpu.vector_load %arg15[%swap3A_927, %swap3A_928] {strides = array<i32>} : memref<128x64xf32, #tpu.memory_space<vmem>>, vector<1x16xf32>,
          %swap3A_930 = vector.shape_cast %swap3A_929 : vector<1x16xf32> to vector<16xf32>
          %swap3A_931 = vector.shape_cast %mul3A_926 : vector<16xf32> to vector<1x16xf32>
          tpu.vector_store %arg15[%swap3A_927, %swap3A_928], %swap3A_931 {strides = array<i32>} : memref<128x64xf32, #tpu.memory_space<vmem>>, vector<1x16xf32>,
          %get3A_932 = arith.index_cast %add3A_901 : i32 to index
          %get3A_933 = arith.constant 48 : index
          %get3A_934 = tpu.vector_load %arg13[%get3A_932, %get3A_933] {strides = array<i32>} : memref<128x64xf32, #tpu.memory_space<vmem>>, vector<1x16xf32>,
          %get3A_935 = vector.shape_cast %get3A_934 : vector<1x16xf32> to vector<16xf32>
          %mul3A_936 = arith.mulf %get3A_935, %gather3A_897 : vector<16xf32>
          %swap3A_937 = arith.index_cast %add3A_901 : i32 to index
          %swap3A_938 = arith.constant 48 : index
          %swap3A_939 = tpu.vector_load %arg15[%swap3A_937, %swap3A_938] {strides = array<i32>} : memref<128x64xf32, #tpu.memory_space<vmem>>, vector<1x16xf32>,
          %swap3A_940 = vector.shape_cast %swap3A_939 : vector<1x16xf32> to vector<16xf32>
          %swap3A_941 = vector.shape_cast %mul3A_936 : vector<16xf32> to vector<1x16xf32>
          tpu.vector_store %arg15[%swap3A_937, %swap3A_938], %swap3A_941 {strides = array<i32>} : memref<128x64xf32, #tpu.memory_space<vmem>>, vector<1x16xf32>,
        }
        %scan3A_154 = arith.constant 8 : i32
        %dma_start3A_155 = arith.constant 0 : i32
        %dma_start3A_156 = tpu.memref_slice %arg9[%add3A_137, %dma_start3A_155] : memref<16x128xi32, #tpu.memory_space<vmem>> -> memref<1x128xi32, #tpu.memory_space<vmem>>
        %dma_start3A_157 = tpu.memref_squeeze %dma_start3A_156 : memref<1x128xi32, #tpu.memory_space<vmem>> -> memref<128xi32, #tpu.memory_space<vmem>>
        %dma_start3A_158 = arith.constant 0 : i32
        %dma_start3A_159 = arith.constant 0 : i32
        %dma_start3A_160 = tpu.memref_slice %arg7[%dma_start3A_158, %dma_start3A_159] : memref<10240x64xf32, #tpu.memory_space<vmem_shared>> -> memref<10240x64xf32, #tpu.memory_space<vmem_shared>>
        tpu.enqueue_indirect_dma source(%arg15 : memref<128x64xf32, #tpu.memory_space<vmem>>) target(%dma_start3A_160 : memref<10240x64xf32, #tpu.memory_space<vmem_shared>>) offsets(%dma_start3A_157 : memref<128xi32, #tpu.memory_space<vmem>>) semaphore(%arg19 : memref<!tpu.dma_semaphore, #tpu.memory_space<semaphore_mem>>) {add = true}
        %add3A_161 = arith.constant 2 : i32
        %add3A_162 = arith.addi %add3A_137, %add3A_161 : i32
        %lt3A_163 = arith.constant 16 : i32
        %lt3A_164 = arith.cmpi slt, %add3A_162, %lt3A_163 : i32
        %convert_element_type3A_165 = arith.extui %lt3A_164 : i1 to i32
        %cond3A_166 = arith.constant 0 : i32
        %cond3A_167 = arith.cmpi ne, %convert_element_type3A_165, %cond3A_166 : i32
        scf.if %cond3A_167 {
          %add3A_168 = arith.constant 2 : i32
          %add3A_169 = arith.addi %add3A_137, %add3A_168 : i32
          %dma_start3A_170 = arith.constant 0 : i32
          %dma_start3A_171 = tpu.memref_slice %arg10[%add3A_169, %dma_start3A_170] : memref<16x128xi32, #tpu.memory_space<vmem>> -> memref<1x128xi32, #tpu.memory_space<vmem>>
          %dma_start3A_172 = tpu.memref_squeeze %dma_start3A_171 : memref<1x128xi32, #tpu.memory_space<vmem>> -> memref<128xi32, #tpu.memory_space<vmem>>
          %dma_start3A_173 = arith.constant 0 : i32
          %dma_start3A_174 = arith.constant 0 : i32
          %dma_start3A_175 = tpu.memref_slice %arg8[%dma_start3A_173, %dma_start3A_174] : memref<10240x64xf32, #tpu.memory_space<vmem_shared>> -> memref<10240x64xf32, #tpu.memory_space<vmem_shared>>
          tpu.enqueue_indirect_dma source(%dma_start3A_175 : memref<10240x64xf32, #tpu.memory_space<vmem_shared>>) target(%arg13 : memref<128x64xf32, #tpu.memory_space<vmem>>) offsets(%dma_start3A_172 : memref<128xi32, #tpu.memory_space<vmem>>) semaphore(%arg17 : memref<!tpu.dma_semaphore, #tpu.memory_space<semaphore_mem>>)
        } else {
        }
      }
      %scan3A_89 = arith.constant 8 : i32
      %dma_wait3A = arith.constant 14 : i32
      %dma_wait3A_90 = arith.constant 0 : i32
      %dma_wait3A_91 = tpu.memref_slice %arg9[%dma_wait3A, %dma_wait3A_90] : memref<16x128xi32, #tpu.memory_space<vmem>> -> memref<1x128xi32, #tpu.memory_space<vmem>>
      %dma_wait3A_92 = tpu.memref_squeeze %dma_wait3A_91 : memref<1x128xi32, #tpu.memory_space<vmem>> -> memref<128xi32, #tpu.memory_space<vmem>>
      %dma_wait3A_93 = arith.constant 0 : i32
      %dma_wait3A_94 = arith.constant 0 : i32
      %dma_wait3A_95 = tpu.memref_slice %arg7[%dma_wait3A_93, %dma_wait3A_94] : memref<10240x64xf32, #tpu.memory_space<vmem_shared>> -> memref<10240x64xf32, #tpu.memory_space<vmem_shared>>
      tpu.wait_indirect_dma semaphore(%arg18 : memref<!tpu.dma_semaphore, #tpu.memory_space<semaphore_mem>>) src(%arg14 : memref<128x64xf32, #tpu.memory_space<vmem>>) dst(%dma_wait3A_95 : memref<10240x64xf32, #tpu.memory_space<vmem_shared>>)
      %dma_wait3A_96 = arith.constant 15 : i32
      %dma_wait3A_97 = arith.constant 0 : i32
      %dma_wait3A_98 = tpu.memref_slice %arg9[%dma_wait3A_96, %dma_wait3A_97] : memref<16x128xi32, #tpu.memory_space<vmem>> -> memref<1x128xi32, #tpu.memory_space<vmem>>
      %dma_wait3A_99 = tpu.memref_squeeze %dma_wait3A_98 : memref<1x128xi32, #tpu.memory_space<vmem>> -> memref<128xi32, #tpu.memory_space<vmem>>
      %dma_wait3A_100 = arith.constant 0 : i32
      %dma_wait3A_101 = arith.constant 0 : i32
      %dma_wait3A_102 = tpu.memref_slice %arg7[%dma_wait3A_100, %dma_wait3A_101] : memref<10240x64xf32, #tpu.memory_space<vmem_shared>> -> memref<10240x64xf32, #tpu.memory_space<vmem_shared>>
      tpu.wait_indirect_dma semaphore(%arg19 : memref<!tpu.dma_semaphore, #tpu.memory_space<semaphore_mem>>) src(%arg15 : memref<128x64xf32, #tpu.memory_space<vmem>>) dst(%dma_wait3A_102 : memref<10240x64xf32, #tpu.memory_space<vmem_shared>>)
    }
    %scan3A_30 = arith.constant 10 : i32
    %barrier3A_31 = arith.constant 0 : index
    tpu.barrier barrier_id(%barrier3A_31)
    %scan3A_32 = arith.constant 0 : i32
    %scan3A_33 = arith.constant 0 : i32
    %scan3A_34 = arith.constant 128 : i32
    %scan3A_35 = arith.addi %scan3A_33, %scan3A_34 : i32
    %scan3A_36 = arith.constant 1 : i32
    scf.for %scan3A_59 = %scan3A_33 to %scan3A_35 step %scan3A_36  : i32 {
      %swap3A = arith.index_cast %scan3A_59 : i32 to index
      %swap3A_60 = arith.constant 0 : index
      %swap3A_61 = tpu.vector_load %arg12[%swap3A, %swap3A_60] {strides = array<i32>} : memref<128x64xf32, #tpu.memory_space<vmem>>, vector<1x16xf32>,
      %swap3A_62 = vector.shape_cast %swap3A_61 : vector<1x16xf32> to vector<16xf32>
      %swap3A_63 = vector.shape_cast %broadcast_in_dim3A_7 : vector<16xf32> to vector<1x16xf32>
      tpu.vector_store %arg12[%swap3A, %swap3A_60], %swap3A_63 {strides = array<i32>} : memref<128x64xf32, #tpu.memory_space<vmem>>, vector<1x16xf32>,
      %swap3A_64 = arith.index_cast %scan3A_59 : i32 to index
      %swap3A_65 = arith.constant 16 : index
      %swap3A_66 = tpu.vector_load %arg12[%swap3A_64, %swap3A_65] {strides = array<i32>} : memref<128x64xf32, #tpu.memory_space<vmem>>, vector<1x16xf32>,
      %swap3A_67 = vector.shape_cast %swap3A_66 : vector<1x16xf32> to vector<16xf32>
      %swap3A_68 = vector.shape_cast %broadcast_in_dim3A_7 : vector<16xf32> to vector<1x16xf32>
      tpu.vector_store %arg12[%swap3A_64, %swap3A_65], %swap3A_68 {strides = array<i32>} : memref<128x64xf32, #tpu.memory_space<vmem>>, vector<1x16xf32>,
      %swap3A_69 = arith.index_cast %scan3A_59 : i32 to index
      %swap3A_70 = arith.constant 32 : index
      %swap3A_71 = tpu.vector_load %arg12[%swap3A_69, %swap3A_70] {strides = array<i32>} : memref<128x64xf32, #tpu.memory_space<vmem>>, vector<1x16xf32>,
      %swap3A_72 = vector.shape_cast %swap3A_71 : vector<1x16xf32> to vector<16xf32>
      %swap3A_73 = vector.shape_cast %broadcast_in_dim3A_7 : vector<16xf32> to vector<1x16xf32>
      tpu.vector_store %arg12[%swap3A_69, %swap3A_70], %swap3A_73 {strides = array<i32>} : memref<128x64xf32, #tpu.memory_space<vmem>>, vector<1x16xf32>,
      %swap3A_74 = arith.index_cast %scan3A_59 : i32 to index
      %swap3A_75 = arith.constant 48 : index
      %swap3A_76 = tpu.vector_load %arg12[%swap3A_74, %swap3A_75] {strides = array<i32>} : memref<128x64xf32, #tpu.memory_space<vmem>>, vector<1x16xf32>,
      %swap3A_77 = vector.shape_cast %swap3A_76 : vector<1x16xf32> to vector<16xf32>
      %swap3A_78 = vector.shape_cast %broadcast_in_dim3A_7 : vector<16xf32> to vector<1x16xf32>
      tpu.vector_store %arg12[%swap3A_74, %swap3A_75], %swap3A_78 {strides = array<i32>} : memref<128x64xf32, #tpu.memory_space<vmem>>, vector<1x16xf32>,
    }
    %scan3A_37 = arith.constant 128 : i32
    %add3A_38 = arith.constant 0 : i32
    %add3A_39 = arith.addi %mul3A_9, %add3A_38 : i32
    "tpu.region"() ({
      %run_scoped3A = tpu.sem_alloc : memref<!tpu.dma_semaphore, #tpu.memory_space<semaphore_mem>>
      %dma_start3A = arith.constant 0 : i32
      %dma_start3A_59 = arith.constant 0 : i32
      %dma_start3A_60 = tpu.memref_slice %arg12[%dma_start3A, %dma_start3A_59] : memref<128x64xf32, #tpu.memory_space<vmem>> -> memref<128x64xf32, #tpu.memory_space<vmem>>
      %dma_start3A_61 = arith.constant 0 : i32
      %dma_start3A_62 = tpu.memref_slice %arg8[%add3A_39, %dma_start3A_61] : memref<10240x64xf32, #tpu.memory_space<vmem_shared>> -> memref<128x64xf32, #tpu.memory_space<vmem_shared>>
      %dma_start3A_63 = arith.constant 0 : i32
      %dma_start3A_64 = tpu.memref_slice %arg8[%add3A_39, %dma_start3A_63] : memref<10240x64xf32, #tpu.memory_space<vmem_shared>> -> memref<128x64xf32, #tpu.memory_space<vmem_shared>>
      %dma_start3A_65 = arith.constant 0 : i32
      %dma_start3A_66 = arith.constant 0 : i32
      %dma_start3A_67 = tpu.memref_slice %arg12[%dma_start3A_65, %dma_start3A_66] : memref<128x64xf32, #tpu.memory_space<vmem>> -> memref<128x64xf32, #tpu.memory_space<vmem>>
      tpu.enqueue_dma source(%dma_start3A_67 : memref<128x64xf32, #tpu.memory_space<vmem>>) target(%dma_start3A_64 : memref<128x64xf32, #tpu.memory_space<vmem_shared>>) target_semaphore(%run_scoped3A : memref<!tpu.dma_semaphore, #tpu.memory_space<semaphore_mem>>)
      %dma_wait3A = arith.constant 0 : i32
      %dma_wait3A_68 = arith.constant 0 : i32
      %dma_wait3A_69 = tpu.memref_slice %arg12[%dma_wait3A, %dma_wait3A_68] : memref<128x64xf32, #tpu.memory_space<vmem>> -> memref<128x64xf32, #tpu.memory_space<vmem>>
      %dma_wait3A_70 = arith.constant 0 : i32
      %dma_wait3A_71 = tpu.memref_slice %arg8[%add3A_39, %dma_wait3A_70] : memref<10240x64xf32, #tpu.memory_space<vmem_shared>> -> memref<128x64xf32, #tpu.memory_space<vmem_shared>>
      %dma_wait3A_72 = arith.constant 0 : i32
      %dma_wait3A_73 = tpu.memref_slice %arg8[%add3A_39, %dma_wait3A_72] : memref<10240x64xf32, #tpu.memory_space<vmem_shared>> -> memref<128x64xf32, #tpu.memory_space<vmem_shared>>
      %dma_wait3A_74 = arith.constant 0 : i32
      %dma_wait3A_75 = arith.constant 0 : i32
      %dma_wait3A_76 = tpu.memref_slice %arg12[%dma_wait3A_74, %dma_wait3A_75] : memref<128x64xf32, #tpu.memory_space<vmem>> -> memref<128x64xf32, #tpu.memory_space<vmem>>
      tpu.wait_dma2 semaphore(%run_scoped3A : memref<!tpu.dma_semaphore, #tpu.memory_space<semaphore_mem>>) src(%dma_wait3A_76 : memref<128x64xf32, #tpu.memory_space<vmem>>) dst(%dma_wait3A_73 : memref<128x64xf32, #tpu.memory_space<vmem_shared>>)
      tpu.yield
    }) : () -> ()
    %add3A_40 = arith.constant 128 : i32
    %add3A_41 = arith.addi %mul3A_9, %add3A_40 : i32
    "tpu.region"() ({
      %run_scoped3A = tpu.sem_alloc : memref<!tpu.dma_semaphore, #tpu.memory_space<semaphore_mem>>
      %dma_start3A = arith.constant 0 : i32
      %dma_start3A_59 = arith.constant 0 : i32
      %dma_start3A_60 = tpu.memref_slice %arg12[%dma_start3A, %dma_start3A_59] : memref<128x64xf32, #tpu.memory_space<vmem>> -> memref<128x64xf32, #tpu.memory_space<vmem>>
      %dma_start3A_61 = arith.constant 0 : i32
      %dma_start3A_62 = tpu.memref_slice %arg8[%add3A_41, %dma_start3A_61] : memref<10240x64xf32, #tpu.memory_space<vmem_shared>> -> memref<128x64xf32, #tpu.memory_space<vmem_shared>>
      %dma_start3A_63 = arith.constant 0 : i32
      %dma_start3A_64 = tpu.memref_slice %arg8[%add3A_41, %dma_start3A_63] : memref<10240x64xf32, #tpu.memory_space<vmem_shared>> -> memref<128x64xf32, #tpu.memory_space<vmem_shared>>
      %dma_start3A_65 = arith.constant 0 : i32
      %dma_start3A_66 = arith.constant 0 : i32
      %dma_start3A_67 = tpu.memref_slice %arg12[%dma_start3A_65, %dma_start3A_66] : memref<128x64xf32, #tpu.memory_space<vmem>> -> memref<128x64xf32, #tpu.memory_space<vmem>>
      tpu.enqueue_dma source(%dma_start3A_67 : memref<128x64xf32, #tpu.memory_space<vmem>>) target(%dma_start3A_64 : memref<128x64xf32, #tpu.memory_space<vmem_shared>>) target_semaphore(%run_scoped3A : memref<!tpu.dma_semaphore, #tpu.memory_space<semaphore_mem>>)
      %dma_wait3A = arith.constant 0 : i32
      %dma_wait3A_68 = arith.constant 0 : i32
      %dma_wait3A_69 = tpu.memref_slice %arg12[%dma_wait3A, %dma_wait3A_68] : memref<128x64xf32, #tpu.memory_space<vmem>> -> memref<128x64xf32, #tpu.memory_space<vmem>>
      %dma_wait3A_70 = arith.constant 0 : i32
      %dma_wait3A_71 = tpu.memref_slice %arg8[%add3A_41, %dma_wait3A_70] : memref<10240x64xf32, #tpu.memory_space<vmem_shared>> -> memref<128x64xf32, #tpu.memory_space<vmem_shared>>
      %dma_wait3A_72 = arith.constant 0 : i32
      %dma_wait3A_73 = tpu.memref_slice %arg8[%add3A_41, %dma_wait3A_72] : memref<10240x64xf32, #tpu.memory_space<vmem_shared>> -> memref<128x64xf32, #tpu.memory_space<vmem_shared>>
      %dma_wait3A_74 = arith.constant 0 : i32
      %dma_wait3A_75 = arith.constant 0 : i32
      %dma_wait3A_76 = tpu.memref_slice %arg12[%dma_wait3A_74, %dma_wait3A_75] : memref<128x64xf32, #tpu.memory_space<vmem>> -> memref<128x64xf32, #tpu.memory_space<vmem>>
      tpu.wait_dma2 semaphore(%run_scoped3A : memref<!tpu.dma_semaphore, #tpu.memory_space<semaphore_mem>>) src(%dma_wait3A_76 : memref<128x64xf32, #tpu.memory_space<vmem>>) dst(%dma_wait3A_73 : memref<128x64xf32, #tpu.memory_space<vmem_shared>>)
      tpu.yield
    }) : () -> ()
    %add3A_42 = arith.constant 256 : i32
    %add3A_43 = arith.addi %mul3A_9, %add3A_42 : i32
    "tpu.region"() ({
      %run_scoped3A = tpu.sem_alloc : memref<!tpu.dma_semaphore, #tpu.memory_space<semaphore_mem>>
      %dma_start3A = arith.constant 0 : i32
      %dma_start3A_59 = arith.constant 0 : i32
      %dma_start3A_60 = tpu.memref_slice %arg12[%dma_start3A, %dma_start3A_59] : memref<128x64xf32, #tpu.memory_space<vmem>> -> memref<128x64xf32, #tpu.memory_space<vmem>>
      %dma_start3A_61 = arith.constant 0 : i32
      %dma_start3A_62 = tpu.memref_slice %arg8[%add3A_43, %dma_start3A_61] : memref<10240x64xf32, #tpu.memory_space<vmem_shared>> -> memref<128x64xf32, #tpu.memory_space<vmem_shared>>
      %dma_start3A_63 = arith.constant 0 : i32
      %dma_start3A_64 = tpu.memref_slice %arg8[%add3A_43, %dma_start3A_63] : memref<10240x64xf32, #tpu.memory_space<vmem_shared>> -> memref<128x64xf32, #tpu.memory_space<vmem_shared>>
      %dma_start3A_65 = arith.constant 0 : i32
      %dma_start3A_66 = arith.constant 0 : i32
      %dma_start3A_67 = tpu.memref_slice %arg12[%dma_start3A_65, %dma_start3A_66] : memref<128x64xf32, #tpu.memory_space<vmem>> -> memref<128x64xf32, #tpu.memory_space<vmem>>
      tpu.enqueue_dma source(%dma_start3A_67 : memref<128x64xf32, #tpu.memory_space<vmem>>) target(%dma_start3A_64 : memref<128x64xf32, #tpu.memory_space<vmem_shared>>) target_semaphore(%run_scoped3A : memref<!tpu.dma_semaphore, #tpu.memory_space<semaphore_mem>>)
      %dma_wait3A = arith.constant 0 : i32
      %dma_wait3A_68 = arith.constant 0 : i32
      %dma_wait3A_69 = tpu.memref_slice %arg12[%dma_wait3A, %dma_wait3A_68] : memref<128x64xf32, #tpu.memory_space<vmem>> -> memref<128x64xf32, #tpu.memory_space<vmem>>
      %dma_wait3A_70 = arith.constant 0 : i32
      %dma_wait3A_71 = tpu.memref_slice %arg8[%add3A_43, %dma_wait3A_70] : memref<10240x64xf32, #tpu.memory_space<vmem_shared>> -> memref<128x64xf32, #tpu.memory_space<vmem_shared>>
      %dma_wait3A_72 = arith.constant 0 : i32
      %dma_wait3A_73 = tpu.memref_slice %arg8[%add3A_43, %dma_wait3A_72] : memref<10240x64xf32, #tpu.memory_space<vmem_shared>> -> memref<128x64xf32, #tpu.memory_space<vmem_shared>>
      %dma_wait3A_74 = arith.constant 0 : i32
      %dma_wait3A_75 = arith.constant 0 : i32
      %dma_wait3A_76 = tpu.memref_slice %arg12[%dma_wait3A_74, %dma_wait3A_75] : memref<128x64xf32, #tpu.memory_space<vmem>> -> memref<128x64xf32, #tpu.memory_space<vmem>>
      tpu.wait_dma2 semaphore(%run_scoped3A : memref<!tpu.dma_semaphore, #tpu.memory_space<semaphore_mem>>) src(%dma_wait3A_76 : memref<128x64xf32, #tpu.memory_space<vmem>>) dst(%dma_wait3A_73 : memref<128x64xf32, #tpu.memory_space<vmem_shared>>)
      tpu.yield
    }) : () -> ()
    %add3A_44 = arith.constant 384 : i32
    %add3A_45 = arith.addi %mul3A_9, %add3A_44 : i32
    "tpu.region"() ({
      %run_scoped3A = tpu.sem_alloc : memref<!tpu.dma_semaphore, #tpu.memory_space<semaphore_mem>>
      %dma_start3A = arith.constant 0 : i32
      %dma_start3A_59 = arith.constant 0 : i32
      %dma_start3A_60 = tpu.memref_slice %arg12[%dma_start3A, %dma_start3A_59] : memref<128x64xf32, #tpu.memory_space<vmem>> -> memref<128x64xf32, #tpu.memory_space<vmem>>
      %dma_start3A_61 = arith.constant 0 : i32
      %dma_start3A_62 = tpu.memref_slice %arg8[%add3A_45, %dma_start3A_61] : memref<10240x64xf32, #tpu.memory_space<vmem_shared>> -> memref<128x64xf32, #tpu.memory_space<vmem_shared>>
      %dma_start3A_63 = arith.constant 0 : i32
      %dma_start3A_64 = tpu.memref_slice %arg8[%add3A_45, %dma_start3A_63] : memref<10240x64xf32, #tpu.memory_space<vmem_shared>> -> memref<128x64xf32, #tpu.memory_space<vmem_shared>>
      %dma_start3A_65 = arith.constant 0 : i32
      %dma_start3A_66 = arith.constant 0 : i32
      %dma_start3A_67 = tpu.memref_slice %arg12[%dma_start3A_65, %dma_start3A_66] : memref<128x64xf32, #tpu.memory_space<vmem>> -> memref<128x64xf32, #tpu.memory_space<vmem>>
      tpu.enqueue_dma source(%dma_start3A_67 : memref<128x64xf32, #tpu.memory_space<vmem>>) target(%dma_start3A_64 : memref<128x64xf32, #tpu.memory_space<vmem_shared>>) target_semaphore(%run_scoped3A : memref<!tpu.dma_semaphore, #tpu.memory_space<semaphore_mem>>)
      %dma_wait3A = arith.constant 0 : i32
      %dma_wait3A_68 = arith.constant 0 : i32
      %dma_wait3A_69 = tpu.memref_slice %arg12[%dma_wait3A, %dma_wait3A_68] : memref<128x64xf32, #tpu.memory_space<vmem>> -> memref<128x64xf32, #tpu.memory_space<vmem>>
      %dma_wait3A_70 = arith.constant 0 : i32
      %dma_wait3A_71 = tpu.memref_slice %arg8[%add3A_45, %dma_wait3A_70] : memref<10240x64xf32, #tpu.memory_space<vmem_shared>> -> memref<128x64xf32, #tpu.memory_space<vmem_shared>>
      %dma_wait3A_72 = arith.constant 0 : i32
      %dma_wait3A_73 = tpu.memref_slice %arg8[%add3A_45, %dma_wait3A_72] : memref<10240x64xf32, #tpu.memory_space<vmem_shared>> -> memref<128x64xf32, #tpu.memory_space<vmem_shared>>
      %dma_wait3A_74 = arith.constant 0 : i32
      %dma_wait3A_75 = arith.constant 0 : i32
      %dma_wait3A_76 = tpu.memref_slice %arg12[%dma_wait3A_74, %dma_wait3A_75] : memref<128x64xf32, #tpu.memory_space<vmem>> -> memref<128x64xf32, #tpu.memory_space<vmem>>
      tpu.wait_dma2 semaphore(%run_scoped3A : memref<!tpu.dma_semaphore, #tpu.memory_space<semaphore_mem>>) src(%dma_wait3A_76 : memref<128x64xf32, #tpu.memory_space<vmem>>) dst(%dma_wait3A_73 : memref<128x64xf32, #tpu.memory_space<vmem_shared>>)
      tpu.yield
    }) : () -> ()
    %add3A_46 = arith.constant 512 : i32
    %add3A_47 = arith.addi %mul3A_9, %add3A_46 : i32
    "tpu.region"() ({
      %run_scoped3A = tpu.sem_alloc : memref<!tpu.dma_semaphore, #tpu.memory_space<semaphore_mem>>
      %dma_start3A = arith.constant 0 : i32
      %dma_start3A_59 = arith.constant 0 : i32
      %dma_start3A_60 = tpu.memref_slice %arg12[%dma_start3A, %dma_start3A_59] : memref<128x64xf32, #tpu.memory_space<vmem>> -> memref<128x64xf32, #tpu.memory_space<vmem>>
      %dma_start3A_61 = arith.constant 0 : i32
      %dma_start3A_62 = tpu.memref_slice %arg8[%add3A_47, %dma_start3A_61] : memref<10240x64xf32, #tpu.memory_space<vmem_shared>> -> memref<128x64xf32, #tpu.memory_space<vmem_shared>>
      %dma_start3A_63 = arith.constant 0 : i32
      %dma_start3A_64 = tpu.memref_slice %arg8[%add3A_47, %dma_start3A_63] : memref<10240x64xf32, #tpu.memory_space<vmem_shared>> -> memref<128x64xf32, #tpu.memory_space<vmem_shared>>
      %dma_start3A_65 = arith.constant 0 : i32
      %dma_start3A_66 = arith.constant 0 : i32
      %dma_start3A_67 = tpu.memref_slice %arg12[%dma_start3A_65, %dma_start3A_66] : memref<128x64xf32, #tpu.memory_space<vmem>> -> memref<128x64xf32, #tpu.memory_space<vmem>>
      tpu.enqueue_dma source(%dma_start3A_67 : memref<128x64xf32, #tpu.memory_space<vmem>>) target(%dma_start3A_64 : memref<128x64xf32, #tpu.memory_space<vmem_shared>>) target_semaphore(%run_scoped3A : memref<!tpu.dma_semaphore, #tpu.memory_space<semaphore_mem>>)
      %dma_wait3A = arith.constant 0 : i32
      %dma_wait3A_68 = arith.constant 0 : i32
      %dma_wait3A_69 = tpu.memref_slice %arg12[%dma_wait3A, %dma_wait3A_68] : memref<128x64xf32, #tpu.memory_space<vmem>> -> memref<128x64xf32, #tpu.memory_space<vmem>>
      %dma_wait3A_70 = arith.constant 0 : i32
      %dma_wait3A_71 = tpu.memref_slice %arg8[%add3A_47, %dma_wait3A_70] : memref<10240x64xf32, #tpu.memory_space<vmem_shared>> -> memref<128x64xf32, #tpu.memory_space<vmem_shared>>
      %dma_wait3A_72 = arith.constant 0 : i32
      %dma_wait3A_73 = tpu.memref_slice %arg8[%add3A_47, %dma_wait3A_72] : memref<10240x64xf32, #tpu.memory_space<vmem_shared>> -> memref<128x64xf32, #tpu.memory_space<vmem_shared>>
      %dma_wait3A_74 = arith.constant 0 : i32
      %dma_wait3A_75 = arith.constant 0 : i32
      %dma_wait3A_76 = tpu.memref_slice %arg12[%dma_wait3A_74, %dma_wait3A_75] : memref<128x64xf32, #tpu.memory_space<vmem>> -> memref<128x64xf32, #tpu.memory_space<vmem>>
      tpu.wait_dma2 semaphore(%run_scoped3A : memref<!tpu.dma_semaphore, #tpu.memory_space<semaphore_mem>>) src(%dma_wait3A_76 : memref<128x64xf32, #tpu.memory_space<vmem>>) dst(%dma_wait3A_73 : memref<128x64xf32, #tpu.memory_space<vmem_shared>>)
      tpu.yield
    }) : () -> ()
    %barrier3A_48 = arith.constant 0 : index
    tpu.barrier barrier_id(%barrier3A_48)
    %scan3A_49 = arith.constant 0 : i32
    %scan3A_50 = arith.constant 0 : i32
    %scan3A_51 = arith.constant 10 : i32
    %scan3A_52 = arith.addi %scan3A_50, %scan3A_51 : i32
    %scan3A_53 = arith.constant 1 : i32
    scf.for %scan3A_59 = %scan3A_50 to %scan3A_52 step %scan3A_53  : i32 {
      %mul3A_60 = arith.constant 16 : i32
      %mul3A_61 = arith.muli %scan3A_59, %mul3A_60 : i32
      %add3A_62 = arith.addi %mul3A_0, %mul3A_61 : i32
      "tpu.region"() ({
        %run_scoped3A = tpu.sem_alloc : memref<!tpu.dma_semaphore, #tpu.memory_space<semaphore_mem>>
        %dma_start3A_103 = arith.constant 0 : i32
        %dma_start3A_104 = tpu.memref_slice %arg3[%add3A_62, %dma_start3A_103] : memref<2560x128xi32, #tpu.memory_space<hbm>> -> memref<16x128xi32, #tpu.memory_space<hbm>>
        %dma_start3A_105 = arith.constant 0 : i32
        %dma_start3A_106 = tpu.memref_slice %arg3[%add3A_62, %dma_start3A_105] : memref<2560x128xi32, #tpu.memory_space<hbm>> -> memref<16x128xi32, #tpu.memory_space<hbm>>
        tpu.enqueue_dma source(%dma_start3A_106 : memref<16x128xi32, #tpu.memory_space<hbm>>) target(%arg9 : memref<16x128xi32, #tpu.memory_space<vmem>>) target_semaphore(%run_scoped3A : memref<!tpu.dma_semaphore, #tpu.memory_space<semaphore_mem>>)
        %dma_wait3A_107 = arith.constant 0 : i32
        %dma_wait3A_108 = tpu.memref_slice %arg3[%add3A_62, %dma_wait3A_107] : memref<2560x128xi32, #tpu.memory_space<hbm>> -> memref<16x128xi32, #tpu.memory_space<hbm>>
        %dma_wait3A_109 = arith.constant 0 : i32
        %dma_wait3A_110 = tpu.memref_slice %arg3[%add3A_62, %dma_wait3A_109] : memref<2560x128xi32, #tpu.memory_space<hbm>> -> memref<16x128xi32, #tpu.memory_space<hbm>>
        tpu.wait_dma2 semaphore(%run_scoped3A : memref<!tpu.dma_semaphore, #tpu.memory_space<semaphore_mem>>) src(%dma_wait3A_110 : memref<16x128xi32, #tpu.memory_space<hbm>>) dst(%arg9 : memref<16x128xi32, #tpu.memory_space<vmem>>)
        tpu.yield
      }) : () -> ()
      %mul3A_63 = arith.constant 16 : i32
      %mul3A_64 = arith.muli %scan3A_59, %mul3A_63 : i32
      %add3A_65 = arith.addi %mul3A_0, %mul3A_64 : i32
      "tpu.region"() ({
        %run_scoped3A = tpu.sem_alloc : memref<!tpu.dma_semaphore, #tpu.memory_space<semaphore_mem>>
        %dma_start3A_103 = arith.constant 0 : i32
        %dma_start3A_104 = tpu.memref_slice %arg4[%add3A_65, %dma_start3A_103] : memref<2560x128xi32, #tpu.memory_space<hbm>> -> memref<16x128xi32, #tpu.memory_space<hbm>>
        %dma_start3A_105 = arith.constant 0 : i32
        %dma_start3A_106 = tpu.memref_slice %arg4[%add3A_65, %dma_start3A_105] : memref<2560x128xi32, #tpu.memory_space<hbm>> -> memref<16x128xi32, #tpu.memory_space<hbm>>
        tpu.enqueue_dma source(%dma_start3A_106 : memref<16x128xi32, #tpu.memory_space<hbm>>) target(%arg10 : memref<16x128xi32, #tpu.memory_space<vmem>>) target_semaphore(%run_scoped3A : memref<!tpu.dma_semaphore, #tpu.memory_space<semaphore_mem>>)
        %dma_wait3A_107 = arith.constant 0 : i32
        %dma_wait3A_108 = tpu.memref_slice %arg4[%add3A_65, %dma_wait3A_107] : memref<2560x128xi32, #tpu.memory_space<hbm>> -> memref<16x128xi32, #tpu.memory_space<hbm>>
        %dma_wait3A_109 = arith.constant 0 : i32
        %dma_wait3A_110 = tpu.memref_slice %arg4[%add3A_65, %dma_wait3A_109] : memref<2560x128xi32, #tpu.memory_space<hbm>> -> memref<16x128xi32, #tpu.memory_space<hbm>>
        tpu.wait_dma2 semaphore(%run_scoped3A : memref<!tpu.dma_semaphore, #tpu.memory_space<semaphore_mem>>) src(%dma_wait3A_110 : memref<16x128xi32, #tpu.memory_space<hbm>>) dst(%arg10 : memref<16x128xi32, #tpu.memory_space<vmem>>)
        tpu.yield
      }) : () -> ()
      %mul3A_66 = arith.constant 16 : i32
      %mul3A_67 = arith.muli %scan3A_59, %mul3A_66 : i32
      %add3A_68 = arith.addi %mul3A_0, %mul3A_67 : i32
      %mul3A_69 = arith.constant 128 : i32
      %mul3A_70 = arith.muli %add3A_68, %mul3A_69 : i32
      %multiple_of3A = tpu.assume_multiple %mul3A_70, 128 : i32
      "tpu.region"() ({
        %run_scoped3A = tpu.sem_alloc : memref<!tpu.dma_semaphore, #tpu.memory_space<semaphore_mem>>
        %dma_start3A_103 = tpu.memref_slice %arg5[%multiple_of3A] : memref<327680xf32, #tpu.memory_space<hbm>> -> memref<2048xf32, #tpu.memory_space<hbm>>
        %dma_start3A_104 = tpu.memref_slice %arg5[%multiple_of3A] : memref<327680xf32, #tpu.memory_space<hbm>> -> memref<2048xf32, #tpu.memory_space<hbm>>
        tpu.enqueue_dma source(%dma_start3A_104 : memref<2048xf32, #tpu.memory_space<hbm>>) target(%arg11 : memref<2048xf32, #tpu.memory_space<vmem>>) target_semaphore(%run_scoped3A : memref<!tpu.dma_semaphore, #tpu.memory_space<semaphore_mem>>)
        %dma_wait3A_105 = tpu.memref_slice %arg5[%multiple_of3A] : memref<327680xf32, #tpu.memory_space<hbm>> -> memref<2048xf32, #tpu.memory_space<hbm>>
        %dma_wait3A_106 = tpu.memref_slice %arg5[%multiple_of3A] : memref<327680xf32, #tpu.memory_space<hbm>> -> memref<2048xf32, #tpu.memory_space<hbm>>
        tpu.wait_dma2 semaphore(%run_scoped3A : memref<!tpu.dma_semaphore, #tpu.memory_space<semaphore_mem>>) src(%dma_wait3A_106 : memref<2048xf32, #tpu.memory_space<hbm>>) dst(%arg11 : memref<2048xf32, #tpu.memory_space<vmem>>)
        tpu.yield
      }) : () -> ()
      %dma_start3A = arith.constant 0 : i32
      %dma_start3A_71 = arith.constant 0 : i32
      %dma_start3A_72 = tpu.memref_slice %arg10[%dma_start3A, %dma_start3A_71] : memref<16x128xi32, #tpu.memory_space<vmem>> -> memref<1x128xi32, #tpu.memory_space<vmem>>
      %dma_start3A_73 = tpu.memref_squeeze %dma_start3A_72 : memref<1x128xi32, #tpu.memory_space<vmem>> -> memref<128xi32, #tpu.memory_space<vmem>>
      %dma_start3A_74 = arith.constant 0 : i32
      %dma_start3A_75 = arith.constant 0 : i32
      %dma_start3A_76 = tpu.memref_slice %arg7[%dma_start3A_74, %dma_start3A_75] : memref<10240x64xf32, #tpu.memory_space<vmem_shared>> -> memref<10240x64xf32, #tpu.memory_space<vmem_shared>>
      tpu.enqueue_indirect_dma source(%dma_start3A_76 : memref<10240x64xf32, #tpu.memory_space<vmem_shared>>) target(%arg12 : memref<128x64xf32, #tpu.memory_space<vmem>>) offsets(%dma_start3A_73 : memref<128xi32, #tpu.memory_space<vmem>>) semaphore(%arg16 : memref<!tpu.dma_semaphore, #tpu.memory_space<semaphore_mem>>)
      %dma_start3A_77 = arith.constant 1 : i32
      %dma_start3A_78 = arith.constant 0 : i32
      %dma_start3A_79 = tpu.memref_slice %arg10[%dma_start3A_77, %dma_start3A_78] : memref<16x128xi32, #tpu.memory_space<vmem>> -> memref<1x128xi32, #tpu.memory_space<vmem>>
      %dma_start3A_80 = tpu.memref_squeeze %dma_start3A_79 : memref<1x128xi32, #tpu.memory_space<vmem>> -> memref<128xi32, #tpu.memory_space<vmem>>
      %dma_start3A_81 = arith.constant 0 : i32
      %dma_start3A_82 = arith.constant 0 : i32
      %dma_start3A_83 = tpu.memref_slice %arg7[%dma_start3A_81, %dma_start3A_82] : memref<10240x64xf32, #tpu.memory_space<vmem_shared>> -> memref<10240x64xf32, #tpu.memory_space<vmem_shared>>
      tpu.enqueue_indirect_dma source(%dma_start3A_83 : memref<10240x64xf32, #tpu.memory_space<vmem_shared>>) target(%arg13 : memref<128x64xf32, #tpu.memory_space<vmem>>) offsets(%dma_start3A_80 : memref<128xi32, #tpu.memory_space<vmem>>) semaphore(%arg17 : memref<!tpu.dma_semaphore, #tpu.memory_space<semaphore_mem>>)
      %scan3A_84 = arith.constant 0 : i32
      %scan3A_85 = arith.constant 0 : i32
      %scan3A_86 = arith.constant 8 : i32
      %scan3A_87 = arith.addi %scan3A_85, %scan3A_86 : i32
      %scan3A_88 = arith.constant 1 : i32
      scf.for %scan3A_103 = %scan3A_85 to %scan3A_87 step %scan3A_88  : i32 {
        %mul3A_104 = arith.constant 2 : i32
        %mul3A_105 = arith.muli %scan3A_103, %mul3A_104 : i32
        %add3A_106 = arith.constant 0 : i32
        %add3A_107 = arith.addi %mul3A_105, %add3A_106 : i32
        %dma_wait3A_108 = arith.constant 0 : i32
        %dma_wait3A_109 = tpu.memref_slice %arg10[%add3A_107, %dma_wait3A_108] : memref<16x128xi32, #tpu.memory_space<vmem>> -> memref<1x128xi32, #tpu.memory_space<vmem>>
        %dma_wait3A_110 = tpu.memref_squeeze %dma_wait3A_109 : memref<1x128xi32, #tpu.memory_space<vmem>> -> memref<128xi32, #tpu.memory_space<vmem>>
        %dma_wait3A_111 = arith.constant 0 : i32
        %dma_wait3A_112 = arith.constant 0 : i32
        %dma_wait3A_113 = tpu.memref_slice %arg7[%dma_wait3A_111, %dma_wait3A_112] : memref<10240x64xf32, #tpu.memory_space<vmem_shared>> -> memref<10240x64xf32, #tpu.memory_space<vmem_shared>>
        tpu.wait_indirect_dma semaphore(%arg16 : memref<!tpu.dma_semaphore, #tpu.memory_space<semaphore_mem>>) src(%dma_wait3A_113 : memref<10240x64xf32, #tpu.memory_space<vmem_shared>>) dst(%arg12 : memref<128x64xf32, #tpu.memory_space<vmem>>)
        %gt3A = arith.constant 0 : i32
        %gt3A_114 = arith.cmpi sgt, %scan3A_103, %gt3A : i32
        %convert_element_type3A = arith.extui %gt3A_114 : i1 to i32
        %cond3A = arith.constant 0 : i32
        %cond3A_115 = arith.cmpi ne, %convert_element_type3A, %cond3A : i32
        scf.if %cond3A_115 {
          %dma_wait3A_168 = arith.constant 0 : i32
          %dma_wait3A_169 = tpu.memref_slice %arg9[%add3A_107, %dma_wait3A_168] : memref<16x128xi32, #tpu.memory_space<vmem>> -> memref<1x128xi32, #tpu.memory_space<vmem>>
          %dma_wait3A_170 = tpu.memref_squeeze %dma_wait3A_169 : memref<1x128xi32, #tpu.memory_space<vmem>> -> memref<128xi32, #tpu.memory_space<vmem>>
          %dma_wait3A_171 = arith.constant 0 : i32
          %dma_wait3A_172 = arith.constant 0 : i32
          %dma_wait3A_173 = tpu.memref_slice %arg8[%dma_wait3A_171, %dma_wait3A_172] : memref<10240x64xf32, #tpu.memory_space<vmem_shared>> -> memref<10240x64xf32, #tpu.memory_space<vmem_shared>>
          tpu.wait_indirect_dma semaphore(%arg18 : memref<!tpu.dma_semaphore, #tpu.memory_space<semaphore_mem>>) src(%arg14 : memref<128x64xf32, #tpu.memory_space<vmem>>) dst(%dma_wait3A_173 : memref<10240x64xf32, #tpu.memory_space<vmem_shared>>)
        } else {
        }
        %scan3A_116 = arith.constant 0 : i32
        %scan3A_117 = arith.constant 0 : i32
        %scan3A_118 = arith.constant 8 : i32
        %scan3A_119 = arith.addi %scan3A_117, %scan3A_118 : i32
        %scan3A_120 = arith.constant 1 : i32
        scf.for %scan3A_168 = %scan3A_117 to %scan3A_119 step %scan3A_120  : i32 {
          %mul3A_169 = arith.constant 128 : i32
          %mul3A_170 = arith.muli %add3A_107, %mul3A_169 : i32
          %mul3A_171 = arith.constant 16 : i32
          %mul3A_172 = arith.muli %scan3A_168, %mul3A_171 : i32
          %add3A_173 = arith.addi %mul3A_170, %mul3A_172 : i32
          %get3A = arith.index_cast %add3A_173 : i32 to index
          %get3A_174 = tpu.vector_load %arg11[%get3A] {strides = array<i32>} : memref<2048xf32, #tpu.memory_space<vmem>>, vector<16xf32>,
          %get3A_175 = vector.shape_cast %get3A_174 : vector<16xf32> to vector<16xf32>
          %broadcast_in_dim3A_176 = arith.constant 0 : i32
          %broadcast_in_dim3A_177 = vector.broadcast %broadcast_in_dim3A_176 : i32 to vector<16x1xi32>
          %gather3A = vector.shape_cast %broadcast_in_dim3A_177 : vector<16x1xi32> to vector<16xi32>
          %gather3A_178 = tpu.dynamic_gather %get3A_175[%gather3A] in [0] : vector<16xf32>, vector<16xi32> -> vector<16xf32>
          %mul3A_179 = arith.constant 16 : i32
          %mul3A_180 = arith.muli %scan3A_168, %mul3A_179 : i32
          %add3A_181 = arith.constant 0 : i32
          %add3A_182 = arith.addi %mul3A_180, %add3A_181 : i32
          %get3A_183 = arith.index_cast %add3A_182 : i32 to index
          %get3A_184 = arith.constant 0 : index
          %get3A_185 = tpu.vector_load %arg12[%get3A_183, %get3A_184] {strides = array<i32>} : memref<128x64xf32, #tpu.memory_space<vmem>>, vector<1x16xf32>,
          %get3A_186 = vector.shape_cast %get3A_185 : vector<1x16xf32> to vector<16xf32>
          %mul3A_187 = arith.mulf %get3A_186, %gather3A_178 : vector<16xf32>
          %swap3A = arith.index_cast %add3A_182 : i32 to index
          %swap3A_188 = arith.constant 0 : index
          %swap3A_189 = tpu.vector_load %arg14[%swap3A, %swap3A_188] {strides = array<i32>} : memref<128x64xf32, #tpu.memory_space<vmem>>, vector<1x16xf32>,
          %swap3A_190 = vector.shape_cast %swap3A_189 : vector<1x16xf32> to vector<16xf32>
          %swap3A_191 = vector.shape_cast %mul3A_187 : vector<16xf32> to vector<1x16xf32>
          tpu.vector_store %arg14[%swap3A, %swap3A_188], %swap3A_191 {strides = array<i32>} : memref<128x64xf32, #tpu.memory_space<vmem>>, vector<1x16xf32>,
          %get3A_192 = arith.index_cast %add3A_182 : i32 to index
          %get3A_193 = arith.constant 16 : index
          %get3A_194 = tpu.vector_load %arg12[%get3A_192, %get3A_193] {strides = array<i32>} : memref<128x64xf32, #tpu.memory_space<vmem>>, vector<1x16xf32>,
          %get3A_195 = vector.shape_cast %get3A_194 : vector<1x16xf32> to vector<16xf32>
          %mul3A_196 = arith.mulf %get3A_195, %gather3A_178 : vector<16xf32>
          %swap3A_197 = arith.index_cast %add3A_182 : i32 to index
          %swap3A_198 = arith.constant 16 : index
          %swap3A_199 = tpu.vector_load %arg14[%swap3A_197, %swap3A_198] {strides = array<i32>} : memref<128x64xf32, #tpu.memory_space<vmem>>, vector<1x16xf32>,
          %swap3A_200 = vector.shape_cast %swap3A_199 : vector<1x16xf32> to vector<16xf32>
          %swap3A_201 = vector.shape_cast %mul3A_196 : vector<16xf32> to vector<1x16xf32>
          tpu.vector_store %arg14[%swap3A_197, %swap3A_198], %swap3A_201 {strides = array<i32>} : memref<128x64xf32, #tpu.memory_space<vmem>>, vector<1x16xf32>,
          %get3A_202 = arith.index_cast %add3A_182 : i32 to index
          %get3A_203 = arith.constant 32 : index
          %get3A_204 = tpu.vector_load %arg12[%get3A_202, %get3A_203] {strides = array<i32>} : memref<128x64xf32, #tpu.memory_space<vmem>>, vector<1x16xf32>,
          %get3A_205 = vector.shape_cast %get3A_204 : vector<1x16xf32> to vector<16xf32>
          %mul3A_206 = arith.mulf %get3A_205, %gather3A_178 : vector<16xf32>
          %swap3A_207 = arith.index_cast %add3A_182 : i32 to index
          %swap3A_208 = arith.constant 32 : index
          %swap3A_209 = tpu.vector_load %arg14[%swap3A_207, %swap3A_208] {strides = array<i32>} : memref<128x64xf32, #tpu.memory_space<vmem>>, vector<1x16xf32>,
          %swap3A_210 = vector.shape_cast %swap3A_209 : vector<1x16xf32> to vector<16xf32>
          %swap3A_211 = vector.shape_cast %mul3A_206 : vector<16xf32> to vector<1x16xf32>
          tpu.vector_store %arg14[%swap3A_207, %swap3A_208], %swap3A_211 {strides = array<i32>} : memref<128x64xf32, #tpu.memory_space<vmem>>, vector<1x16xf32>,
          %get3A_212 = arith.index_cast %add3A_182 : i32 to index
          %get3A_213 = arith.constant 48 : index
          %get3A_214 = tpu.vector_load %arg12[%get3A_212, %get3A_213] {strides = array<i32>} : memref<128x64xf32, #tpu.memory_space<vmem>>, vector<1x16xf32>,
          %get3A_215 = vector.shape_cast %get3A_214 : vector<1x16xf32> to vector<16xf32>
          %mul3A_216 = arith.mulf %get3A_215, %gather3A_178 : vector<16xf32>
          %swap3A_217 = arith.index_cast %add3A_182 : i32 to index
          %swap3A_218 = arith.constant 48 : index
          %swap3A_219 = tpu.vector_load %arg14[%swap3A_217, %swap3A_218] {strides = array<i32>} : memref<128x64xf32, #tpu.memory_space<vmem>>, vector<1x16xf32>,
          %swap3A_220 = vector.shape_cast %swap3A_219 : vector<1x16xf32> to vector<16xf32>
          %swap3A_221 = vector.shape_cast %mul3A_216 : vector<16xf32> to vector<1x16xf32>
          tpu.vector_store %arg14[%swap3A_217, %swap3A_218], %swap3A_221 {strides = array<i32>} : memref<128x64xf32, #tpu.memory_space<vmem>>, vector<1x16xf32>,
          %broadcast_in_dim3A_222 = arith.constant 1 : i32
          %broadcast_in_dim3A_223 = vector.broadcast %broadcast_in_dim3A_222 : i32 to vector<16x1xi32>
          %gather3A_224 = vector.shape_cast %broadcast_in_dim3A_223 : vector<16x1xi32> to vector<16xi32>
          %gather3A_225 = tpu.dynamic_gather %get3A_175[%gather3A_224] in [0] : vector<16xf32>, vector<16xi32> -> vector<16xf32>
          %mul3A_226 = arith.constant 16 : i32
          %mul3A_227 = arith.muli %scan3A_168, %mul3A_226 : i32
          %add3A_228 = arith.constant 1 : i32
          %add3A_229 = arith.addi %mul3A_227, %add3A_228 : i32
          %get3A_230 = arith.index_cast %add3A_229 : i32 to index
          %get3A_231 = arith.constant 0 : index
          %get3A_232 = tpu.vector_load %arg12[%get3A_230, %get3A_231] {strides = array<i32>} : memref<128x64xf32, #tpu.memory_space<vmem>>, vector<1x16xf32>,
          %get3A_233 = vector.shape_cast %get3A_232 : vector<1x16xf32> to vector<16xf32>
          %mul3A_234 = arith.mulf %get3A_233, %gather3A_225 : vector<16xf32>
          %swap3A_235 = arith.index_cast %add3A_229 : i32 to index
          %swap3A_236 = arith.constant 0 : index
          %swap3A_237 = tpu.vector_load %arg14[%swap3A_235, %swap3A_236] {strides = array<i32>} : memref<128x64xf32, #tpu.memory_space<vmem>>, vector<1x16xf32>,
          %swap3A_238 = vector.shape_cast %swap3A_237 : vector<1x16xf32> to vector<16xf32>
          %swap3A_239 = vector.shape_cast %mul3A_234 : vector<16xf32> to vector<1x16xf32>
          tpu.vector_store %arg14[%swap3A_235, %swap3A_236], %swap3A_239 {strides = array<i32>} : memref<128x64xf32, #tpu.memory_space<vmem>>, vector<1x16xf32>,
          %get3A_240 = arith.index_cast %add3A_229 : i32 to index
          %get3A_241 = arith.constant 16 : index
          %get3A_242 = tpu.vector_load %arg12[%get3A_240, %get3A_241] {strides = array<i32>} : memref<128x64xf32, #tpu.memory_space<vmem>>, vector<1x16xf32>,
          %get3A_243 = vector.shape_cast %get3A_242 : vector<1x16xf32> to vector<16xf32>
          %mul3A_244 = arith.mulf %get3A_243, %gather3A_225 : vector<16xf32>
          %swap3A_245 = arith.index_cast %add3A_229 : i32 to index
          %swap3A_246 = arith.constant 16 : index
          %swap3A_247 = tpu.vector_load %arg14[%swap3A_245, %swap3A_246] {strides = array<i32>} : memref<128x64xf32, #tpu.memory_space<vmem>>, vector<1x16xf32>,
          %swap3A_248 = vector.shape_cast %swap3A_247 : vector<1x16xf32> to vector<16xf32>
          %swap3A_249 = vector.shape_cast %mul3A_244 : vector<16xf32> to vector<1x16xf32>
          tpu.vector_store %arg14[%swap3A_245, %swap3A_246], %swap3A_249 {strides = array<i32>} : memref<128x64xf32, #tpu.memory_space<vmem>>, vector<1x16xf32>,
          %get3A_250 = arith.index_cast %add3A_229 : i32 to index
          %get3A_251 = arith.constant 32 : index
          %get3A_252 = tpu.vector_load %arg12[%get3A_250, %get3A_251] {strides = array<i32>} : memref<128x64xf32, #tpu.memory_space<vmem>>, vector<1x16xf32>,
          %get3A_253 = vector.shape_cast %get3A_252 : vector<1x16xf32> to vector<16xf32>
          %mul3A_254 = arith.mulf %get3A_253, %gather3A_225 : vector<16xf32>
          %swap3A_255 = arith.index_cast %add3A_229 : i32 to index
          %swap3A_256 = arith.constant 32 : index
          %swap3A_257 = tpu.vector_load %arg14[%swap3A_255, %swap3A_256] {strides = array<i32>} : memref<128x64xf32, #tpu.memory_space<vmem>>, vector<1x16xf32>,
          %swap3A_258 = vector.shape_cast %swap3A_257 : vector<1x16xf32> to vector<16xf32>
          %swap3A_259 = vector.shape_cast %mul3A_254 : vector<16xf32> to vector<1x16xf32>
          tpu.vector_store %arg14[%swap3A_255, %swap3A_256], %swap3A_259 {strides = array<i32>} : memref<128x64xf32, #tpu.memory_space<vmem>>, vector<1x16xf32>,
          %get3A_260 = arith.index_cast %add3A_229 : i32 to index
          %get3A_261 = arith.constant 48 : index
          %get3A_262 = tpu.vector_load %arg12[%get3A_260, %get3A_261] {strides = array<i32>} : memref<128x64xf32, #tpu.memory_space<vmem>>, vector<1x16xf32>,
          %get3A_263 = vector.shape_cast %get3A_262 : vector<1x16xf32> to vector<16xf32>
          %mul3A_264 = arith.mulf %get3A_263, %gather3A_225 : vector<16xf32>
          %swap3A_265 = arith.index_cast %add3A_229 : i32 to index
          %swap3A_266 = arith.constant 48 : index
          %swap3A_267 = tpu.vector_load %arg14[%swap3A_265, %swap3A_266] {strides = array<i32>} : memref<128x64xf32, #tpu.memory_space<vmem>>, vector<1x16xf32>,
          %swap3A_268 = vector.shape_cast %swap3A_267 : vector<1x16xf32> to vector<16xf32>
          %swap3A_269 = vector.shape_cast %mul3A_264 : vector<16xf32> to vector<1x16xf32>
          tpu.vector_store %arg14[%swap3A_265, %swap3A_266], %swap3A_269 {strides = array<i32>} : memref<128x64xf32, #tpu.memory_space<vmem>>, vector<1x16xf32>,
          %broadcast_in_dim3A_270 = arith.constant 2 : i32
          %broadcast_in_dim3A_271 = vector.broadcast %broadcast_in_dim3A_270 : i32 to vector<16x1xi32>
          %gather3A_272 = vector.shape_cast %broadcast_in_dim3A_271 : vector<16x1xi32> to vector<16xi32>
          %gather3A_273 = tpu.dynamic_gather %get3A_175[%gather3A_272] in [0] : vector<16xf32>, vector<16xi32> -> vector<16xf32>
          %mul3A_274 = arith.constant 16 : i32
          %mul3A_275 = arith.muli %scan3A_168, %mul3A_274 : i32
          %add3A_276 = arith.constant 2 : i32
          %add3A_277 = arith.addi %mul3A_275, %add3A_276 : i32
          %get3A_278 = arith.index_cast %add3A_277 : i32 to index
          %get3A_279 = arith.constant 0 : index
          %get3A_280 = tpu.vector_load %arg12[%get3A_278, %get3A_279] {strides = array<i32>} : memref<128x64xf32, #tpu.memory_space<vmem>>, vector<1x16xf32>,
          %get3A_281 = vector.shape_cast %get3A_280 : vector<1x16xf32> to vector<16xf32>
          %mul3A_282 = arith.mulf %get3A_281, %gather3A_273 : vector<16xf32>
          %swap3A_283 = arith.index_cast %add3A_277 : i32 to index
          %swap3A_284 = arith.constant 0 : index
          %swap3A_285 = tpu.vector_load %arg14[%swap3A_283, %swap3A_284] {strides = array<i32>} : memref<128x64xf32, #tpu.memory_space<vmem>>, vector<1x16xf32>,
          %swap3A_286 = vector.shape_cast %swap3A_285 : vector<1x16xf32> to vector<16xf32>
          %swap3A_287 = vector.shape_cast %mul3A_282 : vector<16xf32> to vector<1x16xf32>
          tpu.vector_store %arg14[%swap3A_283, %swap3A_284], %swap3A_287 {strides = array<i32>} : memref<128x64xf32, #tpu.memory_space<vmem>>, vector<1x16xf32>,
          %get3A_288 = arith.index_cast %add3A_277 : i32 to index
          %get3A_289 = arith.constant 16 : index
          %get3A_290 = tpu.vector_load %arg12[%get3A_288, %get3A_289] {strides = array<i32>} : memref<128x64xf32, #tpu.memory_space<vmem>>, vector<1x16xf32>,
          %get3A_291 = vector.shape_cast %get3A_290 : vector<1x16xf32> to vector<16xf32>
          %mul3A_292 = arith.mulf %get3A_291, %gather3A_273 : vector<16xf32>
          %swap3A_293 = arith.index_cast %add3A_277 : i32 to index
          %swap3A_294 = arith.constant 16 : index
          %swap3A_295 = tpu.vector_load %arg14[%swap3A_293, %swap3A_294] {strides = array<i32>} : memref<128x64xf32, #tpu.memory_space<vmem>>, vector<1x16xf32>,
          %swap3A_296 = vector.shape_cast %swap3A_295 : vector<1x16xf32> to vector<16xf32>
          %swap3A_297 = vector.shape_cast %mul3A_292 : vector<16xf32> to vector<1x16xf32>
          tpu.vector_store %arg14[%swap3A_293, %swap3A_294], %swap3A_297 {strides = array<i32>} : memref<128x64xf32, #tpu.memory_space<vmem>>, vector<1x16xf32>,
          %get3A_298 = arith.index_cast %add3A_277 : i32 to index
          %get3A_299 = arith.constant 32 : index
          %get3A_300 = tpu.vector_load %arg12[%get3A_298, %get3A_299] {strides = array<i32>} : memref<128x64xf32, #tpu.memory_space<vmem>>, vector<1x16xf32>,
          %get3A_301 = vector.shape_cast %get3A_300 : vector<1x16xf32> to vector<16xf32>
          %mul3A_302 = arith.mulf %get3A_301, %gather3A_273 : vector<16xf32>
          %swap3A_303 = arith.index_cast %add3A_277 : i32 to index
          %swap3A_304 = arith.constant 32 : index
          %swap3A_305 = tpu.vector_load %arg14[%swap3A_303, %swap3A_304] {strides = array<i32>} : memref<128x64xf32, #tpu.memory_space<vmem>>, vector<1x16xf32>,
          %swap3A_306 = vector.shape_cast %swap3A_305 : vector<1x16xf32> to vector<16xf32>
          %swap3A_307 = vector.shape_cast %mul3A_302 : vector<16xf32> to vector<1x16xf32>
          tpu.vector_store %arg14[%swap3A_303, %swap3A_304], %swap3A_307 {strides = array<i32>} : memref<128x64xf32, #tpu.memory_space<vmem>>, vector<1x16xf32>,
          %get3A_308 = arith.index_cast %add3A_277 : i32 to index
          %get3A_309 = arith.constant 48 : index
          %get3A_310 = tpu.vector_load %arg12[%get3A_308, %get3A_309] {strides = array<i32>} : memref<128x64xf32, #tpu.memory_space<vmem>>, vector<1x16xf32>,
          %get3A_311 = vector.shape_cast %get3A_310 : vector<1x16xf32> to vector<16xf32>
          %mul3A_312 = arith.mulf %get3A_311, %gather3A_273 : vector<16xf32>
          %swap3A_313 = arith.index_cast %add3A_277 : i32 to index
          %swap3A_314 = arith.constant 48 : index
          %swap3A_315 = tpu.vector_load %arg14[%swap3A_313, %swap3A_314] {strides = array<i32>} : memref<128x64xf32, #tpu.memory_space<vmem>>, vector<1x16xf32>,
          %swap3A_316 = vector.shape_cast %swap3A_315 : vector<1x16xf32> to vector<16xf32>
          %swap3A_317 = vector.shape_cast %mul3A_312 : vector<16xf32> to vector<1x16xf32>
          tpu.vector_store %arg14[%swap3A_313, %swap3A_314], %swap3A_317 {strides = array<i32>} : memref<128x64xf32, #tpu.memory_space<vmem>>, vector<1x16xf32>,
          %broadcast_in_dim3A_318 = arith.constant 3 : i32
          %broadcast_in_dim3A_319 = vector.broadcast %broadcast_in_dim3A_318 : i32 to vector<16x1xi32>
          %gather3A_320 = vector.shape_cast %broadcast_in_dim3A_319 : vector<16x1xi32> to vector<16xi32>
          %gather3A_321 = tpu.dynamic_gather %get3A_175[%gather3A_320] in [0] : vector<16xf32>, vector<16xi32> -> vector<16xf32>
          %mul3A_322 = arith.constant 16 : i32
          %mul3A_323 = arith.muli %scan3A_168, %mul3A_322 : i32
          %add3A_324 = arith.constant 3 : i32
          %add3A_325 = arith.addi %mul3A_323, %add3A_324 : i32
          %get3A_326 = arith.index_cast %add3A_325 : i32 to index
          %get3A_327 = arith.constant 0 : index
          %get3A_328 = tpu.vector_load %arg12[%get3A_326, %get3A_327] {strides = array<i32>} : memref<128x64xf32, #tpu.memory_space<vmem>>, vector<1x16xf32>,
          %get3A_329 = vector.shape_cast %get3A_328 : vector<1x16xf32> to vector<16xf32>
          %mul3A_330 = arith.mulf %get3A_329, %gather3A_321 : vector<16xf32>
          %swap3A_331 = arith.index_cast %add3A_325 : i32 to index
          %swap3A_332 = arith.constant 0 : index
          %swap3A_333 = tpu.vector_load %arg14[%swap3A_331, %swap3A_332] {strides = array<i32>} : memref<128x64xf32, #tpu.memory_space<vmem>>, vector<1x16xf32>,
          %swap3A_334 = vector.shape_cast %swap3A_333 : vector<1x16xf32> to vector<16xf32>
          %swap3A_335 = vector.shape_cast %mul3A_330 : vector<16xf32> to vector<1x16xf32>
          tpu.vector_store %arg14[%swap3A_331, %swap3A_332], %swap3A_335 {strides = array<i32>} : memref<128x64xf32, #tpu.memory_space<vmem>>, vector<1x16xf32>,
          %get3A_336 = arith.index_cast %add3A_325 : i32 to index
          %get3A_337 = arith.constant 16 : index
          %get3A_338 = tpu.vector_load %arg12[%get3A_336, %get3A_337] {strides = array<i32>} : memref<128x64xf32, #tpu.memory_space<vmem>>, vector<1x16xf32>,
          %get3A_339 = vector.shape_cast %get3A_338 : vector<1x16xf32> to vector<16xf32>
          %mul3A_340 = arith.mulf %get3A_339, %gather3A_321 : vector<16xf32>
          %swap3A_341 = arith.index_cast %add3A_325 : i32 to index
          %swap3A_342 = arith.constant 16 : index
          %swap3A_343 = tpu.vector_load %arg14[%swap3A_341, %swap3A_342] {strides = array<i32>} : memref<128x64xf32, #tpu.memory_space<vmem>>, vector<1x16xf32>,
          %swap3A_344 = vector.shape_cast %swap3A_343 : vector<1x16xf32> to vector<16xf32>
          %swap3A_345 = vector.shape_cast %mul3A_340 : vector<16xf32> to vector<1x16xf32>
          tpu.vector_store %arg14[%swap3A_341, %swap3A_342], %swap3A_345 {strides = array<i32>} : memref<128x64xf32, #tpu.memory_space<vmem>>, vector<1x16xf32>,
          %get3A_346 = arith.index_cast %add3A_325 : i32 to index
          %get3A_347 = arith.constant 32 : index
          %get3A_348 = tpu.vector_load %arg12[%get3A_346, %get3A_347] {strides = array<i32>} : memref<128x64xf32, #tpu.memory_space<vmem>>, vector<1x16xf32>,
          %get3A_349 = vector.shape_cast %get3A_348 : vector<1x16xf32> to vector<16xf32>
          %mul3A_350 = arith.mulf %get3A_349, %gather3A_321 : vector<16xf32>
          %swap3A_351 = arith.index_cast %add3A_325 : i32 to index
          %swap3A_352 = arith.constant 32 : index
          %swap3A_353 = tpu.vector_load %arg14[%swap3A_351, %swap3A_352] {strides = array<i32>} : memref<128x64xf32, #tpu.memory_space<vmem>>, vector<1x16xf32>,
          %swap3A_354 = vector.shape_cast %swap3A_353 : vector<1x16xf32> to vector<16xf32>
          %swap3A_355 = vector.shape_cast %mul3A_350 : vector<16xf32> to vector<1x16xf32>
          tpu.vector_store %arg14[%swap3A_351, %swap3A_352], %swap3A_355 {strides = array<i32>} : memref<128x64xf32, #tpu.memory_space<vmem>>, vector<1x16xf32>,
          %get3A_356 = arith.index_cast %add3A_325 : i32 to index
          %get3A_357 = arith.constant 48 : index
          %get3A_358 = tpu.vector_load %arg12[%get3A_356, %get3A_357] {strides = array<i32>} : memref<128x64xf32, #tpu.memory_space<vmem>>, vector<1x16xf32>,
          %get3A_359 = vector.shape_cast %get3A_358 : vector<1x16xf32> to vector<16xf32>
          %mul3A_360 = arith.mulf %get3A_359, %gather3A_321 : vector<16xf32>
          %swap3A_361 = arith.index_cast %add3A_325 : i32 to index
          %swap3A_362 = arith.constant 48 : index
          %swap3A_363 = tpu.vector_load %arg14[%swap3A_361, %swap3A_362] {strides = array<i32>} : memref<128x64xf32, #tpu.memory_space<vmem>>, vector<1x16xf32>,
          %swap3A_364 = vector.shape_cast %swap3A_363 : vector<1x16xf32> to vector<16xf32>
          %swap3A_365 = vector.shape_cast %mul3A_360 : vector<16xf32> to vector<1x16xf32>
          tpu.vector_store %arg14[%swap3A_361, %swap3A_362], %swap3A_365 {strides = array<i32>} : memref<128x64xf32, #tpu.memory_space<vmem>>, vector<1x16xf32>,
          %broadcast_in_dim3A_366 = arith.constant 4 : i32
          %broadcast_in_dim3A_367 = vector.broadcast %broadcast_in_dim3A_366 : i32 to vector<16x1xi32>
          %gather3A_368 = vector.shape_cast %broadcast_in_dim3A_367 : vector<16x1xi32> to vector<16xi32>
          %gather3A_369 = tpu.dynamic_gather %get3A_175[%gather3A_368] in [0] : vector<16xf32>, vector<16xi32> -> vector<16xf32>
          %mul3A_370 = arith.constant 16 : i32
          %mul3A_371 = arith.muli %scan3A_168, %mul3A_370 : i32
          %add3A_372 = arith.constant 4 : i32
          %add3A_373 = arith.addi %mul3A_371, %add3A_372 : i32
          %get3A_374 = arith.index_cast %add3A_373 : i32 to index
          %get3A_375 = arith.constant 0 : index
          %get3A_376 = tpu.vector_load %arg12[%get3A_374, %get3A_375] {strides = array<i32>} : memref<128x64xf32, #tpu.memory_space<vmem>>, vector<1x16xf32>,
          %get3A_377 = vector.shape_cast %get3A_376 : vector<1x16xf32> to vector<16xf32>
          %mul3A_378 = arith.mulf %get3A_377, %gather3A_369 : vector<16xf32>
          %swap3A_379 = arith.index_cast %add3A_373 : i32 to index
          %swap3A_380 = arith.constant 0 : index
          %swap3A_381 = tpu.vector_load %arg14[%swap3A_379, %swap3A_380] {strides = array<i32>} : memref<128x64xf32, #tpu.memory_space<vmem>>, vector<1x16xf32>,
          %swap3A_382 = vector.shape_cast %swap3A_381 : vector<1x16xf32> to vector<16xf32>
          %swap3A_383 = vector.shape_cast %mul3A_378 : vector<16xf32> to vector<1x16xf32>
          tpu.vector_store %arg14[%swap3A_379, %swap3A_380], %swap3A_383 {strides = array<i32>} : memref<128x64xf32, #tpu.memory_space<vmem>>, vector<1x16xf32>,
          %get3A_384 = arith.index_cast %add3A_373 : i32 to index
          %get3A_385 = arith.constant 16 : index
          %get3A_386 = tpu.vector_load %arg12[%get3A_384, %get3A_385] {strides = array<i32>} : memref<128x64xf32, #tpu.memory_space<vmem>>, vector<1x16xf32>,
          %get3A_387 = vector.shape_cast %get3A_386 : vector<1x16xf32> to vector<16xf32>
          %mul3A_388 = arith.mulf %get3A_387, %gather3A_369 : vector<16xf32>
          %swap3A_389 = arith.index_cast %add3A_373 : i32 to index
          %swap3A_390 = arith.constant 16 : index
          %swap3A_391 = tpu.vector_load %arg14[%swap3A_389, %swap3A_390] {strides = array<i32>} : memref<128x64xf32, #tpu.memory_space<vmem>>, vector<1x16xf32>,
          %swap3A_392 = vector.shape_cast %swap3A_391 : vector<1x16xf32> to vector<16xf32>
          %swap3A_393 = vector.shape_cast %mul3A_388 : vector<16xf32> to vector<1x16xf32>
          tpu.vector_store %arg14[%swap3A_389, %swap3A_390], %swap3A_393 {strides = array<i32>} : memref<128x64xf32, #tpu.memory_space<vmem>>, vector<1x16xf32>,
          %get3A_394 = arith.index_cast %add3A_373 : i32 to index
          %get3A_395 = arith.constant 32 : index
          %get3A_396 = tpu.vector_load %arg12[%get3A_394, %get3A_395] {strides = array<i32>} : memref<128x64xf32, #tpu.memory_space<vmem>>, vector<1x16xf32>,
          %get3A_397 = vector.shape_cast %get3A_396 : vector<1x16xf32> to vector<16xf32>
          %mul3A_398 = arith.mulf %get3A_397, %gather3A_369 : vector<16xf32>
          %swap3A_399 = arith.index_cast %add3A_373 : i32 to index
          %swap3A_400 = arith.constant 32 : index
          %swap3A_401 = tpu.vector_load %arg14[%swap3A_399, %swap3A_400] {strides = array<i32>} : memref<128x64xf32, #tpu.memory_space<vmem>>, vector<1x16xf32>,
          %swap3A_402 = vector.shape_cast %swap3A_401 : vector<1x16xf32> to vector<16xf32>
          %swap3A_403 = vector.shape_cast %mul3A_398 : vector<16xf32> to vector<1x16xf32>
          tpu.vector_store %arg14[%swap3A_399, %swap3A_400], %swap3A_403 {strides = array<i32>} : memref<128x64xf32, #tpu.memory_space<vmem>>, vector<1x16xf32>,
          %get3A_404 = arith.index_cast %add3A_373 : i32 to index
          %get3A_405 = arith.constant 48 : index
          %get3A_406 = tpu.vector_load %arg12[%get3A_404, %get3A_405] {strides = array<i32>} : memref<128x64xf32, #tpu.memory_space<vmem>>, vector<1x16xf32>,
          %get3A_407 = vector.shape_cast %get3A_406 : vector<1x16xf32> to vector<16xf32>
          %mul3A_408 = arith.mulf %get3A_407, %gather3A_369 : vector<16xf32>
          %swap3A_409 = arith.index_cast %add3A_373 : i32 to index
          %swap3A_410 = arith.constant 48 : index
          %swap3A_411 = tpu.vector_load %arg14[%swap3A_409, %swap3A_410] {strides = array<i32>} : memref<128x64xf32, #tpu.memory_space<vmem>>, vector<1x16xf32>,
          %swap3A_412 = vector.shape_cast %swap3A_411 : vector<1x16xf32> to vector<16xf32>
          %swap3A_413 = vector.shape_cast %mul3A_408 : vector<16xf32> to vector<1x16xf32>
          tpu.vector_store %arg14[%swap3A_409, %swap3A_410], %swap3A_413 {strides = array<i32>} : memref<128x64xf32, #tpu.memory_space<vmem>>, vector<1x16xf32>,
          %broadcast_in_dim3A_414 = arith.constant 5 : i32
          %broadcast_in_dim3A_415 = vector.broadcast %broadcast_in_dim3A_414 : i32 to vector<16x1xi32>
          %gather3A_416 = vector.shape_cast %broadcast_in_dim3A_415 : vector<16x1xi32> to vector<16xi32>
          %gather3A_417 = tpu.dynamic_gather %get3A_175[%gather3A_416] in [0] : vector<16xf32>, vector<16xi32> -> vector<16xf32>
          %mul3A_418 = arith.constant 16 : i32
          %mul3A_419 = arith.muli %scan3A_168, %mul3A_418 : i32
          %add3A_420 = arith.constant 5 : i32
          %add3A_421 = arith.addi %mul3A_419, %add3A_420 : i32
          %get3A_422 = arith.index_cast %add3A_421 : i32 to index
          %get3A_423 = arith.constant 0 : index
          %get3A_424 = tpu.vector_load %arg12[%get3A_422, %get3A_423] {strides = array<i32>} : memref<128x64xf32, #tpu.memory_space<vmem>>, vector<1x16xf32>,
          %get3A_425 = vector.shape_cast %get3A_424 : vector<1x16xf32> to vector<16xf32>
          %mul3A_426 = arith.mulf %get3A_425, %gather3A_417 : vector<16xf32>
          %swap3A_427 = arith.index_cast %add3A_421 : i32 to index
          %swap3A_428 = arith.constant 0 : index
          %swap3A_429 = tpu.vector_load %arg14[%swap3A_427, %swap3A_428] {strides = array<i32>} : memref<128x64xf32, #tpu.memory_space<vmem>>, vector<1x16xf32>,
          %swap3A_430 = vector.shape_cast %swap3A_429 : vector<1x16xf32> to vector<16xf32>
          %swap3A_431 = vector.shape_cast %mul3A_426 : vector<16xf32> to vector<1x16xf32>
          tpu.vector_store %arg14[%swap3A_427, %swap3A_428], %swap3A_431 {strides = array<i32>} : memref<128x64xf32, #tpu.memory_space<vmem>>, vector<1x16xf32>,
          %get3A_432 = arith.index_cast %add3A_421 : i32 to index
          %get3A_433 = arith.constant 16 : index
          %get3A_434 = tpu.vector_load %arg12[%get3A_432, %get3A_433] {strides = array<i32>} : memref<128x64xf32, #tpu.memory_space<vmem>>, vector<1x16xf32>,
          %get3A_435 = vector.shape_cast %get3A_434 : vector<1x16xf32> to vector<16xf32>
          %mul3A_436 = arith.mulf %get3A_435, %gather3A_417 : vector<16xf32>
          %swap3A_437 = arith.index_cast %add3A_421 : i32 to index
          %swap3A_438 = arith.constant 16 : index
          %swap3A_439 = tpu.vector_load %arg14[%swap3A_437, %swap3A_438] {strides = array<i32>} : memref<128x64xf32, #tpu.memory_space<vmem>>, vector<1x16xf32>,
          %swap3A_440 = vector.shape_cast %swap3A_439 : vector<1x16xf32> to vector<16xf32>
          %swap3A_441 = vector.shape_cast %mul3A_436 : vector<16xf32> to vector<1x16xf32>
          tpu.vector_store %arg14[%swap3A_437, %swap3A_438], %swap3A_441 {strides = array<i32>} : memref<128x64xf32, #tpu.memory_space<vmem>>, vector<1x16xf32>,
          %get3A_442 = arith.index_cast %add3A_421 : i32 to index
          %get3A_443 = arith.constant 32 : index
          %get3A_444 = tpu.vector_load %arg12[%get3A_442, %get3A_443] {strides = array<i32>} : memref<128x64xf32, #tpu.memory_space<vmem>>, vector<1x16xf32>,
          %get3A_445 = vector.shape_cast %get3A_444 : vector<1x16xf32> to vector<16xf32>
          %mul3A_446 = arith.mulf %get3A_445, %gather3A_417 : vector<16xf32>
          %swap3A_447 = arith.index_cast %add3A_421 : i32 to index
          %swap3A_448 = arith.constant 32 : index
          %swap3A_449 = tpu.vector_load %arg14[%swap3A_447, %swap3A_448] {strides = array<i32>} : memref<128x64xf32, #tpu.memory_space<vmem>>, vector<1x16xf32>,
          %swap3A_450 = vector.shape_cast %swap3A_449 : vector<1x16xf32> to vector<16xf32>
          %swap3A_451 = vector.shape_cast %mul3A_446 : vector<16xf32> to vector<1x16xf32>
          tpu.vector_store %arg14[%swap3A_447, %swap3A_448], %swap3A_451 {strides = array<i32>} : memref<128x64xf32, #tpu.memory_space<vmem>>, vector<1x16xf32>,
          %get3A_452 = arith.index_cast %add3A_421 : i32 to index
          %get3A_453 = arith.constant 48 : index
          %get3A_454 = tpu.vector_load %arg12[%get3A_452, %get3A_453] {strides = array<i32>} : memref<128x64xf32, #tpu.memory_space<vmem>>, vector<1x16xf32>,
          %get3A_455 = vector.shape_cast %get3A_454 : vector<1x16xf32> to vector<16xf32>
          %mul3A_456 = arith.mulf %get3A_455, %gather3A_417 : vector<16xf32>
          %swap3A_457 = arith.index_cast %add3A_421 : i32 to index
          %swap3A_458 = arith.constant 48 : index
          %swap3A_459 = tpu.vector_load %arg14[%swap3A_457, %swap3A_458] {strides = array<i32>} : memref<128x64xf32, #tpu.memory_space<vmem>>, vector<1x16xf32>,
          %swap3A_460 = vector.shape_cast %swap3A_459 : vector<1x16xf32> to vector<16xf32>
          %swap3A_461 = vector.shape_cast %mul3A_456 : vector<16xf32> to vector<1x16xf32>
          tpu.vector_store %arg14[%swap3A_457, %swap3A_458], %swap3A_461 {strides = array<i32>} : memref<128x64xf32, #tpu.memory_space<vmem>>, vector<1x16xf32>,
          %broadcast_in_dim3A_462 = arith.constant 6 : i32
          %broadcast_in_dim3A_463 = vector.broadcast %broadcast_in_dim3A_462 : i32 to vector<16x1xi32>
          %gather3A_464 = vector.shape_cast %broadcast_in_dim3A_463 : vector<16x1xi32> to vector<16xi32>
          %gather3A_465 = tpu.dynamic_gather %get3A_175[%gather3A_464] in [0] : vector<16xf32>, vector<16xi32> -> vector<16xf32>
          %mul3A_466 = arith.constant 16 : i32
          %mul3A_467 = arith.muli %scan3A_168, %mul3A_466 : i32
          %add3A_468 = arith.constant 6 : i32
          %add3A_469 = arith.addi %mul3A_467, %add3A_468 : i32
          %get3A_470 = arith.index_cast %add3A_469 : i32 to index
          %get3A_471 = arith.constant 0 : index
          %get3A_472 = tpu.vector_load %arg12[%get3A_470, %get3A_471] {strides = array<i32>} : memref<128x64xf32, #tpu.memory_space<vmem>>, vector<1x16xf32>,
          %get3A_473 = vector.shape_cast %get3A_472 : vector<1x16xf32> to vector<16xf32>
          %mul3A_474 = arith.mulf %get3A_473, %gather3A_465 : vector<16xf32>
          %swap3A_475 = arith.index_cast %add3A_469 : i32 to index
          %swap3A_476 = arith.constant 0 : index
          %swap3A_477 = tpu.vector_load %arg14[%swap3A_475, %swap3A_476] {strides = array<i32>} : memref<128x64xf32, #tpu.memory_space<vmem>>, vector<1x16xf32>,
          %swap3A_478 = vector.shape_cast %swap3A_477 : vector<1x16xf32> to vector<16xf32>
          %swap3A_479 = vector.shape_cast %mul3A_474 : vector<16xf32> to vector<1x16xf32>
          tpu.vector_store %arg14[%swap3A_475, %swap3A_476], %swap3A_479 {strides = array<i32>} : memref<128x64xf32, #tpu.memory_space<vmem>>, vector<1x16xf32>,
          %get3A_480 = arith.index_cast %add3A_469 : i32 to index
          %get3A_481 = arith.constant 16 : index
          %get3A_482 = tpu.vector_load %arg12[%get3A_480, %get3A_481] {strides = array<i32>} : memref<128x64xf32, #tpu.memory_space<vmem>>, vector<1x16xf32>,
          %get3A_483 = vector.shape_cast %get3A_482 : vector<1x16xf32> to vector<16xf32>
          %mul3A_484 = arith.mulf %get3A_483, %gather3A_465 : vector<16xf32>
          %swap3A_485 = arith.index_cast %add3A_469 : i32 to index
          %swap3A_486 = arith.constant 16 : index
          %swap3A_487 = tpu.vector_load %arg14[%swap3A_485, %swap3A_486] {strides = array<i32>} : memref<128x64xf32, #tpu.memory_space<vmem>>, vector<1x16xf32>,
          %swap3A_488 = vector.shape_cast %swap3A_487 : vector<1x16xf32> to vector<16xf32>
          %swap3A_489 = vector.shape_cast %mul3A_484 : vector<16xf32> to vector<1x16xf32>
          tpu.vector_store %arg14[%swap3A_485, %swap3A_486], %swap3A_489 {strides = array<i32>} : memref<128x64xf32, #tpu.memory_space<vmem>>, vector<1x16xf32>,
          %get3A_490 = arith.index_cast %add3A_469 : i32 to index
          %get3A_491 = arith.constant 32 : index
          %get3A_492 = tpu.vector_load %arg12[%get3A_490, %get3A_491] {strides = array<i32>} : memref<128x64xf32, #tpu.memory_space<vmem>>, vector<1x16xf32>,
          %get3A_493 = vector.shape_cast %get3A_492 : vector<1x16xf32> to vector<16xf32>
          %mul3A_494 = arith.mulf %get3A_493, %gather3A_465 : vector<16xf32>
          %swap3A_495 = arith.index_cast %add3A_469 : i32 to index
          %swap3A_496 = arith.constant 32 : index
          %swap3A_497 = tpu.vector_load %arg14[%swap3A_495, %swap3A_496] {strides = array<i32>} : memref<128x64xf32, #tpu.memory_space<vmem>>, vector<1x16xf32>,
          %swap3A_498 = vector.shape_cast %swap3A_497 : vector<1x16xf32> to vector<16xf32>
          %swap3A_499 = vector.shape_cast %mul3A_494 : vector<16xf32> to vector<1x16xf32>
          tpu.vector_store %arg14[%swap3A_495, %swap3A_496], %swap3A_499 {strides = array<i32>} : memref<128x64xf32, #tpu.memory_space<vmem>>, vector<1x16xf32>,
          %get3A_500 = arith.index_cast %add3A_469 : i32 to index
          %get3A_501 = arith.constant 48 : index
          %get3A_502 = tpu.vector_load %arg12[%get3A_500, %get3A_501] {strides = array<i32>} : memref<128x64xf32, #tpu.memory_space<vmem>>, vector<1x16xf32>,
          %get3A_503 = vector.shape_cast %get3A_502 : vector<1x16xf32> to vector<16xf32>
          %mul3A_504 = arith.mulf %get3A_503, %gather3A_465 : vector<16xf32>
          %swap3A_505 = arith.index_cast %add3A_469 : i32 to index
          %swap3A_506 = arith.constant 48 : index
          %swap3A_507 = tpu.vector_load %arg14[%swap3A_505, %swap3A_506] {strides = array<i32>} : memref<128x64xf32, #tpu.memory_space<vmem>>, vector<1x16xf32>,
          %swap3A_508 = vector.shape_cast %swap3A_507 : vector<1x16xf32> to vector<16xf32>
          %swap3A_509 = vector.shape_cast %mul3A_504 : vector<16xf32> to vector<1x16xf32>
          tpu.vector_store %arg14[%swap3A_505, %swap3A_506], %swap3A_509 {strides = array<i32>} : memref<128x64xf32, #tpu.memory_space<vmem>>, vector<1x16xf32>,
          %broadcast_in_dim3A_510 = arith.constant 7 : i32
          %broadcast_in_dim3A_511 = vector.broadcast %broadcast_in_dim3A_510 : i32 to vector<16x1xi32>
          %gather3A_512 = vector.shape_cast %broadcast_in_dim3A_511 : vector<16x1xi32> to vector<16xi32>
          %gather3A_513 = tpu.dynamic_gather %get3A_175[%gather3A_512] in [0] : vector<16xf32>, vector<16xi32> -> vector<16xf32>
          %mul3A_514 = arith.constant 16 : i32
          %mul3A_515 = arith.muli %scan3A_168, %mul3A_514 : i32
          %add3A_516 = arith.constant 7 : i32
          %add3A_517 = arith.addi %mul3A_515, %add3A_516 : i32
          %get3A_518 = arith.index_cast %add3A_517 : i32 to index
          %get3A_519 = arith.constant 0 : index
          %get3A_520 = tpu.vector_load %arg12[%get3A_518, %get3A_519] {strides = array<i32>} : memref<128x64xf32, #tpu.memory_space<vmem>>, vector<1x16xf32>,
          %get3A_521 = vector.shape_cast %get3A_520 : vector<1x16xf32> to vector<16xf32>
          %mul3A_522 = arith.mulf %get3A_521, %gather3A_513 : vector<16xf32>
          %swap3A_523 = arith.index_cast %add3A_517 : i32 to index
          %swap3A_524 = arith.constant 0 : index
          %swap3A_525 = tpu.vector_load %arg14[%swap3A_523, %swap3A_524] {strides = array<i32>} : memref<128x64xf32, #tpu.memory_space<vmem>>, vector<1x16xf32>,
          %swap3A_526 = vector.shape_cast %swap3A_525 : vector<1x16xf32> to vector<16xf32>
          %swap3A_527 = vector.shape_cast %mul3A_522 : vector<16xf32> to vector<1x16xf32>
          tpu.vector_store %arg14[%swap3A_523, %swap3A_524], %swap3A_527 {strides = array<i32>} : memref<128x64xf32, #tpu.memory_space<vmem>>, vector<1x16xf32>,
          %get3A_528 = arith.index_cast %add3A_517 : i32 to index
          %get3A_529 = arith.constant 16 : index
          %get3A_530 = tpu.vector_load %arg12[%get3A_528, %get3A_529] {strides = array<i32>} : memref<128x64xf32, #tpu.memory_space<vmem>>, vector<1x16xf32>,
          %get3A_531 = vector.shape_cast %get3A_530 : vector<1x16xf32> to vector<16xf32>
          %mul3A_532 = arith.mulf %get3A_531, %gather3A_513 : vector<16xf32>
          %swap3A_533 = arith.index_cast %add3A_517 : i32 to index
          %swap3A_534 = arith.constant 16 : index
          %swap3A_535 = tpu.vector_load %arg14[%swap3A_533, %swap3A_534] {strides = array<i32>} : memref<128x64xf32, #tpu.memory_space<vmem>>, vector<1x16xf32>,
          %swap3A_536 = vector.shape_cast %swap3A_535 : vector<1x16xf32> to vector<16xf32>
          %swap3A_537 = vector.shape_cast %mul3A_532 : vector<16xf32> to vector<1x16xf32>
          tpu.vector_store %arg14[%swap3A_533, %swap3A_534], %swap3A_537 {strides = array<i32>} : memref<128x64xf32, #tpu.memory_space<vmem>>, vector<1x16xf32>,
          %get3A_538 = arith.index_cast %add3A_517 : i32 to index
          %get3A_539 = arith.constant 32 : index
          %get3A_540 = tpu.vector_load %arg12[%get3A_538, %get3A_539] {strides = array<i32>} : memref<128x64xf32, #tpu.memory_space<vmem>>, vector<1x16xf32>,
          %get3A_541 = vector.shape_cast %get3A_540 : vector<1x16xf32> to vector<16xf32>
          %mul3A_542 = arith.mulf %get3A_541, %gather3A_513 : vector<16xf32>
          %swap3A_543 = arith.index_cast %add3A_517 : i32 to index
          %swap3A_544 = arith.constant 32 : index
          %swap3A_545 = tpu.vector_load %arg14[%swap3A_543, %swap3A_544] {strides = array<i32>} : memref<128x64xf32, #tpu.memory_space<vmem>>, vector<1x16xf32>,
          %swap3A_546 = vector.shape_cast %swap3A_545 : vector<1x16xf32> to vector<16xf32>
          %swap3A_547 = vector.shape_cast %mul3A_542 : vector<16xf32> to vector<1x16xf32>
          tpu.vector_store %arg14[%swap3A_543, %swap3A_544], %swap3A_547 {strides = array<i32>} : memref<128x64xf32, #tpu.memory_space<vmem>>, vector<1x16xf32>,
          %get3A_548 = arith.index_cast %add3A_517 : i32 to index
          %get3A_549 = arith.constant 48 : index
          %get3A_550 = tpu.vector_load %arg12[%get3A_548, %get3A_549] {strides = array<i32>} : memref<128x64xf32, #tpu.memory_space<vmem>>, vector<1x16xf32>,
          %get3A_551 = vector.shape_cast %get3A_550 : vector<1x16xf32> to vector<16xf32>
          %mul3A_552 = arith.mulf %get3A_551, %gather3A_513 : vector<16xf32>
          %swap3A_553 = arith.index_cast %add3A_517 : i32 to index
          %swap3A_554 = arith.constant 48 : index
          %swap3A_555 = tpu.vector_load %arg14[%swap3A_553, %swap3A_554] {strides = array<i32>} : memref<128x64xf32, #tpu.memory_space<vmem>>, vector<1x16xf32>,
          %swap3A_556 = vector.shape_cast %swap3A_555 : vector<1x16xf32> to vector<16xf32>
          %swap3A_557 = vector.shape_cast %mul3A_552 : vector<16xf32> to vector<1x16xf32>
          tpu.vector_store %arg14[%swap3A_553, %swap3A_554], %swap3A_557 {strides = array<i32>} : memref<128x64xf32, #tpu.memory_space<vmem>>, vector<1x16xf32>,
          %broadcast_in_dim3A_558 = arith.constant 8 : i32
          %broadcast_in_dim3A_559 = vector.broadcast %broadcast_in_dim3A_558 : i32 to vector<16x1xi32>
          %gather3A_560 = vector.shape_cast %broadcast_in_dim3A_559 : vector<16x1xi32> to vector<16xi32>
          %gather3A_561 = tpu.dynamic_gather %get3A_175[%gather3A_560] in [0] : vector<16xf32>, vector<16xi32> -> vector<16xf32>
          %mul3A_562 = arith.constant 16 : i32
          %mul3A_563 = arith.muli %scan3A_168, %mul3A_562 : i32
          %add3A_564 = arith.constant 8 : i32
          %add3A_565 = arith.addi %mul3A_563, %add3A_564 : i32
          %get3A_566 = arith.index_cast %add3A_565 : i32 to index
          %get3A_567 = arith.constant 0 : index
          %get3A_568 = tpu.vector_load %arg12[%get3A_566, %get3A_567] {strides = array<i32>} : memref<128x64xf32, #tpu.memory_space<vmem>>, vector<1x16xf32>,
          %get3A_569 = vector.shape_cast %get3A_568 : vector<1x16xf32> to vector<16xf32>
          %mul3A_570 = arith.mulf %get3A_569, %gather3A_561 : vector<16xf32>
          %swap3A_571 = arith.index_cast %add3A_565 : i32 to index
          %swap3A_572 = arith.constant 0 : index
          %swap3A_573 = tpu.vector_load %arg14[%swap3A_571, %swap3A_572] {strides = array<i32>} : memref<128x64xf32, #tpu.memory_space<vmem>>, vector<1x16xf32>,
          %swap3A_574 = vector.shape_cast %swap3A_573 : vector<1x16xf32> to vector<16xf32>
          %swap3A_575 = vector.shape_cast %mul3A_570 : vector<16xf32> to vector<1x16xf32>
          tpu.vector_store %arg14[%swap3A_571, %swap3A_572], %swap3A_575 {strides = array<i32>} : memref<128x64xf32, #tpu.memory_space<vmem>>, vector<1x16xf32>,
          %get3A_576 = arith.index_cast %add3A_565 : i32 to index
          %get3A_577 = arith.constant 16 : index
          %get3A_578 = tpu.vector_load %arg12[%get3A_576, %get3A_577] {strides = array<i32>} : memref<128x64xf32, #tpu.memory_space<vmem>>, vector<1x16xf32>,
          %get3A_579 = vector.shape_cast %get3A_578 : vector<1x16xf32> to vector<16xf32>
          %mul3A_580 = arith.mulf %get3A_579, %gather3A_561 : vector<16xf32>
          %swap3A_581 = arith.index_cast %add3A_565 : i32 to index
          %swap3A_582 = arith.constant 16 : index
          %swap3A_583 = tpu.vector_load %arg14[%swap3A_581, %swap3A_582] {strides = array<i32>} : memref<128x64xf32, #tpu.memory_space<vmem>>, vector<1x16xf32>,
          %swap3A_584 = vector.shape_cast %swap3A_583 : vector<1x16xf32> to vector<16xf32>
          %swap3A_585 = vector.shape_cast %mul3A_580 : vector<16xf32> to vector<1x16xf32>
          tpu.vector_store %arg14[%swap3A_581, %swap3A_582], %swap3A_585 {strides = array<i32>} : memref<128x64xf32, #tpu.memory_space<vmem>>, vector<1x16xf32>,
          %get3A_586 = arith.index_cast %add3A_565 : i32 to index
          %get3A_587 = arith.constant 32 : index
          %get3A_588 = tpu.vector_load %arg12[%get3A_586, %get3A_587] {strides = array<i32>} : memref<128x64xf32, #tpu.memory_space<vmem>>, vector<1x16xf32>,
          %get3A_589 = vector.shape_cast %get3A_588 : vector<1x16xf32> to vector<16xf32>
          %mul3A_590 = arith.mulf %get3A_589, %gather3A_561 : vector<16xf32>
          %swap3A_591 = arith.index_cast %add3A_565 : i32 to index
          %swap3A_592 = arith.constant 32 : index
          %swap3A_593 = tpu.vector_load %arg14[%swap3A_591, %swap3A_592] {strides = array<i32>} : memref<128x64xf32, #tpu.memory_space<vmem>>, vector<1x16xf32>,
          %swap3A_594 = vector.shape_cast %swap3A_593 : vector<1x16xf32> to vector<16xf32>
          %swap3A_595 = vector.shape_cast %mul3A_590 : vector<16xf32> to vector<1x16xf32>
          tpu.vector_store %arg14[%swap3A_591, %swap3A_592], %swap3A_595 {strides = array<i32>} : memref<128x64xf32, #tpu.memory_space<vmem>>, vector<1x16xf32>,
          %get3A_596 = arith.index_cast %add3A_565 : i32 to index
          %get3A_597 = arith.constant 48 : index
          %get3A_598 = tpu.vector_load %arg12[%get3A_596, %get3A_597] {strides = array<i32>} : memref<128x64xf32, #tpu.memory_space<vmem>>, vector<1x16xf32>,
          %get3A_599 = vector.shape_cast %get3A_598 : vector<1x16xf32> to vector<16xf32>
          %mul3A_600 = arith.mulf %get3A_599, %gather3A_561 : vector<16xf32>
          %swap3A_601 = arith.index_cast %add3A_565 : i32 to index
          %swap3A_602 = arith.constant 48 : index
          %swap3A_603 = tpu.vector_load %arg14[%swap3A_601, %swap3A_602] {strides = array<i32>} : memref<128x64xf32, #tpu.memory_space<vmem>>, vector<1x16xf32>,
          %swap3A_604 = vector.shape_cast %swap3A_603 : vector<1x16xf32> to vector<16xf32>
          %swap3A_605 = vector.shape_cast %mul3A_600 : vector<16xf32> to vector<1x16xf32>
          tpu.vector_store %arg14[%swap3A_601, %swap3A_602], %swap3A_605 {strides = array<i32>} : memref<128x64xf32, #tpu.memory_space<vmem>>, vector<1x16xf32>,
          %broadcast_in_dim3A_606 = arith.constant 9 : i32
          %broadcast_in_dim3A_607 = vector.broadcast %broadcast_in_dim3A_606 : i32 to vector<16x1xi32>
          %gather3A_608 = vector.shape_cast %broadcast_in_dim3A_607 : vector<16x1xi32> to vector<16xi32>
          %gather3A_609 = tpu.dynamic_gather %get3A_175[%gather3A_608] in [0] : vector<16xf32>, vector<16xi32> -> vector<16xf32>
          %mul3A_610 = arith.constant 16 : i32
          %mul3A_611 = arith.muli %scan3A_168, %mul3A_610 : i32
          %add3A_612 = arith.constant 9 : i32
          %add3A_613 = arith.addi %mul3A_611, %add3A_612 : i32
          %get3A_614 = arith.index_cast %add3A_613 : i32 to index
          %get3A_615 = arith.constant 0 : index
          %get3A_616 = tpu.vector_load %arg12[%get3A_614, %get3A_615] {strides = array<i32>} : memref<128x64xf32, #tpu.memory_space<vmem>>, vector<1x16xf32>,
          %get3A_617 = vector.shape_cast %get3A_616 : vector<1x16xf32> to vector<16xf32>
          %mul3A_618 = arith.mulf %get3A_617, %gather3A_609 : vector<16xf32>
          %swap3A_619 = arith.index_cast %add3A_613 : i32 to index
          %swap3A_620 = arith.constant 0 : index
          %swap3A_621 = tpu.vector_load %arg14[%swap3A_619, %swap3A_620] {strides = array<i32>} : memref<128x64xf32, #tpu.memory_space<vmem>>, vector<1x16xf32>,
          %swap3A_622 = vector.shape_cast %swap3A_621 : vector<1x16xf32> to vector<16xf32>
          %swap3A_623 = vector.shape_cast %mul3A_618 : vector<16xf32> to vector<1x16xf32>
          tpu.vector_store %arg14[%swap3A_619, %swap3A_620], %swap3A_623 {strides = array<i32>} : memref<128x64xf32, #tpu.memory_space<vmem>>, vector<1x16xf32>,
          %get3A_624 = arith.index_cast %add3A_613 : i32 to index
          %get3A_625 = arith.constant 16 : index
          %get3A_626 = tpu.vector_load %arg12[%get3A_624, %get3A_625] {strides = array<i32>} : memref<128x64xf32, #tpu.memory_space<vmem>>, vector<1x16xf32>,
          %get3A_627 = vector.shape_cast %get3A_626 : vector<1x16xf32> to vector<16xf32>
          %mul3A_628 = arith.mulf %get3A_627, %gather3A_609 : vector<16xf32>
          %swap3A_629 = arith.index_cast %add3A_613 : i32 to index
          %swap3A_630 = arith.constant 16 : index
          %swap3A_631 = tpu.vector_load %arg14[%swap3A_629, %swap3A_630] {strides = array<i32>} : memref<128x64xf32, #tpu.memory_space<vmem>>, vector<1x16xf32>,
          %swap3A_632 = vector.shape_cast %swap3A_631 : vector<1x16xf32> to vector<16xf32>
          %swap3A_633 = vector.shape_cast %mul3A_628 : vector<16xf32> to vector<1x16xf32>
          tpu.vector_store %arg14[%swap3A_629, %swap3A_630], %swap3A_633 {strides = array<i32>} : memref<128x64xf32, #tpu.memory_space<vmem>>, vector<1x16xf32>,
          %get3A_634 = arith.index_cast %add3A_613 : i32 to index
          %get3A_635 = arith.constant 32 : index
          %get3A_636 = tpu.vector_load %arg12[%get3A_634, %get3A_635] {strides = array<i32>} : memref<128x64xf32, #tpu.memory_space<vmem>>, vector<1x16xf32>,
          %get3A_637 = vector.shape_cast %get3A_636 : vector<1x16xf32> to vector<16xf32>
          %mul3A_638 = arith.mulf %get3A_637, %gather3A_609 : vector<16xf32>
          %swap3A_639 = arith.index_cast %add3A_613 : i32 to index
          %swap3A_640 = arith.constant 32 : index
          %swap3A_641 = tpu.vector_load %arg14[%swap3A_639, %swap3A_640] {strides = array<i32>} : memref<128x64xf32, #tpu.memory_space<vmem>>, vector<1x16xf32>,
          %swap3A_642 = vector.shape_cast %swap3A_641 : vector<1x16xf32> to vector<16xf32>
          %swap3A_643 = vector.shape_cast %mul3A_638 : vector<16xf32> to vector<1x16xf32>
          tpu.vector_store %arg14[%swap3A_639, %swap3A_640], %swap3A_643 {strides = array<i32>} : memref<128x64xf32, #tpu.memory_space<vmem>>, vector<1x16xf32>,
          %get3A_644 = arith.index_cast %add3A_613 : i32 to index
          %get3A_645 = arith.constant 48 : index
          %get3A_646 = tpu.vector_load %arg12[%get3A_644, %get3A_645] {strides = array<i32>} : memref<128x64xf32, #tpu.memory_space<vmem>>, vector<1x16xf32>,
          %get3A_647 = vector.shape_cast %get3A_646 : vector<1x16xf32> to vector<16xf32>
          %mul3A_648 = arith.mulf %get3A_647, %gather3A_609 : vector<16xf32>
          %swap3A_649 = arith.index_cast %add3A_613 : i32 to index
          %swap3A_650 = arith.constant 48 : index
          %swap3A_651 = tpu.vector_load %arg14[%swap3A_649, %swap3A_650] {strides = array<i32>} : memref<128x64xf32, #tpu.memory_space<vmem>>, vector<1x16xf32>,
          %swap3A_652 = vector.shape_cast %swap3A_651 : vector<1x16xf32> to vector<16xf32>
          %swap3A_653 = vector.shape_cast %mul3A_648 : vector<16xf32> to vector<1x16xf32>
          tpu.vector_store %arg14[%swap3A_649, %swap3A_650], %swap3A_653 {strides = array<i32>} : memref<128x64xf32, #tpu.memory_space<vmem>>, vector<1x16xf32>,
          %broadcast_in_dim3A_654 = arith.constant 10 : i32
          %broadcast_in_dim3A_655 = vector.broadcast %broadcast_in_dim3A_654 : i32 to vector<16x1xi32>
          %gather3A_656 = vector.shape_cast %broadcast_in_dim3A_655 : vector<16x1xi32> to vector<16xi32>
          %gather3A_657 = tpu.dynamic_gather %get3A_175[%gather3A_656] in [0] : vector<16xf32>, vector<16xi32> -> vector<16xf32>
          %mul3A_658 = arith.constant 16 : i32
          %mul3A_659 = arith.muli %scan3A_168, %mul3A_658 : i32
          %add3A_660 = arith.constant 10 : i32
          %add3A_661 = arith.addi %mul3A_659, %add3A_660 : i32
          %get3A_662 = arith.index_cast %add3A_661 : i32 to index
          %get3A_663 = arith.constant 0 : index
          %get3A_664 = tpu.vector_load %arg12[%get3A_662, %get3A_663] {strides = array<i32>} : memref<128x64xf32, #tpu.memory_space<vmem>>, vector<1x16xf32>,
          %get3A_665 = vector.shape_cast %get3A_664 : vector<1x16xf32> to vector<16xf32>
          %mul3A_666 = arith.mulf %get3A_665, %gather3A_657 : vector<16xf32>
          %swap3A_667 = arith.index_cast %add3A_661 : i32 to index
          %swap3A_668 = arith.constant 0 : index
          %swap3A_669 = tpu.vector_load %arg14[%swap3A_667, %swap3A_668] {strides = array<i32>} : memref<128x64xf32, #tpu.memory_space<vmem>>, vector<1x16xf32>,
          %swap3A_670 = vector.shape_cast %swap3A_669 : vector<1x16xf32> to vector<16xf32>
          %swap3A_671 = vector.shape_cast %mul3A_666 : vector<16xf32> to vector<1x16xf32>
          tpu.vector_store %arg14[%swap3A_667, %swap3A_668], %swap3A_671 {strides = array<i32>} : memref<128x64xf32, #tpu.memory_space<vmem>>, vector<1x16xf32>,
          %get3A_672 = arith.index_cast %add3A_661 : i32 to index
          %get3A_673 = arith.constant 16 : index
          %get3A_674 = tpu.vector_load %arg12[%get3A_672, %get3A_673] {strides = array<i32>} : memref<128x64xf32, #tpu.memory_space<vmem>>, vector<1x16xf32>,
          %get3A_675 = vector.shape_cast %get3A_674 : vector<1x16xf32> to vector<16xf32>
          %mul3A_676 = arith.mulf %get3A_675, %gather3A_657 : vector<16xf32>
          %swap3A_677 = arith.index_cast %add3A_661 : i32 to index
          %swap3A_678 = arith.constant 16 : index
          %swap3A_679 = tpu.vector_load %arg14[%swap3A_677, %swap3A_678] {strides = array<i32>} : memref<128x64xf32, #tpu.memory_space<vmem>>, vector<1x16xf32>,
          %swap3A_680 = vector.shape_cast %swap3A_679 : vector<1x16xf32> to vector<16xf32>
          %swap3A_681 = vector.shape_cast %mul3A_676 : vector<16xf32> to vector<1x16xf32>
          tpu.vector_store %arg14[%swap3A_677, %swap3A_678], %swap3A_681 {strides = array<i32>} : memref<128x64xf32, #tpu.memory_space<vmem>>, vector<1x16xf32>,
          %get3A_682 = arith.index_cast %add3A_661 : i32 to index
          %get3A_683 = arith.constant 32 : index
          %get3A_684 = tpu.vector_load %arg12[%get3A_682, %get3A_683] {strides = array<i32>} : memref<128x64xf32, #tpu.memory_space<vmem>>, vector<1x16xf32>,
          %get3A_685 = vector.shape_cast %get3A_684 : vector<1x16xf32> to vector<16xf32>
          %mul3A_686 = arith.mulf %get3A_685, %gather3A_657 : vector<16xf32>
          %swap3A_687 = arith.index_cast %add3A_661 : i32 to index
          %swap3A_688 = arith.constant 32 : index
          %swap3A_689 = tpu.vector_load %arg14[%swap3A_687, %swap3A_688] {strides = array<i32>} : memref<128x64xf32, #tpu.memory_space<vmem>>, vector<1x16xf32>,
          %swap3A_690 = vector.shape_cast %swap3A_689 : vector<1x16xf32> to vector<16xf32>
          %swap3A_691 = vector.shape_cast %mul3A_686 : vector<16xf32> to vector<1x16xf32>
          tpu.vector_store %arg14[%swap3A_687, %swap3A_688], %swap3A_691 {strides = array<i32>} : memref<128x64xf32, #tpu.memory_space<vmem>>, vector<1x16xf32>,
          %get3A_692 = arith.index_cast %add3A_661 : i32 to index
          %get3A_693 = arith.constant 48 : index
          %get3A_694 = tpu.vector_load %arg12[%get3A_692, %get3A_693] {strides = array<i32>} : memref<128x64xf32, #tpu.memory_space<vmem>>, vector<1x16xf32>,
          %get3A_695 = vector.shape_cast %get3A_694 : vector<1x16xf32> to vector<16xf32>
          %mul3A_696 = arith.mulf %get3A_695, %gather3A_657 : vector<16xf32>
          %swap3A_697 = arith.index_cast %add3A_661 : i32 to index
          %swap3A_698 = arith.constant 48 : index
          %swap3A_699 = tpu.vector_load %arg14[%swap3A_697, %swap3A_698] {strides = array<i32>} : memref<128x64xf32, #tpu.memory_space<vmem>>, vector<1x16xf32>,
          %swap3A_700 = vector.shape_cast %swap3A_699 : vector<1x16xf32> to vector<16xf32>
          %swap3A_701 = vector.shape_cast %mul3A_696 : vector<16xf32> to vector<1x16xf32>
          tpu.vector_store %arg14[%swap3A_697, %swap3A_698], %swap3A_701 {strides = array<i32>} : memref<128x64xf32, #tpu.memory_space<vmem>>, vector<1x16xf32>,
          %broadcast_in_dim3A_702 = arith.constant 11 : i32
          %broadcast_in_dim3A_703 = vector.broadcast %broadcast_in_dim3A_702 : i32 to vector<16x1xi32>
          %gather3A_704 = vector.shape_cast %broadcast_in_dim3A_703 : vector<16x1xi32> to vector<16xi32>
          %gather3A_705 = tpu.dynamic_gather %get3A_175[%gather3A_704] in [0] : vector<16xf32>, vector<16xi32> -> vector<16xf32>
          %mul3A_706 = arith.constant 16 : i32
          %mul3A_707 = arith.muli %scan3A_168, %mul3A_706 : i32
          %add3A_708 = arith.constant 11 : i32
          %add3A_709 = arith.addi %mul3A_707, %add3A_708 : i32
          %get3A_710 = arith.index_cast %add3A_709 : i32 to index
          %get3A_711 = arith.constant 0 : index
          %get3A_712 = tpu.vector_load %arg12[%get3A_710, %get3A_711] {strides = array<i32>} : memref<128x64xf32, #tpu.memory_space<vmem>>, vector<1x16xf32>,
          %get3A_713 = vector.shape_cast %get3A_712 : vector<1x16xf32> to vector<16xf32>
          %mul3A_714 = arith.mulf %get3A_713, %gather3A_705 : vector<16xf32>
          %swap3A_715 = arith.index_cast %add3A_709 : i32 to index
          %swap3A_716 = arith.constant 0 : index
          %swap3A_717 = tpu.vector_load %arg14[%swap3A_715, %swap3A_716] {strides = array<i32>} : memref<128x64xf32, #tpu.memory_space<vmem>>, vector<1x16xf32>,
          %swap3A_718 = vector.shape_cast %swap3A_717 : vector<1x16xf32> to vector<16xf32>
          %swap3A_719 = vector.shape_cast %mul3A_714 : vector<16xf32> to vector<1x16xf32>
          tpu.vector_store %arg14[%swap3A_715, %swap3A_716], %swap3A_719 {strides = array<i32>} : memref<128x64xf32, #tpu.memory_space<vmem>>, vector<1x16xf32>,
          %get3A_720 = arith.index_cast %add3A_709 : i32 to index
          %get3A_721 = arith.constant 16 : index
          %get3A_722 = tpu.vector_load %arg12[%get3A_720, %get3A_721] {strides = array<i32>} : memref<128x64xf32, #tpu.memory_space<vmem>>, vector<1x16xf32>,
          %get3A_723 = vector.shape_cast %get3A_722 : vector<1x16xf32> to vector<16xf32>
          %mul3A_724 = arith.mulf %get3A_723, %gather3A_705 : vector<16xf32>
          %swap3A_725 = arith.index_cast %add3A_709 : i32 to index
          %swap3A_726 = arith.constant 16 : index
          %swap3A_727 = tpu.vector_load %arg14[%swap3A_725, %swap3A_726] {strides = array<i32>} : memref<128x64xf32, #tpu.memory_space<vmem>>, vector<1x16xf32>,
          %swap3A_728 = vector.shape_cast %swap3A_727 : vector<1x16xf32> to vector<16xf32>
          %swap3A_729 = vector.shape_cast %mul3A_724 : vector<16xf32> to vector<1x16xf32>
          tpu.vector_store %arg14[%swap3A_725, %swap3A_726], %swap3A_729 {strides = array<i32>} : memref<128x64xf32, #tpu.memory_space<vmem>>, vector<1x16xf32>,
          %get3A_730 = arith.index_cast %add3A_709 : i32 to index
          %get3A_731 = arith.constant 32 : index
          %get3A_732 = tpu.vector_load %arg12[%get3A_730, %get3A_731] {strides = array<i32>} : memref<128x64xf32, #tpu.memory_space<vmem>>, vector<1x16xf32>,
          %get3A_733 = vector.shape_cast %get3A_732 : vector<1x16xf32> to vector<16xf32>
          %mul3A_734 = arith.mulf %get3A_733, %gather3A_705 : vector<16xf32>
          %swap3A_735 = arith.index_cast %add3A_709 : i32 to index
          %swap3A_736 = arith.constant 32 : index
          %swap3A_737 = tpu.vector_load %arg14[%swap3A_735, %swap3A_736] {strides = array<i32>} : memref<128x64xf32, #tpu.memory_space<vmem>>, vector<1x16xf32>,
          %swap3A_738 = vector.shape_cast %swap3A_737 : vector<1x16xf32> to vector<16xf32>
          %swap3A_739 = vector.shape_cast %mul3A_734 : vector<16xf32> to vector<1x16xf32>
          tpu.vector_store %arg14[%swap3A_735, %swap3A_736], %swap3A_739 {strides = array<i32>} : memref<128x64xf32, #tpu.memory_space<vmem>>, vector<1x16xf32>,
          %get3A_740 = arith.index_cast %add3A_709 : i32 to index
          %get3A_741 = arith.constant 48 : index
          %get3A_742 = tpu.vector_load %arg12[%get3A_740, %get3A_741] {strides = array<i32>} : memref<128x64xf32, #tpu.memory_space<vmem>>, vector<1x16xf32>,
          %get3A_743 = vector.shape_cast %get3A_742 : vector<1x16xf32> to vector<16xf32>
          %mul3A_744 = arith.mulf %get3A_743, %gather3A_705 : vector<16xf32>
          %swap3A_745 = arith.index_cast %add3A_709 : i32 to index
          %swap3A_746 = arith.constant 48 : index
          %swap3A_747 = tpu.vector_load %arg14[%swap3A_745, %swap3A_746] {strides = array<i32>} : memref<128x64xf32, #tpu.memory_space<vmem>>, vector<1x16xf32>,
          %swap3A_748 = vector.shape_cast %swap3A_747 : vector<1x16xf32> to vector<16xf32>
          %swap3A_749 = vector.shape_cast %mul3A_744 : vector<16xf32> to vector<1x16xf32>
          tpu.vector_store %arg14[%swap3A_745, %swap3A_746], %swap3A_749 {strides = array<i32>} : memref<128x64xf32, #tpu.memory_space<vmem>>, vector<1x16xf32>,
          %broadcast_in_dim3A_750 = arith.constant 12 : i32
          %broadcast_in_dim3A_751 = vector.broadcast %broadcast_in_dim3A_750 : i32 to vector<16x1xi32>
          %gather3A_752 = vector.shape_cast %broadcast_in_dim3A_751 : vector<16x1xi32> to vector<16xi32>
          %gather3A_753 = tpu.dynamic_gather %get3A_175[%gather3A_752] in [0] : vector<16xf32>, vector<16xi32> -> vector<16xf32>
          %mul3A_754 = arith.constant 16 : i32
          %mul3A_755 = arith.muli %scan3A_168, %mul3A_754 : i32
          %add3A_756 = arith.constant 12 : i32
          %add3A_757 = arith.addi %mul3A_755, %add3A_756 : i32
          %get3A_758 = arith.index_cast %add3A_757 : i32 to index
          %get3A_759 = arith.constant 0 : index
          %get3A_760 = tpu.vector_load %arg12[%get3A_758, %get3A_759] {strides = array<i32>} : memref<128x64xf32, #tpu.memory_space<vmem>>, vector<1x16xf32>,
          %get3A_761 = vector.shape_cast %get3A_760 : vector<1x16xf32> to vector<16xf32>
          %mul3A_762 = arith.mulf %get3A_761, %gather3A_753 : vector<16xf32>
          %swap3A_763 = arith.index_cast %add3A_757 : i32 to index
          %swap3A_764 = arith.constant 0 : index
          %swap3A_765 = tpu.vector_load %arg14[%swap3A_763, %swap3A_764] {strides = array<i32>} : memref<128x64xf32, #tpu.memory_space<vmem>>, vector<1x16xf32>,
          %swap3A_766 = vector.shape_cast %swap3A_765 : vector<1x16xf32> to vector<16xf32>
          %swap3A_767 = vector.shape_cast %mul3A_762 : vector<16xf32> to vector<1x16xf32>
          tpu.vector_store %arg14[%swap3A_763, %swap3A_764], %swap3A_767 {strides = array<i32>} : memref<128x64xf32, #tpu.memory_space<vmem>>, vector<1x16xf32>,
          %get3A_768 = arith.index_cast %add3A_757 : i32 to index
          %get3A_769 = arith.constant 16 : index
          %get3A_770 = tpu.vector_load %arg12[%get3A_768, %get3A_769] {strides = array<i32>} : memref<128x64xf32, #tpu.memory_space<vmem>>, vector<1x16xf32>,
          %get3A_771 = vector.shape_cast %get3A_770 : vector<1x16xf32> to vector<16xf32>
          %mul3A_772 = arith.mulf %get3A_771, %gather3A_753 : vector<16xf32>
          %swap3A_773 = arith.index_cast %add3A_757 : i32 to index
          %swap3A_774 = arith.constant 16 : index
          %swap3A_775 = tpu.vector_load %arg14[%swap3A_773, %swap3A_774] {strides = array<i32>} : memref<128x64xf32, #tpu.memory_space<vmem>>, vector<1x16xf32>,
          %swap3A_776 = vector.shape_cast %swap3A_775 : vector<1x16xf32> to vector<16xf32>
          %swap3A_777 = vector.shape_cast %mul3A_772 : vector<16xf32> to vector<1x16xf32>
          tpu.vector_store %arg14[%swap3A_773, %swap3A_774], %swap3A_777 {strides = array<i32>} : memref<128x64xf32, #tpu.memory_space<vmem>>, vector<1x16xf32>,
          %get3A_778 = arith.index_cast %add3A_757 : i32 to index
          %get3A_779 = arith.constant 32 : index
          %get3A_780 = tpu.vector_load %arg12[%get3A_778, %get3A_779] {strides = array<i32>} : memref<128x64xf32, #tpu.memory_space<vmem>>, vector<1x16xf32>,
          %get3A_781 = vector.shape_cast %get3A_780 : vector<1x16xf32> to vector<16xf32>
          %mul3A_782 = arith.mulf %get3A_781, %gather3A_753 : vector<16xf32>
          %swap3A_783 = arith.index_cast %add3A_757 : i32 to index
          %swap3A_784 = arith.constant 32 : index
          %swap3A_785 = tpu.vector_load %arg14[%swap3A_783, %swap3A_784] {strides = array<i32>} : memref<128x64xf32, #tpu.memory_space<vmem>>, vector<1x16xf32>,
          %swap3A_786 = vector.shape_cast %swap3A_785 : vector<1x16xf32> to vector<16xf32>
          %swap3A_787 = vector.shape_cast %mul3A_782 : vector<16xf32> to vector<1x16xf32>
          tpu.vector_store %arg14[%swap3A_783, %swap3A_784], %swap3A_787 {strides = array<i32>} : memref<128x64xf32, #tpu.memory_space<vmem>>, vector<1x16xf32>,
          %get3A_788 = arith.index_cast %add3A_757 : i32 to index
          %get3A_789 = arith.constant 48 : index
          %get3A_790 = tpu.vector_load %arg12[%get3A_788, %get3A_789] {strides = array<i32>} : memref<128x64xf32, #tpu.memory_space<vmem>>, vector<1x16xf32>,
          %get3A_791 = vector.shape_cast %get3A_790 : vector<1x16xf32> to vector<16xf32>
          %mul3A_792 = arith.mulf %get3A_791, %gather3A_753 : vector<16xf32>
          %swap3A_793 = arith.index_cast %add3A_757 : i32 to index
          %swap3A_794 = arith.constant 48 : index
          %swap3A_795 = tpu.vector_load %arg14[%swap3A_793, %swap3A_794] {strides = array<i32>} : memref<128x64xf32, #tpu.memory_space<vmem>>, vector<1x16xf32>,
          %swap3A_796 = vector.shape_cast %swap3A_795 : vector<1x16xf32> to vector<16xf32>
          %swap3A_797 = vector.shape_cast %mul3A_792 : vector<16xf32> to vector<1x16xf32>
          tpu.vector_store %arg14[%swap3A_793, %swap3A_794], %swap3A_797 {strides = array<i32>} : memref<128x64xf32, #tpu.memory_space<vmem>>, vector<1x16xf32>,
          %broadcast_in_dim3A_798 = arith.constant 13 : i32
          %broadcast_in_dim3A_799 = vector.broadcast %broadcast_in_dim3A_798 : i32 to vector<16x1xi32>
          %gather3A_800 = vector.shape_cast %broadcast_in_dim3A_799 : vector<16x1xi32> to vector<16xi32>
          %gather3A_801 = tpu.dynamic_gather %get3A_175[%gather3A_800] in [0] : vector<16xf32>, vector<16xi32> -> vector<16xf32>
          %mul3A_802 = arith.constant 16 : i32
          %mul3A_803 = arith.muli %scan3A_168, %mul3A_802 : i32
          %add3A_804 = arith.constant 13 : i32
          %add3A_805 = arith.addi %mul3A_803, %add3A_804 : i32
          %get3A_806 = arith.index_cast %add3A_805 : i32 to index
          %get3A_807 = arith.constant 0 : index
          %get3A_808 = tpu.vector_load %arg12[%get3A_806, %get3A_807] {strides = array<i32>} : memref<128x64xf32, #tpu.memory_space<vmem>>, vector<1x16xf32>,
          %get3A_809 = vector.shape_cast %get3A_808 : vector<1x16xf32> to vector<16xf32>
          %mul3A_810 = arith.mulf %get3A_809, %gather3A_801 : vector<16xf32>
          %swap3A_811 = arith.index_cast %add3A_805 : i32 to index
          %swap3A_812 = arith.constant 0 : index
          %swap3A_813 = tpu.vector_load %arg14[%swap3A_811, %swap3A_812] {strides = array<i32>} : memref<128x64xf32, #tpu.memory_space<vmem>>, vector<1x16xf32>,
          %swap3A_814 = vector.shape_cast %swap3A_813 : vector<1x16xf32> to vector<16xf32>
          %swap3A_815 = vector.shape_cast %mul3A_810 : vector<16xf32> to vector<1x16xf32>
          tpu.vector_store %arg14[%swap3A_811, %swap3A_812], %swap3A_815 {strides = array<i32>} : memref<128x64xf32, #tpu.memory_space<vmem>>, vector<1x16xf32>,
          %get3A_816 = arith.index_cast %add3A_805 : i32 to index
          %get3A_817 = arith.constant 16 : index
          %get3A_818 = tpu.vector_load %arg12[%get3A_816, %get3A_817] {strides = array<i32>} : memref<128x64xf32, #tpu.memory_space<vmem>>, vector<1x16xf32>,
          %get3A_819 = vector.shape_cast %get3A_818 : vector<1x16xf32> to vector<16xf32>
          %mul3A_820 = arith.mulf %get3A_819, %gather3A_801 : vector<16xf32>
          %swap3A_821 = arith.index_cast %add3A_805 : i32 to index
          %swap3A_822 = arith.constant 16 : index
          %swap3A_823 = tpu.vector_load %arg14[%swap3A_821, %swap3A_822] {strides = array<i32>} : memref<128x64xf32, #tpu.memory_space<vmem>>, vector<1x16xf32>,
          %swap3A_824 = vector.shape_cast %swap3A_823 : vector<1x16xf32> to vector<16xf32>
          %swap3A_825 = vector.shape_cast %mul3A_820 : vector<16xf32> to vector<1x16xf32>
          tpu.vector_store %arg14[%swap3A_821, %swap3A_822], %swap3A_825 {strides = array<i32>} : memref<128x64xf32, #tpu.memory_space<vmem>>, vector<1x16xf32>,
          %get3A_826 = arith.index_cast %add3A_805 : i32 to index
          %get3A_827 = arith.constant 32 : index
          %get3A_828 = tpu.vector_load %arg12[%get3A_826, %get3A_827] {strides = array<i32>} : memref<128x64xf32, #tpu.memory_space<vmem>>, vector<1x16xf32>,
          %get3A_829 = vector.shape_cast %get3A_828 : vector<1x16xf32> to vector<16xf32>
          %mul3A_830 = arith.mulf %get3A_829, %gather3A_801 : vector<16xf32>
          %swap3A_831 = arith.index_cast %add3A_805 : i32 to index
          %swap3A_832 = arith.constant 32 : index
          %swap3A_833 = tpu.vector_load %arg14[%swap3A_831, %swap3A_832] {strides = array<i32>} : memref<128x64xf32, #tpu.memory_space<vmem>>, vector<1x16xf32>,
          %swap3A_834 = vector.shape_cast %swap3A_833 : vector<1x16xf32> to vector<16xf32>
          %swap3A_835 = vector.shape_cast %mul3A_830 : vector<16xf32> to vector<1x16xf32>
          tpu.vector_store %arg14[%swap3A_831, %swap3A_832], %swap3A_835 {strides = array<i32>} : memref<128x64xf32, #tpu.memory_space<vmem>>, vector<1x16xf32>,
          %get3A_836 = arith.index_cast %add3A_805 : i32 to index
          %get3A_837 = arith.constant 48 : index
          %get3A_838 = tpu.vector_load %arg12[%get3A_836, %get3A_837] {strides = array<i32>} : memref<128x64xf32, #tpu.memory_space<vmem>>, vector<1x16xf32>,
          %get3A_839 = vector.shape_cast %get3A_838 : vector<1x16xf32> to vector<16xf32>
          %mul3A_840 = arith.mulf %get3A_839, %gather3A_801 : vector<16xf32>
          %swap3A_841 = arith.index_cast %add3A_805 : i32 to index
          %swap3A_842 = arith.constant 48 : index
          %swap3A_843 = tpu.vector_load %arg14[%swap3A_841, %swap3A_842] {strides = array<i32>} : memref<128x64xf32, #tpu.memory_space<vmem>>, vector<1x16xf32>,
          %swap3A_844 = vector.shape_cast %swap3A_843 : vector<1x16xf32> to vector<16xf32>
          %swap3A_845 = vector.shape_cast %mul3A_840 : vector<16xf32> to vector<1x16xf32>
          tpu.vector_store %arg14[%swap3A_841, %swap3A_842], %swap3A_845 {strides = array<i32>} : memref<128x64xf32, #tpu.memory_space<vmem>>, vector<1x16xf32>,
          %broadcast_in_dim3A_846 = arith.constant 14 : i32
          %broadcast_in_dim3A_847 = vector.broadcast %broadcast_in_dim3A_846 : i32 to vector<16x1xi32>
          %gather3A_848 = vector.shape_cast %broadcast_in_dim3A_847 : vector<16x1xi32> to vector<16xi32>
          %gather3A_849 = tpu.dynamic_gather %get3A_175[%gather3A_848] in [0] : vector<16xf32>, vector<16xi32> -> vector<16xf32>
          %mul3A_850 = arith.constant 16 : i32
          %mul3A_851 = arith.muli %scan3A_168, %mul3A_850 : i32
          %add3A_852 = arith.constant 14 : i32
          %add3A_853 = arith.addi %mul3A_851, %add3A_852 : i32
          %get3A_854 = arith.index_cast %add3A_853 : i32 to index
          %get3A_855 = arith.constant 0 : index
          %get3A_856 = tpu.vector_load %arg12[%get3A_854, %get3A_855] {strides = array<i32>} : memref<128x64xf32, #tpu.memory_space<vmem>>, vector<1x16xf32>,
          %get3A_857 = vector.shape_cast %get3A_856 : vector<1x16xf32> to vector<16xf32>
          %mul3A_858 = arith.mulf %get3A_857, %gather3A_849 : vector<16xf32>
          %swap3A_859 = arith.index_cast %add3A_853 : i32 to index
          %swap3A_860 = arith.constant 0 : index
          %swap3A_861 = tpu.vector_load %arg14[%swap3A_859, %swap3A_860] {strides = array<i32>} : memref<128x64xf32, #tpu.memory_space<vmem>>, vector<1x16xf32>,
          %swap3A_862 = vector.shape_cast %swap3A_861 : vector<1x16xf32> to vector<16xf32>
          %swap3A_863 = vector.shape_cast %mul3A_858 : vector<16xf32> to vector<1x16xf32>
          tpu.vector_store %arg14[%swap3A_859, %swap3A_860], %swap3A_863 {strides = array<i32>} : memref<128x64xf32, #tpu.memory_space<vmem>>, vector<1x16xf32>,
          %get3A_864 = arith.index_cast %add3A_853 : i32 to index
          %get3A_865 = arith.constant 16 : index
          %get3A_866 = tpu.vector_load %arg12[%get3A_864, %get3A_865] {strides = array<i32>} : memref<128x64xf32, #tpu.memory_space<vmem>>, vector<1x16xf32>,
          %get3A_867 = vector.shape_cast %get3A_866 : vector<1x16xf32> to vector<16xf32>
          %mul3A_868 = arith.mulf %get3A_867, %gather3A_849 : vector<16xf32>
          %swap3A_869 = arith.index_cast %add3A_853 : i32 to index
          %swap3A_870 = arith.constant 16 : index
          %swap3A_871 = tpu.vector_load %arg14[%swap3A_869, %swap3A_870] {strides = array<i32>} : memref<128x64xf32, #tpu.memory_space<vmem>>, vector<1x16xf32>,
          %swap3A_872 = vector.shape_cast %swap3A_871 : vector<1x16xf32> to vector<16xf32>
          %swap3A_873 = vector.shape_cast %mul3A_868 : vector<16xf32> to vector<1x16xf32>
          tpu.vector_store %arg14[%swap3A_869, %swap3A_870], %swap3A_873 {strides = array<i32>} : memref<128x64xf32, #tpu.memory_space<vmem>>, vector<1x16xf32>,
          %get3A_874 = arith.index_cast %add3A_853 : i32 to index
          %get3A_875 = arith.constant 32 : index
          %get3A_876 = tpu.vector_load %arg12[%get3A_874, %get3A_875] {strides = array<i32>} : memref<128x64xf32, #tpu.memory_space<vmem>>, vector<1x16xf32>,
          %get3A_877 = vector.shape_cast %get3A_876 : vector<1x16xf32> to vector<16xf32>
          %mul3A_878 = arith.mulf %get3A_877, %gather3A_849 : vector<16xf32>
          %swap3A_879 = arith.index_cast %add3A_853 : i32 to index
          %swap3A_880 = arith.constant 32 : index
          %swap3A_881 = tpu.vector_load %arg14[%swap3A_879, %swap3A_880] {strides = array<i32>} : memref<128x64xf32, #tpu.memory_space<vmem>>, vector<1x16xf32>,
          %swap3A_882 = vector.shape_cast %swap3A_881 : vector<1x16xf32> to vector<16xf32>
          %swap3A_883 = vector.shape_cast %mul3A_878 : vector<16xf32> to vector<1x16xf32>
          tpu.vector_store %arg14[%swap3A_879, %swap3A_880], %swap3A_883 {strides = array<i32>} : memref<128x64xf32, #tpu.memory_space<vmem>>, vector<1x16xf32>,
          %get3A_884 = arith.index_cast %add3A_853 : i32 to index
          %get3A_885 = arith.constant 48 : index
          %get3A_886 = tpu.vector_load %arg12[%get3A_884, %get3A_885] {strides = array<i32>} : memref<128x64xf32, #tpu.memory_space<vmem>>, vector<1x16xf32>,
          %get3A_887 = vector.shape_cast %get3A_886 : vector<1x16xf32> to vector<16xf32>
          %mul3A_888 = arith.mulf %get3A_887, %gather3A_849 : vector<16xf32>
          %swap3A_889 = arith.index_cast %add3A_853 : i32 to index
          %swap3A_890 = arith.constant 48 : index
          %swap3A_891 = tpu.vector_load %arg14[%swap3A_889, %swap3A_890] {strides = array<i32>} : memref<128x64xf32, #tpu.memory_space<vmem>>, vector<1x16xf32>,
          %swap3A_892 = vector.shape_cast %swap3A_891 : vector<1x16xf32> to vector<16xf32>
          %swap3A_893 = vector.shape_cast %mul3A_888 : vector<16xf32> to vector<1x16xf32>
          tpu.vector_store %arg14[%swap3A_889, %swap3A_890], %swap3A_893 {strides = array<i32>} : memref<128x64xf32, #tpu.memory_space<vmem>>, vector<1x16xf32>,
          %broadcast_in_dim3A_894 = arith.constant 15 : i32
          %broadcast_in_dim3A_895 = vector.broadcast %broadcast_in_dim3A_894 : i32 to vector<16x1xi32>
          %gather3A_896 = vector.shape_cast %broadcast_in_dim3A_895 : vector<16x1xi32> to vector<16xi32>
          %gather3A_897 = tpu.dynamic_gather %get3A_175[%gather3A_896] in [0] : vector<16xf32>, vector<16xi32> -> vector<16xf32>
          %mul3A_898 = arith.constant 16 : i32
          %mul3A_899 = arith.muli %scan3A_168, %mul3A_898 : i32
          %add3A_900 = arith.constant 15 : i32
          %add3A_901 = arith.addi %mul3A_899, %add3A_900 : i32
          %get3A_902 = arith.index_cast %add3A_901 : i32 to index
          %get3A_903 = arith.constant 0 : index
          %get3A_904 = tpu.vector_load %arg12[%get3A_902, %get3A_903] {strides = array<i32>} : memref<128x64xf32, #tpu.memory_space<vmem>>, vector<1x16xf32>,
          %get3A_905 = vector.shape_cast %get3A_904 : vector<1x16xf32> to vector<16xf32>
          %mul3A_906 = arith.mulf %get3A_905, %gather3A_897 : vector<16xf32>
          %swap3A_907 = arith.index_cast %add3A_901 : i32 to index
          %swap3A_908 = arith.constant 0 : index
          %swap3A_909 = tpu.vector_load %arg14[%swap3A_907, %swap3A_908] {strides = array<i32>} : memref<128x64xf32, #tpu.memory_space<vmem>>, vector<1x16xf32>,
          %swap3A_910 = vector.shape_cast %swap3A_909 : vector<1x16xf32> to vector<16xf32>
          %swap3A_911 = vector.shape_cast %mul3A_906 : vector<16xf32> to vector<1x16xf32>
          tpu.vector_store %arg14[%swap3A_907, %swap3A_908], %swap3A_911 {strides = array<i32>} : memref<128x64xf32, #tpu.memory_space<vmem>>, vector<1x16xf32>,
          %get3A_912 = arith.index_cast %add3A_901 : i32 to index
          %get3A_913 = arith.constant 16 : index
          %get3A_914 = tpu.vector_load %arg12[%get3A_912, %get3A_913] {strides = array<i32>} : memref<128x64xf32, #tpu.memory_space<vmem>>, vector<1x16xf32>,
          %get3A_915 = vector.shape_cast %get3A_914 : vector<1x16xf32> to vector<16xf32>
          %mul3A_916 = arith.mulf %get3A_915, %gather3A_897 : vector<16xf32>
          %swap3A_917 = arith.index_cast %add3A_901 : i32 to index
          %swap3A_918 = arith.constant 16 : index
          %swap3A_919 = tpu.vector_load %arg14[%swap3A_917, %swap3A_918] {strides = array<i32>} : memref<128x64xf32, #tpu.memory_space<vmem>>, vector<1x16xf32>,
          %swap3A_920 = vector.shape_cast %swap3A_919 : vector<1x16xf32> to vector<16xf32>
          %swap3A_921 = vector.shape_cast %mul3A_916 : vector<16xf32> to vector<1x16xf32>
          tpu.vector_store %arg14[%swap3A_917, %swap3A_918], %swap3A_921 {strides = array<i32>} : memref<128x64xf32, #tpu.memory_space<vmem>>, vector<1x16xf32>,
          %get3A_922 = arith.index_cast %add3A_901 : i32 to index
          %get3A_923 = arith.constant 32 : index
          %get3A_924 = tpu.vector_load %arg12[%get3A_922, %get3A_923] {strides = array<i32>} : memref<128x64xf32, #tpu.memory_space<vmem>>, vector<1x16xf32>,
          %get3A_925 = vector.shape_cast %get3A_924 : vector<1x16xf32> to vector<16xf32>
          %mul3A_926 = arith.mulf %get3A_925, %gather3A_897 : vector<16xf32>
          %swap3A_927 = arith.index_cast %add3A_901 : i32 to index
          %swap3A_928 = arith.constant 32 : index
          %swap3A_929 = tpu.vector_load %arg14[%swap3A_927, %swap3A_928] {strides = array<i32>} : memref<128x64xf32, #tpu.memory_space<vmem>>, vector<1x16xf32>,
          %swap3A_930 = vector.shape_cast %swap3A_929 : vector<1x16xf32> to vector<16xf32>
          %swap3A_931 = vector.shape_cast %mul3A_926 : vector<16xf32> to vector<1x16xf32>
          tpu.vector_store %arg14[%swap3A_927, %swap3A_928], %swap3A_931 {strides = array<i32>} : memref<128x64xf32, #tpu.memory_space<vmem>>, vector<1x16xf32>,
          %get3A_932 = arith.index_cast %add3A_901 : i32 to index
          %get3A_933 = arith.constant 48 : index
          %get3A_934 = tpu.vector_load %arg12[%get3A_932, %get3A_933] {strides = array<i32>} : memref<128x64xf32, #tpu.memory_space<vmem>>, vector<1x16xf32>,
          %get3A_935 = vector.shape_cast %get3A_934 : vector<1x16xf32> to vector<16xf32>
          %mul3A_936 = arith.mulf %get3A_935, %gather3A_897 : vector<16xf32>
          %swap3A_937 = arith.index_cast %add3A_901 : i32 to index
          %swap3A_938 = arith.constant 48 : index
          %swap3A_939 = tpu.vector_load %arg14[%swap3A_937, %swap3A_938] {strides = array<i32>} : memref<128x64xf32, #tpu.memory_space<vmem>>, vector<1x16xf32>,
          %swap3A_940 = vector.shape_cast %swap3A_939 : vector<1x16xf32> to vector<16xf32>
          %swap3A_941 = vector.shape_cast %mul3A_936 : vector<16xf32> to vector<1x16xf32>
          tpu.vector_store %arg14[%swap3A_937, %swap3A_938], %swap3A_941 {strides = array<i32>} : memref<128x64xf32, #tpu.memory_space<vmem>>, vector<1x16xf32>,
        }
        %scan3A_121 = arith.constant 8 : i32
        %dma_start3A_122 = arith.constant 0 : i32
        %dma_start3A_123 = tpu.memref_slice %arg9[%add3A_107, %dma_start3A_122] : memref<16x128xi32, #tpu.memory_space<vmem>> -> memref<1x128xi32, #tpu.memory_space<vmem>>
        %dma_start3A_124 = tpu.memref_squeeze %dma_start3A_123 : memref<1x128xi32, #tpu.memory_space<vmem>> -> memref<128xi32, #tpu.memory_space<vmem>>
        %dma_start3A_125 = arith.constant 0 : i32
        %dma_start3A_126 = arith.constant 0 : i32
        %dma_start3A_127 = tpu.memref_slice %arg8[%dma_start3A_125, %dma_start3A_126] : memref<10240x64xf32, #tpu.memory_space<vmem_shared>> -> memref<10240x64xf32, #tpu.memory_space<vmem_shared>>
        tpu.enqueue_indirect_dma source(%arg14 : memref<128x64xf32, #tpu.memory_space<vmem>>) target(%dma_start3A_127 : memref<10240x64xf32, #tpu.memory_space<vmem_shared>>) offsets(%dma_start3A_124 : memref<128xi32, #tpu.memory_space<vmem>>) semaphore(%arg18 : memref<!tpu.dma_semaphore, #tpu.memory_space<semaphore_mem>>) {add = true}
        %add3A_128 = arith.constant 2 : i32
        %add3A_129 = arith.addi %add3A_107, %add3A_128 : i32
        %lt3A = arith.constant 16 : i32
        %lt3A_130 = arith.cmpi slt, %add3A_129, %lt3A : i32
        %convert_element_type3A_131 = arith.extui %lt3A_130 : i1 to i32
        %cond3A_132 = arith.constant 0 : i32
        %cond3A_133 = arith.cmpi ne, %convert_element_type3A_131, %cond3A_132 : i32
        scf.if %cond3A_133 {
          %add3A_168 = arith.constant 2 : i32
          %add3A_169 = arith.addi %add3A_107, %add3A_168 : i32
          %dma_start3A_170 = arith.constant 0 : i32
          %dma_start3A_171 = tpu.memref_slice %arg10[%add3A_169, %dma_start3A_170] : memref<16x128xi32, #tpu.memory_space<vmem>> -> memref<1x128xi32, #tpu.memory_space<vmem>>
          %dma_start3A_172 = tpu.memref_squeeze %dma_start3A_171 : memref<1x128xi32, #tpu.memory_space<vmem>> -> memref<128xi32, #tpu.memory_space<vmem>>
          %dma_start3A_173 = arith.constant 0 : i32
          %dma_start3A_174 = arith.constant 0 : i32
          %dma_start3A_175 = tpu.memref_slice %arg7[%dma_start3A_173, %dma_start3A_174] : memref<10240x64xf32, #tpu.memory_space<vmem_shared>> -> memref<10240x64xf32, #tpu.memory_space<vmem_shared>>
          tpu.enqueue_indirect_dma source(%dma_start3A_175 : memref<10240x64xf32, #tpu.memory_space<vmem_shared>>) target(%arg12 : memref<128x64xf32, #tpu.memory_space<vmem>>) offsets(%dma_start3A_172 : memref<128xi32, #tpu.memory_space<vmem>>) semaphore(%arg16 : memref<!tpu.dma_semaphore, #tpu.memory_space<semaphore_mem>>)
        } else {
        }
        %mul3A_134 = arith.constant 2 : i32
        %mul3A_135 = arith.muli %scan3A_103, %mul3A_134 : i32
        %add3A_136 = arith.constant 1 : i32
        %add3A_137 = arith.addi %mul3A_135, %add3A_136 : i32
        %dma_wait3A_138 = arith.constant 0 : i32
        %dma_wait3A_139 = tpu.memref_slice %arg10[%add3A_137, %dma_wait3A_138] : memref<16x128xi32, #tpu.memory_space<vmem>> -> memref<1x128xi32, #tpu.memory_space<vmem>>
        %dma_wait3A_140 = tpu.memref_squeeze %dma_wait3A_139 : memref<1x128xi32, #tpu.memory_space<vmem>> -> memref<128xi32, #tpu.memory_space<vmem>>
        %dma_wait3A_141 = arith.constant 0 : i32
        %dma_wait3A_142 = arith.constant 0 : i32
        %dma_wait3A_143 = tpu.memref_slice %arg7[%dma_wait3A_141, %dma_wait3A_142] : memref<10240x64xf32, #tpu.memory_space<vmem_shared>> -> memref<10240x64xf32, #tpu.memory_space<vmem_shared>>
        tpu.wait_indirect_dma semaphore(%arg17 : memref<!tpu.dma_semaphore, #tpu.memory_space<semaphore_mem>>) src(%dma_wait3A_143 : memref<10240x64xf32, #tpu.memory_space<vmem_shared>>) dst(%arg13 : memref<128x64xf32, #tpu.memory_space<vmem>>)
        %gt3A_144 = arith.constant 0 : i32
        %gt3A_145 = arith.cmpi sgt, %scan3A_103, %gt3A_144 : i32
        %convert_element_type3A_146 = arith.extui %gt3A_145 : i1 to i32
        %cond3A_147 = arith.constant 0 : i32
        %cond3A_148 = arith.cmpi ne, %convert_element_type3A_146, %cond3A_147 : i32
        scf.if %cond3A_148 {
          %dma_wait3A_168 = arith.constant 0 : i32
          %dma_wait3A_169 = tpu.memref_slice %arg9[%add3A_137, %dma_wait3A_168] : memref<16x128xi32, #tpu.memory_space<vmem>> -> memref<1x128xi32, #tpu.memory_space<vmem>>
          %dma_wait3A_170 = tpu.memref_squeeze %dma_wait3A_169 : memref<1x128xi32, #tpu.memory_space<vmem>> -> memref<128xi32, #tpu.memory_space<vmem>>
          %dma_wait3A_171 = arith.constant 0 : i32
          %dma_wait3A_172 = arith.constant 0 : i32
          %dma_wait3A_173 = tpu.memref_slice %arg8[%dma_wait3A_171, %dma_wait3A_172] : memref<10240x64xf32, #tpu.memory_space<vmem_shared>> -> memref<10240x64xf32, #tpu.memory_space<vmem_shared>>
          tpu.wait_indirect_dma semaphore(%arg19 : memref<!tpu.dma_semaphore, #tpu.memory_space<semaphore_mem>>) src(%arg15 : memref<128x64xf32, #tpu.memory_space<vmem>>) dst(%dma_wait3A_173 : memref<10240x64xf32, #tpu.memory_space<vmem_shared>>)
        } else {
        }
        %scan3A_149 = arith.constant 0 : i32
        %scan3A_150 = arith.constant 0 : i32
        %scan3A_151 = arith.constant 8 : i32
        %scan3A_152 = arith.addi %scan3A_150, %scan3A_151 : i32
        %scan3A_153 = arith.constant 1 : i32
        scf.for %scan3A_168 = %scan3A_150 to %scan3A_152 step %scan3A_153  : i32 {
          %mul3A_169 = arith.constant 128 : i32
          %mul3A_170 = arith.muli %add3A_137, %mul3A_169 : i32
          %mul3A_171 = arith.constant 16 : i32
          %mul3A_172 = arith.muli %scan3A_168, %mul3A_171 : i32
          %add3A_173 = arith.addi %mul3A_170, %mul3A_172 : i32
          %get3A = arith.index_cast %add3A_173 : i32 to index
          %get3A_174 = tpu.vector_load %arg11[%get3A] {strides = array<i32>} : memref<2048xf32, #tpu.memory_space<vmem>>, vector<16xf32>,
          %get3A_175 = vector.shape_cast %get3A_174 : vector<16xf32> to vector<16xf32>
          %broadcast_in_dim3A_176 = arith.constant 0 : i32
          %broadcast_in_dim3A_177 = vector.broadcast %broadcast_in_dim3A_176 : i32 to vector<16x1xi32>
          %gather3A = vector.shape_cast %broadcast_in_dim3A_177 : vector<16x1xi32> to vector<16xi32>
          %gather3A_178 = tpu.dynamic_gather %get3A_175[%gather3A] in [0] : vector<16xf32>, vector<16xi32> -> vector<16xf32>
          %mul3A_179 = arith.constant 16 : i32
          %mul3A_180 = arith.muli %scan3A_168, %mul3A_179 : i32
          %add3A_181 = arith.constant 0 : i32
          %add3A_182 = arith.addi %mul3A_180, %add3A_181 : i32
          %get3A_183 = arith.index_cast %add3A_182 : i32 to index
          %get3A_184 = arith.constant 0 : index
          %get3A_185 = tpu.vector_load %arg13[%get3A_183, %get3A_184] {strides = array<i32>} : memref<128x64xf32, #tpu.memory_space<vmem>>, vector<1x16xf32>,
          %get3A_186 = vector.shape_cast %get3A_185 : vector<1x16xf32> to vector<16xf32>
          %mul3A_187 = arith.mulf %get3A_186, %gather3A_178 : vector<16xf32>
          %swap3A = arith.index_cast %add3A_182 : i32 to index
          %swap3A_188 = arith.constant 0 : index
          %swap3A_189 = tpu.vector_load %arg15[%swap3A, %swap3A_188] {strides = array<i32>} : memref<128x64xf32, #tpu.memory_space<vmem>>, vector<1x16xf32>,
          %swap3A_190 = vector.shape_cast %swap3A_189 : vector<1x16xf32> to vector<16xf32>
          %swap3A_191 = vector.shape_cast %mul3A_187 : vector<16xf32> to vector<1x16xf32>
          tpu.vector_store %arg15[%swap3A, %swap3A_188], %swap3A_191 {strides = array<i32>} : memref<128x64xf32, #tpu.memory_space<vmem>>, vector<1x16xf32>,
          %get3A_192 = arith.index_cast %add3A_182 : i32 to index
          %get3A_193 = arith.constant 16 : index
          %get3A_194 = tpu.vector_load %arg13[%get3A_192, %get3A_193] {strides = array<i32>} : memref<128x64xf32, #tpu.memory_space<vmem>>, vector<1x16xf32>,
          %get3A_195 = vector.shape_cast %get3A_194 : vector<1x16xf32> to vector<16xf32>
          %mul3A_196 = arith.mulf %get3A_195, %gather3A_178 : vector<16xf32>
          %swap3A_197 = arith.index_cast %add3A_182 : i32 to index
          %swap3A_198 = arith.constant 16 : index
          %swap3A_199 = tpu.vector_load %arg15[%swap3A_197, %swap3A_198] {strides = array<i32>} : memref<128x64xf32, #tpu.memory_space<vmem>>, vector<1x16xf32>,
          %swap3A_200 = vector.shape_cast %swap3A_199 : vector<1x16xf32> to vector<16xf32>
          %swap3A_201 = vector.shape_cast %mul3A_196 : vector<16xf32> to vector<1x16xf32>
          tpu.vector_store %arg15[%swap3A_197, %swap3A_198], %swap3A_201 {strides = array<i32>} : memref<128x64xf32, #tpu.memory_space<vmem>>, vector<1x16xf32>,
          %get3A_202 = arith.index_cast %add3A_182 : i32 to index
          %get3A_203 = arith.constant 32 : index
          %get3A_204 = tpu.vector_load %arg13[%get3A_202, %get3A_203] {strides = array<i32>} : memref<128x64xf32, #tpu.memory_space<vmem>>, vector<1x16xf32>,
          %get3A_205 = vector.shape_cast %get3A_204 : vector<1x16xf32> to vector<16xf32>
          %mul3A_206 = arith.mulf %get3A_205, %gather3A_178 : vector<16xf32>
          %swap3A_207 = arith.index_cast %add3A_182 : i32 to index
          %swap3A_208 = arith.constant 32 : index
          %swap3A_209 = tpu.vector_load %arg15[%swap3A_207, %swap3A_208] {strides = array<i32>} : memref<128x64xf32, #tpu.memory_space<vmem>>, vector<1x16xf32>,
          %swap3A_210 = vector.shape_cast %swap3A_209 : vector<1x16xf32> to vector<16xf32>
          %swap3A_211 = vector.shape_cast %mul3A_206 : vector<16xf32> to vector<1x16xf32>
          tpu.vector_store %arg15[%swap3A_207, %swap3A_208], %swap3A_211 {strides = array<i32>} : memref<128x64xf32, #tpu.memory_space<vmem>>, vector<1x16xf32>,
          %get3A_212 = arith.index_cast %add3A_182 : i32 to index
          %get3A_213 = arith.constant 48 : index
          %get3A_214 = tpu.vector_load %arg13[%get3A_212, %get3A_213] {strides = array<i32>} : memref<128x64xf32, #tpu.memory_space<vmem>>, vector<1x16xf32>,
          %get3A_215 = vector.shape_cast %get3A_214 : vector<1x16xf32> to vector<16xf32>
          %mul3A_216 = arith.mulf %get3A_215, %gather3A_178 : vector<16xf32>
          %swap3A_217 = arith.index_cast %add3A_182 : i32 to index
          %swap3A_218 = arith.constant 48 : index
          %swap3A_219 = tpu.vector_load %arg15[%swap3A_217, %swap3A_218] {strides = array<i32>} : memref<128x64xf32, #tpu.memory_space<vmem>>, vector<1x16xf32>,
          %swap3A_220 = vector.shape_cast %swap3A_219 : vector<1x16xf32> to vector<16xf32>
          %swap3A_221 = vector.shape_cast %mul3A_216 : vector<16xf32> to vector<1x16xf32>
          tpu.vector_store %arg15[%swap3A_217, %swap3A_218], %swap3A_221 {strides = array<i32>} : memref<128x64xf32, #tpu.memory_space<vmem>>, vector<1x16xf32>,
          %broadcast_in_dim3A_222 = arith.constant 1 : i32
          %broadcast_in_dim3A_223 = vector.broadcast %broadcast_in_dim3A_222 : i32 to vector<16x1xi32>
          %gather3A_224 = vector.shape_cast %broadcast_in_dim3A_223 : vector<16x1xi32> to vector<16xi32>
          %gather3A_225 = tpu.dynamic_gather %get3A_175[%gather3A_224] in [0] : vector<16xf32>, vector<16xi32> -> vector<16xf32>
          %mul3A_226 = arith.constant 16 : i32
          %mul3A_227 = arith.muli %scan3A_168, %mul3A_226 : i32
          %add3A_228 = arith.constant 1 : i32
          %add3A_229 = arith.addi %mul3A_227, %add3A_228 : i32
          %get3A_230 = arith.index_cast %add3A_229 : i32 to index
          %get3A_231 = arith.constant 0 : index
          %get3A_232 = tpu.vector_load %arg13[%get3A_230, %get3A_231] {strides = array<i32>} : memref<128x64xf32, #tpu.memory_space<vmem>>, vector<1x16xf32>,
          %get3A_233 = vector.shape_cast %get3A_232 : vector<1x16xf32> to vector<16xf32>
          %mul3A_234 = arith.mulf %get3A_233, %gather3A_225 : vector<16xf32>
          %swap3A_235 = arith.index_cast %add3A_229 : i32 to index
          %swap3A_236 = arith.constant 0 : index
          %swap3A_237 = tpu.vector_load %arg15[%swap3A_235, %swap3A_236] {strides = array<i32>} : memref<128x64xf32, #tpu.memory_space<vmem>>, vector<1x16xf32>,
          %swap3A_238 = vector.shape_cast %swap3A_237 : vector<1x16xf32> to vector<16xf32>
          %swap3A_239 = vector.shape_cast %mul3A_234 : vector<16xf32> to vector<1x16xf32>
          tpu.vector_store %arg15[%swap3A_235, %swap3A_236], %swap3A_239 {strides = array<i32>} : memref<128x64xf32, #tpu.memory_space<vmem>>, vector<1x16xf32>,
          %get3A_240 = arith.index_cast %add3A_229 : i32 to index
          %get3A_241 = arith.constant 16 : index
          %get3A_242 = tpu.vector_load %arg13[%get3A_240, %get3A_241] {strides = array<i32>} : memref<128x64xf32, #tpu.memory_space<vmem>>, vector<1x16xf32>,
          %get3A_243 = vector.shape_cast %get3A_242 : vector<1x16xf32> to vector<16xf32>
          %mul3A_244 = arith.mulf %get3A_243, %gather3A_225 : vector<16xf32>
          %swap3A_245 = arith.index_cast %add3A_229 : i32 to index
          %swap3A_246 = arith.constant 16 : index
          %swap3A_247 = tpu.vector_load %arg15[%swap3A_245, %swap3A_246] {strides = array<i32>} : memref<128x64xf32, #tpu.memory_space<vmem>>, vector<1x16xf32>,
          %swap3A_248 = vector.shape_cast %swap3A_247 : vector<1x16xf32> to vector<16xf32>
          %swap3A_249 = vector.shape_cast %mul3A_244 : vector<16xf32> to vector<1x16xf32>
          tpu.vector_store %arg15[%swap3A_245, %swap3A_246], %swap3A_249 {strides = array<i32>} : memref<128x64xf32, #tpu.memory_space<vmem>>, vector<1x16xf32>,
          %get3A_250 = arith.index_cast %add3A_229 : i32 to index
          %get3A_251 = arith.constant 32 : index
          %get3A_252 = tpu.vector_load %arg13[%get3A_250, %get3A_251] {strides = array<i32>} : memref<128x64xf32, #tpu.memory_space<vmem>>, vector<1x16xf32>,
          %get3A_253 = vector.shape_cast %get3A_252 : vector<1x16xf32> to vector<16xf32>
          %mul3A_254 = arith.mulf %get3A_253, %gather3A_225 : vector<16xf32>
          %swap3A_255 = arith.index_cast %add3A_229 : i32 to index
          %swap3A_256 = arith.constant 32 : index
          %swap3A_257 = tpu.vector_load %arg15[%swap3A_255, %swap3A_256] {strides = array<i32>} : memref<128x64xf32, #tpu.memory_space<vmem>>, vector<1x16xf32>,
          %swap3A_258 = vector.shape_cast %swap3A_257 : vector<1x16xf32> to vector<16xf32>
          %swap3A_259 = vector.shape_cast %mul3A_254 : vector<16xf32> to vector<1x16xf32>
          tpu.vector_store %arg15[%swap3A_255, %swap3A_256], %swap3A_259 {strides = array<i32>} : memref<128x64xf32, #tpu.memory_space<vmem>>, vector<1x16xf32>,
          %get3A_260 = arith.index_cast %add3A_229 : i32 to index
          %get3A_261 = arith.constant 48 : index
          %get3A_262 = tpu.vector_load %arg13[%get3A_260, %get3A_261] {strides = array<i32>} : memref<128x64xf32, #tpu.memory_space<vmem>>, vector<1x16xf32>,
          %get3A_263 = vector.shape_cast %get3A_262 : vector<1x16xf32> to vector<16xf32>
          %mul3A_264 = arith.mulf %get3A_263, %gather3A_225 : vector<16xf32>
          %swap3A_265 = arith.index_cast %add3A_229 : i32 to index
          %swap3A_266 = arith.constant 48 : index
          %swap3A_267 = tpu.vector_load %arg15[%swap3A_265, %swap3A_266] {strides = array<i32>} : memref<128x64xf32, #tpu.memory_space<vmem>>, vector<1x16xf32>,
          %swap3A_268 = vector.shape_cast %swap3A_267 : vector<1x16xf32> to vector<16xf32>
          %swap3A_269 = vector.shape_cast %mul3A_264 : vector<16xf32> to vector<1x16xf32>
          tpu.vector_store %arg15[%swap3A_265, %swap3A_266], %swap3A_269 {strides = array<i32>} : memref<128x64xf32, #tpu.memory_space<vmem>>, vector<1x16xf32>,
          %broadcast_in_dim3A_270 = arith.constant 2 : i32
          %broadcast_in_dim3A_271 = vector.broadcast %broadcast_in_dim3A_270 : i32 to vector<16x1xi32>
          %gather3A_272 = vector.shape_cast %broadcast_in_dim3A_271 : vector<16x1xi32> to vector<16xi32>
          %gather3A_273 = tpu.dynamic_gather %get3A_175[%gather3A_272] in [0] : vector<16xf32>, vector<16xi32> -> vector<16xf32>
          %mul3A_274 = arith.constant 16 : i32
          %mul3A_275 = arith.muli %scan3A_168, %mul3A_274 : i32
          %add3A_276 = arith.constant 2 : i32
          %add3A_277 = arith.addi %mul3A_275, %add3A_276 : i32
          %get3A_278 = arith.index_cast %add3A_277 : i32 to index
          %get3A_279 = arith.constant 0 : index
          %get3A_280 = tpu.vector_load %arg13[%get3A_278, %get3A_279] {strides = array<i32>} : memref<128x64xf32, #tpu.memory_space<vmem>>, vector<1x16xf32>,
          %get3A_281 = vector.shape_cast %get3A_280 : vector<1x16xf32> to vector<16xf32>
          %mul3A_282 = arith.mulf %get3A_281, %gather3A_273 : vector<16xf32>
          %swap3A_283 = arith.index_cast %add3A_277 : i32 to index
          %swap3A_284 = arith.constant 0 : index
          %swap3A_285 = tpu.vector_load %arg15[%swap3A_283, %swap3A_284] {strides = array<i32>} : memref<128x64xf32, #tpu.memory_space<vmem>>, vector<1x16xf32>,
          %swap3A_286 = vector.shape_cast %swap3A_285 : vector<1x16xf32> to vector<16xf32>
          %swap3A_287 = vector.shape_cast %mul3A_282 : vector<16xf32> to vector<1x16xf32>
          tpu.vector_store %arg15[%swap3A_283, %swap3A_284], %swap3A_287 {strides = array<i32>} : memref<128x64xf32, #tpu.memory_space<vmem>>, vector<1x16xf32>,
          %get3A_288 = arith.index_cast %add3A_277 : i32 to index
          %get3A_289 = arith.constant 16 : index
          %get3A_290 = tpu.vector_load %arg13[%get3A_288, %get3A_289] {strides = array<i32>} : memref<128x64xf32, #tpu.memory_space<vmem>>, vector<1x16xf32>,
          %get3A_291 = vector.shape_cast %get3A_290 : vector<1x16xf32> to vector<16xf32>
          %mul3A_292 = arith.mulf %get3A_291, %gather3A_273 : vector<16xf32>
          %swap3A_293 = arith.index_cast %add3A_277 : i32 to index
          %swap3A_294 = arith.constant 16 : index
          %swap3A_295 = tpu.vector_load %arg15[%swap3A_293, %swap3A_294] {strides = array<i32>} : memref<128x64xf32, #tpu.memory_space<vmem>>, vector<1x16xf32>,
          %swap3A_296 = vector.shape_cast %swap3A_295 : vector<1x16xf32> to vector<16xf32>
          %swap3A_297 = vector.shape_cast %mul3A_292 : vector<16xf32> to vector<1x16xf32>
          tpu.vector_store %arg15[%swap3A_293, %swap3A_294], %swap3A_297 {strides = array<i32>} : memref<128x64xf32, #tpu.memory_space<vmem>>, vector<1x16xf32>,
          %get3A_298 = arith.index_cast %add3A_277 : i32 to index
          %get3A_299 = arith.constant 32 : index
          %get3A_300 = tpu.vector_load %arg13[%get3A_298, %get3A_299] {strides = array<i32>} : memref<128x64xf32, #tpu.memory_space<vmem>>, vector<1x16xf32>,
          %get3A_301 = vector.shape_cast %get3A_300 : vector<1x16xf32> to vector<16xf32>
          %mul3A_302 = arith.mulf %get3A_301, %gather3A_273 : vector<16xf32>
          %swap3A_303 = arith.index_cast %add3A_277 : i32 to index
          %swap3A_304 = arith.constant 32 : index
          %swap3A_305 = tpu.vector_load %arg15[%swap3A_303, %swap3A_304] {strides = array<i32>} : memref<128x64xf32, #tpu.memory_space<vmem>>, vector<1x16xf32>,
          %swap3A_306 = vector.shape_cast %swap3A_305 : vector<1x16xf32> to vector<16xf32>
          %swap3A_307 = vector.shape_cast %mul3A_302 : vector<16xf32> to vector<1x16xf32>
          tpu.vector_store %arg15[%swap3A_303, %swap3A_304], %swap3A_307 {strides = array<i32>} : memref<128x64xf32, #tpu.memory_space<vmem>>, vector<1x16xf32>,
          %get3A_308 = arith.index_cast %add3A_277 : i32 to index
          %get3A_309 = arith.constant 48 : index
          %get3A_310 = tpu.vector_load %arg13[%get3A_308, %get3A_309] {strides = array<i32>} : memref<128x64xf32, #tpu.memory_space<vmem>>, vector<1x16xf32>,
          %get3A_311 = vector.shape_cast %get3A_310 : vector<1x16xf32> to vector<16xf32>
          %mul3A_312 = arith.mulf %get3A_311, %gather3A_273 : vector<16xf32>
          %swap3A_313 = arith.index_cast %add3A_277 : i32 to index
          %swap3A_314 = arith.constant 48 : index
          %swap3A_315 = tpu.vector_load %arg15[%swap3A_313, %swap3A_314] {strides = array<i32>} : memref<128x64xf32, #tpu.memory_space<vmem>>, vector<1x16xf32>,
          %swap3A_316 = vector.shape_cast %swap3A_315 : vector<1x16xf32> to vector<16xf32>
          %swap3A_317 = vector.shape_cast %mul3A_312 : vector<16xf32> to vector<1x16xf32>
          tpu.vector_store %arg15[%swap3A_313, %swap3A_314], %swap3A_317 {strides = array<i32>} : memref<128x64xf32, #tpu.memory_space<vmem>>, vector<1x16xf32>,
          %broadcast_in_dim3A_318 = arith.constant 3 : i32
          %broadcast_in_dim3A_319 = vector.broadcast %broadcast_in_dim3A_318 : i32 to vector<16x1xi32>
          %gather3A_320 = vector.shape_cast %broadcast_in_dim3A_319 : vector<16x1xi32> to vector<16xi32>
          %gather3A_321 = tpu.dynamic_gather %get3A_175[%gather3A_320] in [0] : vector<16xf32>, vector<16xi32> -> vector<16xf32>
          %mul3A_322 = arith.constant 16 : i32
          %mul3A_323 = arith.muli %scan3A_168, %mul3A_322 : i32
          %add3A_324 = arith.constant 3 : i32
          %add3A_325 = arith.addi %mul3A_323, %add3A_324 : i32
          %get3A_326 = arith.index_cast %add3A_325 : i32 to index
          %get3A_327 = arith.constant 0 : index
          %get3A_328 = tpu.vector_load %arg13[%get3A_326, %get3A_327] {strides = array<i32>} : memref<128x64xf32, #tpu.memory_space<vmem>>, vector<1x16xf32>,
          %get3A_329 = vector.shape_cast %get3A_328 : vector<1x16xf32> to vector<16xf32>
          %mul3A_330 = arith.mulf %get3A_329, %gather3A_321 : vector<16xf32>
          %swap3A_331 = arith.index_cast %add3A_325 : i32 to index
          %swap3A_332 = arith.constant 0 : index
          %swap3A_333 = tpu.vector_load %arg15[%swap3A_331, %swap3A_332] {strides = array<i32>} : memref<128x64xf32, #tpu.memory_space<vmem>>, vector<1x16xf32>,
          %swap3A_334 = vector.shape_cast %swap3A_333 : vector<1x16xf32> to vector<16xf32>
          %swap3A_335 = vector.shape_cast %mul3A_330 : vector<16xf32> to vector<1x16xf32>
          tpu.vector_store %arg15[%swap3A_331, %swap3A_332], %swap3A_335 {strides = array<i32>} : memref<128x64xf32, #tpu.memory_space<vmem>>, vector<1x16xf32>,
          %get3A_336 = arith.index_cast %add3A_325 : i32 to index
          %get3A_337 = arith.constant 16 : index
          %get3A_338 = tpu.vector_load %arg13[%get3A_336, %get3A_337] {strides = array<i32>} : memref<128x64xf32, #tpu.memory_space<vmem>>, vector<1x16xf32>,
          %get3A_339 = vector.shape_cast %get3A_338 : vector<1x16xf32> to vector<16xf32>
          %mul3A_340 = arith.mulf %get3A_339, %gather3A_321 : vector<16xf32>
          %swap3A_341 = arith.index_cast %add3A_325 : i32 to index
          %swap3A_342 = arith.constant 16 : index
          %swap3A_343 = tpu.vector_load %arg15[%swap3A_341, %swap3A_342] {strides = array<i32>} : memref<128x64xf32, #tpu.memory_space<vmem>>, vector<1x16xf32>,
          %swap3A_344 = vector.shape_cast %swap3A_343 : vector<1x16xf32> to vector<16xf32>
          %swap3A_345 = vector.shape_cast %mul3A_340 : vector<16xf32> to vector<1x16xf32>
          tpu.vector_store %arg15[%swap3A_341, %swap3A_342], %swap3A_345 {strides = array<i32>} : memref<128x64xf32, #tpu.memory_space<vmem>>, vector<1x16xf32>,
          %get3A_346 = arith.index_cast %add3A_325 : i32 to index
          %get3A_347 = arith.constant 32 : index
          %get3A_348 = tpu.vector_load %arg13[%get3A_346, %get3A_347] {strides = array<i32>} : memref<128x64xf32, #tpu.memory_space<vmem>>, vector<1x16xf32>,
          %get3A_349 = vector.shape_cast %get3A_348 : vector<1x16xf32> to vector<16xf32>
          %mul3A_350 = arith.mulf %get3A_349, %gather3A_321 : vector<16xf32>
          %swap3A_351 = arith.index_cast %add3A_325 : i32 to index
          %swap3A_352 = arith.constant 32 : index
          %swap3A_353 = tpu.vector_load %arg15[%swap3A_351, %swap3A_352] {strides = array<i32>} : memref<128x64xf32, #tpu.memory_space<vmem>>, vector<1x16xf32>,
          %swap3A_354 = vector.shape_cast %swap3A_353 : vector<1x16xf32> to vector<16xf32>
          %swap3A_355 = vector.shape_cast %mul3A_350 : vector<16xf32> to vector<1x16xf32>
          tpu.vector_store %arg15[%swap3A_351, %swap3A_352], %swap3A_355 {strides = array<i32>} : memref<128x64xf32, #tpu.memory_space<vmem>>, vector<1x16xf32>,
          %get3A_356 = arith.index_cast %add3A_325 : i32 to index
          %get3A_357 = arith.constant 48 : index
          %get3A_358 = tpu.vector_load %arg13[%get3A_356, %get3A_357] {strides = array<i32>} : memref<128x64xf32, #tpu.memory_space<vmem>>, vector<1x16xf32>,
          %get3A_359 = vector.shape_cast %get3A_358 : vector<1x16xf32> to vector<16xf32>
          %mul3A_360 = arith.mulf %get3A_359, %gather3A_321 : vector<16xf32>
          %swap3A_361 = arith.index_cast %add3A_325 : i32 to index
          %swap3A_362 = arith.constant 48 : index
          %swap3A_363 = tpu.vector_load %arg15[%swap3A_361, %swap3A_362] {strides = array<i32>} : memref<128x64xf32, #tpu.memory_space<vmem>>, vector<1x16xf32>,
          %swap3A_364 = vector.shape_cast %swap3A_363 : vector<1x16xf32> to vector<16xf32>
          %swap3A_365 = vector.shape_cast %mul3A_360 : vector<16xf32> to vector<1x16xf32>
          tpu.vector_store %arg15[%swap3A_361, %swap3A_362], %swap3A_365 {strides = array<i32>} : memref<128x64xf32, #tpu.memory_space<vmem>>, vector<1x16xf32>,
          %broadcast_in_dim3A_366 = arith.constant 4 : i32
          %broadcast_in_dim3A_367 = vector.broadcast %broadcast_in_dim3A_366 : i32 to vector<16x1xi32>
          %gather3A_368 = vector.shape_cast %broadcast_in_dim3A_367 : vector<16x1xi32> to vector<16xi32>
          %gather3A_369 = tpu.dynamic_gather %get3A_175[%gather3A_368] in [0] : vector<16xf32>, vector<16xi32> -> vector<16xf32>
          %mul3A_370 = arith.constant 16 : i32
          %mul3A_371 = arith.muli %scan3A_168, %mul3A_370 : i32
          %add3A_372 = arith.constant 4 : i32
          %add3A_373 = arith.addi %mul3A_371, %add3A_372 : i32
          %get3A_374 = arith.index_cast %add3A_373 : i32 to index
          %get3A_375 = arith.constant 0 : index
          %get3A_376 = tpu.vector_load %arg13[%get3A_374, %get3A_375] {strides = array<i32>} : memref<128x64xf32, #tpu.memory_space<vmem>>, vector<1x16xf32>,
          %get3A_377 = vector.shape_cast %get3A_376 : vector<1x16xf32> to vector<16xf32>
          %mul3A_378 = arith.mulf %get3A_377, %gather3A_369 : vector<16xf32>
          %swap3A_379 = arith.index_cast %add3A_373 : i32 to index
          %swap3A_380 = arith.constant 0 : index
          %swap3A_381 = tpu.vector_load %arg15[%swap3A_379, %swap3A_380] {strides = array<i32>} : memref<128x64xf32, #tpu.memory_space<vmem>>, vector<1x16xf32>,
          %swap3A_382 = vector.shape_cast %swap3A_381 : vector<1x16xf32> to vector<16xf32>
          %swap3A_383 = vector.shape_cast %mul3A_378 : vector<16xf32> to vector<1x16xf32>
          tpu.vector_store %arg15[%swap3A_379, %swap3A_380], %swap3A_383 {strides = array<i32>} : memref<128x64xf32, #tpu.memory_space<vmem>>, vector<1x16xf32>,
          %get3A_384 = arith.index_cast %add3A_373 : i32 to index
          %get3A_385 = arith.constant 16 : index
          %get3A_386 = tpu.vector_load %arg13[%get3A_384, %get3A_385] {strides = array<i32>} : memref<128x64xf32, #tpu.memory_space<vmem>>, vector<1x16xf32>,
          %get3A_387 = vector.shape_cast %get3A_386 : vector<1x16xf32> to vector<16xf32>
          %mul3A_388 = arith.mulf %get3A_387, %gather3A_369 : vector<16xf32>
          %swap3A_389 = arith.index_cast %add3A_373 : i32 to index
          %swap3A_390 = arith.constant 16 : index
          %swap3A_391 = tpu.vector_load %arg15[%swap3A_389, %swap3A_390] {strides = array<i32>} : memref<128x64xf32, #tpu.memory_space<vmem>>, vector<1x16xf32>,
          %swap3A_392 = vector.shape_cast %swap3A_391 : vector<1x16xf32> to vector<16xf32>
          %swap3A_393 = vector.shape_cast %mul3A_388 : vector<16xf32> to vector<1x16xf32>
          tpu.vector_store %arg15[%swap3A_389, %swap3A_390], %swap3A_393 {strides = array<i32>} : memref<128x64xf32, #tpu.memory_space<vmem>>, vector<1x16xf32>,
          %get3A_394 = arith.index_cast %add3A_373 : i32 to index
          %get3A_395 = arith.constant 32 : index
          %get3A_396 = tpu.vector_load %arg13[%get3A_394, %get3A_395] {strides = array<i32>} : memref<128x64xf32, #tpu.memory_space<vmem>>, vector<1x16xf32>,
          %get3A_397 = vector.shape_cast %get3A_396 : vector<1x16xf32> to vector<16xf32>
          %mul3A_398 = arith.mulf %get3A_397, %gather3A_369 : vector<16xf32>
          %swap3A_399 = arith.index_cast %add3A_373 : i32 to index
          %swap3A_400 = arith.constant 32 : index
          %swap3A_401 = tpu.vector_load %arg15[%swap3A_399, %swap3A_400] {strides = array<i32>} : memref<128x64xf32, #tpu.memory_space<vmem>>, vector<1x16xf32>,
          %swap3A_402 = vector.shape_cast %swap3A_401 : vector<1x16xf32> to vector<16xf32>
          %swap3A_403 = vector.shape_cast %mul3A_398 : vector<16xf32> to vector<1x16xf32>
          tpu.vector_store %arg15[%swap3A_399, %swap3A_400], %swap3A_403 {strides = array<i32>} : memref<128x64xf32, #tpu.memory_space<vmem>>, vector<1x16xf32>,
          %get3A_404 = arith.index_cast %add3A_373 : i32 to index
          %get3A_405 = arith.constant 48 : index
          %get3A_406 = tpu.vector_load %arg13[%get3A_404, %get3A_405] {strides = array<i32>} : memref<128x64xf32, #tpu.memory_space<vmem>>, vector<1x16xf32>,
          %get3A_407 = vector.shape_cast %get3A_406 : vector<1x16xf32> to vector<16xf32>
          %mul3A_408 = arith.mulf %get3A_407, %gather3A_369 : vector<16xf32>
          %swap3A_409 = arith.index_cast %add3A_373 : i32 to index
          %swap3A_410 = arith.constant 48 : index
          %swap3A_411 = tpu.vector_load %arg15[%swap3A_409, %swap3A_410] {strides = array<i32>} : memref<128x64xf32, #tpu.memory_space<vmem>>, vector<1x16xf32>,
          %swap3A_412 = vector.shape_cast %swap3A_411 : vector<1x16xf32> to vector<16xf32>
          %swap3A_413 = vector.shape_cast %mul3A_408 : vector<16xf32> to vector<1x16xf32>
          tpu.vector_store %arg15[%swap3A_409, %swap3A_410], %swap3A_413 {strides = array<i32>} : memref<128x64xf32, #tpu.memory_space<vmem>>, vector<1x16xf32>,
          %broadcast_in_dim3A_414 = arith.constant 5 : i32
          %broadcast_in_dim3A_415 = vector.broadcast %broadcast_in_dim3A_414 : i32 to vector<16x1xi32>
          %gather3A_416 = vector.shape_cast %broadcast_in_dim3A_415 : vector<16x1xi32> to vector<16xi32>
          %gather3A_417 = tpu.dynamic_gather %get3A_175[%gather3A_416] in [0] : vector<16xf32>, vector<16xi32> -> vector<16xf32>
          %mul3A_418 = arith.constant 16 : i32
          %mul3A_419 = arith.muli %scan3A_168, %mul3A_418 : i32
          %add3A_420 = arith.constant 5 : i32
          %add3A_421 = arith.addi %mul3A_419, %add3A_420 : i32
          %get3A_422 = arith.index_cast %add3A_421 : i32 to index
          %get3A_423 = arith.constant 0 : index
          %get3A_424 = tpu.vector_load %arg13[%get3A_422, %get3A_423] {strides = array<i32>} : memref<128x64xf32, #tpu.memory_space<vmem>>, vector<1x16xf32>,
          %get3A_425 = vector.shape_cast %get3A_424 : vector<1x16xf32> to vector<16xf32>
          %mul3A_426 = arith.mulf %get3A_425, %gather3A_417 : vector<16xf32>
          %swap3A_427 = arith.index_cast %add3A_421 : i32 to index
          %swap3A_428 = arith.constant 0 : index
          %swap3A_429 = tpu.vector_load %arg15[%swap3A_427, %swap3A_428] {strides = array<i32>} : memref<128x64xf32, #tpu.memory_space<vmem>>, vector<1x16xf32>,
          %swap3A_430 = vector.shape_cast %swap3A_429 : vector<1x16xf32> to vector<16xf32>
          %swap3A_431 = vector.shape_cast %mul3A_426 : vector<16xf32> to vector<1x16xf32>
          tpu.vector_store %arg15[%swap3A_427, %swap3A_428], %swap3A_431 {strides = array<i32>} : memref<128x64xf32, #tpu.memory_space<vmem>>, vector<1x16xf32>,
          %get3A_432 = arith.index_cast %add3A_421 : i32 to index
          %get3A_433 = arith.constant 16 : index
          %get3A_434 = tpu.vector_load %arg13[%get3A_432, %get3A_433] {strides = array<i32>} : memref<128x64xf32, #tpu.memory_space<vmem>>, vector<1x16xf32>,
          %get3A_435 = vector.shape_cast %get3A_434 : vector<1x16xf32> to vector<16xf32>
          %mul3A_436 = arith.mulf %get3A_435, %gather3A_417 : vector<16xf32>
          %swap3A_437 = arith.index_cast %add3A_421 : i32 to index
          %swap3A_438 = arith.constant 16 : index
          %swap3A_439 = tpu.vector_load %arg15[%swap3A_437, %swap3A_438] {strides = array<i32>} : memref<128x64xf32, #tpu.memory_space<vmem>>, vector<1x16xf32>,
          %swap3A_440 = vector.shape_cast %swap3A_439 : vector<1x16xf32> to vector<16xf32>
          %swap3A_441 = vector.shape_cast %mul3A_436 : vector<16xf32> to vector<1x16xf32>
          tpu.vector_store %arg15[%swap3A_437, %swap3A_438], %swap3A_441 {strides = array<i32>} : memref<128x64xf32, #tpu.memory_space<vmem>>, vector<1x16xf32>,
          %get3A_442 = arith.index_cast %add3A_421 : i32 to index
          %get3A_443 = arith.constant 32 : index
          %get3A_444 = tpu.vector_load %arg13[%get3A_442, %get3A_443] {strides = array<i32>} : memref<128x64xf32, #tpu.memory_space<vmem>>, vector<1x16xf32>,
          %get3A_445 = vector.shape_cast %get3A_444 : vector<1x16xf32> to vector<16xf32>
          %mul3A_446 = arith.mulf %get3A_445, %gather3A_417 : vector<16xf32>
          %swap3A_447 = arith.index_cast %add3A_421 : i32 to index
          %swap3A_448 = arith.constant 32 : index
          %swap3A_449 = tpu.vector_load %arg15[%swap3A_447, %swap3A_448] {strides = array<i32>} : memref<128x64xf32, #tpu.memory_space<vmem>>, vector<1x16xf32>,
          %swap3A_450 = vector.shape_cast %swap3A_449 : vector<1x16xf32> to vector<16xf32>
          %swap3A_451 = vector.shape_cast %mul3A_446 : vector<16xf32> to vector<1x16xf32>
          tpu.vector_store %arg15[%swap3A_447, %swap3A_448], %swap3A_451 {strides = array<i32>} : memref<128x64xf32, #tpu.memory_space<vmem>>, vector<1x16xf32>,
          %get3A_452 = arith.index_cast %add3A_421 : i32 to index
          %get3A_453 = arith.constant 48 : index
          %get3A_454 = tpu.vector_load %arg13[%get3A_452, %get3A_453] {strides = array<i32>} : memref<128x64xf32, #tpu.memory_space<vmem>>, vector<1x16xf32>,
          %get3A_455 = vector.shape_cast %get3A_454 : vector<1x16xf32> to vector<16xf32>
          %mul3A_456 = arith.mulf %get3A_455, %gather3A_417 : vector<16xf32>
          %swap3A_457 = arith.index_cast %add3A_421 : i32 to index
          %swap3A_458 = arith.constant 48 : index
          %swap3A_459 = tpu.vector_load %arg15[%swap3A_457, %swap3A_458] {strides = array<i32>} : memref<128x64xf32, #tpu.memory_space<vmem>>, vector<1x16xf32>,
          %swap3A_460 = vector.shape_cast %swap3A_459 : vector<1x16xf32> to vector<16xf32>
          %swap3A_461 = vector.shape_cast %mul3A_456 : vector<16xf32> to vector<1x16xf32>
          tpu.vector_store %arg15[%swap3A_457, %swap3A_458], %swap3A_461 {strides = array<i32>} : memref<128x64xf32, #tpu.memory_space<vmem>>, vector<1x16xf32>,
          %broadcast_in_dim3A_462 = arith.constant 6 : i32
          %broadcast_in_dim3A_463 = vector.broadcast %broadcast_in_dim3A_462 : i32 to vector<16x1xi32>
          %gather3A_464 = vector.shape_cast %broadcast_in_dim3A_463 : vector<16x1xi32> to vector<16xi32>
          %gather3A_465 = tpu.dynamic_gather %get3A_175[%gather3A_464] in [0] : vector<16xf32>, vector<16xi32> -> vector<16xf32>
          %mul3A_466 = arith.constant 16 : i32
          %mul3A_467 = arith.muli %scan3A_168, %mul3A_466 : i32
          %add3A_468 = arith.constant 6 : i32
          %add3A_469 = arith.addi %mul3A_467, %add3A_468 : i32
          %get3A_470 = arith.index_cast %add3A_469 : i32 to index
          %get3A_471 = arith.constant 0 : index
          %get3A_472 = tpu.vector_load %arg13[%get3A_470, %get3A_471] {strides = array<i32>} : memref<128x64xf32, #tpu.memory_space<vmem>>, vector<1x16xf32>,
          %get3A_473 = vector.shape_cast %get3A_472 : vector<1x16xf32> to vector<16xf32>
          %mul3A_474 = arith.mulf %get3A_473, %gather3A_465 : vector<16xf32>
          %swap3A_475 = arith.index_cast %add3A_469 : i32 to index
          %swap3A_476 = arith.constant 0 : index
          %swap3A_477 = tpu.vector_load %arg15[%swap3A_475, %swap3A_476] {strides = array<i32>} : memref<128x64xf32, #tpu.memory_space<vmem>>, vector<1x16xf32>,
          %swap3A_478 = vector.shape_cast %swap3A_477 : vector<1x16xf32> to vector<16xf32>
          %swap3A_479 = vector.shape_cast %mul3A_474 : vector<16xf32> to vector<1x16xf32>
          tpu.vector_store %arg15[%swap3A_475, %swap3A_476], %swap3A_479 {strides = array<i32>} : memref<128x64xf32, #tpu.memory_space<vmem>>, vector<1x16xf32>,
          %get3A_480 = arith.index_cast %add3A_469 : i32 to index
          %get3A_481 = arith.constant 16 : index
          %get3A_482 = tpu.vector_load %arg13[%get3A_480, %get3A_481] {strides = array<i32>} : memref<128x64xf32, #tpu.memory_space<vmem>>, vector<1x16xf32>,
          %get3A_483 = vector.shape_cast %get3A_482 : vector<1x16xf32> to vector<16xf32>
          %mul3A_484 = arith.mulf %get3A_483, %gather3A_465 : vector<16xf32>
          %swap3A_485 = arith.index_cast %add3A_469 : i32 to index
          %swap3A_486 = arith.constant 16 : index
          %swap3A_487 = tpu.vector_load %arg15[%swap3A_485, %swap3A_486] {strides = array<i32>} : memref<128x64xf32, #tpu.memory_space<vmem>>, vector<1x16xf32>,
          %swap3A_488 = vector.shape_cast %swap3A_487 : vector<1x16xf32> to vector<16xf32>
          %swap3A_489 = vector.shape_cast %mul3A_484 : vector<16xf32> to vector<1x16xf32>
          tpu.vector_store %arg15[%swap3A_485, %swap3A_486], %swap3A_489 {strides = array<i32>} : memref<128x64xf32, #tpu.memory_space<vmem>>, vector<1x16xf32>,
          %get3A_490 = arith.index_cast %add3A_469 : i32 to index
          %get3A_491 = arith.constant 32 : index
          %get3A_492 = tpu.vector_load %arg13[%get3A_490, %get3A_491] {strides = array<i32>} : memref<128x64xf32, #tpu.memory_space<vmem>>, vector<1x16xf32>,
          %get3A_493 = vector.shape_cast %get3A_492 : vector<1x16xf32> to vector<16xf32>
          %mul3A_494 = arith.mulf %get3A_493, %gather3A_465 : vector<16xf32>
          %swap3A_495 = arith.index_cast %add3A_469 : i32 to index
          %swap3A_496 = arith.constant 32 : index
          %swap3A_497 = tpu.vector_load %arg15[%swap3A_495, %swap3A_496] {strides = array<i32>} : memref<128x64xf32, #tpu.memory_space<vmem>>, vector<1x16xf32>,
          %swap3A_498 = vector.shape_cast %swap3A_497 : vector<1x16xf32> to vector<16xf32>
          %swap3A_499 = vector.shape_cast %mul3A_494 : vector<16xf32> to vector<1x16xf32>
          tpu.vector_store %arg15[%swap3A_495, %swap3A_496], %swap3A_499 {strides = array<i32>} : memref<128x64xf32, #tpu.memory_space<vmem>>, vector<1x16xf32>,
          %get3A_500 = arith.index_cast %add3A_469 : i32 to index
          %get3A_501 = arith.constant 48 : index
          %get3A_502 = tpu.vector_load %arg13[%get3A_500, %get3A_501] {strides = array<i32>} : memref<128x64xf32, #tpu.memory_space<vmem>>, vector<1x16xf32>,
          %get3A_503 = vector.shape_cast %get3A_502 : vector<1x16xf32> to vector<16xf32>
          %mul3A_504 = arith.mulf %get3A_503, %gather3A_465 : vector<16xf32>
          %swap3A_505 = arith.index_cast %add3A_469 : i32 to index
          %swap3A_506 = arith.constant 48 : index
          %swap3A_507 = tpu.vector_load %arg15[%swap3A_505, %swap3A_506] {strides = array<i32>} : memref<128x64xf32, #tpu.memory_space<vmem>>, vector<1x16xf32>,
          %swap3A_508 = vector.shape_cast %swap3A_507 : vector<1x16xf32> to vector<16xf32>
          %swap3A_509 = vector.shape_cast %mul3A_504 : vector<16xf32> to vector<1x16xf32>
          tpu.vector_store %arg15[%swap3A_505, %swap3A_506], %swap3A_509 {strides = array<i32>} : memref<128x64xf32, #tpu.memory_space<vmem>>, vector<1x16xf32>,
          %broadcast_in_dim3A_510 = arith.constant 7 : i32
          %broadcast_in_dim3A_511 = vector.broadcast %broadcast_in_dim3A_510 : i32 to vector<16x1xi32>
          %gather3A_512 = vector.shape_cast %broadcast_in_dim3A_511 : vector<16x1xi32> to vector<16xi32>
          %gather3A_513 = tpu.dynamic_gather %get3A_175[%gather3A_512] in [0] : vector<16xf32>, vector<16xi32> -> vector<16xf32>
          %mul3A_514 = arith.constant 16 : i32
          %mul3A_515 = arith.muli %scan3A_168, %mul3A_514 : i32
          %add3A_516 = arith.constant 7 : i32
          %add3A_517 = arith.addi %mul3A_515, %add3A_516 : i32
          %get3A_518 = arith.index_cast %add3A_517 : i32 to index
          %get3A_519 = arith.constant 0 : index
          %get3A_520 = tpu.vector_load %arg13[%get3A_518, %get3A_519] {strides = array<i32>} : memref<128x64xf32, #tpu.memory_space<vmem>>, vector<1x16xf32>,
          %get3A_521 = vector.shape_cast %get3A_520 : vector<1x16xf32> to vector<16xf32>
          %mul3A_522 = arith.mulf %get3A_521, %gather3A_513 : vector<16xf32>
          %swap3A_523 = arith.index_cast %add3A_517 : i32 to index
          %swap3A_524 = arith.constant 0 : index
          %swap3A_525 = tpu.vector_load %arg15[%swap3A_523, %swap3A_524] {strides = array<i32>} : memref<128x64xf32, #tpu.memory_space<vmem>>, vector<1x16xf32>,
          %swap3A_526 = vector.shape_cast %swap3A_525 : vector<1x16xf32> to vector<16xf32>
          %swap3A_527 = vector.shape_cast %mul3A_522 : vector<16xf32> to vector<1x16xf32>
          tpu.vector_store %arg15[%swap3A_523, %swap3A_524], %swap3A_527 {strides = array<i32>} : memref<128x64xf32, #tpu.memory_space<vmem>>, vector<1x16xf32>,
          %get3A_528 = arith.index_cast %add3A_517 : i32 to index
          %get3A_529 = arith.constant 16 : index
          %get3A_530 = tpu.vector_load %arg13[%get3A_528, %get3A_529] {strides = array<i32>} : memref<128x64xf32, #tpu.memory_space<vmem>>, vector<1x16xf32>,
          %get3A_531 = vector.shape_cast %get3A_530 : vector<1x16xf32> to vector<16xf32>
          %mul3A_532 = arith.mulf %get3A_531, %gather3A_513 : vector<16xf32>
          %swap3A_533 = arith.index_cast %add3A_517 : i32 to index
          %swap3A_534 = arith.constant 16 : index
          %swap3A_535 = tpu.vector_load %arg15[%swap3A_533, %swap3A_534] {strides = array<i32>} : memref<128x64xf32, #tpu.memory_space<vmem>>, vector<1x16xf32>,
          %swap3A_536 = vector.shape_cast %swap3A_535 : vector<1x16xf32> to vector<16xf32>
          %swap3A_537 = vector.shape_cast %mul3A_532 : vector<16xf32> to vector<1x16xf32>
          tpu.vector_store %arg15[%swap3A_533, %swap3A_534], %swap3A_537 {strides = array<i32>} : memref<128x64xf32, #tpu.memory_space<vmem>>, vector<1x16xf32>,
          %get3A_538 = arith.index_cast %add3A_517 : i32 to index
          %get3A_539 = arith.constant 32 : index
          %get3A_540 = tpu.vector_load %arg13[%get3A_538, %get3A_539] {strides = array<i32>} : memref<128x64xf32, #tpu.memory_space<vmem>>, vector<1x16xf32>,
          %get3A_541 = vector.shape_cast %get3A_540 : vector<1x16xf32> to vector<16xf32>
          %mul3A_542 = arith.mulf %get3A_541, %gather3A_513 : vector<16xf32>
          %swap3A_543 = arith.index_cast %add3A_517 : i32 to index
          %swap3A_544 = arith.constant 32 : index
          %swap3A_545 = tpu.vector_load %arg15[%swap3A_543, %swap3A_544] {strides = array<i32>} : memref<128x64xf32, #tpu.memory_space<vmem>>, vector<1x16xf32>,
          %swap3A_546 = vector.shape_cast %swap3A_545 : vector<1x16xf32> to vector<16xf32>
          %swap3A_547 = vector.shape_cast %mul3A_542 : vector<16xf32> to vector<1x16xf32>
          tpu.vector_store %arg15[%swap3A_543, %swap3A_544], %swap3A_547 {strides = array<i32>} : memref<128x64xf32, #tpu.memory_space<vmem>>, vector<1x16xf32>,
          %get3A_548 = arith.index_cast %add3A_517 : i32 to index
          %get3A_549 = arith.constant 48 : index
          %get3A_550 = tpu.vector_load %arg13[%get3A_548, %get3A_549] {strides = array<i32>} : memref<128x64xf32, #tpu.memory_space<vmem>>, vector<1x16xf32>,
          %get3A_551 = vector.shape_cast %get3A_550 : vector<1x16xf32> to vector<16xf32>
          %mul3A_552 = arith.mulf %get3A_551, %gather3A_513 : vector<16xf32>
          %swap3A_553 = arith.index_cast %add3A_517 : i32 to index
          %swap3A_554 = arith.constant 48 : index
          %swap3A_555 = tpu.vector_load %arg15[%swap3A_553, %swap3A_554] {strides = array<i32>} : memref<128x64xf32, #tpu.memory_space<vmem>>, vector<1x16xf32>,
          %swap3A_556 = vector.shape_cast %swap3A_555 : vector<1x16xf32> to vector<16xf32>
          %swap3A_557 = vector.shape_cast %mul3A_552 : vector<16xf32> to vector<1x16xf32>
          tpu.vector_store %arg15[%swap3A_553, %swap3A_554], %swap3A_557 {strides = array<i32>} : memref<128x64xf32, #tpu.memory_space<vmem>>, vector<1x16xf32>,
          %broadcast_in_dim3A_558 = arith.constant 8 : i32
          %broadcast_in_dim3A_559 = vector.broadcast %broadcast_in_dim3A_558 : i32 to vector<16x1xi32>
          %gather3A_560 = vector.shape_cast %broadcast_in_dim3A_559 : vector<16x1xi32> to vector<16xi32>
          %gather3A_561 = tpu.dynamic_gather %get3A_175[%gather3A_560] in [0] : vector<16xf32>, vector<16xi32> -> vector<16xf32>
          %mul3A_562 = arith.constant 16 : i32
          %mul3A_563 = arith.muli %scan3A_168, %mul3A_562 : i32
          %add3A_564 = arith.constant 8 : i32
          %add3A_565 = arith.addi %mul3A_563, %add3A_564 : i32
          %get3A_566 = arith.index_cast %add3A_565 : i32 to index
          %get3A_567 = arith.constant 0 : index
          %get3A_568 = tpu.vector_load %arg13[%get3A_566, %get3A_567] {strides = array<i32>} : memref<128x64xf32, #tpu.memory_space<vmem>>, vector<1x16xf32>,
          %get3A_569 = vector.shape_cast %get3A_568 : vector<1x16xf32> to vector<16xf32>
          %mul3A_570 = arith.mulf %get3A_569, %gather3A_561 : vector<16xf32>
          %swap3A_571 = arith.index_cast %add3A_565 : i32 to index
          %swap3A_572 = arith.constant 0 : index
          %swap3A_573 = tpu.vector_load %arg15[%swap3A_571, %swap3A_572] {strides = array<i32>} : memref<128x64xf32, #tpu.memory_space<vmem>>, vector<1x16xf32>,
          %swap3A_574 = vector.shape_cast %swap3A_573 : vector<1x16xf32> to vector<16xf32>
          %swap3A_575 = vector.shape_cast %mul3A_570 : vector<16xf32> to vector<1x16xf32>
          tpu.vector_store %arg15[%swap3A_571, %swap3A_572], %swap3A_575 {strides = array<i32>} : memref<128x64xf32, #tpu.memory_space<vmem>>, vector<1x16xf32>,
          %get3A_576 = arith.index_cast %add3A_565 : i32 to index
          %get3A_577 = arith.constant 16 : index
          %get3A_578 = tpu.vector_load %arg13[%get3A_576, %get3A_577] {strides = array<i32>} : memref<128x64xf32, #tpu.memory_space<vmem>>, vector<1x16xf32>,
          %get3A_579 = vector.shape_cast %get3A_578 : vector<1x16xf32> to vector<16xf32>
          %mul3A_580 = arith.mulf %get3A_579, %gather3A_561 : vector<16xf32>
          %swap3A_581 = arith.index_cast %add3A_565 : i32 to index
          %swap3A_582 = arith.constant 16 : index
          %swap3A_583 = tpu.vector_load %arg15[%swap3A_581, %swap3A_582] {strides = array<i32>} : memref<128x64xf32, #tpu.memory_space<vmem>>, vector<1x16xf32>,
          %swap3A_584 = vector.shape_cast %swap3A_583 : vector<1x16xf32> to vector<16xf32>
          %swap3A_585 = vector.shape_cast %mul3A_580 : vector<16xf32> to vector<1x16xf32>
          tpu.vector_store %arg15[%swap3A_581, %swap3A_582], %swap3A_585 {strides = array<i32>} : memref<128x64xf32, #tpu.memory_space<vmem>>, vector<1x16xf32>,
          %get3A_586 = arith.index_cast %add3A_565 : i32 to index
          %get3A_587 = arith.constant 32 : index
          %get3A_588 = tpu.vector_load %arg13[%get3A_586, %get3A_587] {strides = array<i32>} : memref<128x64xf32, #tpu.memory_space<vmem>>, vector<1x16xf32>,
          %get3A_589 = vector.shape_cast %get3A_588 : vector<1x16xf32> to vector<16xf32>
          %mul3A_590 = arith.mulf %get3A_589, %gather3A_561 : vector<16xf32>
          %swap3A_591 = arith.index_cast %add3A_565 : i32 to index
          %swap3A_592 = arith.constant 32 : index
          %swap3A_593 = tpu.vector_load %arg15[%swap3A_591, %swap3A_592] {strides = array<i32>} : memref<128x64xf32, #tpu.memory_space<vmem>>, vector<1x16xf32>,
          %swap3A_594 = vector.shape_cast %swap3A_593 : vector<1x16xf32> to vector<16xf32>
          %swap3A_595 = vector.shape_cast %mul3A_590 : vector<16xf32> to vector<1x16xf32>
          tpu.vector_store %arg15[%swap3A_591, %swap3A_592], %swap3A_595 {strides = array<i32>} : memref<128x64xf32, #tpu.memory_space<vmem>>, vector<1x16xf32>,
          %get3A_596 = arith.index_cast %add3A_565 : i32 to index
          %get3A_597 = arith.constant 48 : index
          %get3A_598 = tpu.vector_load %arg13[%get3A_596, %get3A_597] {strides = array<i32>} : memref<128x64xf32, #tpu.memory_space<vmem>>, vector<1x16xf32>,
          %get3A_599 = vector.shape_cast %get3A_598 : vector<1x16xf32> to vector<16xf32>
          %mul3A_600 = arith.mulf %get3A_599, %gather3A_561 : vector<16xf32>
          %swap3A_601 = arith.index_cast %add3A_565 : i32 to index
          %swap3A_602 = arith.constant 48 : index
          %swap3A_603 = tpu.vector_load %arg15[%swap3A_601, %swap3A_602] {strides = array<i32>} : memref<128x64xf32, #tpu.memory_space<vmem>>, vector<1x16xf32>,
          %swap3A_604 = vector.shape_cast %swap3A_603 : vector<1x16xf32> to vector<16xf32>
          %swap3A_605 = vector.shape_cast %mul3A_600 : vector<16xf32> to vector<1x16xf32>
          tpu.vector_store %arg15[%swap3A_601, %swap3A_602], %swap3A_605 {strides = array<i32>} : memref<128x64xf32, #tpu.memory_space<vmem>>, vector<1x16xf32>,
          %broadcast_in_dim3A_606 = arith.constant 9 : i32
          %broadcast_in_dim3A_607 = vector.broadcast %broadcast_in_dim3A_606 : i32 to vector<16x1xi32>
          %gather3A_608 = vector.shape_cast %broadcast_in_dim3A_607 : vector<16x1xi32> to vector<16xi32>
          %gather3A_609 = tpu.dynamic_gather %get3A_175[%gather3A_608] in [0] : vector<16xf32>, vector<16xi32> -> vector<16xf32>
          %mul3A_610 = arith.constant 16 : i32
          %mul3A_611 = arith.muli %scan3A_168, %mul3A_610 : i32
          %add3A_612 = arith.constant 9 : i32
          %add3A_613 = arith.addi %mul3A_611, %add3A_612 : i32
          %get3A_614 = arith.index_cast %add3A_613 : i32 to index
          %get3A_615 = arith.constant 0 : index
          %get3A_616 = tpu.vector_load %arg13[%get3A_614, %get3A_615] {strides = array<i32>} : memref<128x64xf32, #tpu.memory_space<vmem>>, vector<1x16xf32>,
          %get3A_617 = vector.shape_cast %get3A_616 : vector<1x16xf32> to vector<16xf32>
          %mul3A_618 = arith.mulf %get3A_617, %gather3A_609 : vector<16xf32>
          %swap3A_619 = arith.index_cast %add3A_613 : i32 to index
          %swap3A_620 = arith.constant 0 : index
          %swap3A_621 = tpu.vector_load %arg15[%swap3A_619, %swap3A_620] {strides = array<i32>} : memref<128x64xf32, #tpu.memory_space<vmem>>, vector<1x16xf32>,
          %swap3A_622 = vector.shape_cast %swap3A_621 : vector<1x16xf32> to vector<16xf32>
          %swap3A_623 = vector.shape_cast %mul3A_618 : vector<16xf32> to vector<1x16xf32>
          tpu.vector_store %arg15[%swap3A_619, %swap3A_620], %swap3A_623 {strides = array<i32>} : memref<128x64xf32, #tpu.memory_space<vmem>>, vector<1x16xf32>,
          %get3A_624 = arith.index_cast %add3A_613 : i32 to index
          %get3A_625 = arith.constant 16 : index
          %get3A_626 = tpu.vector_load %arg13[%get3A_624, %get3A_625] {strides = array<i32>} : memref<128x64xf32, #tpu.memory_space<vmem>>, vector<1x16xf32>,
          %get3A_627 = vector.shape_cast %get3A_626 : vector<1x16xf32> to vector<16xf32>
          %mul3A_628 = arith.mulf %get3A_627, %gather3A_609 : vector<16xf32>
          %swap3A_629 = arith.index_cast %add3A_613 : i32 to index
          %swap3A_630 = arith.constant 16 : index
          %swap3A_631 = tpu.vector_load %arg15[%swap3A_629, %swap3A_630] {strides = array<i32>} : memref<128x64xf32, #tpu.memory_space<vmem>>, vector<1x16xf32>,
          %swap3A_632 = vector.shape_cast %swap3A_631 : vector<1x16xf32> to vector<16xf32>
          %swap3A_633 = vector.shape_cast %mul3A_628 : vector<16xf32> to vector<1x16xf32>
          tpu.vector_store %arg15[%swap3A_629, %swap3A_630], %swap3A_633 {strides = array<i32>} : memref<128x64xf32, #tpu.memory_space<vmem>>, vector<1x16xf32>,
          %get3A_634 = arith.index_cast %add3A_613 : i32 to index
          %get3A_635 = arith.constant 32 : index
          %get3A_636 = tpu.vector_load %arg13[%get3A_634, %get3A_635] {strides = array<i32>} : memref<128x64xf32, #tpu.memory_space<vmem>>, vector<1x16xf32>,
          %get3A_637 = vector.shape_cast %get3A_636 : vector<1x16xf32> to vector<16xf32>
          %mul3A_638 = arith.mulf %get3A_637, %gather3A_609 : vector<16xf32>
          %swap3A_639 = arith.index_cast %add3A_613 : i32 to index
          %swap3A_640 = arith.constant 32 : index
          %swap3A_641 = tpu.vector_load %arg15[%swap3A_639, %swap3A_640] {strides = array<i32>} : memref<128x64xf32, #tpu.memory_space<vmem>>, vector<1x16xf32>,
          %swap3A_642 = vector.shape_cast %swap3A_641 : vector<1x16xf32> to vector<16xf32>
          %swap3A_643 = vector.shape_cast %mul3A_638 : vector<16xf32> to vector<1x16xf32>
          tpu.vector_store %arg15[%swap3A_639, %swap3A_640], %swap3A_643 {strides = array<i32>} : memref<128x64xf32, #tpu.memory_space<vmem>>, vector<1x16xf32>,
          %get3A_644 = arith.index_cast %add3A_613 : i32 to index
          %get3A_645 = arith.constant 48 : index
          %get3A_646 = tpu.vector_load %arg13[%get3A_644, %get3A_645] {strides = array<i32>} : memref<128x64xf32, #tpu.memory_space<vmem>>, vector<1x16xf32>,
          %get3A_647 = vector.shape_cast %get3A_646 : vector<1x16xf32> to vector<16xf32>
          %mul3A_648 = arith.mulf %get3A_647, %gather3A_609 : vector<16xf32>
          %swap3A_649 = arith.index_cast %add3A_613 : i32 to index
          %swap3A_650 = arith.constant 48 : index
          %swap3A_651 = tpu.vector_load %arg15[%swap3A_649, %swap3A_650] {strides = array<i32>} : memref<128x64xf32, #tpu.memory_space<vmem>>, vector<1x16xf32>,
          %swap3A_652 = vector.shape_cast %swap3A_651 : vector<1x16xf32> to vector<16xf32>
          %swap3A_653 = vector.shape_cast %mul3A_648 : vector<16xf32> to vector<1x16xf32>
          tpu.vector_store %arg15[%swap3A_649, %swap3A_650], %swap3A_653 {strides = array<i32>} : memref<128x64xf32, #tpu.memory_space<vmem>>, vector<1x16xf32>,
          %broadcast_in_dim3A_654 = arith.constant 10 : i32
          %broadcast_in_dim3A_655 = vector.broadcast %broadcast_in_dim3A_654 : i32 to vector<16x1xi32>
          %gather3A_656 = vector.shape_cast %broadcast_in_dim3A_655 : vector<16x1xi32> to vector<16xi32>
          %gather3A_657 = tpu.dynamic_gather %get3A_175[%gather3A_656] in [0] : vector<16xf32>, vector<16xi32> -> vector<16xf32>
          %mul3A_658 = arith.constant 16 : i32
          %mul3A_659 = arith.muli %scan3A_168, %mul3A_658 : i32
          %add3A_660 = arith.constant 10 : i32
          %add3A_661 = arith.addi %mul3A_659, %add3A_660 : i32
          %get3A_662 = arith.index_cast %add3A_661 : i32 to index
          %get3A_663 = arith.constant 0 : index
          %get3A_664 = tpu.vector_load %arg13[%get3A_662, %get3A_663] {strides = array<i32>} : memref<128x64xf32, #tpu.memory_space<vmem>>, vector<1x16xf32>,
          %get3A_665 = vector.shape_cast %get3A_664 : vector<1x16xf32> to vector<16xf32>
          %mul3A_666 = arith.mulf %get3A_665, %gather3A_657 : vector<16xf32>
          %swap3A_667 = arith.index_cast %add3A_661 : i32 to index
          %swap3A_668 = arith.constant 0 : index
          %swap3A_669 = tpu.vector_load %arg15[%swap3A_667, %swap3A_668] {strides = array<i32>} : memref<128x64xf32, #tpu.memory_space<vmem>>, vector<1x16xf32>,
          %swap3A_670 = vector.shape_cast %swap3A_669 : vector<1x16xf32> to vector<16xf32>
          %swap3A_671 = vector.shape_cast %mul3A_666 : vector<16xf32> to vector<1x16xf32>
          tpu.vector_store %arg15[%swap3A_667, %swap3A_668], %swap3A_671 {strides = array<i32>} : memref<128x64xf32, #tpu.memory_space<vmem>>, vector<1x16xf32>,
          %get3A_672 = arith.index_cast %add3A_661 : i32 to index
          %get3A_673 = arith.constant 16 : index
          %get3A_674 = tpu.vector_load %arg13[%get3A_672, %get3A_673] {strides = array<i32>} : memref<128x64xf32, #tpu.memory_space<vmem>>, vector<1x16xf32>,
          %get3A_675 = vector.shape_cast %get3A_674 : vector<1x16xf32> to vector<16xf32>
          %mul3A_676 = arith.mulf %get3A_675, %gather3A_657 : vector<16xf32>
          %swap3A_677 = arith.index_cast %add3A_661 : i32 to index
          %swap3A_678 = arith.constant 16 : index
          %swap3A_679 = tpu.vector_load %arg15[%swap3A_677, %swap3A_678] {strides = array<i32>} : memref<128x64xf32, #tpu.memory_space<vmem>>, vector<1x16xf32>,
          %swap3A_680 = vector.shape_cast %swap3A_679 : vector<1x16xf32> to vector<16xf32>
          %swap3A_681 = vector.shape_cast %mul3A_676 : vector<16xf32> to vector<1x16xf32>
          tpu.vector_store %arg15[%swap3A_677, %swap3A_678], %swap3A_681 {strides = array<i32>} : memref<128x64xf32, #tpu.memory_space<vmem>>, vector<1x16xf32>,
          %get3A_682 = arith.index_cast %add3A_661 : i32 to index
          %get3A_683 = arith.constant 32 : index
          %get3A_684 = tpu.vector_load %arg13[%get3A_682, %get3A_683] {strides = array<i32>} : memref<128x64xf32, #tpu.memory_space<vmem>>, vector<1x16xf32>,
          %get3A_685 = vector.shape_cast %get3A_684 : vector<1x16xf32> to vector<16xf32>
          %mul3A_686 = arith.mulf %get3A_685, %gather3A_657 : vector<16xf32>
          %swap3A_687 = arith.index_cast %add3A_661 : i32 to index
          %swap3A_688 = arith.constant 32 : index
          %swap3A_689 = tpu.vector_load %arg15[%swap3A_687, %swap3A_688] {strides = array<i32>} : memref<128x64xf32, #tpu.memory_space<vmem>>, vector<1x16xf32>,
          %swap3A_690 = vector.shape_cast %swap3A_689 : vector<1x16xf32> to vector<16xf32>
          %swap3A_691 = vector.shape_cast %mul3A_686 : vector<16xf32> to vector<1x16xf32>
          tpu.vector_store %arg15[%swap3A_687, %swap3A_688], %swap3A_691 {strides = array<i32>} : memref<128x64xf32, #tpu.memory_space<vmem>>, vector<1x16xf32>,
          %get3A_692 = arith.index_cast %add3A_661 : i32 to index
          %get3A_693 = arith.constant 48 : index
          %get3A_694 = tpu.vector_load %arg13[%get3A_692, %get3A_693] {strides = array<i32>} : memref<128x64xf32, #tpu.memory_space<vmem>>, vector<1x16xf32>,
          %get3A_695 = vector.shape_cast %get3A_694 : vector<1x16xf32> to vector<16xf32>
          %mul3A_696 = arith.mulf %get3A_695, %gather3A_657 : vector<16xf32>
          %swap3A_697 = arith.index_cast %add3A_661 : i32 to index
          %swap3A_698 = arith.constant 48 : index
          %swap3A_699 = tpu.vector_load %arg15[%swap3A_697, %swap3A_698] {strides = array<i32>} : memref<128x64xf32, #tpu.memory_space<vmem>>, vector<1x16xf32>,
          %swap3A_700 = vector.shape_cast %swap3A_699 : vector<1x16xf32> to vector<16xf32>
          %swap3A_701 = vector.shape_cast %mul3A_696 : vector<16xf32> to vector<1x16xf32>
          tpu.vector_store %arg15[%swap3A_697, %swap3A_698], %swap3A_701 {strides = array<i32>} : memref<128x64xf32, #tpu.memory_space<vmem>>, vector<1x16xf32>,
          %broadcast_in_dim3A_702 = arith.constant 11 : i32
          %broadcast_in_dim3A_703 = vector.broadcast %broadcast_in_dim3A_702 : i32 to vector<16x1xi32>
          %gather3A_704 = vector.shape_cast %broadcast_in_dim3A_703 : vector<16x1xi32> to vector<16xi32>
          %gather3A_705 = tpu.dynamic_gather %get3A_175[%gather3A_704] in [0] : vector<16xf32>, vector<16xi32> -> vector<16xf32>
          %mul3A_706 = arith.constant 16 : i32
          %mul3A_707 = arith.muli %scan3A_168, %mul3A_706 : i32
          %add3A_708 = arith.constant 11 : i32
          %add3A_709 = arith.addi %mul3A_707, %add3A_708 : i32
          %get3A_710 = arith.index_cast %add3A_709 : i32 to index
          %get3A_711 = arith.constant 0 : index
          %get3A_712 = tpu.vector_load %arg13[%get3A_710, %get3A_711] {strides = array<i32>} : memref<128x64xf32, #tpu.memory_space<vmem>>, vector<1x16xf32>,
          %get3A_713 = vector.shape_cast %get3A_712 : vector<1x16xf32> to vector<16xf32>
          %mul3A_714 = arith.mulf %get3A_713, %gather3A_705 : vector<16xf32>
          %swap3A_715 = arith.index_cast %add3A_709 : i32 to index
          %swap3A_716 = arith.constant 0 : index
          %swap3A_717 = tpu.vector_load %arg15[%swap3A_715, %swap3A_716] {strides = array<i32>} : memref<128x64xf32, #tpu.memory_space<vmem>>, vector<1x16xf32>,
          %swap3A_718 = vector.shape_cast %swap3A_717 : vector<1x16xf32> to vector<16xf32>
          %swap3A_719 = vector.shape_cast %mul3A_714 : vector<16xf32> to vector<1x16xf32>
          tpu.vector_store %arg15[%swap3A_715, %swap3A_716], %swap3A_719 {strides = array<i32>} : memref<128x64xf32, #tpu.memory_space<vmem>>, vector<1x16xf32>,
          %get3A_720 = arith.index_cast %add3A_709 : i32 to index
          %get3A_721 = arith.constant 16 : index
          %get3A_722 = tpu.vector_load %arg13[%get3A_720, %get3A_721] {strides = array<i32>} : memref<128x64xf32, #tpu.memory_space<vmem>>, vector<1x16xf32>,
          %get3A_723 = vector.shape_cast %get3A_722 : vector<1x16xf32> to vector<16xf32>
          %mul3A_724 = arith.mulf %get3A_723, %gather3A_705 : vector<16xf32>
          %swap3A_725 = arith.index_cast %add3A_709 : i32 to index
          %swap3A_726 = arith.constant 16 : index
          %swap3A_727 = tpu.vector_load %arg15[%swap3A_725, %swap3A_726] {strides = array<i32>} : memref<128x64xf32, #tpu.memory_space<vmem>>, vector<1x16xf32>,
          %swap3A_728 = vector.shape_cast %swap3A_727 : vector<1x16xf32> to vector<16xf32>
          %swap3A_729 = vector.shape_cast %mul3A_724 : vector<16xf32> to vector<1x16xf32>
          tpu.vector_store %arg15[%swap3A_725, %swap3A_726], %swap3A_729 {strides = array<i32>} : memref<128x64xf32, #tpu.memory_space<vmem>>, vector<1x16xf32>,
          %get3A_730 = arith.index_cast %add3A_709 : i32 to index
          %get3A_731 = arith.constant 32 : index
          %get3A_732 = tpu.vector_load %arg13[%get3A_730, %get3A_731] {strides = array<i32>} : memref<128x64xf32, #tpu.memory_space<vmem>>, vector<1x16xf32>,
          %get3A_733 = vector.shape_cast %get3A_732 : vector<1x16xf32> to vector<16xf32>
          %mul3A_734 = arith.mulf %get3A_733, %gather3A_705 : vector<16xf32>
          %swap3A_735 = arith.index_cast %add3A_709 : i32 to index
          %swap3A_736 = arith.constant 32 : index
          %swap3A_737 = tpu.vector_load %arg15[%swap3A_735, %swap3A_736] {strides = array<i32>} : memref<128x64xf32, #tpu.memory_space<vmem>>, vector<1x16xf32>,
          %swap3A_738 = vector.shape_cast %swap3A_737 : vector<1x16xf32> to vector<16xf32>
          %swap3A_739 = vector.shape_cast %mul3A_734 : vector<16xf32> to vector<1x16xf32>
          tpu.vector_store %arg15[%swap3A_735, %swap3A_736], %swap3A_739 {strides = array<i32>} : memref<128x64xf32, #tpu.memory_space<vmem>>, vector<1x16xf32>,
          %get3A_740 = arith.index_cast %add3A_709 : i32 to index
          %get3A_741 = arith.constant 48 : index
          %get3A_742 = tpu.vector_load %arg13[%get3A_740, %get3A_741] {strides = array<i32>} : memref<128x64xf32, #tpu.memory_space<vmem>>, vector<1x16xf32>,
          %get3A_743 = vector.shape_cast %get3A_742 : vector<1x16xf32> to vector<16xf32>
          %mul3A_744 = arith.mulf %get3A_743, %gather3A_705 : vector<16xf32>
          %swap3A_745 = arith.index_cast %add3A_709 : i32 to index
          %swap3A_746 = arith.constant 48 : index
          %swap3A_747 = tpu.vector_load %arg15[%swap3A_745, %swap3A_746] {strides = array<i32>} : memref<128x64xf32, #tpu.memory_space<vmem>>, vector<1x16xf32>,
          %swap3A_748 = vector.shape_cast %swap3A_747 : vector<1x16xf32> to vector<16xf32>
          %swap3A_749 = vector.shape_cast %mul3A_744 : vector<16xf32> to vector<1x16xf32>
          tpu.vector_store %arg15[%swap3A_745, %swap3A_746], %swap3A_749 {strides = array<i32>} : memref<128x64xf32, #tpu.memory_space<vmem>>, vector<1x16xf32>,
          %broadcast_in_dim3A_750 = arith.constant 12 : i32
          %broadcast_in_dim3A_751 = vector.broadcast %broadcast_in_dim3A_750 : i32 to vector<16x1xi32>
          %gather3A_752 = vector.shape_cast %broadcast_in_dim3A_751 : vector<16x1xi32> to vector<16xi32>
          %gather3A_753 = tpu.dynamic_gather %get3A_175[%gather3A_752] in [0] : vector<16xf32>, vector<16xi32> -> vector<16xf32>
          %mul3A_754 = arith.constant 16 : i32
          %mul3A_755 = arith.muli %scan3A_168, %mul3A_754 : i32
          %add3A_756 = arith.constant 12 : i32
          %add3A_757 = arith.addi %mul3A_755, %add3A_756 : i32
          %get3A_758 = arith.index_cast %add3A_757 : i32 to index
          %get3A_759 = arith.constant 0 : index
          %get3A_760 = tpu.vector_load %arg13[%get3A_758, %get3A_759] {strides = array<i32>} : memref<128x64xf32, #tpu.memory_space<vmem>>, vector<1x16xf32>,
          %get3A_761 = vector.shape_cast %get3A_760 : vector<1x16xf32> to vector<16xf32>
          %mul3A_762 = arith.mulf %get3A_761, %gather3A_753 : vector<16xf32>
          %swap3A_763 = arith.index_cast %add3A_757 : i32 to index
          %swap3A_764 = arith.constant 0 : index
          %swap3A_765 = tpu.vector_load %arg15[%swap3A_763, %swap3A_764] {strides = array<i32>} : memref<128x64xf32, #tpu.memory_space<vmem>>, vector<1x16xf32>,
          %swap3A_766 = vector.shape_cast %swap3A_765 : vector<1x16xf32> to vector<16xf32>
          %swap3A_767 = vector.shape_cast %mul3A_762 : vector<16xf32> to vector<1x16xf32>
          tpu.vector_store %arg15[%swap3A_763, %swap3A_764], %swap3A_767 {strides = array<i32>} : memref<128x64xf32, #tpu.memory_space<vmem>>, vector<1x16xf32>,
          %get3A_768 = arith.index_cast %add3A_757 : i32 to index
          %get3A_769 = arith.constant 16 : index
          %get3A_770 = tpu.vector_load %arg13[%get3A_768, %get3A_769] {strides = array<i32>} : memref<128x64xf32, #tpu.memory_space<vmem>>, vector<1x16xf32>,
          %get3A_771 = vector.shape_cast %get3A_770 : vector<1x16xf32> to vector<16xf32>
          %mul3A_772 = arith.mulf %get3A_771, %gather3A_753 : vector<16xf32>
          %swap3A_773 = arith.index_cast %add3A_757 : i32 to index
          %swap3A_774 = arith.constant 16 : index
          %swap3A_775 = tpu.vector_load %arg15[%swap3A_773, %swap3A_774] {strides = array<i32>} : memref<128x64xf32, #tpu.memory_space<vmem>>, vector<1x16xf32>,
          %swap3A_776 = vector.shape_cast %swap3A_775 : vector<1x16xf32> to vector<16xf32>
          %swap3A_777 = vector.shape_cast %mul3A_772 : vector<16xf32> to vector<1x16xf32>
          tpu.vector_store %arg15[%swap3A_773, %swap3A_774], %swap3A_777 {strides = array<i32>} : memref<128x64xf32, #tpu.memory_space<vmem>>, vector<1x16xf32>,
          %get3A_778 = arith.index_cast %add3A_757 : i32 to index
          %get3A_779 = arith.constant 32 : index
          %get3A_780 = tpu.vector_load %arg13[%get3A_778, %get3A_779] {strides = array<i32>} : memref<128x64xf32, #tpu.memory_space<vmem>>, vector<1x16xf32>,
          %get3A_781 = vector.shape_cast %get3A_780 : vector<1x16xf32> to vector<16xf32>
          %mul3A_782 = arith.mulf %get3A_781, %gather3A_753 : vector<16xf32>
          %swap3A_783 = arith.index_cast %add3A_757 : i32 to index
          %swap3A_784 = arith.constant 32 : index
          %swap3A_785 = tpu.vector_load %arg15[%swap3A_783, %swap3A_784] {strides = array<i32>} : memref<128x64xf32, #tpu.memory_space<vmem>>, vector<1x16xf32>,
          %swap3A_786 = vector.shape_cast %swap3A_785 : vector<1x16xf32> to vector<16xf32>
          %swap3A_787 = vector.shape_cast %mul3A_782 : vector<16xf32> to vector<1x16xf32>
          tpu.vector_store %arg15[%swap3A_783, %swap3A_784], %swap3A_787 {strides = array<i32>} : memref<128x64xf32, #tpu.memory_space<vmem>>, vector<1x16xf32>,
          %get3A_788 = arith.index_cast %add3A_757 : i32 to index
          %get3A_789 = arith.constant 48 : index
          %get3A_790 = tpu.vector_load %arg13[%get3A_788, %get3A_789] {strides = array<i32>} : memref<128x64xf32, #tpu.memory_space<vmem>>, vector<1x16xf32>,
          %get3A_791 = vector.shape_cast %get3A_790 : vector<1x16xf32> to vector<16xf32>
          %mul3A_792 = arith.mulf %get3A_791, %gather3A_753 : vector<16xf32>
          %swap3A_793 = arith.index_cast %add3A_757 : i32 to index
          %swap3A_794 = arith.constant 48 : index
          %swap3A_795 = tpu.vector_load %arg15[%swap3A_793, %swap3A_794] {strides = array<i32>} : memref<128x64xf32, #tpu.memory_space<vmem>>, vector<1x16xf32>,
          %swap3A_796 = vector.shape_cast %swap3A_795 : vector<1x16xf32> to vector<16xf32>
          %swap3A_797 = vector.shape_cast %mul3A_792 : vector<16xf32> to vector<1x16xf32>
          tpu.vector_store %arg15[%swap3A_793, %swap3A_794], %swap3A_797 {strides = array<i32>} : memref<128x64xf32, #tpu.memory_space<vmem>>, vector<1x16xf32>,
          %broadcast_in_dim3A_798 = arith.constant 13 : i32
          %broadcast_in_dim3A_799 = vector.broadcast %broadcast_in_dim3A_798 : i32 to vector<16x1xi32>
          %gather3A_800 = vector.shape_cast %broadcast_in_dim3A_799 : vector<16x1xi32> to vector<16xi32>
          %gather3A_801 = tpu.dynamic_gather %get3A_175[%gather3A_800] in [0] : vector<16xf32>, vector<16xi32> -> vector<16xf32>
          %mul3A_802 = arith.constant 16 : i32
          %mul3A_803 = arith.muli %scan3A_168, %mul3A_802 : i32
          %add3A_804 = arith.constant 13 : i32
          %add3A_805 = arith.addi %mul3A_803, %add3A_804 : i32
          %get3A_806 = arith.index_cast %add3A_805 : i32 to index
          %get3A_807 = arith.constant 0 : index
          %get3A_808 = tpu.vector_load %arg13[%get3A_806, %get3A_807] {strides = array<i32>} : memref<128x64xf32, #tpu.memory_space<vmem>>, vector<1x16xf32>,
          %get3A_809 = vector.shape_cast %get3A_808 : vector<1x16xf32> to vector<16xf32>
          %mul3A_810 = arith.mulf %get3A_809, %gather3A_801 : vector<16xf32>
          %swap3A_811 = arith.index_cast %add3A_805 : i32 to index
          %swap3A_812 = arith.constant 0 : index
          %swap3A_813 = tpu.vector_load %arg15[%swap3A_811, %swap3A_812] {strides = array<i32>} : memref<128x64xf32, #tpu.memory_space<vmem>>, vector<1x16xf32>,
          %swap3A_814 = vector.shape_cast %swap3A_813 : vector<1x16xf32> to vector<16xf32>
          %swap3A_815 = vector.shape_cast %mul3A_810 : vector<16xf32> to vector<1x16xf32>
          tpu.vector_store %arg15[%swap3A_811, %swap3A_812], %swap3A_815 {strides = array<i32>} : memref<128x64xf32, #tpu.memory_space<vmem>>, vector<1x16xf32>,
          %get3A_816 = arith.index_cast %add3A_805 : i32 to index
          %get3A_817 = arith.constant 16 : index
          %get3A_818 = tpu.vector_load %arg13[%get3A_816, %get3A_817] {strides = array<i32>} : memref<128x64xf32, #tpu.memory_space<vmem>>, vector<1x16xf32>,
          %get3A_819 = vector.shape_cast %get3A_818 : vector<1x16xf32> to vector<16xf32>
          %mul3A_820 = arith.mulf %get3A_819, %gather3A_801 : vector<16xf32>
          %swap3A_821 = arith.index_cast %add3A_805 : i32 to index
          %swap3A_822 = arith.constant 16 : index
          %swap3A_823 = tpu.vector_load %arg15[%swap3A_821, %swap3A_822] {strides = array<i32>} : memref<128x64xf32, #tpu.memory_space<vmem>>, vector<1x16xf32>,
          %swap3A_824 = vector.shape_cast %swap3A_823 : vector<1x16xf32> to vector<16xf32>
          %swap3A_825 = vector.shape_cast %mul3A_820 : vector<16xf32> to vector<1x16xf32>
          tpu.vector_store %arg15[%swap3A_821, %swap3A_822], %swap3A_825 {strides = array<i32>} : memref<128x64xf32, #tpu.memory_space<vmem>>, vector<1x16xf32>,
          %get3A_826 = arith.index_cast %add3A_805 : i32 to index
          %get3A_827 = arith.constant 32 : index
          %get3A_828 = tpu.vector_load %arg13[%get3A_826, %get3A_827] {strides = array<i32>} : memref<128x64xf32, #tpu.memory_space<vmem>>, vector<1x16xf32>,
          %get3A_829 = vector.shape_cast %get3A_828 : vector<1x16xf32> to vector<16xf32>
          %mul3A_830 = arith.mulf %get3A_829, %gather3A_801 : vector<16xf32>
          %swap3A_831 = arith.index_cast %add3A_805 : i32 to index
          %swap3A_832 = arith.constant 32 : index
          %swap3A_833 = tpu.vector_load %arg15[%swap3A_831, %swap3A_832] {strides = array<i32>} : memref<128x64xf32, #tpu.memory_space<vmem>>, vector<1x16xf32>,
          %swap3A_834 = vector.shape_cast %swap3A_833 : vector<1x16xf32> to vector<16xf32>
          %swap3A_835 = vector.shape_cast %mul3A_830 : vector<16xf32> to vector<1x16xf32>
          tpu.vector_store %arg15[%swap3A_831, %swap3A_832], %swap3A_835 {strides = array<i32>} : memref<128x64xf32, #tpu.memory_space<vmem>>, vector<1x16xf32>,
          %get3A_836 = arith.index_cast %add3A_805 : i32 to index
          %get3A_837 = arith.constant 48 : index
          %get3A_838 = tpu.vector_load %arg13[%get3A_836, %get3A_837] {strides = array<i32>} : memref<128x64xf32, #tpu.memory_space<vmem>>, vector<1x16xf32>,
          %get3A_839 = vector.shape_cast %get3A_838 : vector<1x16xf32> to vector<16xf32>
          %mul3A_840 = arith.mulf %get3A_839, %gather3A_801 : vector<16xf32>
          %swap3A_841 = arith.index_cast %add3A_805 : i32 to index
          %swap3A_842 = arith.constant 48 : index
          %swap3A_843 = tpu.vector_load %arg15[%swap3A_841, %swap3A_842] {strides = array<i32>} : memref<128x64xf32, #tpu.memory_space<vmem>>, vector<1x16xf32>,
          %swap3A_844 = vector.shape_cast %swap3A_843 : vector<1x16xf32> to vector<16xf32>
          %swap3A_845 = vector.shape_cast %mul3A_840 : vector<16xf32> to vector<1x16xf32>
          tpu.vector_store %arg15[%swap3A_841, %swap3A_842], %swap3A_845 {strides = array<i32>} : memref<128x64xf32, #tpu.memory_space<vmem>>, vector<1x16xf32>,
          %broadcast_in_dim3A_846 = arith.constant 14 : i32
          %broadcast_in_dim3A_847 = vector.broadcast %broadcast_in_dim3A_846 : i32 to vector<16x1xi32>
          %gather3A_848 = vector.shape_cast %broadcast_in_dim3A_847 : vector<16x1xi32> to vector<16xi32>
          %gather3A_849 = tpu.dynamic_gather %get3A_175[%gather3A_848] in [0] : vector<16xf32>, vector<16xi32> -> vector<16xf32>
          %mul3A_850 = arith.constant 16 : i32
          %mul3A_851 = arith.muli %scan3A_168, %mul3A_850 : i32
          %add3A_852 = arith.constant 14 : i32
          %add3A_853 = arith.addi %mul3A_851, %add3A_852 : i32
          %get3A_854 = arith.index_cast %add3A_853 : i32 to index
          %get3A_855 = arith.constant 0 : index
          %get3A_856 = tpu.vector_load %arg13[%get3A_854, %get3A_855] {strides = array<i32>} : memref<128x64xf32, #tpu.memory_space<vmem>>, vector<1x16xf32>,
          %get3A_857 = vector.shape_cast %get3A_856 : vector<1x16xf32> to vector<16xf32>
          %mul3A_858 = arith.mulf %get3A_857, %gather3A_849 : vector<16xf32>
          %swap3A_859 = arith.index_cast %add3A_853 : i32 to index
          %swap3A_860 = arith.constant 0 : index
          %swap3A_861 = tpu.vector_load %arg15[%swap3A_859, %swap3A_860] {strides = array<i32>} : memref<128x64xf32, #tpu.memory_space<vmem>>, vector<1x16xf32>,
          %swap3A_862 = vector.shape_cast %swap3A_861 : vector<1x16xf32> to vector<16xf32>
          %swap3A_863 = vector.shape_cast %mul3A_858 : vector<16xf32> to vector<1x16xf32>
          tpu.vector_store %arg15[%swap3A_859, %swap3A_860], %swap3A_863 {strides = array<i32>} : memref<128x64xf32, #tpu.memory_space<vmem>>, vector<1x16xf32>,
          %get3A_864 = arith.index_cast %add3A_853 : i32 to index
          %get3A_865 = arith.constant 16 : index
          %get3A_866 = tpu.vector_load %arg13[%get3A_864, %get3A_865] {strides = array<i32>} : memref<128x64xf32, #tpu.memory_space<vmem>>, vector<1x16xf32>,
          %get3A_867 = vector.shape_cast %get3A_866 : vector<1x16xf32> to vector<16xf32>
          %mul3A_868 = arith.mulf %get3A_867, %gather3A_849 : vector<16xf32>
          %swap3A_869 = arith.index_cast %add3A_853 : i32 to index
          %swap3A_870 = arith.constant 16 : index
          %swap3A_871 = tpu.vector_load %arg15[%swap3A_869, %swap3A_870] {strides = array<i32>} : memref<128x64xf32, #tpu.memory_space<vmem>>, vector<1x16xf32>,
          %swap3A_872 = vector.shape_cast %swap3A_871 : vector<1x16xf32> to vector<16xf32>
          %swap3A_873 = vector.shape_cast %mul3A_868 : vector<16xf32> to vector<1x16xf32>
          tpu.vector_store %arg15[%swap3A_869, %swap3A_870], %swap3A_873 {strides = array<i32>} : memref<128x64xf32, #tpu.memory_space<vmem>>, vector<1x16xf32>,
          %get3A_874 = arith.index_cast %add3A_853 : i32 to index
          %get3A_875 = arith.constant 32 : index
          %get3A_876 = tpu.vector_load %arg13[%get3A_874, %get3A_875] {strides = array<i32>} : memref<128x64xf32, #tpu.memory_space<vmem>>, vector<1x16xf32>,
          %get3A_877 = vector.shape_cast %get3A_876 : vector<1x16xf32> to vector<16xf32>
          %mul3A_878 = arith.mulf %get3A_877, %gather3A_849 : vector<16xf32>
          %swap3A_879 = arith.index_cast %add3A_853 : i32 to index
          %swap3A_880 = arith.constant 32 : index
          %swap3A_881 = tpu.vector_load %arg15[%swap3A_879, %swap3A_880] {strides = array<i32>} : memref<128x64xf32, #tpu.memory_space<vmem>>, vector<1x16xf32>,
          %swap3A_882 = vector.shape_cast %swap3A_881 : vector<1x16xf32> to vector<16xf32>
          %swap3A_883 = vector.shape_cast %mul3A_878 : vector<16xf32> to vector<1x16xf32>
          tpu.vector_store %arg15[%swap3A_879, %swap3A_880], %swap3A_883 {strides = array<i32>} : memref<128x64xf32, #tpu.memory_space<vmem>>, vector<1x16xf32>,
          %get3A_884 = arith.index_cast %add3A_853 : i32 to index
          %get3A_885 = arith.constant 48 : index
          %get3A_886 = tpu.vector_load %arg13[%get3A_884, %get3A_885] {strides = array<i32>} : memref<128x64xf32, #tpu.memory_space<vmem>>, vector<1x16xf32>,
          %get3A_887 = vector.shape_cast %get3A_886 : vector<1x16xf32> to vector<16xf32>
          %mul3A_888 = arith.mulf %get3A_887, %gather3A_849 : vector<16xf32>
          %swap3A_889 = arith.index_cast %add3A_853 : i32 to index
          %swap3A_890 = arith.constant 48 : index
          %swap3A_891 = tpu.vector_load %arg15[%swap3A_889, %swap3A_890] {strides = array<i32>} : memref<128x64xf32, #tpu.memory_space<vmem>>, vector<1x16xf32>,
          %swap3A_892 = vector.shape_cast %swap3A_891 : vector<1x16xf32> to vector<16xf32>
          %swap3A_893 = vector.shape_cast %mul3A_888 : vector<16xf32> to vector<1x16xf32>
          tpu.vector_store %arg15[%swap3A_889, %swap3A_890], %swap3A_893 {strides = array<i32>} : memref<128x64xf32, #tpu.memory_space<vmem>>, vector<1x16xf32>,
          %broadcast_in_dim3A_894 = arith.constant 15 : i32
          %broadcast_in_dim3A_895 = vector.broadcast %broadcast_in_dim3A_894 : i32 to vector<16x1xi32>
          %gather3A_896 = vector.shape_cast %broadcast_in_dim3A_895 : vector<16x1xi32> to vector<16xi32>
          %gather3A_897 = tpu.dynamic_gather %get3A_175[%gather3A_896] in [0] : vector<16xf32>, vector<16xi32> -> vector<16xf32>
          %mul3A_898 = arith.constant 16 : i32
          %mul3A_899 = arith.muli %scan3A_168, %mul3A_898 : i32
          %add3A_900 = arith.constant 15 : i32
          %add3A_901 = arith.addi %mul3A_899, %add3A_900 : i32
          %get3A_902 = arith.index_cast %add3A_901 : i32 to index
          %get3A_903 = arith.constant 0 : index
          %get3A_904 = tpu.vector_load %arg13[%get3A_902, %get3A_903] {strides = array<i32>} : memref<128x64xf32, #tpu.memory_space<vmem>>, vector<1x16xf32>,
          %get3A_905 = vector.shape_cast %get3A_904 : vector<1x16xf32> to vector<16xf32>
          %mul3A_906 = arith.mulf %get3A_905, %gather3A_897 : vector<16xf32>
          %swap3A_907 = arith.index_cast %add3A_901 : i32 to index
          %swap3A_908 = arith.constant 0 : index
          %swap3A_909 = tpu.vector_load %arg15[%swap3A_907, %swap3A_908] {strides = array<i32>} : memref<128x64xf32, #tpu.memory_space<vmem>>, vector<1x16xf32>,
          %swap3A_910 = vector.shape_cast %swap3A_909 : vector<1x16xf32> to vector<16xf32>
          %swap3A_911 = vector.shape_cast %mul3A_906 : vector<16xf32> to vector<1x16xf32>
          tpu.vector_store %arg15[%swap3A_907, %swap3A_908], %swap3A_911 {strides = array<i32>} : memref<128x64xf32, #tpu.memory_space<vmem>>, vector<1x16xf32>,
          %get3A_912 = arith.index_cast %add3A_901 : i32 to index
          %get3A_913 = arith.constant 16 : index
          %get3A_914 = tpu.vector_load %arg13[%get3A_912, %get3A_913] {strides = array<i32>} : memref<128x64xf32, #tpu.memory_space<vmem>>, vector<1x16xf32>,
          %get3A_915 = vector.shape_cast %get3A_914 : vector<1x16xf32> to vector<16xf32>
          %mul3A_916 = arith.mulf %get3A_915, %gather3A_897 : vector<16xf32>
          %swap3A_917 = arith.index_cast %add3A_901 : i32 to index
          %swap3A_918 = arith.constant 16 : index
          %swap3A_919 = tpu.vector_load %arg15[%swap3A_917, %swap3A_918] {strides = array<i32>} : memref<128x64xf32, #tpu.memory_space<vmem>>, vector<1x16xf32>,
          %swap3A_920 = vector.shape_cast %swap3A_919 : vector<1x16xf32> to vector<16xf32>
          %swap3A_921 = vector.shape_cast %mul3A_916 : vector<16xf32> to vector<1x16xf32>
          tpu.vector_store %arg15[%swap3A_917, %swap3A_918], %swap3A_921 {strides = array<i32>} : memref<128x64xf32, #tpu.memory_space<vmem>>, vector<1x16xf32>,
          %get3A_922 = arith.index_cast %add3A_901 : i32 to index
          %get3A_923 = arith.constant 32 : index
          %get3A_924 = tpu.vector_load %arg13[%get3A_922, %get3A_923] {strides = array<i32>} : memref<128x64xf32, #tpu.memory_space<vmem>>, vector<1x16xf32>,
          %get3A_925 = vector.shape_cast %get3A_924 : vector<1x16xf32> to vector<16xf32>
          %mul3A_926 = arith.mulf %get3A_925, %gather3A_897 : vector<16xf32>
          %swap3A_927 = arith.index_cast %add3A_901 : i32 to index
          %swap3A_928 = arith.constant 32 : index
          %swap3A_929 = tpu.vector_load %arg15[%swap3A_927, %swap3A_928] {strides = array<i32>} : memref<128x64xf32, #tpu.memory_space<vmem>>, vector<1x16xf32>,
          %swap3A_930 = vector.shape_cast %swap3A_929 : vector<1x16xf32> to vector<16xf32>
          %swap3A_931 = vector.shape_cast %mul3A_926 : vector<16xf32> to vector<1x16xf32>
          tpu.vector_store %arg15[%swap3A_927, %swap3A_928], %swap3A_931 {strides = array<i32>} : memref<128x64xf32, #tpu.memory_space<vmem>>, vector<1x16xf32>,
          %get3A_932 = arith.index_cast %add3A_901 : i32 to index
          %get3A_933 = arith.constant 48 : index
          %get3A_934 = tpu.vector_load %arg13[%get3A_932, %get3A_933] {strides = array<i32>} : memref<128x64xf32, #tpu.memory_space<vmem>>, vector<1x16xf32>,
          %get3A_935 = vector.shape_cast %get3A_934 : vector<1x16xf32> to vector<16xf32>
          %mul3A_936 = arith.mulf %get3A_935, %gather3A_897 : vector<16xf32>
          %swap3A_937 = arith.index_cast %add3A_901 : i32 to index
          %swap3A_938 = arith.constant 48 : index
          %swap3A_939 = tpu.vector_load %arg15[%swap3A_937, %swap3A_938] {strides = array<i32>} : memref<128x64xf32, #tpu.memory_space<vmem>>, vector<1x16xf32>,
          %swap3A_940 = vector.shape_cast %swap3A_939 : vector<1x16xf32> to vector<16xf32>
          %swap3A_941 = vector.shape_cast %mul3A_936 : vector<16xf32> to vector<1x16xf32>
          tpu.vector_store %arg15[%swap3A_937, %swap3A_938], %swap3A_941 {strides = array<i32>} : memref<128x64xf32, #tpu.memory_space<vmem>>, vector<1x16xf32>,
        }
        %scan3A_154 = arith.constant 8 : i32
        %dma_start3A_155 = arith.constant 0 : i32
        %dma_start3A_156 = tpu.memref_slice %arg9[%add3A_137, %dma_start3A_155] : memref<16x128xi32, #tpu.memory_space<vmem>> -> memref<1x128xi32, #tpu.memory_space<vmem>>
        %dma_start3A_157 = tpu.memref_squeeze %dma_start3A_156 : memref<1x128xi32, #tpu.memory_space<vmem>> -> memref<128xi32, #tpu.memory_space<vmem>>
        %dma_start3A_158 = arith.constant 0 : i32
        %dma_start3A_159 = arith.constant 0 : i32
        %dma_start3A_160 = tpu.memref_slice %arg8[%dma_start3A_158, %dma_start3A_159] : memref<10240x64xf32, #tpu.memory_space<vmem_shared>> -> memref<10240x64xf32, #tpu.memory_space<vmem_shared>>
        tpu.enqueue_indirect_dma source(%arg15 : memref<128x64xf32, #tpu.memory_space<vmem>>) target(%dma_start3A_160 : memref<10240x64xf32, #tpu.memory_space<vmem_shared>>) offsets(%dma_start3A_157 : memref<128xi32, #tpu.memory_space<vmem>>) semaphore(%arg19 : memref<!tpu.dma_semaphore, #tpu.memory_space<semaphore_mem>>) {add = true}
        %add3A_161 = arith.constant 2 : i32
        %add3A_162 = arith.addi %add3A_137, %add3A_161 : i32
        %lt3A_163 = arith.constant 16 : i32
        %lt3A_164 = arith.cmpi slt, %add3A_162, %lt3A_163 : i32
        %convert_element_type3A_165 = arith.extui %lt3A_164 : i1 to i32
        %cond3A_166 = arith.constant 0 : i32
        %cond3A_167 = arith.cmpi ne, %convert_element_type3A_165, %cond3A_166 : i32
        scf.if %cond3A_167 {
          %add3A_168 = arith.constant 2 : i32
          %add3A_169 = arith.addi %add3A_137, %add3A_168 : i32
          %dma_start3A_170 = arith.constant 0 : i32
          %dma_start3A_171 = tpu.memref_slice %arg10[%add3A_169, %dma_start3A_170] : memref<16x128xi32, #tpu.memory_space<vmem>> -> memref<1x128xi32, #tpu.memory_space<vmem>>
          %dma_start3A_172 = tpu.memref_squeeze %dma_start3A_171 : memref<1x128xi32, #tpu.memory_space<vmem>> -> memref<128xi32, #tpu.memory_space<vmem>>
          %dma_start3A_173 = arith.constant 0 : i32
          %dma_start3A_174 = arith.constant 0 : i32
          %dma_start3A_175 = tpu.memref_slice %arg7[%dma_start3A_173, %dma_start3A_174] : memref<10240x64xf32, #tpu.memory_space<vmem_shared>> -> memref<10240x64xf32, #tpu.memory_space<vmem_shared>>
          tpu.enqueue_indirect_dma source(%dma_start3A_175 : memref<10240x64xf32, #tpu.memory_space<vmem_shared>>) target(%arg13 : memref<128x64xf32, #tpu.memory_space<vmem>>) offsets(%dma_start3A_172 : memref<128xi32, #tpu.memory_space<vmem>>) semaphore(%arg17 : memref<!tpu.dma_semaphore, #tpu.memory_space<semaphore_mem>>)
        } else {
        }
      }
      %scan3A_89 = arith.constant 8 : i32
      %dma_wait3A = arith.constant 14 : i32
      %dma_wait3A_90 = arith.constant 0 : i32
      %dma_wait3A_91 = tpu.memref_slice %arg9[%dma_wait3A, %dma_wait3A_90] : memref<16x128xi32, #tpu.memory_space<vmem>> -> memref<1x128xi32, #tpu.memory_space<vmem>>
      %dma_wait3A_92 = tpu.memref_squeeze %dma_wait3A_91 : memref<1x128xi32, #tpu.memory_space<vmem>> -> memref<128xi32, #tpu.memory_space<vmem>>
      %dma_wait3A_93 = arith.constant 0 : i32
      %dma_wait3A_94 = arith.constant 0 : i32
      %dma_wait3A_95 = tpu.memref_slice %arg8[%dma_wait3A_93, %dma_wait3A_94] : memref<10240x64xf32, #tpu.memory_space<vmem_shared>> -> memref<10240x64xf32, #tpu.memory_space<vmem_shared>>
      tpu.wait_indirect_dma semaphore(%arg18 : memref<!tpu.dma_semaphore, #tpu.memory_space<semaphore_mem>>) src(%arg14 : memref<128x64xf32, #tpu.memory_space<vmem>>) dst(%dma_wait3A_95 : memref<10240x64xf32, #tpu.memory_space<vmem_shared>>)
      %dma_wait3A_96 = arith.constant 15 : i32
      %dma_wait3A_97 = arith.constant 0 : i32
      %dma_wait3A_98 = tpu.memref_slice %arg9[%dma_wait3A_96, %dma_wait3A_97] : memref<16x128xi32, #tpu.memory_space<vmem>> -> memref<1x128xi32, #tpu.memory_space<vmem>>
      %dma_wait3A_99 = tpu.memref_squeeze %dma_wait3A_98 : memref<1x128xi32, #tpu.memory_space<vmem>> -> memref<128xi32, #tpu.memory_space<vmem>>
      %dma_wait3A_100 = arith.constant 0 : i32
      %dma_wait3A_101 = arith.constant 0 : i32
      %dma_wait3A_102 = tpu.memref_slice %arg8[%dma_wait3A_100, %dma_wait3A_101] : memref<10240x64xf32, #tpu.memory_space<vmem_shared>> -> memref<10240x64xf32, #tpu.memory_space<vmem_shared>>
      tpu.wait_indirect_dma semaphore(%arg19 : memref<!tpu.dma_semaphore, #tpu.memory_space<semaphore_mem>>) src(%arg15 : memref<128x64xf32, #tpu.memory_space<vmem>>) dst(%dma_wait3A_102 : memref<10240x64xf32, #tpu.memory_space<vmem_shared>>)
    }
    %scan3A_54 = arith.constant 10 : i32
    %barrier3A_55 = arith.constant 0 : index
    tpu.barrier barrier_id(%barrier3A_55)
    %mul3A_56 = arith.constant 10240 : i32
    %mul3A_57 = arith.muli %arg0, %mul3A_56 : i32
    %add3A_58 = arith.addi %mul3A_57, %mul3A_9 : i32
    "tpu.region"() ({
      %run_scoped3A = tpu.sem_alloc : memref<!tpu.dma_semaphore, #tpu.memory_space<semaphore_mem>>
      %dma_start3A = arith.constant 0 : i32
      %dma_start3A_59 = tpu.memref_slice %arg6[%add3A_58, %dma_start3A] : memref<20480x64xf32, #tpu.memory_space<hbm>> -> memref<640x64xf32, #tpu.memory_space<hbm>>
      %dma_start3A_60 = arith.constant 0 : i32
      %dma_start3A_61 = tpu.memref_slice %arg8[%mul3A_9, %dma_start3A_60] : memref<10240x64xf32, #tpu.memory_space<vmem_shared>> -> memref<640x64xf32, #tpu.memory_space<vmem_shared>>
      tpu.enqueue_dma source(%dma_start3A_61 : memref<640x64xf32, #tpu.memory_space<vmem_shared>>) target(%dma_start3A_59 : memref<640x64xf32, #tpu.memory_space<hbm>>) target_semaphore(%run_scoped3A : memref<!tpu.dma_semaphore, #tpu.memory_space<semaphore_mem>>)
      %dma_wait3A = arith.constant 0 : i32
      %dma_wait3A_62 = tpu.memref_slice %arg6[%add3A_58, %dma_wait3A] : memref<20480x64xf32, #tpu.memory_space<hbm>> -> memref<640x64xf32, #tpu.memory_space<hbm>>
      %dma_wait3A_63 = arith.constant 0 : i32
      %dma_wait3A_64 = tpu.memref_slice %arg8[%mul3A_9, %dma_wait3A_63] : memref<10240x64xf32, #tpu.memory_space<vmem_shared>> -> memref<640x64xf32, #tpu.memory_space<vmem_shared>>
      tpu.wait_dma2 semaphore(%run_scoped3A : memref<!tpu.dma_semaphore, #tpu.memory_space<semaphore_mem>>) src(%dma_wait3A_64 : memref<640x64xf32, #tpu.memory_space<vmem_shared>>) dst(%dma_wait3A_62 : memref<640x64xf32, #tpu.memory_space<hbm>>)
      tpu.yield
    }) : () -> ()
    return
  }
}

</mosaic_0001>

<sc_bundles>
// kernel: kernel.3.cloned.1.call-start
scs
__scs_entry_jumppad:
0x0: {  	(pc) =	sbr.rel $0x88, $3  }
0x1: {  	(tag) =	ssettag $0x0;
	lr =	simm.s32 $0x1  }
0x2: {  	[smem:$0x3F9E] =	sst lr;
	_ =	strace $0xD0000000  }
0x3: {  	_ = 	snop  }
0x4: {  	_ = 	snop  }
0x5: {  	_ = 	snop  }
0x6: {  	_ = 	snop  }
0x7: {  	_ = 	snop  }
__scs_overlays_trampoline_lowered:
0x8: {  	[smem:$0x3FAD] =	sst s0  }
0x9: {  	[smem:$0x3FAE] =	sst s1  }
0xa: {  	[smem:$0x3FAF] =	sst s2  }
0xb: {  	[smem:$0x3FB0] =	sst s3  }
0xc: {  	[smem:$0x3FB1] =	sst s4  }
0xd: {  	[smem:$0x3FB2] =	sst s5  }
0xe: {  	[smem:$0x3FB3] =	sst s6  }
0xf: {  	[smem:$0x3FB4] =	sst s7  }
0x10: {  	[smem:$0x3FB5] =	sst s8  }
0x11: {  	[smem:$0x3FB6] =	sst s9;
	s0 =	simm.s32 @!p0 $0x0  }
0x12: {  	s1 =	sld [smem:$0x3F9C];
	s0 =	simm.s32 @p0 $0x1  }
0x13: {  	[smem:$0x3FB7] =	sst s0;
	s0 =	simm.s32 @!p1 $0x0  }
0x14: {  	s2 =	sld [smem:$0x3F9B];
	s0 =	simm.s32 @p1 $0x1  }
0x15: {  	[smem:$0x3FB8] =	sst s0;
	s0 =	simm.s32 @!p2 $0x0  }
0x16: {  	s3 =	sld [smem:$0x3FDB];
	s0 =	simm.s32 @p2 $0x1  }
0x17: {  	s4 =	simm.s32 $0x1BF5;
	[smem:$0x3FBA] =	sst s0  }
0x18: {  	s0 =	sld [smem:$0x3F9D];
	_ =	swait.ge [sflag:s4], $0x0  }
0x19: {  	s7 =	sld [smem:$0x3F9E]  }
0x1a: {  	s8 =	sadd.s32 $0xFFFFE003, lr  }
0x1b: {  	s9 =	sadd.s32 $0xFFFFFEF7, lr;
	s5 =	simm.s32 $0xFFFFFFFF;
	p2 =	slt.u32 s8, $0xFFFFF086  }
0x1c: {  	p1 =	slt.u32 s9, $0xF7A;
	s5 =	simm.s32 @!p2 $0x0  }
0x1d: {  	s5 =	simm.s32 @p1 $0x1;
	p0 =	seq.s32 s7, s2  }
0x1e: {  	s7 =	smul.u32 @!p0 $0xF7A, s2;
	p2 =	seq.s32 @!p0 s5, $0x0  }
0x1f: {  	s9 =	smul.u32 $0xF7A, s1;
	s8 =	simm.s32 @!p0 $0x1BF5;
	p2 =	por !p2, p0  }
0x20: {  	[sflag:s8] =	ssyncset.s32 @!p0 $0xFFFFF086;
	s6 =	sadd.s32 @!p0 s3, s7;
	s7 =	simm.s32 @!p0 $0x108  }
0x21: {  	s3 =	sadd.s32 s3, s9;
	s6 =	sadd.s32 @!p0 $0x88, s6;
	s7 =	simm.s32 @p2 $0x1082  }
0x22: {  	[simem:s7], [sflag:s8] =	dma.local @!p0 [hbm:s6], $0xF7A  }
0x23: {  	s9 =	sor.u32 $0xD0000000, s2;
	s6 =	simm.s32 $0x108;
	_ =	swait.ge @!p0 [sflag:s8], $0x0  }
0x24: {  	s3 =	sadd.s32 $0x88, s3;
	s6 =	simm.s32 @!p1 $0x1082;
	[sflag:s4] =	ssyncset.s32 $0xFFFFF086  }
0x25: {  	[simem:s6], [sflag:s4] =	dma.local [hbm:s3], $0xF7A  }
0x26: {  	[smem:$0x3F9E] =	sst s1;
	(tag) =	ssettag s2;
	_ =	strace s9  }
0x27: {  	s1 =	sld [smem:$0x3FAE]  }
0x28: {  	s2 =	sld [smem:$0x3FAF]  }
0x29: {  	s4 =	sld [smem:$0x3FB1]  }
0x2a: {  	p0 =	seq.s32 s5, $0x0;
	s5 =	sld [smem:$0x3FB2]  }
0x2b: {  	s6 =	sld [smem:$0x3FB3]  }
0x2c: {  	s7 =	sld [smem:$0x3FB4]  }
0x2d: {  	s3 =	simm.s32 $0x108;
	s8 =	sld [smem:$0x3FB5]  }
0x2e: {  	s3 =	simm.s32 @!p0 $0x1082;
	s9 =	sld [smem:$0x3FB6]  }
0x2f: {  	lr =	sadd.s32 s0, s3;
	s0 =	sld [smem:$0x3FAD]  }
0x30: {  	s3 =	sld [smem:$0x3FB0]  }
0x31: {  	[smem:$0x3FB9] =	sst s10  }
0x32: {  	s10 =	sld [smem:$0x3FB7];
	_ =	sdelay $0x3  }
0x33: {  	p0 =	seq.s32 s10, $0x1;
	s10 =	sld [smem:$0x3FB9];
	_ =	sdelay $0x3  }
0x34: {  	[smem:$0x3FB9] =	sst s10  }
0x35: {  	s10 =	sld [smem:$0x3FB8];
	_ =	sdelay $0x3  }
0x36: {  	p1 =	seq.s32 s10, $0x1;
	s10 =	sld [smem:$0x3FB9];
	_ =	sdelay $0x3  }
0x37: {  	[smem:$0x3FB9] =	sst s10  }
0x38: {  	s10 =	sld [smem:$0x3FBA]  }
0x39: {  	_ = 	snop;
	(pc) =	sbr.ind lr, $3  }
0x3a: {  	_ = 	snop  }
0x3b: {  	_ = 	snop  }
0x3c: {  	p2 =	seq.s32 s10, $0x1;
	s10 =	sld [smem:$0x3FB9]  }
0x3d: {  	_ =	shalt  }
0x3e: {  	_ =	shalt  }
0x3f: {  	_ =	shalt  }
0x40: {  	_ =	shalt  }
0x41: {  	_ =	shalt  }
0x42: {  	_ =	shalt  }
0x43: {  	_ =	shalt  }
0x44: {  	_ =	shalt  }
0x45: {  	_ =	shalt  }
0x46: {  	_ =	shalt  }
0x47: {  	_ =	shalt  }
0x48: {  	_ =	shalt  }
0x49: {  	_ =	shalt  }
0x4a: {  	_ =	shalt  }
0x4b: {  	_ =	shalt  }
0x4c: {  	_ =	shalt  }
0x4d: {  	_ =	shalt  }
0x4e: {  	_ =	shalt  }
0x4f: {  	_ =	shalt  }
0x50: {  	_ =	shalt  }
0x51: {  	_ =	shalt  }
0x52: {  	_ =	shalt  }
0x53: {  	_ =	shalt  }
0x54: {  	_ =	shalt  }
0x55: {  	_ =	shalt  }
0x56: {  	_ =	shalt  }
0x57: {  	_ =	shalt  }
0x58: {  	_ =	shalt  }
0x59: {  	_ =	shalt  }
0x5a: {  	_ =	shalt  }
0x5b: {  	_ =	shalt  }
0x5c: {  	_ =	shalt  }
0x5d: {  	_ =	shalt  }
0x5e: {  	_ =	shalt  }
0x5f: {  	_ =	shalt  }
0x60: {  	_ =	shalt  }
0x61: {  	_ =	shalt  }
0x62: {  	_ =	shalt  }
0x63: {  	_ =	shalt  }
0x64: {  	_ =	shalt  }
0x65: {  	_ =	shalt  }
0x66: {  	_ =	shalt  }
0x67: {  	_ =	shalt  }
0x68: {  	_ =	shalt  }
0x69: {  	_ =	shalt  }
0x6a: {  	_ =	shalt  }
0x6b: {  	_ =	shalt  }
0x6c: {  	_ =	shalt  }
0x6d: {  	_ =	shalt  }
0x6e: {  	_ =	shalt  }
0x6f: {  	_ =	shalt  }
0x70: {  	_ =	shalt  }
0x71: {  	_ =	shalt  }
0x72: {  	_ =	shalt  }
0x73: {  	_ =	shalt  }
0x74: {  	_ =	shalt  }
0x75: {  	_ =	shalt  }
0x76: {  	_ =	shalt  }
0x77: {  	_ =	shalt  }
0x78: {  	_ =	shalt  }
0x79: {  	_ =	shalt  }
0x7a: {  	_ =	shalt  }
0x7b: {  	_ =	shalt  }
0x7c: {  	_ =	shalt  }
0x7d: {  	_ =	shalt  }
0x7e: {  	_ =	shalt  }
0x7f: {  	_ =	shalt  }
0x80: {  	_ =	shalt  }
0x81: {  	_ =	shalt  }
0x82: {  	_ =	shalt  }
0x83: {  	_ =	shalt  }
0x84: {  	_ =	shalt  }
0x85: {  	_ =	shalt  }
0x86: {  	_ =	shalt  }
0x87: {  	_ =	shalt  }
.Lfunc_end0:
.L_simem_size_0:
called_computation_lowered:
.L_overlay_start_0:
0x88: {  	s2 =	sld [smem:$0x3FD9]  }
0x89: {  	s3 =	sld [smem:$0x3FFE];
	_ =	sdelay $0x1  }
0x8a: {  	s1 =	srdreg.scid  }
0x8b: {  	s0 =	sand.u32 $0x1, s1  }
0x8c: {  	s17 =	sshll.u32 s0, $0xA;
	s2 =	sadd.s32 s3, s2  }
0x8d: {  	s2 =	sadd.s32 s2, s17  }
0x8e: {  	[smem:$0x3FC5] =	sst s2  }
0x8f: {  	_ = 	snop  }
0x90: {  	s2 =	sld [smem:$0x3FD0];
	(tm) =	ssettm $0x1  }
0x91: {  	s18 =	sld [smem:$0x3FFB];
	_ =	sdelay $0x3  }
0x92: {  	_ =	strace s18  }
0x93: {  	s3 =	sld [smem:$0x3FFC];
	_ =	sdelay $0x3  }
0x94: {  	_ =	strace s3  }
0x95: {  	s3 =	sld [smem:$0x3FFD];
	_ =	sdelay $0x3  }
0x96: {  	_ =	strace s3  }
0x97: {  	_ =	strace $0x8FFFFFFF  }
0x98: {  	s19 =	sld [smem:$0x3FDB];
	_ =	sdelay $0x1  }
0x99: {  	s4 =	simm.s32 $_scs_section_size  }
0x9a: {  	s5 =	simm.s32 $_size__tile_overlayer_lowered;
	s6 =	simm.s32 $_tile_overlayer_lowered  }
0x9b: {  	s22 =	simm.s32 $0x1BFF;
	s21 =	sshll.u32 s6, $0x1;
	s3 =	sadd.s32 s4, s19  }
0x9c: {  	s7 =	simm.s32 $0x0;
	s20 =	sshll.u32 s5, $0x1;
	s5 =	sadd.s32 s21, s3  }
0x9d: {  	[timem:s7], [sflag:s22] =	dma.local [hbm:s5], s20  }
0x9e: {  	_ =	swait.ge [sflag:s22], s20  }
0x9f: {  	s4 =	ssub.s32 $0x0, s20;
	[sflag:s22] =	ssyncset.done $0x0  }
0xa0: {  	[sflag:s22] =	ssyncadd.s32 s4;
	_ =	sdelay $0x1  }
0xa1: {  	s23 =	simm.s32 $0x1B8B  }
0xa2: {  	_ =	swait.ge [sflag:s23], $0x1  }
0xa3: {  	[sflag:s23] =	ssyncset.done $0x0  }
0xa4: {  	s25 =	simm.s32 $0x1B8E;
	s24 =	sld [smem:$0x3FFE];
	[sflag:s23] =	ssyncadd.s32 $0xFFFFFFFF  }
0xa5: {  	s26 =	simm.s32 $execute0_lowered;
	[smem:$0x3FD2] =	sst s25  }
0xa6: {  	s5 =	sshll.u32 s26, $0x1;
	_ =	strace $0x80000046;
	[dreg:$0x1] =	wrdreg $0xFFFFFFFF  }
0xa7: {  	s28 =	simm.s32 $_size_execute0_lowered;
	s3 =	sadd.s32 s3, s5;
	[dreg:$0x0] =	wrdreg $0x0  }
0xa8: {  	s5 =	sshll.u32 s28, $0x1;
	[dreg:$0x2] =	wrdreg s3  }
0xa9: {  	[dreg:$0x3] =	wrdreg s5  }
0xaa: {  	[dreg:$0x4] =	wrdreg $0xC0  }
0xab: {  	_ =	task [dreg:s7], $0x5FFFF  }
0xac: {  	[dreg:$0x1] =	wrdreg $0xFFFFFFFF  }
0xad: {  	[dreg:$0x0] =	wrdreg $0x60  }
0xae: {  	[dreg:$0x2] =	wrdreg s2  }
0xaf: {  	[dreg:$0x3] =	wrdreg s24  }
0xb0: {  	[dreg:$0x4] =	wrdreg $0xA0000  }
0xb1: {  	[dreg:$0x5] =	wrdreg $0x0  }
0xb2: {  	[dreg:$0x6] =	wrdreg $0x9  }
0xb3: {  	_ =	task.clear_ibuf [dreg:s7], $0x7FFFF;
	_ =	strace $0x90000046  }
0xb4: {  	s29 =	simm.s32 $0x9;
	_ =	strace $0x80000048  }
0xb5: {  	_ =	swait.ge [sflag:s29], $0x1  }
0xb6: {  	[sflag:s29] =	ssyncadd.s32 $0xFFFFFFFF  }
0xb7: {  	_ =	strace $0x90000048  }
0xb8: {  	_ =	sfence  }
0xb9: {  	s30 =	sld [smem:$0x0];
	_ =	sdelay $0x2  }
0xba: {  	s31 =	sshll.u32 s1, $0xD;
	s1 =	sshrl.u32 s1, $0x2  }
0xbb: {  	s3 =	sand.u32 $0x4000, s31;
	s1 =	sadd.s32 s1, s30  }
0xbc: {  	s0 =	sor.u32 s3, s0;
	s1 =	sshll.u32 s1, $0x11  }
0xbd: {  	s0 =	sor.u32 s1, s0  }
0xbe: {  	s0 =	sadd.s32 $0x8F2B, s0  }
0xbf: {  	[sflag:s0] =	ssyncadd.remote.s32 $0x1  }
0xc0: {  	_ =	sfence.sel $0xFFFF  }
0xc1: {  	[dreg:$0x0] =	wrdreg $0xFFFFFFFF;
	(pc) =	sbr.abs _section_cstart, $3  }
0xc2: {  	[dreg:$0x1] =	wrdreg $0xFFFFFFFF  }
0xc3: {  	_ =	task.clear_ibuf [dreg:s7], $0x2FFFF;
	_ =	strace $0x9FFFFFFF  }
0xc4: {  	(tm) =	ssettm $0x7FFFFFFF  }
0xc5: {  	_ =	shalt  }
tec
execute0_lowered:
.L_overlay_start_1:
0x0: {  	(tag) =	ssettag $0x1  }
0x1: {  	s0 =	rddreg [dreg:$0x0]  }
0x2: {  	s1 =	rddreg [dreg:$0x1]  }
0x3: {  	s2 =	rddreg [dreg:$0x2]  }
0x4: {  	s4 =	rddreg [dreg:$0x3]  }
0x5: {  	s5 =	simm.s32 $0x0;
	s3 =	srdreg.scid;
	s14 =	stileid.u32  }
0x6: {  	s28 =	simm.s32 $0x14800;
	s29 =	simm.s32 $0x80;
	s8 =	smul.u32 $0x1400, s14  }
0x7: {  	s30 =	simm.s32 $0x14880;
	s31 =	simm.s32 $0x17800;
	s10 =	smul.u32 $0x27100, s14  }
0x8: {  	[smem:$0x7FF] =	sst s5;
	s3 =	sand.u32 $0x1, s3;
	s12 =	smul.u32 $0x1388, s14  }
0x9: {  	s6 =	sadd.s32 $0xA000, s1;
	s7 =	sadd.s32 $0x14000, s1;
	s24 =	smul.u32 $0xA000, s14  }
0xa: {  	s25 =	sshll.u32 s14, $0x6;
	_ =	strace $0x80000047;
	s9 =	smul.u32 $0x14000, s3  }
0xb: {  	s23 =	ssub.s32 $0x2, s3;
	s3 =	smul.u32 $0x13880, s3;
	s16 =	sor.u32 $0x1C05, s25  }
0xc: {  	s11 =	sshrl.u32 s23, $0x1;
	s10 =	sshrl.u32 s10, $0x2;
	s26 =	sadd.s32 $0x2000, s24  }
0xd: {  	s13 =	sadd.s32 s24, s4;
	s17 =	sadd.s32 $0x4000, s24;
	[dreg:$0x6] =	wrdreg s16  }
0xe: {  	s19 =	sadd.s32 $0x6000, s24;
	[dreg:$0x7] =	wrdreg s13;
	s15 =	sadd.s32 s26, s4  }
0xf: {  	s8 =	sadd.s32 s8, s9;
	s18 =	sadd.s32 s17, s4;
	[dreg:$0x8] =	wrdreg s15  }
0x10: {  	s9 =	ssub.s32 s23, s11;
	s11 =	sadd.s32 s24, s2;
	[dreg:$0x9] =	wrdreg s18  }
0x11: {  	s10 =	sadd.s32 s10, s2;
	s21 =	sadd.s32 s17, s2;
	[dreg:$0xc] =	wrdreg s11  }
0x12: {  	s3 =	sadd.s32 s12, s3;
	s22 =	sadd.s32 s19, s2;
	[dreg:$0xe] =	wrdreg s21  }
0x13: {  	s13 =	sadd.s32 $0x8000, s24;
	s0 =	sadd.s32 s0, s3;
	[dreg:$0xf] =	wrdreg s22  }
0x14: {  	s12 =	simm.s32 $0x4;
	s15 =	sadd.s32 s19, s4;
	[dreg:$0x5] =	wrdreg s0  }
0x15: {  	s8 =	sadd.s32 s8, s1;
	s20 =	sadd.s32 s13, s4;
	[dreg:$0xa] =	wrdreg s15  }
0x16: {  	s23 =	sadd.s32 s13, s2;
	s25 =	smax.u32 s9, $0x1;
	[dreg:$0xb] =	wrdreg s20  }
0x17: {  	v0 =	vimm.f32 $0.0e+00;
	v1 =	vimm.s32 $0x0;
	s3 =	simm.s32 $0x19800;
	s11 =	simm.s32 $0x3;
	[dreg:$0x10] =	wrdreg s23  }
.Ltmp0:
0x18: {  	v2 =	vimm.s32 $0x1;
	v3 =	vimm.s32 $0x2;
	v4 =	vimm.s32 $0x3;
	s0 =	sadd.s32 s26, s2;
	[dreg:$0x12] =	wrdreg s25;
	(pc) =	sbr.rel .LBB2_1-.Ltmp0, $4  }
0x19: {  	v5 =	vimm.s32 $0x4;
	v6 =	vimm.s32 $0x5;
	v7 =	vimm.s32 $0x6;
	s15 =	smul.u32 $0x5000, s14;
	s24 =	sadd.s32 $0x1E000, s8;
	[dreg:$0xd] =	wrdreg s0  }
0x1a: {  	v8 =	vimm.s32 $0x7;
	v9 =	vimm.s32 $0x8;
	v10 =	vimm.s32 $0x9;
	s26 =	sshrl.u32 s10, $0x3;
	s25 =	simm.s32 $0x15800;
	[dreg:$0x11] =	wrdreg s24  }
0x1b: {  	v11 =	vimm.s32 $0xA;
	v12 =	vimm.s32 $0xB;
	v13 =	vimm.s32 $0xC;
	s8 =	simm.s32 $0x2;
	s10 =	simm.s32 $0x1B800;
	[dreg:$0x13] =	wrdreg s26  }
0x1c: {  	v14 =	vimm.s32 $0xD;
	v15 =	vimm.s32 $0xE;
	v16 =	vimm.s32 $0xF;
	s24 =	simm.s32 $0x5;
	s26 =	simm.s32 $0x14000;
	s0 =	simm.s32 $0x1  }
.LBB2_23:
0x1d: {  	[bflag:$0x0] =	sbarrier.arrive $0xFFFF  }
0x1e: {  	s9 =	rddreg [dreg:$0xc]  }
0x1f: {  	s16 =	rddreg [dreg:$0x6]  }
0x20: {  	s13 =	rddreg [dreg:$0x11];
	s9 =	sshrl.u32 s9, $0x3  }
0x21: {  	[hbm:s13], [sflag:s16] =	dma.local [spmem:s9], $0x1400  }
0x22: {  	_ =	swait.ge [sflag:s24], $0x1400  }
0x23: {  	s5 =	sadd.s32 $0x1, s5;
	s23 =	rddreg [dreg:$0x12]  }
0x24: {  	p0 =	sne.s32 s5, s23  }
.Ltmp1:
0x25: {  	_ = 	snop;
	(pc) =	sbr.rel @!p0 .LBB2_24-.Ltmp1, $3  }
0x26: {  	_ =	sdelay $0x1  }
0x27: {  	[sflag:s24] =	ssyncset.done $0x0  }
0x28: {  	[sflag:s24] =	ssyncadd.s32 $0xFFFFEC00  }
.LBB2_1:
0x29: {  	s9 =	rddreg [dreg:$0x5]  }
0x2a: {  	s13 =	rddreg [dreg:$0x13]  }
0x2b: {  	[spmem:s13], [sflag:s16] =	dma.local [hbm:s9], $0x1388  }
0x2c: {  	_ =	swait.ge [sflag:s24], $0x1388  }
0x2d: {  	[sflag:s24] =	ssyncset.done $0x0  }
0x2e: {  	s13 =	simm.s32 $0x100;
	s9 =	simm.s32 $0x0;
	[sflag:s24] =	ssyncadd.s32 $0xFFFFEC78  }
.LBB2_2:
0x2f: {  	p0 =	sne.s32 s13, $0x7F00;
	[tilespmem:s9+$0x15830] =	vst v0;
	s14 =	smov.u32 s13;
	s13 =	sadd.s32 $0x100, s13  }
.Ltmp2:
0x30: {  	[tilespmem:s9+$0x15820] =	vst v0;
	(pc) =	sbr.rel @p0 .LBB2_2-.Ltmp2, $3  }
0x31: {  	[tilespmem:s9+$0x15800] =	vst v0  }
0x32: {  	[tilespmem:s9+$0x15810] =	vst v0;
	_ =	sdelay $0x1  }
0x33: {  	s9 =	sshra.s32 s14, $0x2  }
0x34: {  	[tilespmem:s9+$0x15830] =	vst v0  }
0x35: {  	[tilespmem:s9+$0x15820] =	vst v0  }
0x36: {  	[tilespmem:s9+$0x15800] =	vst v0  }
0x37: {  	[tilespmem:s9+$0x15810] =	vst v0;
	s19 =	rddreg [dreg:$0x7]  }
0x38: {  	[spmem:s19] =	stream.linear.scatter [tilespmem:s25], [sflag:$0x5], $0x2000, $0x38;
	[tilespmem:$0x1D800] =	vst v63  }
0x39: {  	_ =	swait.ge [sflag:s24], $0x2000  }
0x3a: {  	[sflag:s24] =	ssyncset.done $0x0  }
0x3b: {  	s20 =	rddreg [dreg:$0x8];
	[sflag:s24] =	ssyncadd.s32 $0xFFFFE000  }
0x3c: {  	[spmem:s20] =	stream.linear.scatter [tilespmem:s25], [sflag:$0x5], $0x2000, $0x38;
	[tilespmem:$0x1D800] =	vst v63  }
0x3d: {  	_ =	swait.ge [sflag:s24], $0x2000  }
0x3e: {  	[sflag:s24] =	ssyncset.done $0x0  }
0x3f: {  	s21 =	rddreg [dreg:$0x9];
	[sflag:s24] =	ssyncadd.s32 $0xFFFFE000  }
0x40: {  	[spmem:s21] =	stream.linear.scatter [tilespmem:s25], [sflag:$0x5], $0x2000, $0x38;
	[tilespmem:$0x1D800] =	vst v63  }
0x41: {  	_ =	swait.ge [sflag:s24], $0x2000  }
0x42: {  	[sflag:s24] =	ssyncset.done $0x0  }
0x43: {  	s22 =	rddreg [dreg:$0xa];
	[sflag:s24] =	ssyncadd.s32 $0xFFFFE000  }
0x44: {  	[spmem:s22] =	stream.linear.scatter [tilespmem:s25], [sflag:$0x5], $0x2000, $0x38;
	[tilespmem:$0x1D800] =	vst v63  }
0x45: {  	_ =	swait.ge [sflag:s24], $0x2000  }
0x46: {  	[sflag:s24] =	ssyncset.done $0x0  }
0x47: {  	s23 =	rddreg [dreg:$0xb];
	[sflag:s24] =	ssyncadd.s32 $0xFFFFE000  }
0x48: {  	[spmem:s23] =	stream.linear.scatter [tilespmem:s25], [sflag:$0x5], $0x2000, $0x38;
	[tilespmem:$0x1D800] =	vst v63  }
.Ltmp3:
0x49: {  	_ =	swait.ge [sflag:s24], $0x2000;
	(pc) =	sbr.rel .LBB2_4-.Ltmp3, $4  }
0x4a: {  	[sflag:s24] =	ssyncset.done $0x0  }
0x4b: {  	[sflag:s24] =	ssyncadd.s32 $0xFFFFE000  }
0x4c: {  	[bflag:$0x0] =	sbarrier.arrive $0xFFFF  }
0x4d: {  	s13 =	simm.s32 $0x0;
	s14 =	simm.s32 $0x0  }
.LBB2_11:
0x4e: {  	s14 =	sadd.s32 $0x1, s14  }
0x4f: {  	_ =	swait.ge [sflag:s11], $0x2000;
	p0 =	sne.s32 s14, $0xA  }
.Ltmp4:
0x50: {  	[sflag:s11] =	ssyncset.done $0x0;
	(pc) =	sbr.rel @!p0 .LBB2_12-.Ltmp4, $4  }
0x51: {  	[sflag:s11] =	ssyncadd.s32 $0xFFFFE000  }
0x52: {  	_ =	swait.ge [sflag:s12], $0x2000  }
0x53: {  	[sflag:s12] =	ssyncset.done $0x0  }
0x54: {  	[sflag:s12] =	ssyncadd.s32 $0xFFFFE000  }
.LBB2_4:
0x55: {  	s9 =	sshll.u32 s14, $0xB  }
0x56: {  	s9 =	sadd.s32 s15, s9  }
0x57: {  	s9 =	sshrl.u32 s9, $0x3  }
0x58: {  	s16 =	sadd.s32 s6, s9  }
0x59: {  	[tilespmem:s26], [sflag:$0x5] =	stream.linear.gather [hbm4b:s16+s13], $0x800, $0x38;
	[tilespmem:$0x1D800] =	vst v63  }
0x5a: {  	_ =	swait.ge [sflag:s24], $0x800  }
0x5b: {  	[sflag:s24] =	ssyncset.done $0x0  }
0x5c: {  	s23 =	sadd.s32 s1, s9;
	[sflag:s24] =	ssyncadd.s32 $0xFFFFF800  }
0x5d: {  	[tilespmem:s28], [sflag:$0x5] =	stream.linear.gather [hbm4b:s23+s13], $0x800, $0x38;
	[tilespmem:$0x1D800] =	vst v63  }
0x5e: {  	_ =	swait.ge [sflag:s24], $0x800  }
0x5f: {  	[sflag:s24] =	ssyncset.done $0x0  }
0x60: {  	s17 =	simm.s32 $0x15000;
	s9 =	sadd.s32 s7, s9;
	[sflag:s24] =	ssyncadd.s32 $0xFFFFF800  }
0x61: {  	[tilespmem:s17], [sflag:$0x5] =	stream.linear.gather [hbm4b:s9+s13], $0x800, $0x38;
	[tilespmem:$0x1D800] =	vst v63  }
0x62: {  	_ =	swait.ge [sflag:s24], $0x800  }
0x63: {  	[sflag:s24] =	ssyncset.done $0x0  }
0x64: {  	[sflag:s24] =	ssyncadd.s32 $0xFFFFF800  }
0x65: {  	[tilespmem:s25], [sflag:$0x1] =	stream.indirect.gather [spmem:s2], $0x40, s28, s29, $0xb8;
	[tilespmem:$0x1D800] =	vst v63  }
0x66: {  	s19 =	simm.s32 $0x0;
	s9 =	simm.s32 $0x15080  }
0x67: {  	[tilespmem:s31], [sflag:$0x2] =	stream.indirect.gather [spmem:s2], $0x40, s30, s29, $0xb8;
	[tilespmem:$0x1D800] =	vst v63  }
.LBB2_5:
0x68: {  	_ =	swait.ge [sflag:s0], $0x2000  }
0x69: {  	p0 =	seq.s32 s19, $0x0;
	[sflag:s0] =	ssyncset.done $0x0  }
0x6a: {  	s16 =	simm.s32 @!p0 $0x3;
	[sflag:s0] =	ssyncadd.s32 $0xFFFFE000  }
0x6b: {  	_ =	swait.ge @!p0 [sflag:s16], $0x2000  }
0x6c: {  	[sflag:s16] =	ssyncset.done @!p0 $0x0  }
0x6d: {  	s22 =	simm.s32 $0x0;
	[sflag:s16] =	ssyncadd.s32 @!p0 $0xFFFFE000  }
0x6e: {  	v41 =	vld [tilespmem:s22+$0x15800]  }
0x6f: {  	v42 =	vld [tilespmem:s22+$0x15810]  }
0x70: {  	v40 =	vld [tilespmem:s22+$0x15820]  }
0x71: {  	v39 =	vld [tilespmem:s22+$0x15830]  }
0x72: {  	v37 =	vld [tilespmem:s22+$0x15840]  }
0x73: {  	v38 =	vld [tilespmem:s22+$0x15850]  }
0x74: {  	v36 =	vld [tilespmem:s22+$0x15860]  }
0x75: {  	v35 =	vld [tilespmem:s22+$0x15870]  }
0x76: {  	v33 =	vld [tilespmem:s22+$0x15880]  }
0x77: {  	v34 =	vld [tilespmem:s22+$0x15890]  }
0x78: {  	v32 =	vld [tilespmem:s22+$0x158A0]  }
0x79: {  	v31 =	vld [tilespmem:s22+$0x158B0]  }
0x7a: {  	v29 =	vld [tilespmem:s22+$0x158C0]  }
0x7b: {  	v30 =	vld [tilespmem:s22+$0x158D0]  }
0x7c: {  	v27 =	vld [tilespmem:s22+$0x158E0]  }
0x7d: {  	v28 =	vld [tilespmem:s22+$0x158F0]  }
0x7e: {  	v25 =	vld [tilespmem:s22+$0x15900]  }
0x7f: {  	v26 =	vld [tilespmem:s22+$0x15910]  }
0x80: {  	v24 =	vld [tilespmem:s22+$0x15920]  }
0x81: {  	v23 =	vld [tilespmem:s22+$0x15930]  }
0x82: {  	v21 =	vld [tilespmem:s22+$0x15940]  }
0x83: {  	v22 =	vld [tilespmem:s22+$0x15950]  }
0x84: {  	v20 =	vld [tilespmem:s22+$0x15960]  }
0x85: {  	v19 =	vld [tilespmem:s22+$0x15970]  }
0x86: {  	v18 =	vld [tilespmem:s22+$0x15980]  }
0x87: {  	s21 =	sshll.u32 s19, $0xA;
	s20 =	simm.s32 $0x1000;
	s23 =	smov.u32 s17;
	v17 =	vld [tilespmem:s17+$0x0]  }
.LBB2_6:
0x88: {  	p1 =	sne.s32 s20, $0x7000;
	v43 =	vld [tilespmem:s22+$0x15990]  }
0x89: {  	v44 =	vld [tilespmem:s22+$0x159A0]  }
0x8a: {  	v45 =	vld [tilespmem:s22+$0x159B0]  }
0x8b: {  	v46 =	vld [tilespmem:s22+$0x159C0]  }
0x8c: {  	v47 =	vperm.xlane v17, v1;
	v48 =	vperm.xlane v17, v2;
	v49 =	vld [tilespmem:s22+$0x159D0]  }
0x8d: {  	v50 =	vperm.xlane v17, v3;
	v51 =	vperm.xlane v17, v4;
	v52 =	vld [tilespmem:s22+$0x159E0]  }
0x8e: {  	v41 =	vmul.f32 v41, v47;
	v42 =	vmul.f32 v42, v47;
	v53 =	vld [tilespmem:s22+$0x159F0]  }
0x8f: {  	v40 =	vmul.f32 v40, v47;
	v39 =	vmul.f32 v39, v47;
	v47 =	vld [tilespmem:s22+$0x15A00]  }
0x90: {  	v37 =	vmul.f32 v37, v48;
	v38 =	vmul.f32 v38, v48;
	[tilespmem:s22+$0x19800] =	vst v41;
	v41 =	vld [tilespmem:s22+$0x15A10]  }
0x91: {  	v36 =	vmul.f32 v36, v48;
	v35 =	vmul.f32 v35, v48;
	[tilespmem:s22+$0x19810] =	vst v42;
	v42 =	vld [tilespmem:s22+$0x15A20]  }
0x92: {  	v33 =	vmul.f32 v33, v50;
	v34 =	vmul.f32 v34, v50;
	[tilespmem:s22+$0x19820] =	vst v40;
	v40 =	vld [tilespmem:s22+$0x15A30]  }
0x93: {  	v32 =	vmul.f32 v32, v50;
	v31 =	vmul.f32 v31, v50;
	[tilespmem:s22+$0x19830] =	vst v39;
	v39 =	vld [tilespmem:s22+$0x15A40]  }
0x94: {  	v29 =	vmul.f32 v29, v51;
	v30 =	vmul.f32 v30, v51;
	[tilespmem:s22+$0x19840] =	vst v37;
	v37 =	vld [tilespmem:s22+$0x15A50]  }
0x95: {  	v27 =	vmul.f32 v27, v51;
	v28 =	vmul.f32 v28, v51;
	[tilespmem:s22+$0x19850] =	vst v38;
	v38 =	vld [tilespmem:s22+$0x15A60]  }
0x96: {  	v48 =	vperm.xlane v17, v6;
	[tilespmem:s22+$0x19860] =	vst v36;
	v36 =	vperm.xlane v17, v5;
	v50 =	vld [tilespmem:s22+$0x15A70]  }
0x97: {  	v51 =	vperm.xlane v17, v8;
	[tilespmem:s22+$0x19870] =	vst v35;
	v35 =	vperm.xlane v17, v7;
	v54 =	vld [tilespmem:s22+$0x15A80]  }
0x98: {  	[tilespmem:s22+$0x19880] =	vst v33;
	v25 =	vmul.f32 v25, v36;
	v26 =	vmul.f32 v26, v36;
	v33 =	vld [tilespmem:s22+$0x15A90]  }
0x99: {  	v24 =	vmul.f32 v24, v36;
	v23 =	vmul.f32 v23, v36;
	[tilespmem:s22+$0x19890] =	vst v34;
	v34 =	vld [tilespmem:s22+$0x15AA0]  }
0x9a: {  	v21 =	vmul.f32 v21, v48;
	v22 =	vmul.f32 v22, v48;
	[tilespmem:s22+$0x198A0] =	vst v32;
	v32 =	vld [tilespmem:s22+$0x15AB0]  }
0x9b: {  	v20 =	vmul.f32 v20, v48;
	v19 =	vmul.f32 v19, v48;
	[tilespmem:s22+$0x198B0] =	vst v31;
	v31 =	vld [tilespmem:s22+$0x15AC0]  }
0x9c: {  	v18 =	vmul.f32 v18, v35;
	[tilespmem:s22+$0x198C0] =	vst v29;
	v29 =	vmul.f32 v43, v35;
	v36 =	vld [tilespmem:s22+$0x15AD0]  }
0x9d: {  	[tilespmem:s22+$0x198D0] =	vst v30;
	v30 =	vmul.f32 v44, v35;
	v35 =	vmul.f32 v45, v35;
	v43 =	vld [tilespmem:s22+$0x15AE0]  }
0x9e: {  	v44 =	vmul.f32 v49, v51;
	[tilespmem:s22+$0x198E0] =	vst v27;
	v27 =	vmul.f32 v46, v51;
	v45 =	vld [tilespmem:s22+$0x15AF0]  }
0x9f: {  	v46 =	vmul.f32 v53, v51;
	[tilespmem:s22+$0x198F0] =	vst v28;
	v28 =	vmul.f32 v52, v51;
	v48 =	vld [tilespmem:s22+$0x15B00]  }
0xa0: {  	v49 =	vperm.xlane v17, v10;
	[tilespmem:s22+$0x19900] =	vst v25;
	v25 =	vperm.xlane v17, v9;
	v51 =	vld [tilespmem:s22+$0x15B10]  }
0xa1: {  	v52 =	vperm.xlane v17, v12;
	[tilespmem:s22+$0x19910] =	vst v26;
	v26 =	vperm.xlane v17, v11;
	v53 =	vld [tilespmem:s22+$0x15B20]  }
0xa2: {  	[tilespmem:s22+$0x19920] =	vst v24;
	v24 =	vmul.f32 v47, v25;
	v41 =	vmul.f32 v41, v25;
	v47 =	vld [tilespmem:s22+$0x15B30]  }
0xa3: {  	[tilespmem:s22+$0x19930] =	vst v23;
	v23 =	vmul.f32 v42, v25;
	v25 =	vmul.f32 v40, v25;
	v40 =	vld [tilespmem:s22+$0x15B40]  }
0xa4: {  	v37 =	vmul.f32 v37, v49;
	[tilespmem:s22+$0x19940] =	vst v21;
	v21 =	vmul.f32 v39, v49;
	v39 =	vld [tilespmem:s22+$0x15B50]  }
0xa5: {  	[tilespmem:s22+$0x19950] =	vst v22;
	v22 =	vmul.f32 v38, v49;
	v38 =	vmul.f32 v50, v49;
	v42 =	vld [tilespmem:s22+$0x15B60]  }
0xa6: {  	v33 =	vmul.f32 v33, v26;
	[tilespmem:s22+$0x19960] =	vst v20;
	v20 =	vmul.f32 v54, v26;
	v49 =	vld [tilespmem:s22+$0x15B70]  }
0xa7: {  	[tilespmem:s22+$0x19970] =	vst v19;
	v19 =	vmul.f32 v34, v26;
	v26 =	vmul.f32 v32, v26;
	v32 =	vld [tilespmem:s22+$0x15B80]  }
0xa8: {  	[tilespmem:s22+$0x19980] =	vst v18;
	v18 =	vmul.f32 v31, v52;
	v31 =	vmul.f32 v36, v52;
	v34 =	vld [tilespmem:s22+$0x15B90]  }
0xa9: {  	[tilespmem:s22+$0x19990] =	vst v29;
	v29 =	vmul.f32 v43, v52;
	v43 =	vmul.f32 v45, v52;
	v36 =	vld [tilespmem:s22+$0x15BA0]  }
0xaa: {  	v45 =	vperm.xlane v17, v14;
	[tilespmem:s22+$0x199A0] =	vst v30;
	v30 =	vperm.xlane v17, v13;
	v50 =	vld [tilespmem:s22+$0x15BB0]  }
0xab: {  	[tilespmem:s22+$0x199B0] =	vst v35;
	v35 =	vperm.xlane v17, v15;
	v17 =	vperm.xlane v17, v16;
	v52 =	vld [tilespmem:s22+$0x15BC0]  }
0xac: {  	[tilespmem:s22+$0x199C0] =	vst v27;
	v27 =	vmul.f32 v48, v30;
	v48 =	vmul.f32 v51, v30;
	v51 =	vld [tilespmem:s22+$0x15BD0]  }
0xad: {  	[tilespmem:s22+$0x199D0] =	vst v44;
	v44 =	vmul.f32 v53, v30;
	v30 =	vmul.f32 v47, v30;
	v47 =	vld [tilespmem:s22+$0x15BE0]  }
0xae: {  	v53 =	vmul.f32 v39, v45;
	[tilespmem:s22+$0x199E0] =	vst v28;
	v28 =	vmul.f32 v40, v45;
	v39 =	vld [tilespmem:s22+$0x15BF0]  }
0xaf: {  	[tilespmem:s22+$0x199F0] =	vst v46;
	v46 =	vmul.f32 v42, v45;
	v45 =	vmul.f32 v49, v45  }
0xb0: {  	v49 =	vmul.f32 v34, v35;
	[tilespmem:s22+$0x19A00] =	vst v24;
	v24 =	vmul.f32 v32, v35  }
0xb1: {  	v54 =	vmul.f32 v36, v35;
	v50 =	vmul.f32 v50, v35;
	[tilespmem:s22+$0x19A10] =	vst v41  }
0xb2: {  	v52 =	vmul.f32 v52, v17;
	v51 =	vmul.f32 v51, v17;
	[tilespmem:s22+$0x19A20] =	vst v23  }
0xb3: {  	v47 =	vmul.f32 v47, v17;
	[tilespmem:s22+$0x19A30] =	vst v25;
	v17 =	vmul.f32 v39, v17  }
0xb4: {  	[tilespmem:s22+$0x19A40] =	vst v21  }
0xb5: {  	[tilespmem:s22+$0x19A50] =	vst v37  }
0xb6: {  	s18 =	sshra.s32 s20, $0x2;
	[tilespmem:s22+$0x19A60] =	vst v22  }
0xb7: {  	v41 =	vld [tilespmem:s18+$0x15800];
	[tilespmem:s22+$0x19A70] =	vst v38  }
0xb8: {  	v42 =	vld [tilespmem:s18+$0x15810];
	[tilespmem:s22+$0x19A80] =	vst v20  }
0xb9: {  	v40 =	vld [tilespmem:s18+$0x15820];
	[tilespmem:s22+$0x19A90] =	vst v33  }
0xba: {  	v39 =	vld [tilespmem:s18+$0x15830];
	[tilespmem:s22+$0x19AA0] =	vst v19  }
0xbb: {  	v37 =	vld [tilespmem:s18+$0x15840];
	[tilespmem:s22+$0x19AB0] =	vst v26  }
0xbc: {  	v38 =	vld [tilespmem:s18+$0x15850];
	[tilespmem:s22+$0x19AC0] =	vst v18  }
0xbd: {  	v36 =	vld [tilespmem:s18+$0x15860];
	[tilespmem:s22+$0x19AD0] =	vst v31  }
0xbe: {  	v35 =	vld [tilespmem:s18+$0x15870];
	[tilespmem:s22+$0x19AE0] =	vst v29  }
0xbf: {  	v33 =	vld [tilespmem:s18+$0x15880];
	[tilespmem:s22+$0x19AF0] =	vst v43  }
0xc0: {  	v34 =	vld [tilespmem:s18+$0x15890];
	[tilespmem:s22+$0x19B00] =	vst v27  }
0xc1: {  	v32 =	vld [tilespmem:s18+$0x158A0];
	[tilespmem:s22+$0x19B10] =	vst v48  }
0xc2: {  	v31 =	vld [tilespmem:s18+$0x158B0];
	[tilespmem:s22+$0x19B20] =	vst v44  }
0xc3: {  	v29 =	vld [tilespmem:s18+$0x158C0];
	[tilespmem:s22+$0x19B30] =	vst v30  }
0xc4: {  	v30 =	vld [tilespmem:s18+$0x158D0];
	[tilespmem:s22+$0x19B40] =	vst v28  }
0xc5: {  	v27 =	vld [tilespmem:s18+$0x158E0];
	[tilespmem:s22+$0x19B50] =	vst v53  }
0xc6: {  	v28 =	vld [tilespmem:s18+$0x158F0];
	[tilespmem:s22+$0x19B60] =	vst v46  }
0xc7: {  	v25 =	vld [tilespmem:s18+$0x15900];
	[tilespmem:s22+$0x19B70] =	vst v45  }
0xc8: {  	v26 =	vld [tilespmem:s18+$0x15910];
	[tilespmem:s22+$0x19B80] =	vst v24  }
0xc9: {  	v24 =	vld [tilespmem:s18+$0x15920];
	[tilespmem:s22+$0x19B90] =	vst v49  }
0xca: {  	v23 =	vld [tilespmem:s18+$0x15930];
	[tilespmem:s22+$0x19BA0] =	vst v54  }
0xcb: {  	v21 =	vld [tilespmem:s18+$0x15940];
	[tilespmem:s22+$0x19BB0] =	vst v50  }
.Ltmp5:
0xcc: {  	v22 =	vld [tilespmem:s18+$0x15950];
	[tilespmem:s22+$0x19BC0] =	vst v52;
	(pc) =	sbr.rel @p1 .LBB2_6-.Ltmp5, $4  }
0xcd: {  	v20 =	vld [tilespmem:s18+$0x15960];
	[tilespmem:s22+$0x19BD0] =	vst v51  }
0xce: {  	v19 =	vld [tilespmem:s18+$0x15970];
	[tilespmem:s22+$0x19BE0] =	vst v47  }
0xcf: {  	s23 =	sadd.s32 $0x10, s23;
	v18 =	vld [tilespmem:s18+$0x15980];
	[tilespmem:s22+$0x19BF0] =	vst v17;
	s22 =	smov.u32 s18  }
0xd0: {  	s20 =	sadd.s32 $0x1000, s20;
	v17 =	vld [tilespmem:s23+$0x0]  }
0xd1: {  	_ =	sdelay $0x3  }
0xd2: {  	v47 =	vperm.xlane v17, v1;
	_ =	sdelay $0x1  }
0xd3: {  	v41 =	vmul.f32 v41, v47  }
0xd4: {  	v42 =	vmul.f32 v42, v47  }
0xd5: {  	v52 =	vperm.xlane v17, v2;
	v40 =	vmul.f32 v40, v47;
	[tilespmem:s22+$0x19800] =	vst v41  }
0xd6: {  	v39 =	vmul.f32 v39, v47;
	[tilespmem:s22+$0x19810] =	vst v42  }
0xd7: {  	v37 =	vmul.f32 v37, v52;
	[tilespmem:s22+$0x19820] =	vst v40  }
0xd8: {  	v38 =	vmul.f32 v38, v52;
	[tilespmem:s22+$0x19830] =	vst v39  }
0xd9: {  	v58 =	vperm.xlane v17, v3;
	v36 =	vmul.f32 v36, v52;
	[tilespmem:s22+$0x19840] =	vst v37  }
0xda: {  	v35 =	vmul.f32 v35, v52;
	[tilespmem:s22+$0x19850] =	vst v38  }
0xdb: {  	v33 =	vmul.f32 v33, v58;
	[tilespmem:s22+$0x19860] =	vst v36  }
0xdc: {  	v34 =	vmul.f32 v34, v58;
	[tilespmem:s22+$0x19870] =	vst v35  }
0xdd: {  	v59 =	vperm.xlane v17, v4;
	v32 =	vmul.f32 v32, v58;
	[tilespmem:s22+$0x19880] =	vst v33  }
0xde: {  	v31 =	vmul.f32 v31, v58;
	[tilespmem:s22+$0x19890] =	vst v34  }
0xdf: {  	v29 =	vmul.f32 v29, v59;
	[tilespmem:s22+$0x198A0] =	vst v32  }
0xe0: {  	v30 =	vmul.f32 v30, v59;
	[tilespmem:s22+$0x198B0] =	vst v31  }
0xe1: {  	v60 =	vperm.xlane v17, v5;
	v27 =	vmul.f32 v27, v59;
	[tilespmem:s22+$0x198C0] =	vst v29  }
0xe2: {  	v28 =	vmul.f32 v28, v59;
	[tilespmem:s22+$0x198D0] =	vst v30  }
0xe3: {  	v25 =	vmul.f32 v25, v60;
	[tilespmem:s22+$0x198E0] =	vst v27  }
0xe4: {  	v26 =	vmul.f32 v26, v60;
	[tilespmem:s22+$0x198F0] =	vst v28  }
0xe5: {  	v61 =	vperm.xlane v17, v6;
	v24 =	vmul.f32 v24, v60;
	[tilespmem:s22+$0x19900] =	vst v25  }
0xe6: {  	v23 =	vmul.f32 v23, v60;
	[tilespmem:s22+$0x19910] =	vst v26  }
0xe7: {  	v43 =	vld [tilespmem:s22+$0x15990];
	v21 =	vmul.f32 v21, v61;
	[tilespmem:s22+$0x19920] =	vst v24  }
0xe8: {  	v44 =	vld [tilespmem:s22+$0x159A0];
	v22 =	vmul.f32 v22, v61;
	[tilespmem:s22+$0x19930] =	vst v23  }
0xe9: {  	v45 =	vld [tilespmem:s22+$0x159B0];
	v62 =	vperm.xlane v17, v7;
	v20 =	vmul.f32 v20, v61;
	[tilespmem:s22+$0x19940] =	vst v21  }
0xea: {  	v46 =	vld [tilespmem:s22+$0x159C0];
	v19 =	vmul.f32 v19, v61;
	[tilespmem:s22+$0x19950] =	vst v22  }
0xeb: {  	v48 =	vld [tilespmem:s22+$0x159D0];
	v18 =	vmul.f32 v18, v62;
	[tilespmem:s22+$0x19960] =	vst v20  }
0xec: {  	v49 =	vld [tilespmem:s22+$0x159E0];
	v43 =	vmul.f32 v43, v62;
	[tilespmem:s22+$0x19970] =	vst v19  }
0xed: {  	v50 =	vld [tilespmem:s22+$0x159F0];
	v63 =	vperm.xlane v17, v8;
	v44 =	vmul.f32 v44, v62;
	[tilespmem:s22+$0x19980] =	vst v18  }
0xee: {  	v51 =	vld [tilespmem:s22+$0x15A00];
	v45 =	vmul.f32 v45, v62;
	[tilespmem:s22+$0x19990] =	vst v43  }
0xef: {  	v46 =	vmul.f32 v46, v63;
	v41 =	vld [tilespmem:s22+$0x15A10];
	[tilespmem:s22+$0x199A0] =	vst v44  }
0xf0: {  	v53 =	vmul.f32 v48, v63;
	v42 =	vld [tilespmem:s22+$0x15A20];
	[tilespmem:s22+$0x199B0] =	vst v45  }
0xf1: {  	v56 =	vperm.xlane v17, v9;
	v55 =	vmul.f32 v49, v63;
	v40 =	vld [tilespmem:s22+$0x15A30];
	[tilespmem:s22+$0x199C0] =	vst v46  }
0xf2: {  	v50 =	vmul.f32 v50, v63;
	v39 =	vld [tilespmem:s22+$0x15A40];
	[tilespmem:s22+$0x199D0] =	vst v53  }
0xf3: {  	v58 =	vmul.f32 v51, v56;
	v37 =	vld [tilespmem:s22+$0x15A50];
	[tilespmem:s22+$0x199E0] =	vst v55  }
0xf4: {  	v38 =	vld [tilespmem:s22+$0x15A60];
	[tilespmem:s22+$0x199F0] =	vst v50;
	v41 =	vmul.f32 v41, v56  }
0xf5: {  	v60 =	vperm.xlane v17, v10;
	v36 =	vld [tilespmem:s22+$0x15A70];
	[tilespmem:s22+$0x19A00] =	vst v58;
	v42 =	vmul.f32 v42, v56  }
0xf6: {  	v35 =	vld [tilespmem:s22+$0x15A80];
	v40 =	vmul.f32 v40, v56;
	[tilespmem:s22+$0x19A10] =	vst v41  }
0xf7: {  	v33 =	vld [tilespmem:s22+$0x15A90];
	v39 =	vmul.f32 v39, v60;
	[tilespmem:s22+$0x19A20] =	vst v42  }
0xf8: {  	v34 =	vld [tilespmem:s22+$0x15AA0];
	v37 =	vmul.f32 v37, v60;
	[tilespmem:s22+$0x19A30] =	vst v40  }
0xf9: {  	v61 =	vperm.xlane v17, v11;
	v32 =	vld [tilespmem:s22+$0x15AB0];
	v38 =	vmul.f32 v38, v60;
	[tilespmem:s22+$0x19A40] =	vst v39  }
0xfa: {  	v31 =	vld [tilespmem:s22+$0x15AC0];
	v36 =	vmul.f32 v36, v60;
	[tilespmem:s22+$0x19A50] =	vst v37  }
0xfb: {  	v29 =	vld [tilespmem:s22+$0x15AD0];
	v35 =	vmul.f32 v35, v61;
	[tilespmem:s22+$0x19A60] =	vst v38  }
0xfc: {  	v30 =	vld [tilespmem:s22+$0x15AE0];
	v33 =	vmul.f32 v33, v61;
	[tilespmem:s22+$0x19A70] =	vst v36  }
0xfd: {  	v62 =	vperm.xlane v17, v12;
	v27 =	vld [tilespmem:s22+$0x15AF0];
	v34 =	vmul.f32 v34, v61;
	[tilespmem:s22+$0x19A80] =	vst v35  }
0xfe: {  	v28 =	vld [tilespmem:s22+$0x15B00];
	v32 =	vmul.f32 v32, v61;
	[tilespmem:s22+$0x19A90] =	vst v33  }
0xff: {  	v25 =	vld [tilespmem:s22+$0x15B10];
	v31 =	vmul.f32 v31, v62;
	[tilespmem:s22+$0x19AA0] =	vst v34  }
0x100: {  	v26 =	vld [tilespmem:s22+$0x15B20];
	v29 =	vmul.f32 v29, v62;
	[tilespmem:s22+$0x19AB0] =	vst v32  }
0x101: {  	v63 =	vperm.xlane v17, v13;
	v24 =	vld [tilespmem:s22+$0x15B30];
	v30 =	vmul.f32 v30, v62;
	[tilespmem:s22+$0x19AC0] =	vst v31  }
0x102: {  	v23 =	vld [tilespmem:s22+$0x15B40];
	v27 =	vmul.f32 v27, v62;
	[tilespmem:s22+$0x19AD0] =	vst v29  }
0x103: {  	v21 =	vld [tilespmem:s22+$0x15B50];
	v28 =	vmul.f32 v28, v63;
	[tilespmem:s22+$0x19AE0] =	vst v30  }
0x104: {  	v22 =	vld [tilespmem:s22+$0x15B60];
	v25 =	vmul.f32 v25, v63;
	[tilespmem:s22+$0x19AF0] =	vst v27  }
0x105: {  	v20 =	vld [tilespmem:s22+$0x15B70];
	v26 =	vmul.f32 v26, v63;
	v27 =	vperm.xlane v17, v14;
	[tilespmem:s22+$0x19B00] =	vst v28  }
0x106: {  	v19 =	vld [tilespmem:s22+$0x15B80];
	v24 =	vmul.f32 v24, v63;
	[tilespmem:s22+$0x19B10] =	vst v25  }
0x107: {  	v18 =	vld [tilespmem:s22+$0x15B90];
	[tilespmem:s22+$0x19B20] =	vst v26;
	v23 =	vmul.f32 v23, v27  }
0x108: {  	v43 =	vld [tilespmem:s22+$0x15BA0];
	[tilespmem:s22+$0x19B30] =	vst v24;
	v21 =	vmul.f32 v21, v27  }
0x109: {  	v44 =	vld [tilespmem:s22+$0x15BB0];
	v24 =	vperm.xlane v17, v15;
	v22 =	vmul.f32 v22, v27;
	[tilespmem:s22+$0x19B40] =	vst v23  }
0x10a: {  	v45 =	vld [tilespmem:s22+$0x15BC0];
	v20 =	vmul.f32 v20, v27;
	[tilespmem:s22+$0x19B50] =	vst v21  }
0x10b: {  	v54 =	vld [tilespmem:s22+$0x15BD0];
	v19 =	vmul.f32 v19, v24;
	[tilespmem:s22+$0x19B60] =	vst v22  }
0x10c: {  	v57 =	vld [tilespmem:s22+$0x15BE0];
	v18 =	vmul.f32 v18, v24;
	[tilespmem:s22+$0x19B70] =	vst v20  }
0x10d: {  	v59 =	vld [tilespmem:s22+$0x15BF0];
	v17 =	vperm.xlane v17, v16;
	v20 =	vmul.f32 v43, v24;
	[tilespmem:s22+$0x19B80] =	vst v19  }
0x10e: {  	v19 =	vmul.f32 v44, v24;
	[tilespmem:s22+$0x19B90] =	vst v18  }
0x10f: {  	v18 =	vmul.f32 v45, v17;
	[tilespmem:s22+$0x19BA0] =	vst v20  }
0x110: {  	v20 =	vmul.f32 v54, v17;
	[tilespmem:s22+$0x19BB0] =	vst v19  }
0x111: {  	v19 =	vmul.f32 v57, v17;
	[tilespmem:s22+$0x19BC0] =	vst v18  }
0x112: {  	v17 =	vmul.f32 v59, v17;
	[tilespmem:s22+$0x19BD0] =	vst v20  }
0x113: {  	s20 =	sshra.s32 s21, $0x2;
	[tilespmem:s22+$0x19BE0] =	vst v19  }
0x114: {  	p1 =	seq.s32 s19, $0x7;
	s16 =	sadd.s32 $0x14000, s20;
	[tilespmem:s22+$0x19BF0] =	vst v17  }
0x115: {  	[spmem:s4] =	stream.indirect.scatter.add.f32 [tilespmem:s3], [sflag:$0x3], $0x40, s16, s29, $0xb8;
	[tilespmem:$0x1D800] =	vst v63  }
0x116: {  	s16 =	sshra.s32 @!p1 s21, $0x2  }
0x117: {  	s18 =	simm.s32 @!p1 $0x80;
	s22 =	simm.s32 @!p1 $0x15800;
	s16 =	sadd.s32 @!p1 $0x14900, s16  }
0x118: {  	[tilespmem:s22], [sflag:$0x1] =	stream.indirect.gather @!p1 [spmem:s2], $0x40, s16, s18, $0xb8;
	[tilespmem:$0x1D800] =	vst v63  }
0x119: {  	_ =	swait.ge [sflag:s8], $0x2000  }
0x11a: {  	[sflag:s8] =	ssyncset.done $0x0  }
0x11b: {  	s16 =	simm.s32 @!p0 $0x4;
	[sflag:s8] =	ssyncadd.s32 $0xFFFFE000  }
0x11c: {  	_ =	swait.ge @!p0 [sflag:s16], $0x2000  }
0x11d: {  	[sflag:s16] =	ssyncset.done @!p0 $0x0  }
0x11e: {  	s22 =	simm.s32 $0x0;
	[sflag:s16] =	ssyncadd.s32 @!p0 $0xFFFFE000  }
0x11f: {  	v41 =	vld [tilespmem:s22+$0x17800]  }
0x120: {  	v42 =	vld [tilespmem:s22+$0x17810]  }
0x121: {  	v40 =	vld [tilespmem:s22+$0x17820]  }
0x122: {  	v39 =	vld [tilespmem:s22+$0x17830]  }
0x123: {  	v37 =	vld [tilespmem:s22+$0x17840]  }
0x124: {  	v38 =	vld [tilespmem:s22+$0x17850]  }
0x125: {  	v36 =	vld [tilespmem:s22+$0x17860]  }
0x126: {  	v35 =	vld [tilespmem:s22+$0x17870]  }
0x127: {  	v33 =	vld [tilespmem:s22+$0x17880]  }
0x128: {  	v34 =	vld [tilespmem:s22+$0x17890]  }
0x129: {  	v32 =	vld [tilespmem:s22+$0x178A0]  }
0x12a: {  	v31 =	vld [tilespmem:s22+$0x178B0]  }
0x12b: {  	v29 =	vld [tilespmem:s22+$0x178C0]  }
0x12c: {  	v30 =	vld [tilespmem:s22+$0x178D0]  }
0x12d: {  	v27 =	vld [tilespmem:s22+$0x178E0]  }
0x12e: {  	v28 =	vld [tilespmem:s22+$0x178F0]  }
0x12f: {  	v25 =	vld [tilespmem:s22+$0x17900]  }
0x130: {  	v26 =	vld [tilespmem:s22+$0x17910]  }
0x131: {  	v24 =	vld [tilespmem:s22+$0x17920]  }
0x132: {  	v23 =	vld [tilespmem:s22+$0x17930]  }
0x133: {  	v21 =	vld [tilespmem:s22+$0x17940]  }
0x134: {  	v22 =	vld [tilespmem:s22+$0x17950]  }
0x135: {  	v20 =	vld [tilespmem:s22+$0x17960]  }
0x136: {  	v19 =	vld [tilespmem:s22+$0x17970]  }
0x137: {  	v18 =	vld [tilespmem:s22+$0x17980]  }
0x138: {  	s23 =	simm.s32 $0x1000;
	s21 =	sor.u32 $0x200, s21;
	s18 =	smov.u32 s9;
	v17 =	vld [tilespmem:s9+$0x0]  }
.LBB2_8:
0x139: {  	p0 =	sne.s32 s23, $0x7000;
	v43 =	vld [tilespmem:s22+$0x17990]  }
0x13a: {  	v44 =	vld [tilespmem:s22+$0x179A0]  }
0x13b: {  	v45 =	vld [tilespmem:s22+$0x179B0]  }
0x13c: {  	v46 =	vld [tilespmem:s22+$0x179C0]  }
0x13d: {  	v47 =	vperm.xlane v17, v1;
	v48 =	vperm.xlane v17, v2;
	v49 =	vld [tilespmem:s22+$0x179D0]  }
0x13e: {  	v50 =	vperm.xlane v17, v3;
	v51 =	vperm.xlane v17, v4;
	v52 =	vld [tilespmem:s22+$0x179E0]  }
0x13f: {  	v41 =	vmul.f32 v41, v47;
	v42 =	vmul.f32 v42, v47;
	v53 =	vld [tilespmem:s22+$0x179F0]  }
0x140: {  	v40 =	vmul.f32 v40, v47;
	v39 =	vmul.f32 v39, v47;
	v47 =	vld [tilespmem:s22+$0x17A00]  }
0x141: {  	v37 =	vmul.f32 v37, v48;
	v38 =	vmul.f32 v38, v48;
	[tilespmem:s22+$0x1B800] =	vst v41;
	v41 =	vld [tilespmem:s22+$0x17A10]  }
0x142: {  	v36 =	vmul.f32 v36, v48;
	v35 =	vmul.f32 v35, v48;
	[tilespmem:s22+$0x1B810] =	vst v42;
	v42 =	vld [tilespmem:s22+$0x17A20]  }
0x143: {  	v33 =	vmul.f32 v33, v50;
	v34 =	vmul.f32 v34, v50;
	[tilespmem:s22+$0x1B820] =	vst v40;
	v40 =	vld [tilespmem:s22+$0x17A30]  }
0x144: {  	v32 =	vmul.f32 v32, v50;
	v31 =	vmul.f32 v31, v50;
	[tilespmem:s22+$0x1B830] =	vst v39;
	v39 =	vld [tilespmem:s22+$0x17A40]  }
0x145: {  	v29 =	vmul.f32 v29, v51;
	v30 =	vmul.f32 v30, v51;
	[tilespmem:s22+$0x1B840] =	vst v37;
	v37 =	vld [tilespmem:s22+$0x17A50]  }
0x146: {  	v27 =	vmul.f32 v27, v51;
	v28 =	vmul.f32 v28, v51;
	[tilespmem:s22+$0x1B850] =	vst v38;
	v38 =	vld [tilespmem:s22+$0x17A60]  }
0x147: {  	v48 =	vperm.xlane v17, v6;
	[tilespmem:s22+$0x1B860] =	vst v36;
	v36 =	vperm.xlane v17, v5;
	v50 =	vld [tilespmem:s22+$0x17A70]  }
0x148: {  	v51 =	vperm.xlane v17, v8;
	[tilespmem:s22+$0x1B870] =	vst v35;
	v35 =	vperm.xlane v17, v7;
	v54 =	vld [tilespmem:s22+$0x17A80]  }
0x149: {  	[tilespmem:s22+$0x1B880] =	vst v33;
	v25 =	vmul.f32 v25, v36;
	v26 =	vmul.f32 v26, v36;
	v33 =	vld [tilespmem:s22+$0x17A90]  }
0x14a: {  	v24 =	vmul.f32 v24, v36;
	v23 =	vmul.f32 v23, v36;
	[tilespmem:s22+$0x1B890] =	vst v34;
	v34 =	vld [tilespmem:s22+$0x17AA0]  }
0x14b: {  	v21 =	vmul.f32 v21, v48;
	v22 =	vmul.f32 v22, v48;
	[tilespmem:s22+$0x1B8A0] =	vst v32;
	v32 =	vld [tilespmem:s22+$0x17AB0]  }
0x14c: {  	v20 =	vmul.f32 v20, v48;
	v19 =	vmul.f32 v19, v48;
	[tilespmem:s22+$0x1B8B0] =	vst v31;
	v31 =	vld [tilespmem:s22+$0x17AC0]  }
0x14d: {  	v18 =	vmul.f32 v18, v35;
	[tilespmem:s22+$0x1B8C0] =	vst v29;
	v29 =	vmul.f32 v43, v35;
	v36 =	vld [tilespmem:s22+$0x17AD0]  }
0x14e: {  	[tilespmem:s22+$0x1B8D0] =	vst v30;
	v30 =	vmul.f32 v44, v35;
	v35 =	vmul.f32 v45, v35;
	v43 =	vld [tilespmem:s22+$0x17AE0]  }
0x14f: {  	v44 =	vmul.f32 v49, v51;
	[tilespmem:s22+$0x1B8E0] =	vst v27;
	v27 =	vmul.f32 v46, v51;
	v45 =	vld [tilespmem:s22+$0x17AF0]  }
0x150: {  	v46 =	vmul.f32 v53, v51;
	[tilespmem:s22+$0x1B8F0] =	vst v28;
	v28 =	vmul.f32 v52, v51;
	v48 =	vld [tilespmem:s22+$0x17B00]  }
0x151: {  	v49 =	vperm.xlane v17, v10;
	[tilespmem:s22+$0x1B900] =	vst v25;
	v25 =	vperm.xlane v17, v9;
	v51 =	vld [tilespmem:s22+$0x17B10]  }
0x152: {  	v52 =	vperm.xlane v17, v12;
	[tilespmem:s22+$0x1B910] =	vst v26;
	v26 =	vperm.xlane v17, v11;
	v53 =	vld [tilespmem:s22+$0x17B20]  }
0x153: {  	[tilespmem:s22+$0x1B920] =	vst v24;
	v24 =	vmul.f32 v47, v25;
	v41 =	vmul.f32 v41, v25;
	v47 =	vld [tilespmem:s22+$0x17B30]  }
0x154: {  	[tilespmem:s22+$0x1B930] =	vst v23;
	v23 =	vmul.f32 v42, v25;
	v25 =	vmul.f32 v40, v25;
	v40 =	vld [tilespmem:s22+$0x17B40]  }
0x155: {  	v37 =	vmul.f32 v37, v49;
	[tilespmem:s22+$0x1B940] =	vst v21;
	v21 =	vmul.f32 v39, v49;
	v39 =	vld [tilespmem:s22+$0x17B50]  }
0x156: {  	[tilespmem:s22+$0x1B950] =	vst v22;
	v22 =	vmul.f32 v38, v49;
	v38 =	vmul.f32 v50, v49;
	v42 =	vld [tilespmem:s22+$0x17B60]  }
0x157: {  	v33 =	vmul.f32 v33, v26;
	[tilespmem:s22+$0x1B960] =	vst v20;
	v20 =	vmul.f32 v54, v26;
	v49 =	vld [tilespmem:s22+$0x17B70]  }
0x158: {  	[tilespmem:s22+$0x1B970] =	vst v19;
	v19 =	vmul.f32 v34, v26;
	v26 =	vmul.f32 v32, v26;
	v32 =	vld [tilespmem:s22+$0x17B80]  }
0x159: {  	[tilespmem:s22+$0x1B980] =	vst v18;
	v18 =	vmul.f32 v31, v52;
	v31 =	vmul.f32 v36, v52;
	v34 =	vld [tilespmem:s22+$0x17B90]  }
0x15a: {  	[tilespmem:s22+$0x1B990] =	vst v29;
	v29 =	vmul.f32 v43, v52;
	v43 =	vmul.f32 v45, v52;
	v36 =	vld [tilespmem:s22+$0x17BA0]  }
0x15b: {  	v45 =	vperm.xlane v17, v14;
	[tilespmem:s22+$0x1B9A0] =	vst v30;
	v30 =	vperm.xlane v17, v13;
	v50 =	vld [tilespmem:s22+$0x17BB0]  }
0x15c: {  	[tilespmem:s22+$0x1B9B0] =	vst v35;
	v35 =	vperm.xlane v17, v15;
	v17 =	vperm.xlane v17, v16;
	v52 =	vld [tilespmem:s22+$0x17BC0]  }
0x15d: {  	[tilespmem:s22+$0x1B9C0] =	vst v27;
	v27 =	vmul.f32 v48, v30;
	v48 =	vmul.f32 v51, v30;
	v51 =	vld [tilespmem:s22+$0x17BD0]  }
0x15e: {  	[tilespmem:s22+$0x1B9D0] =	vst v44;
	v44 =	vmul.f32 v53, v30;
	v30 =	vmul.f32 v47, v30;
	v47 =	vld [tilespmem:s22+$0x17BE0]  }
0x15f: {  	v53 =	vmul.f32 v39, v45;
	[tilespmem:s22+$0x1B9E0] =	vst v28;
	v28 =	vmul.f32 v40, v45;
	v39 =	vld [tilespmem:s22+$0x17BF0]  }
0x160: {  	[tilespmem:s22+$0x1B9F0] =	vst v46;
	v46 =	vmul.f32 v42, v45;
	v45 =	vmul.f32 v49, v45  }
0x161: {  	v49 =	vmul.f32 v34, v35;
	[tilespmem:s22+$0x1BA00] =	vst v24;
	v24 =	vmul.f32 v32, v35  }
0x162: {  	v54 =	vmul.f32 v36, v35;
	v50 =	vmul.f32 v50, v35;
	[tilespmem:s22+$0x1BA10] =	vst v41  }
0x163: {  	v52 =	vmul.f32 v52, v17;
	v51 =	vmul.f32 v51, v17;
	[tilespmem:s22+$0x1BA20] =	vst v23  }
0x164: {  	v47 =	vmul.f32 v47, v17;
	[tilespmem:s22+$0x1BA30] =	vst v25;
	v17 =	vmul.f32 v39, v17  }
0x165: {  	[tilespmem:s22+$0x1BA40] =	vst v21  }
0x166: {  	[tilespmem:s22+$0x1BA50] =	vst v37  }
0x167: {  	s16 =	sshra.s32 s23, $0x2;
	[tilespmem:s22+$0x1BA60] =	vst v22  }
0x168: {  	v41 =	vld [tilespmem:s16+$0x17800];
	[tilespmem:s22+$0x1BA70] =	vst v38  }
0x169: {  	v42 =	vld [tilespmem:s16+$0x17810];
	[tilespmem:s22+$0x1BA80] =	vst v20  }
0x16a: {  	v40 =	vld [tilespmem:s16+$0x17820];
	[tilespmem:s22+$0x1BA90] =	vst v33  }
0x16b: {  	v39 =	vld [tilespmem:s16+$0x17830];
	[tilespmem:s22+$0x1BAA0] =	vst v19  }
0x16c: {  	v37 =	vld [tilespmem:s16+$0x17840];
	[tilespmem:s22+$0x1BAB0] =	vst v26  }
0x16d: {  	v38 =	vld [tilespmem:s16+$0x17850];
	[tilespmem:s22+$0x1BAC0] =	vst v18  }
0x16e: {  	v36 =	vld [tilespmem:s16+$0x17860];
	[tilespmem:s22+$0x1BAD0] =	vst v31  }
0x16f: {  	v35 =	vld [tilespmem:s16+$0x17870];
	[tilespmem:s22+$0x1BAE0] =	vst v29  }
0x170: {  	v33 =	vld [tilespmem:s16+$0x17880];
	[tilespmem:s22+$0x1BAF0] =	vst v43  }
0x171: {  	v34 =	vld [tilespmem:s16+$0x17890];
	[tilespmem:s22+$0x1BB00] =	vst v27  }
0x172: {  	v32 =	vld [tilespmem:s16+$0x178A0];
	[tilespmem:s22+$0x1BB10] =	vst v48  }
0x173: {  	v31 =	vld [tilespmem:s16+$0x178B0];
	[tilespmem:s22+$0x1BB20] =	vst v44  }
0x174: {  	v29 =	vld [tilespmem:s16+$0x178C0];
	[tilespmem:s22+$0x1BB30] =	vst v30  }
0x175: {  	v30 =	vld [tilespmem:s16+$0x178D0];
	[tilespmem:s22+$0x1BB40] =	vst v28  }
0x176: {  	v27 =	vld [tilespmem:s16+$0x178E0];
	[tilespmem:s22+$0x1BB50] =	vst v53  }
0x177: {  	v28 =	vld [tilespmem:s16+$0x178F0];
	[tilespmem:s22+$0x1BB60] =	vst v46  }
0x178: {  	v25 =	vld [tilespmem:s16+$0x17900];
	[tilespmem:s22+$0x1BB70] =	vst v45  }
0x179: {  	v26 =	vld [tilespmem:s16+$0x17910];
	[tilespmem:s22+$0x1BB80] =	vst v24  }
0x17a: {  	v24 =	vld [tilespmem:s16+$0x17920];
	[tilespmem:s22+$0x1BB90] =	vst v49  }
0x17b: {  	v23 =	vld [tilespmem:s16+$0x17930];
	[tilespmem:s22+$0x1BBA0] =	vst v54  }
0x17c: {  	v21 =	vld [tilespmem:s16+$0x17940];
	[tilespmem:s22+$0x1BBB0] =	vst v50  }
.Ltmp6:
0x17d: {  	v22 =	vld [tilespmem:s16+$0x17950];
	[tilespmem:s22+$0x1BBC0] =	vst v52;
	(pc) =	sbr.rel @p0 .LBB2_8-.Ltmp6, $4  }
0x17e: {  	v20 =	vld [tilespmem:s16+$0x17960];
	[tilespmem:s22+$0x1BBD0] =	vst v51  }
0x17f: {  	v19 =	vld [tilespmem:s16+$0x17970];
	[tilespmem:s22+$0x1BBE0] =	vst v47  }
0x180: {  	s18 =	sadd.s32 $0x10, s18;
	v18 =	vld [tilespmem:s16+$0x17980];
	[tilespmem:s22+$0x1BBF0] =	vst v17;
	s22 =	smov.u32 s16  }
0x181: {  	s23 =	sadd.s32 $0x1000, s23;
	v17 =	vld [tilespmem:s18+$0x0]  }
0x182: {  	_ =	sdelay $0x3  }
0x183: {  	v47 =	vperm.xlane v17, v1;
	_ =	sdelay $0x1  }
0x184: {  	v41 =	vmul.f32 v41, v47  }
0x185: {  	v42 =	vmul.f32 v42, v47  }
0x186: {  	v52 =	vperm.xlane v17, v2;
	v40 =	vmul.f32 v40, v47;
	[tilespmem:s22+$0x1B800] =	vst v41  }
0x187: {  	v39 =	vmul.f32 v39, v47;
	[tilespmem:s22+$0x1B810] =	vst v42  }
0x188: {  	v37 =	vmul.f32 v37, v52;
	[tilespmem:s22+$0x1B820] =	vst v40  }
0x189: {  	v38 =	vmul.f32 v38, v52;
	[tilespmem:s22+$0x1B830] =	vst v39  }
0x18a: {  	v63 =	vperm.xlane v17, v3;
	v36 =	vmul.f32 v36, v52;
	[tilespmem:s22+$0x1B840] =	vst v37  }
0x18b: {  	v35 =	vmul.f32 v35, v52;
	[tilespmem:s22+$0x1B850] =	vst v38  }
0x18c: {  	v33 =	vmul.f32 v33, v63;
	[tilespmem:s22+$0x1B860] =	vst v36  }
0x18d: {  	v34 =	vmul.f32 v34, v63;
	[tilespmem:s22+$0x1B870] =	vst v35  }
0x18e: {  	v56 =	vperm.xlane v17, v4;
	v32 =	vmul.f32 v32, v63;
	[tilespmem:s22+$0x1B880] =	vst v33  }
0x18f: {  	v31 =	vmul.f32 v31, v63;
	[tilespmem:s22+$0x1B890] =	vst v34  }
0x190: {  	v29 =	vmul.f32 v29, v56;
	[tilespmem:s22+$0x1B8A0] =	vst v32  }
0x191: {  	v30 =	vmul.f32 v30, v56;
	[tilespmem:s22+$0x1B8B0] =	vst v31  }
0x192: {  	v57 =	vperm.xlane v17, v5;
	v27 =	vmul.f32 v27, v56;
	[tilespmem:s22+$0x1B8C0] =	vst v29  }
0x193: {  	v28 =	vmul.f32 v28, v56;
	[tilespmem:s22+$0x1B8D0] =	vst v30  }
0x194: {  	v25 =	vmul.f32 v25, v57;
	[tilespmem:s22+$0x1B8E0] =	vst v27  }
0x195: {  	v26 =	vmul.f32 v26, v57;
	[tilespmem:s22+$0x1B8F0] =	vst v28  }
0x196: {  	v58 =	vperm.xlane v17, v6;
	v24 =	vmul.f32 v24, v57;
	[tilespmem:s22+$0x1B900] =	vst v25  }
0x197: {  	v23 =	vmul.f32 v23, v57;
	[tilespmem:s22+$0x1B910] =	vst v26  }
0x198: {  	v43 =	vld [tilespmem:s22+$0x17990];
	v21 =	vmul.f32 v21, v58;
	[tilespmem:s22+$0x1B920] =	vst v24  }
0x199: {  	v44 =	vld [tilespmem:s22+$0x179A0];
	v22 =	vmul.f32 v22, v58;
	[tilespmem:s22+$0x1B930] =	vst v23  }
0x19a: {  	v45 =	vld [tilespmem:s22+$0x179B0];
	v59 =	vperm.xlane v17, v7;
	v20 =	vmul.f32 v20, v58;
	[tilespmem:s22+$0x1B940] =	vst v21  }
0x19b: {  	v46 =	vld [tilespmem:s22+$0x179C0];
	v19 =	vmul.f32 v19, v58;
	[tilespmem:s22+$0x1B950] =	vst v22  }
0x19c: {  	v48 =	vld [tilespmem:s22+$0x179D0];
	v18 =	vmul.f32 v18, v59;
	[tilespmem:s22+$0x1B960] =	vst v20  }
0x19d: {  	v49 =	vld [tilespmem:s22+$0x179E0];
	v43 =	vmul.f32 v43, v59;
	[tilespmem:s22+$0x1B970] =	vst v19  }
0x19e: {  	v50 =	vld [tilespmem:s22+$0x179F0];
	v60 =	vperm.xlane v17, v8;
	v44 =	vmul.f32 v44, v59;
	[tilespmem:s22+$0x1B980] =	vst v18  }
0x19f: {  	v51 =	vld [tilespmem:s22+$0x17A00];
	v45 =	vmul.f32 v45, v59;
	[tilespmem:s22+$0x1B990] =	vst v43  }
0x1a0: {  	v46 =	vmul.f32 v46, v60;
	v41 =	vld [tilespmem:s22+$0x17A10];
	[tilespmem:s22+$0x1B9A0] =	vst v44  }
0x1a1: {  	v61 =	vmul.f32 v48, v60;
	v42 =	vld [tilespmem:s22+$0x17A20];
	[tilespmem:s22+$0x1B9B0] =	vst v45  }
0x1a2: {  	v62 =	vmul.f32 v49, v60;
	v63 =	vperm.xlane v17, v9;
	v40 =	vld [tilespmem:s22+$0x17A30];
	[tilespmem:s22+$0x1B9C0] =	vst v46  }
0x1a3: {  	v50 =	vmul.f32 v50, v60;
	v39 =	vld [tilespmem:s22+$0x17A40];
	[tilespmem:s22+$0x1B9D0] =	vst v61  }
0x1a4: {  	v37 =	vld [tilespmem:s22+$0x17A50];
	[tilespmem:s22+$0x1B9E0] =	vst v62;
	v54 =	vmul.f32 v51, v63  }
0x1a5: {  	v38 =	vld [tilespmem:s22+$0x17A60];
	[tilespmem:s22+$0x1B9F0] =	vst v50;
	v41 =	vmul.f32 v41, v63  }
0x1a6: {  	v56 =	vperm.xlane v17, v10;
	v36 =	vld [tilespmem:s22+$0x17A70];
	[tilespmem:s22+$0x1BA00] =	vst v54;
	v42 =	vmul.f32 v42, v63  }
0x1a7: {  	v35 =	vld [tilespmem:s22+$0x17A80];
	v40 =	vmul.f32 v40, v63;
	[tilespmem:s22+$0x1BA10] =	vst v41  }
0x1a8: {  	v33 =	vld [tilespmem:s22+$0x17A90];
	v39 =	vmul.f32 v39, v56;
	[tilespmem:s22+$0x1BA20] =	vst v42  }
0x1a9: {  	v34 =	vld [tilespmem:s22+$0x17AA0];
	v37 =	vmul.f32 v37, v56;
	[tilespmem:s22+$0x1BA30] =	vst v40  }
0x1aa: {  	v57 =	vperm.xlane v17, v11;
	v32 =	vld [tilespmem:s22+$0x17AB0];
	v38 =	vmul.f32 v38, v56;
	[tilespmem:s22+$0x1BA40] =	vst v39  }
0x1ab: {  	v31 =	vld [tilespmem:s22+$0x17AC0];
	v36 =	vmul.f32 v36, v56;
	[tilespmem:s22+$0x1BA50] =	vst v37  }
0x1ac: {  	v29 =	vld [tilespmem:s22+$0x17AD0];
	v35 =	vmul.f32 v35, v57;
	[tilespmem:s22+$0x1BA60] =	vst v38  }
0x1ad: {  	v30 =	vld [tilespmem:s22+$0x17AE0];
	v33 =	vmul.f32 v33, v57;
	[tilespmem:s22+$0x1BA70] =	vst v36  }
0x1ae: {  	v58 =	vperm.xlane v17, v12;
	v27 =	vld [tilespmem:s22+$0x17AF0];
	v34 =	vmul.f32 v34, v57;
	[tilespmem:s22+$0x1BA80] =	vst v35  }
0x1af: {  	v28 =	vld [tilespmem:s22+$0x17B00];
	v32 =	vmul.f32 v32, v57;
	[tilespmem:s22+$0x1BA90] =	vst v33  }
0x1b0: {  	v25 =	vld [tilespmem:s22+$0x17B10];
	v31 =	vmul.f32 v31, v58;
	[tilespmem:s22+$0x1BAA0] =	vst v34  }
0x1b1: {  	v26 =	vld [tilespmem:s22+$0x17B20];
	v29 =	vmul.f32 v29, v58;
	[tilespmem:s22+$0x1BAB0] =	vst v32  }
0x1b2: {  	v59 =	vperm.xlane v17, v13;
	v24 =	vld [tilespmem:s22+$0x17B30];
	v30 =	vmul.f32 v30, v58;
	[tilespmem:s22+$0x1BAC0] =	vst v31  }
0x1b3: {  	v23 =	vld [tilespmem:s22+$0x17B40];
	v27 =	vmul.f32 v27, v58;
	[tilespmem:s22+$0x1BAD0] =	vst v29  }
0x1b4: {  	v21 =	vld [tilespmem:s22+$0x17B50];
	v28 =	vmul.f32 v28, v59;
	[tilespmem:s22+$0x1BAE0] =	vst v30  }
0x1b5: {  	v22 =	vld [tilespmem:s22+$0x17B60];
	v25 =	vmul.f32 v25, v59;
	[tilespmem:s22+$0x1BAF0] =	vst v27  }
0x1b6: {  	v60 =	vperm.xlane v17, v14;
	v20 =	vld [tilespmem:s22+$0x17B70];
	v26 =	vmul.f32 v26, v59;
	[tilespmem:s22+$0x1BB00] =	vst v28  }
0x1b7: {  	v19 =	vld [tilespmem:s22+$0x17B80];
	v24 =	vmul.f32 v24, v59;
	[tilespmem:s22+$0x1BB10] =	vst v25  }
0x1b8: {  	v18 =	vld [tilespmem:s22+$0x17B90];
	v23 =	vmul.f32 v23, v60;
	[tilespmem:s22+$0x1BB20] =	vst v26  }
0x1b9: {  	v43 =	vld [tilespmem:s22+$0x17BA0];
	v21 =	vmul.f32 v21, v60;
	[tilespmem:s22+$0x1BB30] =	vst v24  }
0x1ba: {  	v46 =	vld [tilespmem:s22+$0x17BD0];
	v61 =	vperm.xlane v17, v15;
	v22 =	vmul.f32 v22, v60;
	[tilespmem:s22+$0x1BB40] =	vst v23  }
0x1bb: {  	v44 =	vld [tilespmem:s22+$0x17BB0];
	v20 =	vmul.f32 v20, v60;
	[tilespmem:s22+$0x1BB50] =	vst v21  }
0x1bc: {  	v45 =	vld [tilespmem:s22+$0x17BC0];
	v19 =	vmul.f32 v19, v61;
	[tilespmem:s22+$0x1BB60] =	vst v22  }
0x1bd: {  	v49 =	vld [tilespmem:s22+$0x17BE0];
	v17 =	vperm.xlane v17, v16;
	v18 =	vmul.f32 v18, v61;
	[tilespmem:s22+$0x1BB70] =	vst v20  }
0x1be: {  	v55 =	vld [tilespmem:s22+$0x17BF0];
	v62 =	vmul.f32 v43, v61;
	[tilespmem:s22+$0x1BB80] =	vst v19  }
0x1bf: {  	v63 =	vmul.f32 v46, v17;
	[tilespmem:s22+$0x1BB90] =	vst v18  }
0x1c0: {  	v19 =	vmul.f32 v44, v61;
	[tilespmem:s22+$0x1BBA0] =	vst v62  }
0x1c1: {  	v18 =	vmul.f32 v45, v17;
	[tilespmem:s22+$0x1BBD0] =	vst v63  }
.Ltmp7:
0x1c2: {  	[tilespmem:s22+$0x1BBB0] =	vst v19;
	v19 =	vmul.f32 v49, v17;
	(pc) =	sbr.rel @p1 .LBB2_11-.Ltmp7, $4  }
0x1c3: {  	[tilespmem:s22+$0x1BBC0] =	vst v18;
	v17 =	vmul.f32 v55, v17  }
0x1c4: {  	s16 =	sshra.s32 s21, $0x2;
	[tilespmem:s22+$0x1BBE0] =	vst v19  }
0x1c5: {  	s16 =	sadd.s32 $0x14000, s16;
	[tilespmem:s22+$0x1BBF0] =	vst v17  }
0x1c6: {  	[spmem:s4] =	stream.indirect.scatter.add.f32 [tilespmem:s10], [sflag:$0x4], $0x40, s16, s29, $0xb8;
	[tilespmem:$0x1D800] =	vst v63  }
.Ltmp8:
0x1c7: {  	(pc) =	sbr.rel .LBB2_5-.Ltmp8, $4  }
0x1c8: {  	_ = 	snop  }
0x1c9: {  	s16 =	sadd.s32 $0x14980, s20  }
0x1ca: {  	s19 =	sadd.s32 $0x1, s19;
	s17 =	sadd.s32 $0x100, s17;
	s9 =	sadd.s32 $0x100, s9  }
0x1cb: {  	[tilespmem:s31], [sflag:$0x2] =	stream.indirect.gather [spmem:s2], $0x40, s16, s29, $0xb8;
	[tilespmem:$0x1D800] =	vst v63  }
.LBB2_12:
0x1cc: {  	[bflag:$0x0] =	sbarrier.arrive $0xFFFF;
	s13 =	simm.s32 $0x100;
	s9 =	simm.s32 $0x0  }
.LBB2_13:
0x1cd: {  	p0 =	sne.s32 s13, $0x7F00;
	[tilespmem:s9+$0x15830] =	vst v0;
	s14 =	smov.u32 s13;
	s13 =	sadd.s32 $0x100, s13  }
.Ltmp9:
0x1ce: {  	[tilespmem:s9+$0x15820] =	vst v0;
	(pc) =	sbr.rel @p0 .LBB2_13-.Ltmp9, $3  }
0x1cf: {  	[tilespmem:s9+$0x15800] =	vst v0  }
0x1d0: {  	[tilespmem:s9+$0x15810] =	vst v0;
	_ =	sdelay $0x1  }
0x1d1: {  	s9 =	sshra.s32 s14, $0x2  }
0x1d2: {  	[tilespmem:s9+$0x15830] =	vst v0  }
0x1d3: {  	[tilespmem:s9+$0x15820] =	vst v0  }
0x1d4: {  	[tilespmem:s9+$0x15800] =	vst v0  }
0x1d5: {  	[tilespmem:s9+$0x15810] =	vst v0;
	s19 =	rddreg [dreg:$0xc]  }
0x1d6: {  	[spmem:s19] =	stream.linear.scatter [tilespmem:s25], [sflag:$0x5], $0x2000, $0x38;
	[tilespmem:$0x1D800] =	vst v63  }
0x1d7: {  	_ =	swait.ge [sflag:s24], $0x2000  }
0x1d8: {  	[sflag:s24] =	ssyncset.done $0x0  }
0x1d9: {  	s20 =	rddreg [dreg:$0xd];
	[sflag:s24] =	ssyncadd.s32 $0xFFFFE000  }
0x1da: {  	[spmem:s20] =	stream.linear.scatter [tilespmem:s25], [sflag:$0x5], $0x2000, $0x38;
	[tilespmem:$0x1D800] =	vst v63  }
0x1db: {  	_ =	swait.ge [sflag:s24], $0x2000  }
0x1dc: {  	[sflag:s24] =	ssyncset.done $0x0  }
0x1dd: {  	s21 =	rddreg [dreg:$0xe];
	[sflag:s24] =	ssyncadd.s32 $0xFFFFE000  }
0x1de: {  	[spmem:s21] =	stream.linear.scatter [tilespmem:s25], [sflag:$0x5], $0x2000, $0x38;
	[tilespmem:$0x1D800] =	vst v63  }
0x1df: {  	_ =	swait.ge [sflag:s24], $0x2000  }
0x1e0: {  	[sflag:s24] =	ssyncset.done $0x0  }
0x1e1: {  	s22 =	rddreg [dreg:$0xf];
	[sflag:s24] =	ssyncadd.s32 $0xFFFFE000  }
0x1e2: {  	[spmem:s22] =	stream.linear.scatter [tilespmem:s25], [sflag:$0x5], $0x2000, $0x38;
	[tilespmem:$0x1D800] =	vst v63  }
0x1e3: {  	_ =	swait.ge [sflag:s24], $0x2000  }
0x1e4: {  	[sflag:s24] =	ssyncset.done $0x0  }
0x1e5: {  	s23 =	rddreg [dreg:$0x10];
	[sflag:s24] =	ssyncadd.s32 $0xFFFFE000  }
0x1e6: {  	[spmem:s23] =	stream.linear.scatter [tilespmem:s25], [sflag:$0x5], $0x2000, $0x38;
	[tilespmem:$0x1D800] =	vst v63  }
.Ltmp10:
0x1e7: {  	_ =	swait.ge [sflag:s24], $0x2000;
	(pc) =	sbr.rel .LBB2_15-.Ltmp10, $4  }
0x1e8: {  	[sflag:s24] =	ssyncset.done $0x0  }
0x1e9: {  	[sflag:s24] =	ssyncadd.s32 $0xFFFFE000  }
0x1ea: {  	[bflag:$0x0] =	sbarrier.arrive $0xFFFF  }
0x1eb: {  	s13 =	simm.s32 $0x0;
	s14 =	simm.s32 $0x0  }
.LBB2_22:
0x1ec: {  	s14 =	sadd.s32 $0x1, s14  }
0x1ed: {  	_ =	swait.ge [sflag:s11], $0x2000;
	p0 =	sne.s32 s14, $0xA  }
.Ltmp11:
0x1ee: {  	[sflag:s11] =	ssyncset.done $0x0;
	(pc) =	sbr.rel @!p0 .LBB2_23-.Ltmp11, $4  }
0x1ef: {  	[sflag:s11] =	ssyncadd.s32 $0xFFFFE000  }
0x1f0: {  	_ =	swait.ge [sflag:s12], $0x2000  }
0x1f1: {  	[sflag:s12] =	ssyncset.done $0x0  }
0x1f2: {  	[sflag:s12] =	ssyncadd.s32 $0xFFFFE000  }
.LBB2_15:
0x1f3: {  	s9 =	sshll.u32 s14, $0xB  }
0x1f4: {  	s9 =	sadd.s32 s15, s9  }
0x1f5: {  	s9 =	sshrl.u32 s9, $0x3  }
0x1f6: {  	s16 =	sadd.s32 s6, s9  }
0x1f7: {  	[tilespmem:s26], [sflag:$0x5] =	stream.linear.gather [hbm4b:s16+s13], $0x800, $0x38;
	[tilespmem:$0x1D800] =	vst v63  }
0x1f8: {  	_ =	swait.ge [sflag:s24], $0x800  }
0x1f9: {  	[sflag:s24] =	ssyncset.done $0x0  }
0x1fa: {  	s23 =	sadd.s32 s1, s9;
	[sflag:s24] =	ssyncadd.s32 $0xFFFFF800  }
0x1fb: {  	[tilespmem:s28], [sflag:$0x5] =	stream.linear.gather [hbm4b:s23+s13], $0x800, $0x38;
	[tilespmem:$0x1D800] =	vst v63  }
0x1fc: {  	_ =	swait.ge [sflag:s24], $0x800  }
0x1fd: {  	[sflag:s24] =	ssyncset.done $0x0  }
0x1fe: {  	s17 =	simm.s32 $0x15000;
	s9 =	sadd.s32 s7, s9;
	[sflag:s24] =	ssyncadd.s32 $0xFFFFF800  }
0x1ff: {  	[tilespmem:s17], [sflag:$0x5] =	stream.linear.gather [hbm4b:s9+s13], $0x800, $0x38;
	[tilespmem:$0x1D800] =	vst v63  }
0x200: {  	_ =	swait.ge [sflag:s24], $0x800  }
0x201: {  	[sflag:s24] =	ssyncset.done $0x0  }
0x202: {  	[sflag:s24] =	ssyncadd.s32 $0xFFFFF800  }
0x203: {  	[tilespmem:s25], [sflag:$0x1] =	stream.indirect.gather [spmem:s4], $0x40, s28, s29, $0xb8;
	[tilespmem:$0x1D800] =	vst v63  }
0x204: {  	s18 =	simm.s32 $0x15080;
	s19 =	simm.s32 $0x0  }
0x205: {  	[tilespmem:s31], [sflag:$0x2] =	stream.indirect.gather [spmem:s4], $0x40, s30, s29, $0xb8;
	[tilespmem:$0x1D800] =	vst v63  }
.LBB2_16:
0x206: {  	_ =	swait.ge [sflag:s0], $0x2000  }
0x207: {  	p0 =	seq.s32 s19, $0x0;
	[sflag:s0] =	ssyncset.done $0x0  }
0x208: {  	s9 =	simm.s32 @!p0 $0x3;
	[sflag:s0] =	ssyncadd.s32 $0xFFFFE000  }
0x209: {  	_ =	swait.ge @!p0 [sflag:s9], $0x2000  }
0x20a: {  	[sflag:s9] =	ssyncset.done @!p0 $0x0  }
0x20b: {  	s22 =	simm.s32 $0x0;
	[sflag:s9] =	ssyncadd.s32 @!p0 $0xFFFFE000  }
0x20c: {  	v41 =	vld [tilespmem:s22+$0x15800]  }
0x20d: {  	v42 =	vld [tilespmem:s22+$0x15810]  }
0x20e: {  	v40 =	vld [tilespmem:s22+$0x15820]  }
0x20f: {  	v39 =	vld [tilespmem:s22+$0x15830]  }
0x210: {  	v37 =	vld [tilespmem:s22+$0x15840]  }
0x211: {  	v38 =	vld [tilespmem:s22+$0x15850]  }
0x212: {  	v36 =	vld [tilespmem:s22+$0x15860]  }
0x213: {  	v35 =	vld [tilespmem:s22+$0x15870]  }
0x214: {  	v33 =	vld [tilespmem:s22+$0x15880]  }
0x215: {  	v34 =	vld [tilespmem:s22+$0x15890]  }
0x216: {  	v32 =	vld [tilespmem:s22+$0x158A0]  }
0x217: {  	v31 =	vld [tilespmem:s22+$0x158B0]  }
0x218: {  	v29 =	vld [tilespmem:s22+$0x158C0]  }
0x219: {  	v30 =	vld [tilespmem:s22+$0x158D0]  }
0x21a: {  	v27 =	vld [tilespmem:s22+$0x158E0]  }
0x21b: {  	v28 =	vld [tilespmem:s22+$0x158F0]  }
0x21c: {  	v25 =	vld [tilespmem:s22+$0x15900]  }
0x21d: {  	v26 =	vld [tilespmem:s22+$0x15910]  }
0x21e: {  	v24 =	vld [tilespmem:s22+$0x15920]  }
0x21f: {  	v23 =	vld [tilespmem:s22+$0x15930]  }
0x220: {  	v21 =	vld [tilespmem:s22+$0x15940]  }
0x221: {  	v22 =	vld [tilespmem:s22+$0x15950]  }
0x222: {  	v20 =	vld [tilespmem:s22+$0x15960]  }
0x223: {  	v19 =	vld [tilespmem:s22+$0x15970]  }
0x224: {  	v18 =	vld [tilespmem:s22+$0x15980]  }
0x225: {  	s21 =	sshll.u32 s19, $0xA;
	s20 =	simm.s32 $0x1000;
	s9 =	smov.u32 s17;
	v17 =	vld [tilespmem:s17+$0x0]  }
.LBB2_17:
0x226: {  	p1 =	sne.s32 s20, $0x7000;
	v43 =	vld [tilespmem:s22+$0x15990]  }
0x227: {  	v44 =	vld [tilespmem:s22+$0x159A0]  }
0x228: {  	v45 =	vld [tilespmem:s22+$0x159B0]  }
0x229: {  	v46 =	vld [tilespmem:s22+$0x159C0]  }
0x22a: {  	v47 =	vperm.xlane v17, v1;
	v48 =	vperm.xlane v17, v2;
	v49 =	vld [tilespmem:s22+$0x159D0]  }
0x22b: {  	v50 =	vperm.xlane v17, v3;
	v51 =	vperm.xlane v17, v4;
	v52 =	vld [tilespmem:s22+$0x159E0]  }
0x22c: {  	v41 =	vmul.f32 v41, v47;
	v42 =	vmul.f32 v42, v47;
	v53 =	vld [tilespmem:s22+$0x159F0]  }
0x22d: {  	v40 =	vmul.f32 v40, v47;
	v39 =	vmul.f32 v39, v47;
	v47 =	vld [tilespmem:s22+$0x15A00]  }
0x22e: {  	v37 =	vmul.f32 v37, v48;
	v38 =	vmul.f32 v38, v48;
	[tilespmem:s22+$0x19800] =	vst v41;
	v41 =	vld [tilespmem:s22+$0x15A10]  }
0x22f: {  	v36 =	vmul.f32 v36, v48;
	v35 =	vmul.f32 v35, v48;
	[tilespmem:s22+$0x19810] =	vst v42;
	v42 =	vld [tilespmem:s22+$0x15A20]  }
0x230: {  	v33 =	vmul.f32 v33, v50;
	v34 =	vmul.f32 v34, v50;
	[tilespmem:s22+$0x19820] =	vst v40;
	v40 =	vld [tilespmem:s22+$0x15A30]  }
0x231: {  	v32 =	vmul.f32 v32, v50;
	v31 =	vmul.f32 v31, v50;
	[tilespmem:s22+$0x19830] =	vst v39;
	v39 =	vld [tilespmem:s22+$0x15A40]  }
0x232: {  	v29 =	vmul.f32 v29, v51;
	v30 =	vmul.f32 v30, v51;
	[tilespmem:s22+$0x19840] =	vst v37;
	v37 =	vld [tilespmem:s22+$0x15A50]  }
0x233: {  	v27 =	vmul.f32 v27, v51;
	v28 =	vmul.f32 v28, v51;
	[tilespmem:s22+$0x19850] =	vst v38;
	v38 =	vld [tilespmem:s22+$0x15A60]  }
0x234: {  	v48 =	vperm.xlane v17, v6;
	[tilespmem:s22+$0x19860] =	vst v36;
	v36 =	vperm.xlane v17, v5;
	v50 =	vld [tilespmem:s22+$0x15A70]  }
0x235: {  	v51 =	vperm.xlane v17, v8;
	[tilespmem:s22+$0x19870] =	vst v35;
	v35 =	vperm.xlane v17, v7;
	v54 =	vld [tilespmem:s22+$0x15A80]  }
0x236: {  	[tilespmem:s22+$0x19880] =	vst v33;
	v25 =	vmul.f32 v25, v36;
	v26 =	vmul.f32 v26, v36;
	v33 =	vld [tilespmem:s22+$0x15A90]  }
0x237: {  	v24 =	vmul.f32 v24, v36;
	v23 =	vmul.f32 v23, v36;
	[tilespmem:s22+$0x19890] =	vst v34;
	v34 =	vld [tilespmem:s22+$0x15AA0]  }
0x238: {  	v21 =	vmul.f32 v21, v48;
	v22 =	vmul.f32 v22, v48;
	[tilespmem:s22+$0x198A0] =	vst v32;
	v32 =	vld [tilespmem:s22+$0x15AB0]  }
0x239: {  	v20 =	vmul.f32 v20, v48;
	v19 =	vmul.f32 v19, v48;
	[tilespmem:s22+$0x198B0] =	vst v31;
	v31 =	vld [tilespmem:s22+$0x15AC0]  }
0x23a: {  	v18 =	vmul.f32 v18, v35;
	[tilespmem:s22+$0x198C0] =	vst v29;
	v29 =	vmul.f32 v43, v35;
	v36 =	vld [tilespmem:s22+$0x15AD0]  }
0x23b: {  	[tilespmem:s22+$0x198D0] =	vst v30;
	v30 =	vmul.f32 v44, v35;
	v35 =	vmul.f32 v45, v35;
	v43 =	vld [tilespmem:s22+$0x15AE0]  }
0x23c: {  	v44 =	vmul.f32 v49, v51;
	[tilespmem:s22+$0x198E0] =	vst v27;
	v27 =	vmul.f32 v46, v51;
	v45 =	vld [tilespmem:s22+$0x15AF0]  }
0x23d: {  	v46 =	vmul.f32 v53, v51;
	[tilespmem:s22+$0x198F0] =	vst v28;
	v28 =	vmul.f32 v52, v51;
	v48 =	vld [tilespmem:s22+$0x15B00]  }
0x23e: {  	v49 =	vperm.xlane v17, v10;
	[tilespmem:s22+$0x19900] =	vst v25;
	v25 =	vperm.xlane v17, v9;
	v51 =	vld [tilespmem:s22+$0x15B10]  }
0x23f: {  	v52 =	vperm.xlane v17, v12;
	[tilespmem:s22+$0x19910] =	vst v26;
	v26 =	vperm.xlane v17, v11;
	v53 =	vld [tilespmem:s22+$0x15B20]  }
0x240: {  	[tilespmem:s22+$0x19920] =	vst v24;
	v24 =	vmul.f32 v47, v25;
	v41 =	vmul.f32 v41, v25;
	v47 =	vld [tilespmem:s22+$0x15B30]  }
0x241: {  	[tilespmem:s22+$0x19930] =	vst v23;
	v23 =	vmul.f32 v42, v25;
	v25 =	vmul.f32 v40, v25;
	v40 =	vld [tilespmem:s22+$0x15B40]  }
0x242: {  	v37 =	vmul.f32 v37, v49;
	[tilespmem:s22+$0x19940] =	vst v21;
	v21 =	vmul.f32 v39, v49;
	v39 =	vld [tilespmem:s22+$0x15B50]  }
0x243: {  	[tilespmem:s22+$0x19950] =	vst v22;
	v22 =	vmul.f32 v38, v49;
	v38 =	vmul.f32 v50, v49;
	v42 =	vld [tilespmem:s22+$0x15B60]  }
0x244: {  	v33 =	vmul.f32 v33, v26;
	[tilespmem:s22+$0x19960] =	vst v20;
	v20 =	vmul.f32 v54, v26;
	v49 =	vld [tilespmem:s22+$0x15B70]  }
0x245: {  	[tilespmem:s22+$0x19970] =	vst v19;
	v19 =	vmul.f32 v34, v26;
	v26 =	vmul.f32 v32, v26;
	v32 =	vld [tilespmem:s22+$0x15B80]  }
0x246: {  	[tilespmem:s22+$0x19980] =	vst v18;
	v18 =	vmul.f32 v31, v52;
	v31 =	vmul.f32 v36, v52;
	v34 =	vld [tilespmem:s22+$0x15B90]  }
0x247: {  	[tilespmem:s22+$0x19990] =	vst v29;
	v29 =	vmul.f32 v43, v52;
	v43 =	vmul.f32 v45, v52;
	v36 =	vld [tilespmem:s22+$0x15BA0]  }
0x248: {  	v45 =	vperm.xlane v17, v14;
	[tilespmem:s22+$0x199A0] =	vst v30;
	v30 =	vperm.xlane v17, v13;
	v50 =	vld [tilespmem:s22+$0x15BB0]  }
0x249: {  	[tilespmem:s22+$0x199B0] =	vst v35;
	v35 =	vperm.xlane v17, v15;
	v17 =	vperm.xlane v17, v16;
	v52 =	vld [tilespmem:s22+$0x15BC0]  }
0x24a: {  	[tilespmem:s22+$0x199C0] =	vst v27;
	v27 =	vmul.f32 v48, v30;
	v48 =	vmul.f32 v51, v30;
	v51 =	vld [tilespmem:s22+$0x15BD0]  }
0x24b: {  	[tilespmem:s22+$0x199D0] =	vst v44;
	v44 =	vmul.f32 v53, v30;
	v30 =	vmul.f32 v47, v30;
	v47 =	vld [tilespmem:s22+$0x15BE0]  }
0x24c: {  	v53 =	vmul.f32 v39, v45;
	[tilespmem:s22+$0x199E0] =	vst v28;
	v28 =	vmul.f32 v40, v45;
	v39 =	vld [tilespmem:s22+$0x15BF0]  }
0x24d: {  	[tilespmem:s22+$0x199F0] =	vst v46;
	v46 =	vmul.f32 v42, v45;
	v45 =	vmul.f32 v49, v45  }
0x24e: {  	v49 =	vmul.f32 v34, v35;
	[tilespmem:s22+$0x19A00] =	vst v24;
	v24 =	vmul.f32 v32, v35  }
0x24f: {  	v54 =	vmul.f32 v36, v35;
	v50 =	vmul.f32 v50, v35;
	[tilespmem:s22+$0x19A10] =	vst v41  }
0x250: {  	v52 =	vmul.f32 v52, v17;
	v51 =	vmul.f32 v51, v17;
	[tilespmem:s22+$0x19A20] =	vst v23  }
0x251: {  	v47 =	vmul.f32 v47, v17;
	[tilespmem:s22+$0x19A30] =	vst v25;
	v17 =	vmul.f32 v39, v17  }
0x252: {  	[tilespmem:s22+$0x19A40] =	vst v21  }
0x253: {  	[tilespmem:s22+$0x19A50] =	vst v37  }
0x254: {  	s16 =	sshra.s32 s20, $0x2;
	[tilespmem:s22+$0x19A60] =	vst v22  }
0x255: {  	v41 =	vld [tilespmem:s16+$0x15800];
	[tilespmem:s22+$0x19A70] =	vst v38  }
0x256: {  	v42 =	vld [tilespmem:s16+$0x15810];
	[tilespmem:s22+$0x19A80] =	vst v20  }
0x257: {  	v40 =	vld [tilespmem:s16+$0x15820];
	[tilespmem:s22+$0x19A90] =	vst v33  }
0x258: {  	v39 =	vld [tilespmem:s16+$0x15830];
	[tilespmem:s22+$0x19AA0] =	vst v19  }
0x259: {  	v37 =	vld [tilespmem:s16+$0x15840];
	[tilespmem:s22+$0x19AB0] =	vst v26  }
0x25a: {  	v38 =	vld [tilespmem:s16+$0x15850];
	[tilespmem:s22+$0x19AC0] =	vst v18  }
0x25b: {  	v36 =	vld [tilespmem:s16+$0x15860];
	[tilespmem:s22+$0x19AD0] =	vst v31  }
0x25c: {  	v35 =	vld [tilespmem:s16+$0x15870];
	[tilespmem:s22+$0x19AE0] =	vst v29  }
0x25d: {  	v33 =	vld [tilespmem:s16+$0x15880];
	[tilespmem:s22+$0x19AF0] =	vst v43  }
0x25e: {  	v34 =	vld [tilespmem:s16+$0x15890];
	[tilespmem:s22+$0x19B00] =	vst v27  }
0x25f: {  	v32 =	vld [tilespmem:s16+$0x158A0];
	[tilespmem:s22+$0x19B10] =	vst v48  }
0x260: {  	v31 =	vld [tilespmem:s16+$0x158B0];
	[tilespmem:s22+$0x19B20] =	vst v44  }
0x261: {  	v29 =	vld [tilespmem:s16+$0x158C0];
	[tilespmem:s22+$0x19B30] =	vst v30  }
0x262: {  	v30 =	vld [tilespmem:s16+$0x158D0];
	[tilespmem:s22+$0x19B40] =	vst v28  }
0x263: {  	v27 =	vld [tilespmem:s16+$0x158E0];
	[tilespmem:s22+$0x19B50] =	vst v53  }
0x264: {  	v28 =	vld [tilespmem:s16+$0x158F0];
	[tilespmem:s22+$0x19B60] =	vst v46  }
0x265: {  	v25 =	vld [tilespmem:s16+$0x15900];
	[tilespmem:s22+$0x19B70] =	vst v45  }
0x266: {  	v26 =	vld [tilespmem:s16+$0x15910];
	[tilespmem:s22+$0x19B80] =	vst v24  }
0x267: {  	v24 =	vld [tilespmem:s16+$0x15920];
	[tilespmem:s22+$0x19B90] =	vst v49  }
0x268: {  	v23 =	vld [tilespmem:s16+$0x15930];
	[tilespmem:s22+$0x19BA0] =	vst v54  }
0x269: {  	v21 =	vld [tilespmem:s16+$0x15940];
	[tilespmem:s22+$0x19BB0] =	vst v50  }
.Ltmp12:
0x26a: {  	v22 =	vld [tilespmem:s16+$0x15950];
	[tilespmem:s22+$0x19BC0] =	vst v52;
	(pc) =	sbr.rel @p1 .LBB2_17-.Ltmp12, $4  }
0x26b: {  	v20 =	vld [tilespmem:s16+$0x15960];
	[tilespmem:s22+$0x19BD0] =	vst v51  }
0x26c: {  	v19 =	vld [tilespmem:s16+$0x15970];
	[tilespmem:s22+$0x19BE0] =	vst v47  }
0x26d: {  	s9 =	sadd.s32 $0x10, s9;
	v18 =	vld [tilespmem:s16+$0x15980];
	[tilespmem:s22+$0x19BF0] =	vst v17;
	s22 =	smov.u32 s16  }
0x26e: {  	s20 =	sadd.s32 $0x1000, s20;
	v17 =	vld [tilespmem:s9+$0x0]  }
0x26f: {  	_ =	sdelay $0x3  }
0x270: {  	v47 =	vperm.xlane v17, v1;
	_ =	sdelay $0x1  }
0x271: {  	v41 =	vmul.f32 v41, v47  }
0x272: {  	v42 =	vmul.f32 v42, v47  }
0x273: {  	v52 =	vperm.xlane v17, v2;
	v40 =	vmul.f32 v40, v47;
	[tilespmem:s22+$0x19800] =	vst v41  }
0x274: {  	v39 =	vmul.f32 v39, v47;
	[tilespmem:s22+$0x19810] =	vst v42  }
0x275: {  	v37 =	vmul.f32 v37, v52;
	[tilespmem:s22+$0x19820] =	vst v40  }
0x276: {  	v38 =	vmul.f32 v38, v52;
	[tilespmem:s22+$0x19830] =	vst v39  }
0x277: {  	v58 =	vperm.xlane v17, v3;
	v36 =	vmul.f32 v36, v52;
	[tilespmem:s22+$0x19840] =	vst v37  }
0x278: {  	v35 =	vmul.f32 v35, v52;
	[tilespmem:s22+$0x19850] =	vst v38  }
0x279: {  	v33 =	vmul.f32 v33, v58;
	[tilespmem:s22+$0x19860] =	vst v36  }
0x27a: {  	v34 =	vmul.f32 v34, v58;
	[tilespmem:s22+$0x19870] =	vst v35  }
0x27b: {  	v59 =	vperm.xlane v17, v4;
	v32 =	vmul.f32 v32, v58;
	[tilespmem:s22+$0x19880] =	vst v33  }
0x27c: {  	v31 =	vmul.f32 v31, v58;
	[tilespmem:s22+$0x19890] =	vst v34  }
0x27d: {  	v29 =	vmul.f32 v29, v59;
	[tilespmem:s22+$0x198A0] =	vst v32  }
0x27e: {  	v30 =	vmul.f32 v30, v59;
	[tilespmem:s22+$0x198B0] =	vst v31  }
0x27f: {  	v60 =	vperm.xlane v17, v5;
	v27 =	vmul.f32 v27, v59;
	[tilespmem:s22+$0x198C0] =	vst v29  }
0x280: {  	v28 =	vmul.f32 v28, v59;
	[tilespmem:s22+$0x198D0] =	vst v30  }
0x281: {  	v25 =	vmul.f32 v25, v60;
	[tilespmem:s22+$0x198E0] =	vst v27  }
0x282: {  	v26 =	vmul.f32 v26, v60;
	[tilespmem:s22+$0x198F0] =	vst v28  }
0x283: {  	v61 =	vperm.xlane v17, v6;
	v24 =	vmul.f32 v24, v60;
	[tilespmem:s22+$0x19900] =	vst v25  }
0x284: {  	v23 =	vmul.f32 v23, v60;
	[tilespmem:s22+$0x19910] =	vst v26  }
0x285: {  	v43 =	vld [tilespmem:s22+$0x15990];
	v21 =	vmul.f32 v21, v61;
	[tilespmem:s22+$0x19920] =	vst v24  }
0x286: {  	v44 =	vld [tilespmem:s22+$0x159A0];
	v22 =	vmul.f32 v22, v61;
	[tilespmem:s22+$0x19930] =	vst v23  }
0x287: {  	v45 =	vld [tilespmem:s22+$0x159B0];
	v62 =	vperm.xlane v17, v7;
	v20 =	vmul.f32 v20, v61;
	[tilespmem:s22+$0x19940] =	vst v21  }
0x288: {  	v46 =	vld [tilespmem:s22+$0x159C0];
	v19 =	vmul.f32 v19, v61;
	[tilespmem:s22+$0x19950] =	vst v22  }
0x289: {  	v48 =	vld [tilespmem:s22+$0x159D0];
	v18 =	vmul.f32 v18, v62;
	[tilespmem:s22+$0x19960] =	vst v20  }
0x28a: {  	v49 =	vld [tilespmem:s22+$0x159E0];
	v43 =	vmul.f32 v43, v62;
	[tilespmem:s22+$0x19970] =	vst v19  }
0x28b: {  	v50 =	vld [tilespmem:s22+$0x159F0];
	v63 =	vperm.xlane v17, v8;
	v44 =	vmul.f32 v44, v62;
	[tilespmem:s22+$0x19980] =	vst v18  }
0x28c: {  	v51 =	vld [tilespmem:s22+$0x15A00];
	v45 =	vmul.f32 v45, v62;
	[tilespmem:s22+$0x19990] =	vst v43  }
0x28d: {  	v46 =	vmul.f32 v46, v63;
	v41 =	vld [tilespmem:s22+$0x15A10];
	[tilespmem:s22+$0x199A0] =	vst v44  }
0x28e: {  	v53 =	vmul.f32 v48, v63;
	v42 =	vld [tilespmem:s22+$0x15A20];
	[tilespmem:s22+$0x199B0] =	vst v45  }
0x28f: {  	v56 =	vperm.xlane v17, v9;
	v55 =	vmul.f32 v49, v63;
	v40 =	vld [tilespmem:s22+$0x15A30];
	[tilespmem:s22+$0x199C0] =	vst v46  }
0x290: {  	v50 =	vmul.f32 v50, v63;
	v39 =	vld [tilespmem:s22+$0x15A40];
	[tilespmem:s22+$0x199D0] =	vst v53  }
0x291: {  	v58 =	vmul.f32 v51, v56;
	v37 =	vld [tilespmem:s22+$0x15A50];
	[tilespmem:s22+$0x199E0] =	vst v55  }
0x292: {  	v38 =	vld [tilespmem:s22+$0x15A60];
	[tilespmem:s22+$0x199F0] =	vst v50;
	v41 =	vmul.f32 v41, v56  }
0x293: {  	v60 =	vperm.xlane v17, v10;
	v36 =	vld [tilespmem:s22+$0x15A70];
	[tilespmem:s22+$0x19A00] =	vst v58;
	v42 =	vmul.f32 v42, v56  }
0x294: {  	v35 =	vld [tilespmem:s22+$0x15A80];
	v40 =	vmul.f32 v40, v56;
	[tilespmem:s22+$0x19A10] =	vst v41  }
0x295: {  	v33 =	vld [tilespmem:s22+$0x15A90];
	v39 =	vmul.f32 v39, v60;
	[tilespmem:s22+$0x19A20] =	vst v42  }
0x296: {  	v34 =	vld [tilespmem:s22+$0x15AA0];
	v37 =	vmul.f32 v37, v60;
	[tilespmem:s22+$0x19A30] =	vst v40  }
0x297: {  	v61 =	vperm.xlane v17, v11;
	v32 =	vld [tilespmem:s22+$0x15AB0];
	v38 =	vmul.f32 v38, v60;
	[tilespmem:s22+$0x19A40] =	vst v39  }
0x298: {  	v31 =	vld [tilespmem:s22+$0x15AC0];
	v36 =	vmul.f32 v36, v60;
	[tilespmem:s22+$0x19A50] =	vst v37  }
0x299: {  	v29 =	vld [tilespmem:s22+$0x15AD0];
	v35 =	vmul.f32 v35, v61;
	[tilespmem:s22+$0x19A60] =	vst v38  }
0x29a: {  	v30 =	vld [tilespmem:s22+$0x15AE0];
	v33 =	vmul.f32 v33, v61;
	[tilespmem:s22+$0x19A70] =	vst v36  }
0x29b: {  	v62 =	vperm.xlane v17, v12;
	v27 =	vld [tilespmem:s22+$0x15AF0];
	v34 =	vmul.f32 v34, v61;
	[tilespmem:s22+$0x19A80] =	vst v35  }
0x29c: {  	v28 =	vld [tilespmem:s22+$0x15B00];
	v32 =	vmul.f32 v32, v61;
	[tilespmem:s22+$0x19A90] =	vst v33  }
0x29d: {  	v25 =	vld [tilespmem:s22+$0x15B10];
	v31 =	vmul.f32 v31, v62;
	[tilespmem:s22+$0x19AA0] =	vst v34  }
0x29e: {  	v26 =	vld [tilespmem:s22+$0x15B20];
	v29 =	vmul.f32 v29, v62;
	[tilespmem:s22+$0x19AB0] =	vst v32  }
0x29f: {  	v63 =	vperm.xlane v17, v13;
	v24 =	vld [tilespmem:s22+$0x15B30];
	v30 =	vmul.f32 v30, v62;
	[tilespmem:s22+$0x19AC0] =	vst v31  }
0x2a0: {  	v23 =	vld [tilespmem:s22+$0x15B40];
	v27 =	vmul.f32 v27, v62;
	[tilespmem:s22+$0x19AD0] =	vst v29  }
0x2a1: {  	v21 =	vld [tilespmem:s22+$0x15B50];
	v28 =	vmul.f32 v28, v63;
	[tilespmem:s22+$0x19AE0] =	vst v30  }
0x2a2: {  	v22 =	vld [tilespmem:s22+$0x15B60];
	v25 =	vmul.f32 v25, v63;
	[tilespmem:s22+$0x19AF0] =	vst v27  }
0x2a3: {  	v20 =	vld [tilespmem:s22+$0x15B70];
	v26 =	vmul.f32 v26, v63;
	v27 =	vperm.xlane v17, v14;
	[tilespmem:s22+$0x19B00] =	vst v28  }
0x2a4: {  	v19 =	vld [tilespmem:s22+$0x15B80];
	v24 =	vmul.f32 v24, v63;
	[tilespmem:s22+$0x19B10] =	vst v25  }
0x2a5: {  	v18 =	vld [tilespmem:s22+$0x15B90];
	[tilespmem:s22+$0x19B20] =	vst v26;
	v23 =	vmul.f32 v23, v27  }
0x2a6: {  	v43 =	vld [tilespmem:s22+$0x15BA0];
	[tilespmem:s22+$0x19B30] =	vst v24;
	v21 =	vmul.f32 v21, v27  }
0x2a7: {  	v44 =	vld [tilespmem:s22+$0x15BB0];
	v24 =	vperm.xlane v17, v15;
	v22 =	vmul.f32 v22, v27;
	[tilespmem:s22+$0x19B40] =	vst v23  }
0x2a8: {  	v45 =	vld [tilespmem:s22+$0x15BC0];
	v20 =	vmul.f32 v20, v27;
	[tilespmem:s22+$0x19B50] =	vst v21  }
0x2a9: {  	v54 =	vld [tilespmem:s22+$0x15BD0];
	v19 =	vmul.f32 v19, v24;
	[tilespmem:s22+$0x19B60] =	vst v22  }
0x2aa: {  	v57 =	vld [tilespmem:s22+$0x15BE0];
	v18 =	vmul.f32 v18, v24;
	[tilespmem:s22+$0x19B70] =	vst v20  }
0x2ab: {  	v59 =	vld [tilespmem:s22+$0x15BF0];
	v17 =	vperm.xlane v17, v16;
	v20 =	vmul.f32 v43, v24;
	[tilespmem:s22+$0x19B80] =	vst v19  }
0x2ac: {  	v19 =	vmul.f32 v44, v24;
	[tilespmem:s22+$0x19B90] =	vst v18  }
0x2ad: {  	v18 =	vmul.f32 v45, v17;
	[tilespmem:s22+$0x19BA0] =	vst v20  }
0x2ae: {  	v20 =	vmul.f32 v54, v17;
	[tilespmem:s22+$0x19BB0] =	vst v19  }
0x2af: {  	v19 =	vmul.f32 v57, v17;
	[tilespmem:s22+$0x19BC0] =	vst v18  }
0x2b0: {  	v17 =	vmul.f32 v59, v17;
	[tilespmem:s22+$0x19BD0] =	vst v20  }
0x2b1: {  	s20 =	sshra.s32 s21, $0x2;
	[tilespmem:s22+$0x19BE0] =	vst v19  }
0x2b2: {  	p1 =	seq.s32 s19, $0x7;
	s9 =	sadd.s32 $0x14000, s20;
	[tilespmem:s22+$0x19BF0] =	vst v17  }
0x2b3: {  	[spmem:s2] =	stream.indirect.scatter.add.f32 [tilespmem:s3], [sflag:$0x3], $0x40, s9, s29, $0xb8;
	[tilespmem:$0x1D800] =	vst v63  }
0x2b4: {  	s9 =	sshra.s32 @!p1 s21, $0x2  }
0x2b5: {  	s16 =	simm.s32 @!p1 $0x80;
	s22 =	simm.s32 @!p1 $0x15800;
	s9 =	sadd.s32 @!p1 $0x14900, s9  }
0x2b6: {  	[tilespmem:s22], [sflag:$0x1] =	stream.indirect.gather @!p1 [spmem:s4], $0x40, s9, s16, $0xb8;
	[tilespmem:$0x1D800] =	vst v63  }
0x2b7: {  	_ =	swait.ge [sflag:s8], $0x2000  }
0x2b8: {  	[sflag:s8] =	ssyncset.done $0x0  }
0x2b9: {  	s9 =	simm.s32 @!p0 $0x4;
	[sflag:s8] =	ssyncadd.s32 $0xFFFFE000  }
0x2ba: {  	_ =	swait.ge @!p0 [sflag:s9], $0x2000  }
0x2bb: {  	[sflag:s9] =	ssyncset.done @!p0 $0x0  }
0x2bc: {  	s22 =	simm.s32 $0x0;
	[sflag:s9] =	ssyncadd.s32 @!p0 $0xFFFFE000  }
0x2bd: {  	v41 =	vld [tilespmem:s22+$0x17800]  }
0x2be: {  	v42 =	vld [tilespmem:s22+$0x17810]  }
0x2bf: {  	v40 =	vld [tilespmem:s22+$0x17820]  }
0x2c0: {  	v39 =	vld [tilespmem:s22+$0x17830]  }
0x2c1: {  	v37 =	vld [tilespmem:s22+$0x17840]  }
0x2c2: {  	v38 =	vld [tilespmem:s22+$0x17850]  }
0x2c3: {  	v36 =	vld [tilespmem:s22+$0x17860]  }
0x2c4: {  	v35 =	vld [tilespmem:s22+$0x17870]  }
0x2c5: {  	v33 =	vld [tilespmem:s22+$0x17880]  }
0x2c6: {  	v34 =	vld [tilespmem:s22+$0x17890]  }
0x2c7: {  	v32 =	vld [tilespmem:s22+$0x178A0]  }
0x2c8: {  	v31 =	vld [tilespmem:s22+$0x178B0]  }
0x2c9: {  	v29 =	vld [tilespmem:s22+$0x178C0]  }
0x2ca: {  	v30 =	vld [tilespmem:s22+$0x178D0]  }
0x2cb: {  	v27 =	vld [tilespmem:s22+$0x178E0]  }
0x2cc: {  	v28 =	vld [tilespmem:s22+$0x178F0]  }
0x2cd: {  	v25 =	vld [tilespmem:s22+$0x17900]  }
0x2ce: {  	v26 =	vld [tilespmem:s22+$0x17910]  }
0x2cf: {  	v24 =	vld [tilespmem:s22+$0x17920]  }
0x2d0: {  	v23 =	vld [tilespmem:s22+$0x17930]  }
0x2d1: {  	v21 =	vld [tilespmem:s22+$0x17940]  }
0x2d2: {  	v22 =	vld [tilespmem:s22+$0x17950]  }
0x2d3: {  	v20 =	vld [tilespmem:s22+$0x17960]  }
0x2d4: {  	v19 =	vld [tilespmem:s22+$0x17970]  }
0x2d5: {  	v18 =	vld [tilespmem:s22+$0x17980]  }
0x2d6: {  	s23 =	simm.s32 $0x1000;
	s21 =	sor.u32 $0x200, s21;
	s9 =	smov.u32 s18;
	v17 =	vld [tilespmem:s18+$0x0]  }
.LBB2_19:
0x2d7: {  	p0 =	sne.s32 s23, $0x7000;
	v43 =	vld [tilespmem:s22+$0x17990]  }
0x2d8: {  	v44 =	vld [tilespmem:s22+$0x179A0]  }
0x2d9: {  	v45 =	vld [tilespmem:s22+$0x179B0]  }
0x2da: {  	v46 =	vld [tilespmem:s22+$0x179C0]  }
0x2db: {  	v47 =	vperm.xlane v17, v1;
	v48 =	vperm.xlane v17, v2;
	v49 =	vld [tilespmem:s22+$0x179D0]  }
0x2dc: {  	v50 =	vperm.xlane v17, v3;
	v51 =	vperm.xlane v17, v4;
	v52 =	vld [tilespmem:s22+$0x179E0]  }
0x2dd: {  	v41 =	vmul.f32 v41, v47;
	v42 =	vmul.f32 v42, v47;
	v53 =	vld [tilespmem:s22+$0x179F0]  }
0x2de: {  	v40 =	vmul.f32 v40, v47;
	v39 =	vmul.f32 v39, v47;
	v47 =	vld [tilespmem:s22+$0x17A00]  }
0x2df: {  	v37 =	vmul.f32 v37, v48;
	v38 =	vmul.f32 v38, v48;
	[tilespmem:s22+$0x1B800] =	vst v41;
	v41 =	vld [tilespmem:s22+$0x17A10]  }
0x2e0: {  	v36 =	vmul.f32 v36, v48;
	v35 =	vmul.f32 v35, v48;
	[tilespmem:s22+$0x1B810] =	vst v42;
	v42 =	vld [tilespmem:s22+$0x17A20]  }
0x2e1: {  	v33 =	vmul.f32 v33, v50;
	v34 =	vmul.f32 v34, v50;
	[tilespmem:s22+$0x1B820] =	vst v40;
	v40 =	vld [tilespmem:s22+$0x17A30]  }
0x2e2: {  	v32 =	vmul.f32 v32, v50;
	v31 =	vmul.f32 v31, v50;
	[tilespmem:s22+$0x1B830] =	vst v39;
	v39 =	vld [tilespmem:s22+$0x17A40]  }
0x2e3: {  	v29 =	vmul.f32 v29, v51;
	v30 =	vmul.f32 v30, v51;
	[tilespmem:s22+$0x1B840] =	vst v37;
	v37 =	vld [tilespmem:s22+$0x17A50]  }
0x2e4: {  	v27 =	vmul.f32 v27, v51;
	v28 =	vmul.f32 v28, v51;
	[tilespmem:s22+$0x1B850] =	vst v38;
	v38 =	vld [tilespmem:s22+$0x17A60]  }
0x2e5: {  	v48 =	vperm.xlane v17, v6;
	[tilespmem:s22+$0x1B860] =	vst v36;
	v36 =	vperm.xlane v17, v5;
	v50 =	vld [tilespmem:s22+$0x17A70]  }
0x2e6: {  	v51 =	vperm.xlane v17, v8;
	[tilespmem:s22+$0x1B870] =	vst v35;
	v35 =	vperm.xlane v17, v7;
	v54 =	vld [tilespmem:s22+$0x17A80]  }
0x2e7: {  	[tilespmem:s22+$0x1B880] =	vst v33;
	v25 =	vmul.f32 v25, v36;
	v26 =	vmul.f32 v26, v36;
	v33 =	vld [tilespmem:s22+$0x17A90]  }
0x2e8: {  	v24 =	vmul.f32 v24, v36;
	v23 =	vmul.f32 v23, v36;
	[tilespmem:s22+$0x1B890] =	vst v34;
	v34 =	vld [tilespmem:s22+$0x17AA0]  }
0x2e9: {  	v21 =	vmul.f32 v21, v48;
	v22 =	vmul.f32 v22, v48;
	[tilespmem:s22+$0x1B8A0] =	vst v32;
	v32 =	vld [tilespmem:s22+$0x17AB0]  }
0x2ea: {  	v20 =	vmul.f32 v20, v48;
	v19 =	vmul.f32 v19, v48;
	[tilespmem:s22+$0x1B8B0] =	vst v31;
	v31 =	vld [tilespmem:s22+$0x17AC0]  }
0x2eb: {  	v18 =	vmul.f32 v18, v35;
	[tilespmem:s22+$0x1B8C0] =	vst v29;
	v29 =	vmul.f32 v43, v35;
	v36 =	vld [tilespmem:s22+$0x17AD0]  }
0x2ec: {  	[tilespmem:s22+$0x1B8D0] =	vst v30;
	v30 =	vmul.f32 v44, v35;
	v35 =	vmul.f32 v45, v35;
	v43 =	vld [tilespmem:s22+$0x17AE0]  }
0x2ed: {  	v44 =	vmul.f32 v49, v51;
	[tilespmem:s22+$0x1B8E0] =	vst v27;
	v27 =	vmul.f32 v46, v51;
	v45 =	vld [tilespmem:s22+$0x17AF0]  }
0x2ee: {  	v46 =	vmul.f32 v53, v51;
	[tilespmem:s22+$0x1B8F0] =	vst v28;
	v28 =	vmul.f32 v52, v51;
	v48 =	vld [tilespmem:s22+$0x17B00]  }
0x2ef: {  	v49 =	vperm.xlane v17, v10;
	[tilespmem:s22+$0x1B900] =	vst v25;
	v25 =	vperm.xlane v17, v9;
	v51 =	vld [tilespmem:s22+$0x17B10]  }
0x2f0: {  	v52 =	vperm.xlane v17, v12;
	[tilespmem:s22+$0x1B910] =	vst v26;
	v26 =	vperm.xlane v17, v11;
	v53 =	vld [tilespmem:s22+$0x17B20]  }
0x2f1: {  	[tilespmem:s22+$0x1B920] =	vst v24;
	v24 =	vmul.f32 v47, v25;
	v41 =	vmul.f32 v41, v25;
	v47 =	vld [tilespmem:s22+$0x17B30]  }
0x2f2: {  	[tilespmem:s22+$0x1B930] =	vst v23;
	v23 =	vmul.f32 v42, v25;
	v25 =	vmul.f32 v40, v25;
	v40 =	vld [tilespmem:s22+$0x17B40]  }
0x2f3: {  	v37 =	vmul.f32 v37, v49;
	[tilespmem:s22+$0x1B940] =	vst v21;
	v21 =	vmul.f32 v39, v49;
	v39 =	vld [tilespmem:s22+$0x17B50]  }
0x2f4: {  	[tilespmem:s22+$0x1B950] =	vst v22;
	v22 =	vmul.f32 v38, v49;
	v38 =	vmul.f32 v50, v49;
	v42 =	vld [tilespmem:s22+$0x17B60]  }
0x2f5: {  	v33 =	vmul.f32 v33, v26;
	[tilespmem:s22+$0x1B960] =	vst v20;
	v20 =	vmul.f32 v54, v26;
	v49 =	vld [tilespmem:s22+$0x17B70]  }
0x2f6: {  	[tilespmem:s22+$0x1B970] =	vst v19;
	v19 =	vmul.f32 v34, v26;
	v26 =	vmul.f32 v32, v26;
	v32 =	vld [tilespmem:s22+$0x17B80]  }
0x2f7: {  	[tilespmem:s22+$0x1B980] =	vst v18;
	v18 =	vmul.f32 v31, v52;
	v31 =	vmul.f32 v36, v52;
	v34 =	vld [tilespmem:s22+$0x17B90]  }
0x2f8: {  	[tilespmem:s22+$0x1B990] =	vst v29;
	v29 =	vmul.f32 v43, v52;
	v43 =	vmul.f32 v45, v52;
	v36 =	vld [tilespmem:s22+$0x17BA0]  }
0x2f9: {  	v45 =	vperm.xlane v17, v14;
	[tilespmem:s22+$0x1B9A0] =	vst v30;
	v30 =	vperm.xlane v17, v13;
	v50 =	vld [tilespmem:s22+$0x17BB0]  }
0x2fa: {  	[tilespmem:s22+$0x1B9B0] =	vst v35;
	v35 =	vperm.xlane v17, v15;
	v17 =	vperm.xlane v17, v16;
	v52 =	vld [tilespmem:s22+$0x17BC0]  }
0x2fb: {  	[tilespmem:s22+$0x1B9C0] =	vst v27;
	v27 =	vmul.f32 v48, v30;
	v48 =	vmul.f32 v51, v30;
	v51 =	vld [tilespmem:s22+$0x17BD0]  }
0x2fc: {  	[tilespmem:s22+$0x1B9D0] =	vst v44;
	v44 =	vmul.f32 v53, v30;
	v30 =	vmul.f32 v47, v30;
	v47 =	vld [tilespmem:s22+$0x17BE0]  }
0x2fd: {  	v53 =	vmul.f32 v39, v45;
	[tilespmem:s22+$0x1B9E0] =	vst v28;
	v28 =	vmul.f32 v40, v45;
	v39 =	vld [tilespmem:s22+$0x17BF0]  }
0x2fe: {  	[tilespmem:s22+$0x1B9F0] =	vst v46;
	v46 =	vmul.f32 v42, v45;
	v45 =	vmul.f32 v49, v45  }
0x2ff: {  	v49 =	vmul.f32 v34, v35;
	[tilespmem:s22+$0x1BA00] =	vst v24;
	v24 =	vmul.f32 v32, v35  }
0x300: {  	v54 =	vmul.f32 v36, v35;
	v50 =	vmul.f32 v50, v35;
	[tilespmem:s22+$0x1BA10] =	vst v41  }
0x301: {  	v52 =	vmul.f32 v52, v17;
	v51 =	vmul.f32 v51, v17;
	[tilespmem:s22+$0x1BA20] =	vst v23  }
0x302: {  	v47 =	vmul.f32 v47, v17;
	[tilespmem:s22+$0x1BA30] =	vst v25;
	v17 =	vmul.f32 v39, v17  }
0x303: {  	[tilespmem:s22+$0x1BA40] =	vst v21  }
0x304: {  	[tilespmem:s22+$0x1BA50] =	vst v37  }
0x305: {  	s16 =	sshra.s32 s23, $0x2;
	[tilespmem:s22+$0x1BA60] =	vst v22  }
0x306: {  	v41 =	vld [tilespmem:s16+$0x17800];
	[tilespmem:s22+$0x1BA70] =	vst v38  }
0x307: {  	v42 =	vld [tilespmem:s16+$0x17810];
	[tilespmem:s22+$0x1BA80] =	vst v20  }
0x308: {  	v40 =	vld [tilespmem:s16+$0x17820];
	[tilespmem:s22+$0x1BA90] =	vst v33  }
0x309: {  	v39 =	vld [tilespmem:s16+$0x17830];
	[tilespmem:s22+$0x1BAA0] =	vst v19  }
0x30a: {  	v37 =	vld [tilespmem:s16+$0x17840];
	[tilespmem:s22+$0x1BAB0] =	vst v26  }
0x30b: {  	v38 =	vld [tilespmem:s16+$0x17850];
	[tilespmem:s22+$0x1BAC0] =	vst v18  }
0x30c: {  	v36 =	vld [tilespmem:s16+$0x17860];
	[tilespmem:s22+$0x1BAD0] =	vst v31  }
0x30d: {  	v35 =	vld [tilespmem:s16+$0x17870];
	[tilespmem:s22+$0x1BAE0] =	vst v29  }
0x30e: {  	v33 =	vld [tilespmem:s16+$0x17880];
	[tilespmem:s22+$0x1BAF0] =	vst v43  }
0x30f: {  	v34 =	vld [tilespmem:s16+$0x17890];
	[tilespmem:s22+$0x1BB00] =	vst v27  }
0x310: {  	v32 =	vld [tilespmem:s16+$0x178A0];
	[tilespmem:s22+$0x1BB10] =	vst v48  }
0x311: {  	v31 =	vld [tilespmem:s16+$0x178B0];
	[tilespmem:s22+$0x1BB20] =	vst v44  }
0x312: {  	v29 =	vld [tilespmem:s16+$0x178C0];
	[tilespmem:s22+$0x1BB30] =	vst v30  }
0x313: {  	v30 =	vld [tilespmem:s16+$0x178D0];
	[tilespmem:s22+$0x1BB40] =	vst v28  }
0x314: {  	v27 =	vld [tilespmem:s16+$0x178E0];
	[tilespmem:s22+$0x1BB50] =	vst v53  }
0x315: {  	v28 =	vld [tilespmem:s16+$0x178F0];
	[tilespmem:s22+$0x1BB60] =	vst v46  }
0x316: {  	v25 =	vld [tilespmem:s16+$0x17900];
	[tilespmem:s22+$0x1BB70] =	vst v45  }
0x317: {  	v26 =	vld [tilespmem:s16+$0x17910];
	[tilespmem:s22+$0x1BB80] =	vst v24  }
0x318: {  	v24 =	vld [tilespmem:s16+$0x17920];
	[tilespmem:s22+$0x1BB90] =	vst v49  }
0x319: {  	v23 =	vld [tilespmem:s16+$0x17930];
	[tilespmem:s22+$0x1BBA0] =	vst v54  }
0x31a: {  	v21 =	vld [tilespmem:s16+$0x17940];
	[tilespmem:s22+$0x1BBB0] =	vst v50  }
.Ltmp13:
0x31b: {  	v22 =	vld [tilespmem:s16+$0x17950];
	[tilespmem:s22+$0x1BBC0] =	vst v52;
	(pc) =	sbr.rel @p0 .LBB2_19-.Ltmp13, $4  }
0x31c: {  	v20 =	vld [tilespmem:s16+$0x17960];
	[tilespmem:s22+$0x1BBD0] =	vst v51  }
0x31d: {  	v19 =	vld [tilespmem:s16+$0x17970];
	[tilespmem:s22+$0x1BBE0] =	vst v47  }
0x31e: {  	s9 =	sadd.s32 $0x10, s9;
	v18 =	vld [tilespmem:s16+$0x17980];
	[tilespmem:s22+$0x1BBF0] =	vst v17;
	s22 =	smov.u32 s16  }
0x31f: {  	s23 =	sadd.s32 $0x1000, s23;
	v17 =	vld [tilespmem:s9+$0x0]  }
0x320: {  	_ =	sdelay $0x3  }
0x321: {  	v47 =	vperm.xlane v17, v1;
	_ =	sdelay $0x1  }
0x322: {  	v41 =	vmul.f32 v41, v47  }
0x323: {  	v42 =	vmul.f32 v42, v47  }
0x324: {  	v52 =	vperm.xlane v17, v2;
	v40 =	vmul.f32 v40, v47;
	[tilespmem:s22+$0x1B800] =	vst v41  }
0x325: {  	v39 =	vmul.f32 v39, v47;
	[tilespmem:s22+$0x1B810] =	vst v42  }
0x326: {  	v37 =	vmul.f32 v37, v52;
	[tilespmem:s22+$0x1B820] =	vst v40  }
0x327: {  	v38 =	vmul.f32 v38, v52;
	[tilespmem:s22+$0x1B830] =	vst v39  }
0x328: {  	v63 =	vperm.xlane v17, v3;
	v36 =	vmul.f32 v36, v52;
	[tilespmem:s22+$0x1B840] =	vst v37  }
0x329: {  	v35 =	vmul.f32 v35, v52;
	[tilespmem:s22+$0x1B850] =	vst v38  }
0x32a: {  	v33 =	vmul.f32 v33, v63;
	[tilespmem:s22+$0x1B860] =	vst v36  }
0x32b: {  	v34 =	vmul.f32 v34, v63;
	[tilespmem:s22+$0x1B870] =	vst v35  }
0x32c: {  	v56 =	vperm.xlane v17, v4;
	v32 =	vmul.f32 v32, v63;
	[tilespmem:s22+$0x1B880] =	vst v33  }
0x32d: {  	v31 =	vmul.f32 v31, v63;
	[tilespmem:s22+$0x1B890] =	vst v34  }
0x32e: {  	v29 =	vmul.f32 v29, v56;
	[tilespmem:s22+$0x1B8A0] =	vst v32  }
0x32f: {  	v30 =	vmul.f32 v30, v56;
	[tilespmem:s22+$0x1B8B0] =	vst v31  }
0x330: {  	v57 =	vperm.xlane v17, v5;
	v27 =	vmul.f32 v27, v56;
	[tilespmem:s22+$0x1B8C0] =	vst v29  }
0x331: {  	v28 =	vmul.f32 v28, v56;
	[tilespmem:s22+$0x1B8D0] =	vst v30  }
0x332: {  	v25 =	vmul.f32 v25, v57;
	[tilespmem:s22+$0x1B8E0] =	vst v27  }
0x333: {  	v26 =	vmul.f32 v26, v57;
	[tilespmem:s22+$0x1B8F0] =	vst v28  }
0x334: {  	v58 =	vperm.xlane v17, v6;
	v24 =	vmul.f32 v24, v57;
	[tilespmem:s22+$0x1B900] =	vst v25  }
0x335: {  	v23 =	vmul.f32 v23, v57;
	[tilespmem:s22+$0x1B910] =	vst v26  }
0x336: {  	v43 =	vld [tilespmem:s22+$0x17990];
	v21 =	vmul.f32 v21, v58;
	[tilespmem:s22+$0x1B920] =	vst v24  }
0x337: {  	v44 =	vld [tilespmem:s22+$0x179A0];
	v22 =	vmul.f32 v22, v58;
	[tilespmem:s22+$0x1B930] =	vst v23  }
0x338: {  	v45 =	vld [tilespmem:s22+$0x179B0];
	v59 =	vperm.xlane v17, v7;
	v20 =	vmul.f32 v20, v58;
	[tilespmem:s22+$0x1B940] =	vst v21  }
0x339: {  	v46 =	vld [tilespmem:s22+$0x179C0];
	v19 =	vmul.f32 v19, v58;
	[tilespmem:s22+$0x1B950] =	vst v22  }
0x33a: {  	v48 =	vld [tilespmem:s22+$0x179D0];
	v18 =	vmul.f32 v18, v59;
	[tilespmem:s22+$0x1B960] =	vst v20  }
0x33b: {  	v49 =	vld [tilespmem:s22+$0x179E0];
	v43 =	vmul.f32 v43, v59;
	[tilespmem:s22+$0x1B970] =	vst v19  }
0x33c: {  	v50 =	vld [tilespmem:s22+$0x179F0];
	v60 =	vperm.xlane v17, v8;
	v44 =	vmul.f32 v44, v59;
	[tilespmem:s22+$0x1B980] =	vst v18  }
0x33d: {  	v51 =	vld [tilespmem:s22+$0x17A00];
	v45 =	vmul.f32 v45, v59;
	[tilespmem:s22+$0x1B990] =	vst v43  }
0x33e: {  	v46 =	vmul.f32 v46, v60;
	v41 =	vld [tilespmem:s22+$0x17A10];
	[tilespmem:s22+$0x1B9A0] =	vst v44  }
0x33f: {  	v61 =	vmul.f32 v48, v60;
	v42 =	vld [tilespmem:s22+$0x17A20];
	[tilespmem:s22+$0x1B9B0] =	vst v45  }
0x340: {  	v62 =	vmul.f32 v49, v60;
	v63 =	vperm.xlane v17, v9;
	v40 =	vld [tilespmem:s22+$0x17A30];
	[tilespmem:s22+$0x1B9C0] =	vst v46  }
0x341: {  	v50 =	vmul.f32 v50, v60;
	v39 =	vld [tilespmem:s22+$0x17A40];
	[tilespmem:s22+$0x1B9D0] =	vst v61  }
0x342: {  	v37 =	vld [tilespmem:s22+$0x17A50];
	[tilespmem:s22+$0x1B9E0] =	vst v62;
	v54 =	vmul.f32 v51, v63  }
0x343: {  	v38 =	vld [tilespmem:s22+$0x17A60];
	[tilespmem:s22+$0x1B9F0] =	vst v50;
	v41 =	vmul.f32 v41, v63  }
0x344: {  	v56 =	vperm.xlane v17, v10;
	v36 =	vld [tilespmem:s22+$0x17A70];
	[tilespmem:s22+$0x1BA00] =	vst v54;
	v42 =	vmul.f32 v42, v63  }
0x345: {  	v35 =	vld [tilespmem:s22+$0x17A80];
	v40 =	vmul.f32 v40, v63;
	[tilespmem:s22+$0x1BA10] =	vst v41  }
0x346: {  	v33 =	vld [tilespmem:s22+$0x17A90];
	v39 =	vmul.f32 v39, v56;
	[tilespmem:s22+$0x1BA20] =	vst v42  }
0x347: {  	v34 =	vld [tilespmem:s22+$0x17AA0];
	v37 =	vmul.f32 v37, v56;
	[tilespmem:s22+$0x1BA30] =	vst v40  }
0x348: {  	v57 =	vperm.xlane v17, v11;
	v32 =	vld [tilespmem:s22+$0x17AB0];
	v38 =	vmul.f32 v38, v56;
	[tilespmem:s22+$0x1BA40] =	vst v39  }
0x349: {  	v31 =	vld [tilespmem:s22+$0x17AC0];
	v36 =	vmul.f32 v36, v56;
	[tilespmem:s22+$0x1BA50] =	vst v37  }
0x34a: {  	v29 =	vld [tilespmem:s22+$0x17AD0];
	v35 =	vmul.f32 v35, v57;
	[tilespmem:s22+$0x1BA60] =	vst v38  }
0x34b: {  	v30 =	vld [tilespmem:s22+$0x17AE0];
	v33 =	vmul.f32 v33, v57;
	[tilespmem:s22+$0x1BA70] =	vst v36  }
0x34c: {  	v58 =	vperm.xlane v17, v12;
	v27 =	vld [tilespmem:s22+$0x17AF0];
	v34 =	vmul.f32 v34, v57;
	[tilespmem:s22+$0x1BA80] =	vst v35  }
0x34d: {  	v28 =	vld [tilespmem:s22+$0x17B00];
	v32 =	vmul.f32 v32, v57;
	[tilespmem:s22+$0x1BA90] =	vst v33  }
0x34e: {  	v25 =	vld [tilespmem:s22+$0x17B10];
	v31 =	vmul.f32 v31, v58;
	[tilespmem:s22+$0x1BAA0] =	vst v34  }
0x34f: {  	v26 =	vld [tilespmem:s22+$0x17B20];
	v29 =	vmul.f32 v29, v58;
	[tilespmem:s22+$0x1BAB0] =	vst v32  }
0x350: {  	v59 =	vperm.xlane v17, v13;
	v24 =	vld [tilespmem:s22+$0x17B30];
	v30 =	vmul.f32 v30, v58;
	[tilespmem:s22+$0x1BAC0] =	vst v31  }
0x351: {  	v23 =	vld [tilespmem:s22+$0x17B40];
	v27 =	vmul.f32 v27, v58;
	[tilespmem:s22+$0x1BAD0] =	vst v29  }
0x352: {  	v21 =	vld [tilespmem:s22+$0x17B50];
	v28 =	vmul.f32 v28, v59;
	[tilespmem:s22+$0x1BAE0] =	vst v30  }
0x353: {  	v22 =	vld [tilespmem:s22+$0x17B60];
	v25 =	vmul.f32 v25, v59;
	[tilespmem:s22+$0x1BAF0] =	vst v27  }
0x354: {  	v60 =	vperm.xlane v17, v14;
	v20 =	vld [tilespmem:s22+$0x17B70];
	v26 =	vmul.f32 v26, v59;
	[tilespmem:s22+$0x1BB00] =	vst v28  }
0x355: {  	v19 =	vld [tilespmem:s22+$0x17B80];
	v24 =	vmul.f32 v24, v59;
	[tilespmem:s22+$0x1BB10] =	vst v25  }
0x356: {  	v18 =	vld [tilespmem:s22+$0x17B90];
	v23 =	vmul.f32 v23, v60;
	[tilespmem:s22+$0x1BB20] =	vst v26  }
0x357: {  	v43 =	vld [tilespmem:s22+$0x17BA0];
	v21 =	vmul.f32 v21, v60;
	[tilespmem:s22+$0x1BB30] =	vst v24  }
0x358: {  	v46 =	vld [tilespmem:s22+$0x17BD0];
	v61 =	vperm.xlane v17, v15;
	v22 =	vmul.f32 v22, v60;
	[tilespmem:s22+$0x1BB40] =	vst v23  }
0x359: {  	v44 =	vld [tilespmem:s22+$0x17BB0];
	v20 =	vmul.f32 v20, v60;
	[tilespmem:s22+$0x1BB50] =	vst v21  }
0x35a: {  	v45 =	vld [tilespmem:s22+$0x17BC0];
	v19 =	vmul.f32 v19, v61;
	[tilespmem:s22+$0x1BB60] =	vst v22  }
0x35b: {  	v49 =	vld [tilespmem:s22+$0x17BE0];
	v17 =	vperm.xlane v17, v16;
	v18 =	vmul.f32 v18, v61;
	[tilespmem:s22+$0x1BB70] =	vst v20  }
0x35c: {  	v55 =	vld [tilespmem:s22+$0x17BF0];
	v62 =	vmul.f32 v43, v61;
	[tilespmem:s22+$0x1BB80] =	vst v19  }
0x35d: {  	v63 =	vmul.f32 v46, v17;
	[tilespmem:s22+$0x1BB90] =	vst v18  }
0x35e: {  	v19 =	vmul.f32 v44, v61;
	[tilespmem:s22+$0x1BBA0] =	vst v62  }
0x35f: {  	v18 =	vmul.f32 v45, v17;
	[tilespmem:s22+$0x1BBD0] =	vst v63  }
.Ltmp14:
0x360: {  	[tilespmem:s22+$0x1BBB0] =	vst v19;
	v19 =	vmul.f32 v49, v17;
	(pc) =	sbr.rel @p1 .LBB2_22-.Ltmp14, $4  }
0x361: {  	[tilespmem:s22+$0x1BBC0] =	vst v18;
	v17 =	vmul.f32 v55, v17  }
0x362: {  	s9 =	sshra.s32 s21, $0x2;
	[tilespmem:s22+$0x1BBE0] =	vst v19  }
0x363: {  	s9 =	sadd.s32 $0x14000, s9;
	[tilespmem:s22+$0x1BBF0] =	vst v17  }
0x364: {  	[spmem:s2] =	stream.indirect.scatter.add.f32 [tilespmem:s10], [sflag:$0x4], $0x40, s9, s29, $0xb8;
	[tilespmem:$0x1D800] =	vst v63  }
.Ltmp15:
0x365: {  	(pc) =	sbr.rel .LBB2_16-.Ltmp15, $4  }
0x366: {  	_ = 	snop  }
0x367: {  	s9 =	sadd.s32 $0x14980, s20  }
0x368: {  	s19 =	sadd.s32 $0x1, s19;
	s17 =	sadd.s32 $0x100, s17;
	s18 =	sadd.s32 $0x100, s18  }
0x369: {  	[tilespmem:s31], [sflag:$0x2] =	stream.indirect.gather [spmem:s4], $0x40, s9, s29, $0xb8;
	[tilespmem:$0x1D800] =	vst v63  }
.LBB2_24:
0x36a: {  	_ =	sfence.sel $0x180000  }
0x36b: {  	[bflag:$0x0] =	sbarrier.arrive $0xFFFF  }
0x36c: {  	_ =	strace $0x90000047  }
0x36d: {  	s0 =	stileid.u32;
	[bflag:$0x2] =	sbarrier.arrive $0xFFFF  }
0x36e: {  	p0 =	sne.s32 s0, $0x0;
	s0 =	rddreg [dreg:$0x4]  }
0x36f: {  	s0 =	sadd.s32 @!p0 $0x100000, s0  }
0x370: {  	[sflag:s0] =	ssyncadd.tile.s32 @!p0 $0x1;
	_ =	shalt  }
.Lfunc_end2:
_tile_overlayer_lowered:
.L_overlay_start_2:
0x371: {  	(tag) =	ssettag $0x2  }
0x372: {  	s0 =	rddreg [dreg:$0x0];
	s2 =	stileid.u32  }
0x373: {  	s1 =	rddreg [dreg:$0x1];
	p0 =	sne.s32 s2, $0x0  }
0x374: {  	s3 =	rddreg [dreg:$0x2];
	[bflag:$0x3] =	sbarrier.arrive $0xFFFF;
	s2 =	simm.s32 @!p0 $0x1C05  }
0x375: {  	[timem:s3], [sflag:s2] =	dma.local @!p0 [hbm:s0], s1  }
0x376: {  	s0 =	simm.s32 @!p0 $0x5  }
0x377: {  	_ =	swait.ge @!p0 [sflag:s0], s1  }
0x378: {  	s1 =	ssub.s32 @!p0 $0x0, s1;
	[sflag:s0] =	ssyncset.done @!p0 $0x0  }
0x379: {  	[sflag:s0] =	ssyncadd.s32 @!p0 s1  }
0x37a: {  	[bflag:$0x3] =	sbarrier.arrive $0xFFFF  }
0x37b: {  	_ =	shalt  }

</sc_bundles>
